<compile_context>
chip_gen: v7x
topology: tpu7x:2x2x1
jax: 0.10.2.dev20260603
libtpu: 0.0.44.dev20260713+nightly
codegen_flags: <defaults>
</compile_context>

<pallas_src>
import functools
import jax
import jax.numpy as jnp
from jax import lax
from jax.experimental import pallas as pl
from jax.experimental.pallas import tpu as pltpu
from jax.experimental.pallas import tpu_sc as plsc

NC, NS = 2, 16
NW = NC * NS
B = 16384
R = B // NW
MD = 64
GD = 16
LN = 128


def _prep(idx):
    order = jnp.argsort(idx).astype(jnp.int32)
    sv = jnp.take(idx, order)
    col = (sv >> 7).astype(jnp.int32)
    lane = (sv & 127).astype(jnp.int32)
    k = jnp.arange(B, dtype=jnp.int32)
    newblk = ((k % R) == 0) | (col != jnp.roll(col, 1))
    slot = jnp.cumsum(newblk.reshape(NW, R).astype(jnp.int32), axis=1) - 1
    blk = jnp.zeros((NW, R), jnp.int32)
    wrow = jnp.repeat(jnp.arange(NW, dtype=jnp.int32), R)
    blk = blk.at[wrow, slot.reshape(-1)].set(col)
    aux = (slot << 7) | lane.reshape(NW, R)
    pos = order.reshape(NW, 4, LN)
    return aux, blk, pos


NBUF = 5


def _phase(aux_s, blk_s, ttm, ttg, out_hbm, posv, rows, mring, gring,
           semm, semg, ssc, wid):
    def fire(s):
        c = blk_s[pl.ds(jnp.minimum(s, R - 1), 16)][0]
        off = pl.multiple_of(c * LN, LN)
        par = s % NBUF
        for p in range(NBUF):
            @pl.when(par == p)
            def _():
                pltpu.async_copy(ttm.at[:, pl.ds(off, LN)], mring.at[p],
                                 semm[p])
                pltpu.async_copy(ttg.at[:, pl.ds(off, LN)], gring.at[p],
                                 semg[p])

    def wait(s):
        par = s % NBUF
        for p in range(NBUF):
            @pl.when(par == p)
            def _():
                pltpu.make_async_copy(ttm.at[:, pl.ds(0, LN)], mring.at[p],
                                      semm[p]).wait()
                pltpu.make_async_copy(ttg.at[:, pl.ds(0, LN)], gring.at[p],
                                      semg[p]).wait()

    for s0 in range(NBUF - 1):
        fire(s0)

    jv = [lax.iota(jnp.int32, 16) + 16 * q for q in range(4)]
    jg = lax.iota(jnp.int32, 16)

    def row_body(r, cur):
        a = aux_s[pl.ds(r, 16)][0]
        s = a >> 7
        l = a & 127

        @pl.when(s > cur)
        def _():
            wait(s)
            fire(s + NBUF - 1)

        pv = jnp.full((16,), s % NBUF, jnp.int32)
        lv = jnp.full((16,), l, jnp.int32)
        for q in range(4):
            v = plsc.load_gather(mring, [pv, jv[q], lv])
            rows[r, pl.ds(16 * q, 16)] = v
        rows[r, pl.ds(MD, 16)] = plsc.load_gather(gring, [pv, jg, lv])
        return s

    last = lax.fori_loop(0, R, row_body, jnp.int32(-1))
    for d in range(1, NBUF):
        wait(last + d)

    for q in range(4):
        pltpu.async_copy(rows.at[pl.ds(q * LN, LN)],
                         out_hbm.at[posv.at[q]], ssc).wait()


def _sc_body(aux_u, blk_u, pos_u, ttum, ttug,
             out_u,
             aux_s, blk_s, posv, rows, mring, gring,
             sm0, sm1, sm2, sm3, sm4, sg0, sg1, sg2, sg3, sg4, ssc):
    wid = lax.axis_index("s") * NC + lax.axis_index("c")
    semm = (sm0, sm1, sm2, sm3, sm4)
    semg = (sg0, sg1, sg2, sg3, sg4)

    pltpu.sync_copy(aux_u.at[wid], aux_s.at[pl.ds(0, R)])
    pltpu.sync_copy(blk_u.at[wid], blk_s.at[pl.ds(0, R)])
    pltpu.sync_copy(pos_u.at[wid], posv)
    _phase(aux_s, blk_s, ttum, ttug, out_u, posv, rows, mring, gring,
           semm, semg, ssc, wid)


@functools.cache
def _sc_gather():
    mesh = plsc.VectorSubcoreMesh(core_axis_name="c", subcore_axis_name="s",
                                  num_cores=NC, num_subcores=NS)
    return pl.kernel(
        _sc_body,
        out_type=jax.ShapeDtypeStruct((B, LN), jnp.float32),
        mesh=mesh,
        compiler_params=pltpu.CompilerParams(use_tc_tiling_on_sc=True,
                                             needs_layout_passes=False),
        scratch_types=(
            pltpu.VMEM((R + 16,), jnp.int32),
            pltpu.VMEM((R + 16,), jnp.int32),
            pltpu.VMEM((4, LN), jnp.int32),
            pltpu.VMEM((R, LN), jnp.float32),
            pltpu.VMEM((NBUF, MD, LN), jnp.float32),
            pltpu.VMEM((NBUF, GD, LN), jnp.float32),
        ) + (pltpu.SemaphoreType.DMA,) * 11,
    )


BM = 2048


def _mlp_u_body(ou_ref, w1a_ref, b1_ref, pu_ref):
    ou = ou_ref[...]
    pu = ou[:, 0:MD] @ w1a_ref[...] + b1_ref[...]
    pu_ref[...] = jnp.concatenate([pu, ou[:, MD:MD + GD]], axis=1)


def _mlp_f_body(pu_ref, oi_ref, w1b_ref, w2_ref, b2_ref,
                w3_ref, b3_ref, wfh_ref, wfg_ref, bf_ref, out_ref):
    pu = pu_ref[...]
    oi = oi_ref[...]
    g = pu[:, MD:MD + GD] * oi[:, MD:MD + GD]
    h = jnp.maximum(pu[:, 0:MD] + oi[:, 0:MD] @ w1b_ref[...], 0.0)
    h = jnp.maximum(h @ w2_ref[...] + b2_ref[...], 0.0)
    h = jnp.maximum(h @ w3_ref[...] + b3_ref[...], 0.0)
    s = h @ wfh_ref[...] + g @ wfg_ref[...] + bf_ref[0, 0]
    out_ref[...] = s


def _rep(shape):
    nd = len(shape)
    return pl.BlockSpec(shape, lambda i: (0,) * nd)


_mlp_u = pl.pallas_call(
    _mlp_u_body,
    grid=(B // BM,),
    in_specs=[
        pl.BlockSpec((BM, LN), lambda i: (i, 0)),
        _rep((MD, 64)), _rep((1, 64)),
    ],
    out_specs=pl.BlockSpec((BM, MD + GD), lambda i: (i, 0)),
    out_shape=jax.ShapeDtypeStruct((B, MD + GD), jnp.float32),
)

_mlp_f = pl.pallas_call(
    _mlp_f_body,
    grid=(B // BM,),
    in_specs=[
        pl.BlockSpec((BM, MD + GD), lambda i: (i, 0)),
        pl.BlockSpec((BM, LN), lambda i: (i, 0)),
        _rep((64, 64)),
        _rep((64, 32)), _rep((1, 32)),
        _rep((32, 16)), _rep((1, 16)),
        _rep((16, 1)), _rep((16, 1)), _rep((1, 1)),
    ],
    out_specs=pl.BlockSpec((BM, 1), lambda i: (i, 0)),
    out_shape=jax.ShapeDtypeStruct((B, 1), jnp.float32),
)


def kernel(user, item, embed_user_GMF, embed_item_GMF, embed_user_MLP,
           embed_item_MLP, W1, b1, W2, b2, W3, b3, Wf, bf):
    user = user.astype(jnp.int32)
    item = item.astype(jnp.int32)
    aux_u, blk_u, pos_u = _prep(user)
    out_u = _sc_gather()(aux_u, blk_u, pos_u,
                         embed_user_MLP.T, embed_user_GMF.T)
    aux_i, blk_i, pos_i = _prep(item)
    out_i = _sc_gather()(aux_i, blk_i, pos_i,
                         embed_item_MLP.T, embed_item_GMF.T)
    pu = _mlp_u(out_u, W1[:MD], b1.reshape(1, -1))
    score = _mlp_f(pu, out_i,
                   W1[MD:],
                   W2, b2.reshape(1, -1),
                   W3, b3.reshape(1, -1),
                   Wf[:GD], Wf[GD:], bf.reshape(1, 1))
    return score.reshape(-1)

# --- scband reference (transcript-rebuilt; emitter-appended) ---
"""Pipeline reference for scband-ncf-5222680232640 (READ-ONLY COPY).

The authoritative reference and input builder live on the scoring server;
editing this copy changes nothing except your own understanding.
"""

import jax, jax.numpy as jnp
import numpy as np

USER_NUM = 1000000
ITEM_NUM = 1000000
FACTORS = 16
LAYERS = 3
B = 16384
MDIM = FACTORS * 2 ** (LAYERS - 1)  # 64


def setup_inputs(seed: int = 0) -> dict:
    key = jax.random.key(seed)
    ks = jax.random.split(key, 20)
    inp = {}
    inp["user"] = jax.random.randint(ks[0], (B,), 0, USER_NUM)
    inp["item"] = jax.random.randint(ks[1], (B,), 0, ITEM_NUM)
    # embedding tables (std=0.01 init like the torch module)
    inp["embed_user_GMF"] = jax.random.normal(ks[2], (USER_NUM, FACTORS), jnp.float32) * 0.01
    inp["embed_item_GMF"] = jax.random.normal(ks[3], (ITEM_NUM, FACTORS), jnp.float32) * 0.01
    inp["embed_user_MLP"] = jax.random.normal(ks[4], (USER_NUM, MDIM), jnp.float32) * 0.01
    inp["embed_item_MLP"] = jax.random.normal(ks[5], (ITEM_NUM, MDIM), jnp.float32) * 0.01
    # MLP layers: input sizes factors*2^(layers-i) -> halved
    # layer0: 128->64, layer1: 64->32, layer2: 32->16
    dims = []
    for i in range(LAYERS):
        in_sz = FACTORS * 2 ** (LAYERS - i)
        dims.append((in_sz, in_sz // 2))
    inp["W1"] = jax.random.normal(ks[6], dims[0], jnp.float32) * 0.01
    inp["b1"] = jnp.zeros((dims[0][1],), jnp.float32)
    inp["W2"] = jax.random.normal(ks[7], dims[1], jnp.float32) * 0.01
    inp["b2"] = jnp.zeros((dims[1][1],), jnp.float32)
    inp["W3"] = jax.random.normal(ks[8], dims[2], jnp.float32) * 0.01
    inp["b3"] = jnp.zeros((dims[2][1],), jnp.float32)
    # final layer: 2*factors -> 1 (NeuMF)
    inp["Wf"] = jax.random.normal(ks[9], (2 * FACTORS, 1), jnp.float32) * 0.01
    inp["bf"] = jnp.zeros((1,), jnp.float32)
    return inp


def reference(user, item, embed_user_GMF, embed_item_GMF, embed_user_MLP, embed_item_MLP,
              W1, b1, W2, b2, W3, b3, Wf, bf):
    # NeuMF-end path; dropout=0.0 -> identity
    eu_mlp = jnp.take(embed_user_MLP, user, axis=0)
    ei_mlp = jnp.take(embed_item_MLP, item, axis=0)
    h = jnp.concatenate([eu_mlp, ei_mlp], axis=-1)
    h = jax.nn.relu(h @ W1 + b1)
    h = jax.nn.relu(h @ W2 + b2)
    h = jax.nn.relu(h @ W3 + b3)
    eu_gmf = jnp.take(embed_user_GMF, user, axis=0)
    ei_gmf = jnp.take(embed_item_GMF, item, axis=0)
    gmf = eu_gmf * ei_gmf
    neumf = jnp.concatenate([h, gmf], axis=-1)
    score = neumf @ Wf + bf
    return score.reshape(-1)

if __name__ == "__main__":
    import jax
    _d = setup_inputs()
    print(jax.jit(kernel)(*tuple(_d.values())))

</pallas_src>

<mosaic_0001>
#map = affine_map<(d0, d1) -> (0, 0)>
#map1 = affine_map<(d0, d1) -> (0, 0, 0)>
module attributes {stable_mosaic.version = 14 : i64} {
  func.func @_sc_body(%arg0: i32, %arg1: i32, %arg2: memref<32x512xi32, #tpu.memory_space<hbm>>, %arg3: memref<32x512xi32, #tpu.memory_space<hbm>>, %arg4: memref<32x4x128xi32, #tpu.memory_space<hbm>>, %arg5: memref<64x1000000xf32, #tpu.memory_space<hbm>>, %arg6: memref<16x1000000xf32, #tpu.memory_space<hbm>>, %arg7: memref<16384x128xf32, #tpu.memory_space<hbm>>, %arg8: memref<528xi32, #tpu.memory_space<vmem>>, %arg9: memref<528xi32, #tpu.memory_space<vmem>>, %arg10: memref<4x128xi32, #tpu.memory_space<vmem>>, %arg11: memref<512x128xf32, #tpu.memory_space<vmem>>, %arg12: memref<5x64x128xf32, #tpu.memory_space<vmem>>, %arg13: memref<5x16x128xf32, #tpu.memory_space<vmem>>, %arg14: memref<!tpu.dma_semaphore, #tpu.memory_space<semaphore_mem>>, %arg15: memref<!tpu.dma_semaphore, #tpu.memory_space<semaphore_mem>>, %arg16: memref<!tpu.dma_semaphore, #tpu.memory_space<semaphore_mem>>, %arg17: memref<!tpu.dma_semaphore, #tpu.memory_space<semaphore_mem>>, %arg18: memref<!tpu.dma_semaphore, #tpu.memory_space<semaphore_mem>>, %arg19: memref<!tpu.dma_semaphore, #tpu.memory_space<semaphore_mem>>, %arg20: memref<!tpu.dma_semaphore, #tpu.memory_space<semaphore_mem>>, %arg21: memref<!tpu.dma_semaphore, #tpu.memory_space<semaphore_mem>>, %arg22: memref<!tpu.dma_semaphore, #tpu.memory_space<semaphore_mem>>, %arg23: memref<!tpu.dma_semaphore, #tpu.memory_space<semaphore_mem>>, %arg24: memref<!tpu.dma_semaphore, #tpu.memory_space<semaphore_mem>>) attributes {dimension_semantics = [#tpu.dimension_semantics<core_parallel>, #tpu.dimension_semantics<subcore_parallel>], iteration_bounds = array<i64: 2, 16>, scalar_prefetch = 0 : i64, scratch_operands = 17 : i64, tpu.core_type = #tpu.core_type<sc_vector_subcore>, window_params = [{transform_indices = #map}, {transform_indices = #map}, {transform_indices = #map1}, {transform_indices = #map}, {transform_indices = #map}, {transform_indices = #map}]} {
    %mul3A = arith.constant 2 : i32
    %mul3A_0 = arith.muli %arg1, %mul3A : i32
    %add3A = arith.addi %mul3A_0, %arg0 : i32
    "tpu.region"() ({
      %run_scoped3A = tpu.sem_alloc : memref<!tpu.dma_semaphore, #tpu.memory_space<semaphore_mem>>
      %dma_start3A_403 = arith.constant 0 : i32
      %dma_start3A_404 = tpu.memref_slice %arg8[%dma_start3A_403] : memref<528xi32, #tpu.memory_space<vmem>> -> memref<512xi32, #tpu.memory_space<vmem>>
      %dma_start3A_405 = arith.constant 0 : i32
      %dma_start3A_406 = tpu.memref_slice %arg2[%add3A, %dma_start3A_405] : memref<32x512xi32, #tpu.memory_space<hbm>> -> memref<1x512xi32, #tpu.memory_space<hbm>>
      %dma_start3A_407 = tpu.memref_squeeze %dma_start3A_406 : memref<1x512xi32, #tpu.memory_space<hbm>> -> memref<512xi32, #tpu.memory_space<hbm>>
      %dma_start3A_408 = arith.constant 0 : i32
      %dma_start3A_409 = tpu.memref_slice %arg8[%dma_start3A_408] : memref<528xi32, #tpu.memory_space<vmem>> -> memref<512xi32, #tpu.memory_space<vmem>>
      %dma_start3A_410 = arith.constant 0 : i32
      %dma_start3A_411 = tpu.memref_slice %arg2[%add3A, %dma_start3A_410] : memref<32x512xi32, #tpu.memory_space<hbm>> -> memref<1x512xi32, #tpu.memory_space<hbm>>
      %dma_start3A_412 = tpu.memref_squeeze %dma_start3A_411 : memref<1x512xi32, #tpu.memory_space<hbm>> -> memref<512xi32, #tpu.memory_space<hbm>>
      tpu.enqueue_dma source(%dma_start3A_412 : memref<512xi32, #tpu.memory_space<hbm>>) target(%dma_start3A_409 : memref<512xi32, #tpu.memory_space<vmem>>) target_semaphore(%run_scoped3A : memref<!tpu.dma_semaphore, #tpu.memory_space<semaphore_mem>>)
      %dma_wait3A_413 = arith.constant 0 : i32
      %dma_wait3A_414 = tpu.memref_slice %arg8[%dma_wait3A_413] : memref<528xi32, #tpu.memory_space<vmem>> -> memref<512xi32, #tpu.memory_space<vmem>>
      %dma_wait3A_415 = arith.constant 0 : i32
      %dma_wait3A_416 = tpu.memref_slice %arg2[%add3A, %dma_wait3A_415] : memref<32x512xi32, #tpu.memory_space<hbm>> -> memref<1x512xi32, #tpu.memory_space<hbm>>
      %dma_wait3A_417 = tpu.memref_squeeze %dma_wait3A_416 : memref<1x512xi32, #tpu.memory_space<hbm>> -> memref<512xi32, #tpu.memory_space<hbm>>
      %dma_wait3A_418 = arith.constant 0 : i32
      %dma_wait3A_419 = tpu.memref_slice %arg8[%dma_wait3A_418] : memref<528xi32, #tpu.memory_space<vmem>> -> memref<512xi32, #tpu.memory_space<vmem>>
      %dma_wait3A_420 = arith.constant 0 : i32
      %dma_wait3A_421 = tpu.memref_slice %arg2[%add3A, %dma_wait3A_420] : memref<32x512xi32, #tpu.memory_space<hbm>> -> memref<1x512xi32, #tpu.memory_space<hbm>>
      %dma_wait3A_422 = tpu.memref_squeeze %dma_wait3A_421 : memref<1x512xi32, #tpu.memory_space<hbm>> -> memref<512xi32, #tpu.memory_space<hbm>>
      tpu.wait_dma2 semaphore(%run_scoped3A : memref<!tpu.dma_semaphore, #tpu.memory_space<semaphore_mem>>) src(%dma_wait3A_422 : memref<512xi32, #tpu.memory_space<hbm>>) dst(%dma_wait3A_419 : memref<512xi32, #tpu.memory_space<vmem>>)
      tpu.yield
    }) : () -> ()
    "tpu.region"() ({
      %run_scoped3A = tpu.sem_alloc : memref<!tpu.dma_semaphore, #tpu.memory_space<semaphore_mem>>
      %dma_start3A_403 = arith.constant 0 : i32
      %dma_start3A_404 = tpu.memref_slice %arg9[%dma_start3A_403] : memref<528xi32, #tpu.memory_space<vmem>> -> memref<512xi32, #tpu.memory_space<vmem>>
      %dma_start3A_405 = arith.constant 0 : i32
      %dma_start3A_406 = tpu.memref_slice %arg3[%add3A, %dma_start3A_405] : memref<32x512xi32, #tpu.memory_space<hbm>> -> memref<1x512xi32, #tpu.memory_space<hbm>>
      %dma_start3A_407 = tpu.memref_squeeze %dma_start3A_406 : memref<1x512xi32, #tpu.memory_space<hbm>> -> memref<512xi32, #tpu.memory_space<hbm>>
      %dma_start3A_408 = arith.constant 0 : i32
      %dma_start3A_409 = tpu.memref_slice %arg9[%dma_start3A_408] : memref<528xi32, #tpu.memory_space<vmem>> -> memref<512xi32, #tpu.memory_space<vmem>>
      %dma_start3A_410 = arith.constant 0 : i32
      %dma_start3A_411 = tpu.memref_slice %arg3[%add3A, %dma_start3A_410] : memref<32x512xi32, #tpu.memory_space<hbm>> -> memref<1x512xi32, #tpu.memory_space<hbm>>
      %dma_start3A_412 = tpu.memref_squeeze %dma_start3A_411 : memref<1x512xi32, #tpu.memory_space<hbm>> -> memref<512xi32, #tpu.memory_space<hbm>>
      tpu.enqueue_dma source(%dma_start3A_412 : memref<512xi32, #tpu.memory_space<hbm>>) target(%dma_start3A_409 : memref<512xi32, #tpu.memory_space<vmem>>) target_semaphore(%run_scoped3A : memref<!tpu.dma_semaphore, #tpu.memory_space<semaphore_mem>>)
      %dma_wait3A_413 = arith.constant 0 : i32
      %dma_wait3A_414 = tpu.memref_slice %arg9[%dma_wait3A_413] : memref<528xi32, #tpu.memory_space<vmem>> -> memref<512xi32, #tpu.memory_space<vmem>>
      %dma_wait3A_415 = arith.constant 0 : i32
      %dma_wait3A_416 = tpu.memref_slice %arg3[%add3A, %dma_wait3A_415] : memref<32x512xi32, #tpu.memory_space<hbm>> -> memref<1x512xi32, #tpu.memory_space<hbm>>
      %dma_wait3A_417 = tpu.memref_squeeze %dma_wait3A_416 : memref<1x512xi32, #tpu.memory_space<hbm>> -> memref<512xi32, #tpu.memory_space<hbm>>
      %dma_wait3A_418 = arith.constant 0 : i32
      %dma_wait3A_419 = tpu.memref_slice %arg9[%dma_wait3A_418] : memref<528xi32, #tpu.memory_space<vmem>> -> memref<512xi32, #tpu.memory_space<vmem>>
      %dma_wait3A_420 = arith.constant 0 : i32
      %dma_wait3A_421 = tpu.memref_slice %arg3[%add3A, %dma_wait3A_420] : memref<32x512xi32, #tpu.memory_space<hbm>> -> memref<1x512xi32, #tpu.memory_space<hbm>>
      %dma_wait3A_422 = tpu.memref_squeeze %dma_wait3A_421 : memref<1x512xi32, #tpu.memory_space<hbm>> -> memref<512xi32, #tpu.memory_space<hbm>>
      tpu.wait_dma2 semaphore(%run_scoped3A : memref<!tpu.dma_semaphore, #tpu.memory_space<semaphore_mem>>) src(%dma_wait3A_422 : memref<512xi32, #tpu.memory_space<hbm>>) dst(%dma_wait3A_419 : memref<512xi32, #tpu.memory_space<vmem>>)
      tpu.yield
    }) : () -> ()
    "tpu.region"() ({
      %run_scoped3A = tpu.sem_alloc : memref<!tpu.dma_semaphore, #tpu.memory_space<semaphore_mem>>
      %dma_start3A_403 = arith.constant 0 : i32
      %dma_start3A_404 = arith.constant 0 : i32
      %dma_start3A_405 = tpu.memref_slice %arg4[%add3A, %dma_start3A_403, %dma_start3A_404] : memref<32x4x128xi32, #tpu.memory_space<hbm>> -> memref<1x4x128xi32, #tpu.memory_space<hbm>>
      %dma_start3A_406 = tpu.memref_squeeze %dma_start3A_405 : memref<1x4x128xi32, #tpu.memory_space<hbm>> -> memref<4x128xi32, #tpu.memory_space<hbm>>
      %dma_start3A_407 = arith.constant 0 : i32
      %dma_start3A_408 = arith.constant 0 : i32
      %dma_start3A_409 = tpu.memref_slice %arg4[%add3A, %dma_start3A_407, %dma_start3A_408] : memref<32x4x128xi32, #tpu.memory_space<hbm>> -> memref<1x4x128xi32, #tpu.memory_space<hbm>>
      %dma_start3A_410 = tpu.memref_squeeze %dma_start3A_409 : memref<1x4x128xi32, #tpu.memory_space<hbm>> -> memref<4x128xi32, #tpu.memory_space<hbm>>
      tpu.enqueue_dma source(%dma_start3A_410 : memref<4x128xi32, #tpu.memory_space<hbm>>) target(%arg10 : memref<4x128xi32, #tpu.memory_space<vmem>>) target_semaphore(%run_scoped3A : memref<!tpu.dma_semaphore, #tpu.memory_space<semaphore_mem>>)
      %dma_wait3A_411 = arith.constant 0 : i32
      %dma_wait3A_412 = arith.constant 0 : i32
      %dma_wait3A_413 = tpu.memref_slice %arg4[%add3A, %dma_wait3A_411, %dma_wait3A_412] : memref<32x4x128xi32, #tpu.memory_space<hbm>> -> memref<1x4x128xi32, #tpu.memory_space<hbm>>
      %dma_wait3A_414 = tpu.memref_squeeze %dma_wait3A_413 : memref<1x4x128xi32, #tpu.memory_space<hbm>> -> memref<4x128xi32, #tpu.memory_space<hbm>>
      %dma_wait3A_415 = arith.constant 0 : i32
      %dma_wait3A_416 = arith.constant 0 : i32
      %dma_wait3A_417 = tpu.memref_slice %arg4[%add3A, %dma_wait3A_415, %dma_wait3A_416] : memref<32x4x128xi32, #tpu.memory_space<hbm>> -> memref<1x4x128xi32, #tpu.memory_space<hbm>>
      %dma_wait3A_418 = tpu.memref_squeeze %dma_wait3A_417 : memref<1x4x128xi32, #tpu.memory_space<hbm>> -> memref<4x128xi32, #tpu.memory_space<hbm>>
      tpu.wait_dma2 semaphore(%run_scoped3A : memref<!tpu.dma_semaphore, #tpu.memory_space<semaphore_mem>>) src(%dma_wait3A_418 : memref<4x128xi32, #tpu.memory_space<hbm>>) dst(%arg10 : memref<4x128xi32, #tpu.memory_space<vmem>>)
      tpu.yield
    }) : () -> ()
    %min3A = arith.constant 0 : i32
    %min3A_1 = arith.constant 511 : i32
    %min3A_2 = arith.minsi %min3A, %min3A_1 : i32
    %get3A = arith.index_cast %min3A_2 : i32 to index
    %get3A_3 = tpu.vector_load %arg9[%get3A] {strides = array<i32>} : memref<528xi32, #tpu.memory_space<vmem>>, vector<16xi32>,
    %slice3A = vector.extract_strided_slice %get3A_3 {offsets = [0], sizes = [1], strides = [1]} : vector<16xi32> to vector<1xi32>
    %squeeze3A = vector.extract %slice3A[0] : i32 from vector<1xi32>
    %mul3A_4 = arith.constant 128 : i32
    %mul3A_5 = arith.muli %squeeze3A, %mul3A_4 : i32
    %multiple_of3A = tpu.assume_multiple %mul3A_5, 128 : i32
    %dma_start3A = arith.constant 0 : i32
    %dma_start3A_6 = arith.constant 0 : i32
    %dma_start3A_7 = arith.constant 0 : i32
    %dma_start3A_8 = tpu.memref_slice %arg12[%dma_start3A, %dma_start3A_6, %dma_start3A_7] : memref<5x64x128xf32, #tpu.memory_space<vmem>> -> memref<1x64x128xf32, #tpu.memory_space<vmem>>
    %dma_start3A_9 = tpu.memref_squeeze %dma_start3A_8 : memref<1x64x128xf32, #tpu.memory_space<vmem>> -> memref<64x128xf32, #tpu.memory_space<vmem>>
    %dma_start3A_10 = arith.constant 0 : i32
    %dma_start3A_11 = tpu.memref_slice %arg5[%dma_start3A_10, %multiple_of3A] : memref<64x1000000xf32, #tpu.memory_space<hbm>> -> memref<64x128xf32, #tpu.memory_space<hbm>>
    %dma_start3A_12 = arith.constant 0 : i32
    %dma_start3A_13 = arith.constant 0 : i32
    %dma_start3A_14 = tpu.memref_slice %arg12[%dma_start3A, %dma_start3A_12, %dma_start3A_13] : memref<5x64x128xf32, #tpu.memory_space<vmem>> -> memref<1x64x128xf32, #tpu.memory_space<vmem>>
    %dma_start3A_15 = tpu.memref_squeeze %dma_start3A_14 : memref<1x64x128xf32, #tpu.memory_space<vmem>> -> memref<64x128xf32, #tpu.memory_space<vmem>>
    %dma_start3A_16 = arith.constant 0 : i32
    %dma_start3A_17 = tpu.memref_slice %arg5[%dma_start3A_16, %multiple_of3A] : memref<64x1000000xf32, #tpu.memory_space<hbm>> -> memref<64x128xf32, #tpu.memory_space<hbm>>
    tpu.enqueue_dma source(%dma_start3A_17 : memref<64x128xf32, #tpu.memory_space<hbm>>) target(%dma_start3A_15 : memref<64x128xf32, #tpu.memory_space<vmem>>) target_semaphore(%arg14 : memref<!tpu.dma_semaphore, #tpu.memory_space<semaphore_mem>>)
    %dma_start3A_18 = arith.constant 0 : i32
    %dma_start3A_19 = arith.constant 0 : i32
    %dma_start3A_20 = arith.constant 0 : i32
    %dma_start3A_21 = tpu.memref_slice %arg13[%dma_start3A_18, %dma_start3A_19, %dma_start3A_20] : memref<5x16x128xf32, #tpu.memory_space<vmem>> -> memref<1x16x128xf32, #tpu.memory_space<vmem>>
    %dma_start3A_22 = tpu.memref_squeeze %dma_start3A_21 : memref<1x16x128xf32, #tpu.memory_space<vmem>> -> memref<16x128xf32, #tpu.memory_space<vmem>>
    %dma_start3A_23 = arith.constant 0 : i32
    %dma_start3A_24 = tpu.memref_slice %arg6[%dma_start3A_23, %multiple_of3A] : memref<16x1000000xf32, #tpu.memory_space<hbm>> -> memref<16x128xf32, #tpu.memory_space<hbm>>
    %dma_start3A_25 = arith.constant 0 : i32
    %dma_start3A_26 = arith.constant 0 : i32
    %dma_start3A_27 = tpu.memref_slice %arg13[%dma_start3A_18, %dma_start3A_25, %dma_start3A_26] : memref<5x16x128xf32, #tpu.memory_space<vmem>> -> memref<1x16x128xf32, #tpu.memory_space<vmem>>
    %dma_start3A_28 = tpu.memref_squeeze %dma_start3A_27 : memref<1x16x128xf32, #tpu.memory_space<vmem>> -> memref<16x128xf32, #tpu.memory_space<vmem>>
    %dma_start3A_29 = arith.constant 0 : i32
    %dma_start3A_30 = tpu.memref_slice %arg6[%dma_start3A_29, %multiple_of3A] : memref<16x1000000xf32, #tpu.memory_space<hbm>> -> memref<16x128xf32, #tpu.memory_space<hbm>>
    tpu.enqueue_dma source(%dma_start3A_30 : memref<16x128xf32, #tpu.memory_space<hbm>>) target(%dma_start3A_28 : memref<16x128xf32, #tpu.memory_space<vmem>>) target_semaphore(%arg19 : memref<!tpu.dma_semaphore, #tpu.memory_space<semaphore_mem>>)
    %min3A_31 = arith.constant 1 : i32
    %min3A_32 = arith.constant 511 : i32
    %min3A_33 = arith.minsi %min3A_31, %min3A_32 : i32
    %get3A_34 = arith.index_cast %min3A_33 : i32 to index
    %get3A_35 = tpu.vector_load %arg9[%get3A_34] {strides = array<i32>} : memref<528xi32, #tpu.memory_space<vmem>>, vector<16xi32>,
    %slice3A_36 = vector.extract_strided_slice %get3A_35 {offsets = [0], sizes = [1], strides = [1]} : vector<16xi32> to vector<1xi32>
    %squeeze3A_37 = vector.extract %slice3A_36[0] : i32 from vector<1xi32>
    %mul3A_38 = arith.constant 128 : i32
    %mul3A_39 = arith.muli %squeeze3A_37, %mul3A_38 : i32
    %multiple_of3A_40 = tpu.assume_multiple %mul3A_39, 128 : i32
    %dma_start3A_41 = arith.constant 1 : i32
    %dma_start3A_42 = arith.constant 0 : i32
    %dma_start3A_43 = arith.constant 0 : i32
    %dma_start3A_44 = tpu.memref_slice %arg12[%dma_start3A_41, %dma_start3A_42, %dma_start3A_43] : memref<5x64x128xf32, #tpu.memory_space<vmem>> -> memref<1x64x128xf32, #tpu.memory_space<vmem>>
    %dma_start3A_45 = tpu.memref_squeeze %dma_start3A_44 : memref<1x64x128xf32, #tpu.memory_space<vmem>> -> memref<64x128xf32, #tpu.memory_space<vmem>>
    %dma_start3A_46 = arith.constant 0 : i32
    %dma_start3A_47 = tpu.memref_slice %arg5[%dma_start3A_46, %multiple_of3A_40] : memref<64x1000000xf32, #tpu.memory_space<hbm>> -> memref<64x128xf32, #tpu.memory_space<hbm>>
    %dma_start3A_48 = arith.constant 0 : i32
    %dma_start3A_49 = arith.constant 0 : i32
    %dma_start3A_50 = tpu.memref_slice %arg12[%dma_start3A_41, %dma_start3A_48, %dma_start3A_49] : memref<5x64x128xf32, #tpu.memory_space<vmem>> -> memref<1x64x128xf32, #tpu.memory_space<vmem>>
    %dma_start3A_51 = tpu.memref_squeeze %dma_start3A_50 : memref<1x64x128xf32, #tpu.memory_space<vmem>> -> memref<64x128xf32, #tpu.memory_space<vmem>>
    %dma_start3A_52 = arith.constant 0 : i32
    %dma_start3A_53 = tpu.memref_slice %arg5[%dma_start3A_52, %multiple_of3A_40] : memref<64x1000000xf32, #tpu.memory_space<hbm>> -> memref<64x128xf32, #tpu.memory_space<hbm>>
    tpu.enqueue_dma source(%dma_start3A_53 : memref<64x128xf32, #tpu.memory_space<hbm>>) target(%dma_start3A_51 : memref<64x128xf32, #tpu.memory_space<vmem>>) target_semaphore(%arg15 : memref<!tpu.dma_semaphore, #tpu.memory_space<semaphore_mem>>)
    %dma_start3A_54 = arith.constant 1 : i32
    %dma_start3A_55 = arith.constant 0 : i32
    %dma_start3A_56 = arith.constant 0 : i32
    %dma_start3A_57 = tpu.memref_slice %arg13[%dma_start3A_54, %dma_start3A_55, %dma_start3A_56] : memref<5x16x128xf32, #tpu.memory_space<vmem>> -> memref<1x16x128xf32, #tpu.memory_space<vmem>>
    %dma_start3A_58 = tpu.memref_squeeze %dma_start3A_57 : memref<1x16x128xf32, #tpu.memory_space<vmem>> -> memref<16x128xf32, #tpu.memory_space<vmem>>
    %dma_start3A_59 = arith.constant 0 : i32
    %dma_start3A_60 = tpu.memref_slice %arg6[%dma_start3A_59, %multiple_of3A_40] : memref<16x1000000xf32, #tpu.memory_space<hbm>> -> memref<16x128xf32, #tpu.memory_space<hbm>>
    %dma_start3A_61 = arith.constant 0 : i32
    %dma_start3A_62 = arith.constant 0 : i32
    %dma_start3A_63 = tpu.memref_slice %arg13[%dma_start3A_54, %dma_start3A_61, %dma_start3A_62] : memref<5x16x128xf32, #tpu.memory_space<vmem>> -> memref<1x16x128xf32, #tpu.memory_space<vmem>>
    %dma_start3A_64 = tpu.memref_squeeze %dma_start3A_63 : memref<1x16x128xf32, #tpu.memory_space<vmem>> -> memref<16x128xf32, #tpu.memory_space<vmem>>
    %dma_start3A_65 = arith.constant 0 : i32
    %dma_start3A_66 = tpu.memref_slice %arg6[%dma_start3A_65, %multiple_of3A_40] : memref<16x1000000xf32, #tpu.memory_space<hbm>> -> memref<16x128xf32, #tpu.memory_space<hbm>>
    tpu.enqueue_dma source(%dma_start3A_66 : memref<16x128xf32, #tpu.memory_space<hbm>>) target(%dma_start3A_64 : memref<16x128xf32, #tpu.memory_space<vmem>>) target_semaphore(%arg20 : memref<!tpu.dma_semaphore, #tpu.memory_space<semaphore_mem>>)
    %min3A_67 = arith.constant 2 : i32
    %min3A_68 = arith.constant 511 : i32
    %min3A_69 = arith.minsi %min3A_67, %min3A_68 : i32
    %get3A_70 = arith.index_cast %min3A_69 : i32 to index
    %get3A_71 = tpu.vector_load %arg9[%get3A_70] {strides = array<i32>} : memref<528xi32, #tpu.memory_space<vmem>>, vector<16xi32>,
    %slice3A_72 = vector.extract_strided_slice %get3A_71 {offsets = [0], sizes = [1], strides = [1]} : vector<16xi32> to vector<1xi32>
    %squeeze3A_73 = vector.extract %slice3A_72[0] : i32 from vector<1xi32>
    %mul3A_74 = arith.constant 128 : i32
    %mul3A_75 = arith.muli %squeeze3A_73, %mul3A_74 : i32
    %multiple_of3A_76 = tpu.assume_multiple %mul3A_75, 128 : i32
    %dma_start3A_77 = arith.constant 2 : i32
    %dma_start3A_78 = arith.constant 0 : i32
    %dma_start3A_79 = arith.constant 0 : i32
    %dma_start3A_80 = tpu.memref_slice %arg12[%dma_start3A_77, %dma_start3A_78, %dma_start3A_79] : memref<5x64x128xf32, #tpu.memory_space<vmem>> -> memref<1x64x128xf32, #tpu.memory_space<vmem>>
    %dma_start3A_81 = tpu.memref_squeeze %dma_start3A_80 : memref<1x64x128xf32, #tpu.memory_space<vmem>> -> memref<64x128xf32, #tpu.memory_space<vmem>>
    %dma_start3A_82 = arith.constant 0 : i32
    %dma_start3A_83 = tpu.memref_slice %arg5[%dma_start3A_82, %multiple_of3A_76] : memref<64x1000000xf32, #tpu.memory_space<hbm>> -> memref<64x128xf32, #tpu.memory_space<hbm>>
    %dma_start3A_84 = arith.constant 0 : i32
    %dma_start3A_85 = arith.constant 0 : i32
    %dma_start3A_86 = tpu.memref_slice %arg12[%dma_start3A_77, %dma_start3A_84, %dma_start3A_85] : memref<5x64x128xf32, #tpu.memory_space<vmem>> -> memref<1x64x128xf32, #tpu.memory_space<vmem>>
    %dma_start3A_87 = tpu.memref_squeeze %dma_start3A_86 : memref<1x64x128xf32, #tpu.memory_space<vmem>> -> memref<64x128xf32, #tpu.memory_space<vmem>>
    %dma_start3A_88 = arith.constant 0 : i32
    %dma_start3A_89 = tpu.memref_slice %arg5[%dma_start3A_88, %multiple_of3A_76] : memref<64x1000000xf32, #tpu.memory_space<hbm>> -> memref<64x128xf32, #tpu.memory_space<hbm>>
    tpu.enqueue_dma source(%dma_start3A_89 : memref<64x128xf32, #tpu.memory_space<hbm>>) target(%dma_start3A_87 : memref<64x128xf32, #tpu.memory_space<vmem>>) target_semaphore(%arg16 : memref<!tpu.dma_semaphore, #tpu.memory_space<semaphore_mem>>)
    %dma_start3A_90 = arith.constant 2 : i32
    %dma_start3A_91 = arith.constant 0 : i32
    %dma_start3A_92 = arith.constant 0 : i32
    %dma_start3A_93 = tpu.memref_slice %arg13[%dma_start3A_90, %dma_start3A_91, %dma_start3A_92] : memref<5x16x128xf32, #tpu.memory_space<vmem>> -> memref<1x16x128xf32, #tpu.memory_space<vmem>>
    %dma_start3A_94 = tpu.memref_squeeze %dma_start3A_93 : memref<1x16x128xf32, #tpu.memory_space<vmem>> -> memref<16x128xf32, #tpu.memory_space<vmem>>
    %dma_start3A_95 = arith.constant 0 : i32
    %dma_start3A_96 = tpu.memref_slice %arg6[%dma_start3A_95, %multiple_of3A_76] : memref<16x1000000xf32, #tpu.memory_space<hbm>> -> memref<16x128xf32, #tpu.memory_space<hbm>>
    %dma_start3A_97 = arith.constant 0 : i32
    %dma_start3A_98 = arith.constant 0 : i32
    %dma_start3A_99 = tpu.memref_slice %arg13[%dma_start3A_90, %dma_start3A_97, %dma_start3A_98] : memref<5x16x128xf32, #tpu.memory_space<vmem>> -> memref<1x16x128xf32, #tpu.memory_space<vmem>>
    %dma_start3A_100 = tpu.memref_squeeze %dma_start3A_99 : memref<1x16x128xf32, #tpu.memory_space<vmem>> -> memref<16x128xf32, #tpu.memory_space<vmem>>
    %dma_start3A_101 = arith.constant 0 : i32
    %dma_start3A_102 = tpu.memref_slice %arg6[%dma_start3A_101, %multiple_of3A_76] : memref<16x1000000xf32, #tpu.memory_space<hbm>> -> memref<16x128xf32, #tpu.memory_space<hbm>>
    tpu.enqueue_dma source(%dma_start3A_102 : memref<16x128xf32, #tpu.memory_space<hbm>>) target(%dma_start3A_100 : memref<16x128xf32, #tpu.memory_space<vmem>>) target_semaphore(%arg21 : memref<!tpu.dma_semaphore, #tpu.memory_space<semaphore_mem>>)
    %min3A_103 = arith.constant 3 : i32
    %min3A_104 = arith.constant 511 : i32
    %min3A_105 = arith.minsi %min3A_103, %min3A_104 : i32
    %get3A_106 = arith.index_cast %min3A_105 : i32 to index
    %get3A_107 = tpu.vector_load %arg9[%get3A_106] {strides = array<i32>} : memref<528xi32, #tpu.memory_space<vmem>>, vector<16xi32>,
    %slice3A_108 = vector.extract_strided_slice %get3A_107 {offsets = [0], sizes = [1], strides = [1]} : vector<16xi32> to vector<1xi32>
    %squeeze3A_109 = vector.extract %slice3A_108[0] : i32 from vector<1xi32>
    %mul3A_110 = arith.constant 128 : i32
    %mul3A_111 = arith.muli %squeeze3A_109, %mul3A_110 : i32
    %multiple_of3A_112 = tpu.assume_multiple %mul3A_111, 128 : i32
    %dma_start3A_113 = arith.constant 3 : i32
    %dma_start3A_114 = arith.constant 0 : i32
    %dma_start3A_115 = arith.constant 0 : i32
    %dma_start3A_116 = tpu.memref_slice %arg12[%dma_start3A_113, %dma_start3A_114, %dma_start3A_115] : memref<5x64x128xf32, #tpu.memory_space<vmem>> -> memref<1x64x128xf32, #tpu.memory_space<vmem>>
    %dma_start3A_117 = tpu.memref_squeeze %dma_start3A_116 : memref<1x64x128xf32, #tpu.memory_space<vmem>> -> memref<64x128xf32, #tpu.memory_space<vmem>>
    %dma_start3A_118 = arith.constant 0 : i32
    %dma_start3A_119 = tpu.memref_slice %arg5[%dma_start3A_118, %multiple_of3A_112] : memref<64x1000000xf32, #tpu.memory_space<hbm>> -> memref<64x128xf32, #tpu.memory_space<hbm>>
    %dma_start3A_120 = arith.constant 0 : i32
    %dma_start3A_121 = arith.constant 0 : i32
    %dma_start3A_122 = tpu.memref_slice %arg12[%dma_start3A_113, %dma_start3A_120, %dma_start3A_121] : memref<5x64x128xf32, #tpu.memory_space<vmem>> -> memref<1x64x128xf32, #tpu.memory_space<vmem>>
    %dma_start3A_123 = tpu.memref_squeeze %dma_start3A_122 : memref<1x64x128xf32, #tpu.memory_space<vmem>> -> memref<64x128xf32, #tpu.memory_space<vmem>>
    %dma_start3A_124 = arith.constant 0 : i32
    %dma_start3A_125 = tpu.memref_slice %arg5[%dma_start3A_124, %multiple_of3A_112] : memref<64x1000000xf32, #tpu.memory_space<hbm>> -> memref<64x128xf32, #tpu.memory_space<hbm>>
    tpu.enqueue_dma source(%dma_start3A_125 : memref<64x128xf32, #tpu.memory_space<hbm>>) target(%dma_start3A_123 : memref<64x128xf32, #tpu.memory_space<vmem>>) target_semaphore(%arg17 : memref<!tpu.dma_semaphore, #tpu.memory_space<semaphore_mem>>)
    %dma_start3A_126 = arith.constant 3 : i32
    %dma_start3A_127 = arith.constant 0 : i32
    %dma_start3A_128 = arith.constant 0 : i32
    %dma_start3A_129 = tpu.memref_slice %arg13[%dma_start3A_126, %dma_start3A_127, %dma_start3A_128] : memref<5x16x128xf32, #tpu.memory_space<vmem>> -> memref<1x16x128xf32, #tpu.memory_space<vmem>>
    %dma_start3A_130 = tpu.memref_squeeze %dma_start3A_129 : memref<1x16x128xf32, #tpu.memory_space<vmem>> -> memref<16x128xf32, #tpu.memory_space<vmem>>
    %dma_start3A_131 = arith.constant 0 : i32
    %dma_start3A_132 = tpu.memref_slice %arg6[%dma_start3A_131, %multiple_of3A_112] : memref<16x1000000xf32, #tpu.memory_space<hbm>> -> memref<16x128xf32, #tpu.memory_space<hbm>>
    %dma_start3A_133 = arith.constant 0 : i32
    %dma_start3A_134 = arith.constant 0 : i32
    %dma_start3A_135 = tpu.memref_slice %arg13[%dma_start3A_126, %dma_start3A_133, %dma_start3A_134] : memref<5x16x128xf32, #tpu.memory_space<vmem>> -> memref<1x16x128xf32, #tpu.memory_space<vmem>>
    %dma_start3A_136 = tpu.memref_squeeze %dma_start3A_135 : memref<1x16x128xf32, #tpu.memory_space<vmem>> -> memref<16x128xf32, #tpu.memory_space<vmem>>
    %dma_start3A_137 = arith.constant 0 : i32
    %dma_start3A_138 = tpu.memref_slice %arg6[%dma_start3A_137, %multiple_of3A_112] : memref<16x1000000xf32, #tpu.memory_space<hbm>> -> memref<16x128xf32, #tpu.memory_space<hbm>>
    tpu.enqueue_dma source(%dma_start3A_138 : memref<16x128xf32, #tpu.memory_space<hbm>>) target(%dma_start3A_136 : memref<16x128xf32, #tpu.memory_space<vmem>>) target_semaphore(%arg22 : memref<!tpu.dma_semaphore, #tpu.memory_space<semaphore_mem>>)
    %iota3A = tpu.iota {dimensions = array<i32: 0>} : vector<16xi32>
    %add3A_139 = arith.constant 0 : i32
    %add3A_140 = vector.broadcast %add3A_139 : i32 to vector<16xi32>
    %add3A_141 = arith.addi %iota3A, %add3A_140 : vector<16xi32>
    %iota3A_142 = tpu.iota {dimensions = array<i32: 0>} : vector<16xi32>
    %add3A_143 = arith.constant 16 : i32
    %add3A_144 = vector.broadcast %add3A_143 : i32 to vector<16xi32>
    %add3A_145 = arith.addi %iota3A_142, %add3A_144 : vector<16xi32>
    %iota3A_146 = tpu.iota {dimensions = array<i32: 0>} : vector<16xi32>
    %add3A_147 = arith.constant 32 : i32
    %add3A_148 = vector.broadcast %add3A_147 : i32 to vector<16xi32>
    %add3A_149 = arith.addi %iota3A_146, %add3A_148 : vector<16xi32>
    %iota3A_150 = tpu.iota {dimensions = array<i32: 0>} : vector<16xi32>
    %add3A_151 = arith.constant 48 : i32
    %add3A_152 = vector.broadcast %add3A_151 : i32 to vector<16xi32>
    %add3A_153 = arith.addi %iota3A_150, %add3A_152 : vector<16xi32>
    %iota3A_154 = tpu.iota {dimensions = array<i32: 0>} : vector<16xi32>
    %scan3A = arith.constant -1 : i32
    %scan3A_155 = arith.constant 0 : i32
    %scan3A_156 = arith.constant 512 : i32
    %scan3A_157 = arith.addi %scan3A_155, %scan3A_156 : i32
    %scan3A_158 = arith.constant 1 : i32
    %scan3A_159 = scf.for %scan3A_403 = %scan3A_155 to %scan3A_157 step %scan3A_158 iter_args(%scan3A_404 = %scan3A) -> (i32)  : i32 {
      %get3A_405 = arith.index_cast %scan3A_403 : i32 to index
      %get3A_406 = tpu.vector_load %arg8[%get3A_405] {strides = array<i32>} : memref<528xi32, #tpu.memory_space<vmem>>, vector<16xi32>,
      %slice3A_407 = vector.extract_strided_slice %get3A_406 {offsets = [0], sizes = [1], strides = [1]} : vector<16xi32> to vector<1xi32>
      %squeeze3A_408 = vector.extract %slice3A_407[0] : i32 from vector<1xi32>
      %shift_right_arithmetic3A = arith.constant 7 : i32
      %shift_right_arithmetic3A_409 = arith.shrsi %squeeze3A_408, %shift_right_arithmetic3A : i32
      %and3A_410 = arith.constant 127 : i32
      %and3A_411 = arith.andi %squeeze3A_408, %and3A_410 : i32
      %gt3A = arith.cmpi sgt, %shift_right_arithmetic3A_409, %scan3A_404 : i32
      %convert_element_type3A_412 = arith.extui %gt3A : i1 to i32
      %cond3A_413 = arith.constant 0 : i32
      %cond3A_414 = arith.cmpi ne, %convert_element_type3A_412, %cond3A_413 : i32
      scf.if %cond3A_414 {
        %jit3A_450 = arith.constant 5 : i32
        %eq3A_451 = arith.constant 0 : i32
        %eq3A_452 = arith.cmpi eq, %jit3A_450, %eq3A_451 : i32
        %jit3A_453 = arith.constant 1 : i32
        %select_n3A_454 = arith.select %eq3A_452, %jit3A_453, %jit3A_450 : i32
        %rem3A_455 = arith.remsi %shift_right_arithmetic3A_409, %select_n3A_454 : i32
        %ne3A_456 = arith.constant 0 : i32
        %ne3A_457 = arith.cmpi ne, %rem3A_455, %ne3A_456 : i32
        %lt3A_458 = arith.constant 0 : i32
        %lt3A_459 = arith.cmpi slt, %rem3A_455, %lt3A_458 : i32
        %lt3A_460 = arith.constant 0 : i32
        %lt3A_461 = arith.cmpi slt, %select_n3A_454, %lt3A_460 : i32
        %ne3A_462 = arith.xori %lt3A_459, %lt3A_461 : i1
        %and3A_463 = arith.andi %ne3A_462, %ne3A_457 : i1
        %add3A_464 = arith.addi %rem3A_455, %select_n3A_454 : i32
        %select_n3A_465 = arith.select %and3A_463, %add3A_464, %rem3A_455 : i32
        %eq3A_466 = arith.constant 0 : i32
        %eq3A_467 = arith.cmpi eq, %select_n3A_465, %eq3A_466 : i32
        %convert_element_type3A_468 = arith.extui %eq3A_467 : i1 to i32
        %cond3A_469 = arith.constant 0 : i32
        %cond3A_470 = arith.cmpi ne, %convert_element_type3A_468, %cond3A_469 : i32
        scf.if %cond3A_470 {
          %dma_wait3A_544 = arith.constant 0 : i32
          %dma_wait3A_545 = arith.constant 0 : i32
          %dma_wait3A_546 = arith.constant 0 : i32
          %dma_wait3A_547 = tpu.memref_slice %arg12[%dma_wait3A_544, %dma_wait3A_545, %dma_wait3A_546] : memref<5x64x128xf32, #tpu.memory_space<vmem>> -> memref<1x64x128xf32, #tpu.memory_space<vmem>>
          %dma_wait3A_548 = tpu.memref_squeeze %dma_wait3A_547 : memref<1x64x128xf32, #tpu.memory_space<vmem>> -> memref<64x128xf32, #tpu.memory_space<vmem>>
          %dma_wait3A_549 = arith.constant 0 : i32
          %dma_wait3A_550 = arith.constant 0 : i32
          %dma_wait3A_551 = tpu.memref_slice %arg5[%dma_wait3A_549, %dma_wait3A_550] : memref<64x1000000xf32, #tpu.memory_space<hbm>> -> memref<64x128xf32, #tpu.memory_space<hbm>>
          %dma_wait3A_552 = arith.constant 0 : i32
          %dma_wait3A_553 = arith.constant 0 : i32
          %dma_wait3A_554 = tpu.memref_slice %arg12[%dma_wait3A_544, %dma_wait3A_552, %dma_wait3A_553] : memref<5x64x128xf32, #tpu.memory_space<vmem>> -> memref<1x64x128xf32, #tpu.memory_space<vmem>>
          %dma_wait3A_555 = tpu.memref_squeeze %dma_wait3A_554 : memref<1x64x128xf32, #tpu.memory_space<vmem>> -> memref<64x128xf32, #tpu.memory_space<vmem>>
          %dma_wait3A_556 = arith.constant 0 : i32
          %dma_wait3A_557 = arith.constant 0 : i32
          %dma_wait3A_558 = tpu.memref_slice %arg5[%dma_wait3A_556, %dma_wait3A_557] : memref<64x1000000xf32, #tpu.memory_space<hbm>> -> memref<64x128xf32, #tpu.memory_space<hbm>>
          tpu.wait_dma2 semaphore(%arg14 : memref<!tpu.dma_semaphore, #tpu.memory_space<semaphore_mem>>) src(%dma_wait3A_558 : memref<64x128xf32, #tpu.memory_space<hbm>>) dst(%dma_wait3A_555 : memref<64x128xf32, #tpu.memory_space<vmem>>)
          %dma_wait3A_559 = arith.constant 0 : i32
          %dma_wait3A_560 = arith.constant 0 : i32
          %dma_wait3A_561 = arith.constant 0 : i32
          %dma_wait3A_562 = tpu.memref_slice %arg13[%dma_wait3A_559, %dma_wait3A_560, %dma_wait3A_561] : memref<5x16x128xf32, #tpu.memory_space<vmem>> -> memref<1x16x128xf32, #tpu.memory_space<vmem>>
          %dma_wait3A_563 = tpu.memref_squeeze %dma_wait3A_562 : memref<1x16x128xf32, #tpu.memory_space<vmem>> -> memref<16x128xf32, #tpu.memory_space<vmem>>
          %dma_wait3A_564 = arith.constant 0 : i32
          %dma_wait3A_565 = arith.constant 0 : i32
          %dma_wait3A_566 = tpu.memref_slice %arg6[%dma_wait3A_564, %dma_wait3A_565] : memref<16x1000000xf32, #tpu.memory_space<hbm>> -> memref<16x128xf32, #tpu.memory_space<hbm>>
          %dma_wait3A_567 = arith.constant 0 : i32
          %dma_wait3A_568 = arith.constant 0 : i32
          %dma_wait3A_569 = tpu.memref_slice %arg13[%dma_wait3A_559, %dma_wait3A_567, %dma_wait3A_568] : memref<5x16x128xf32, #tpu.memory_space<vmem>> -> memref<1x16x128xf32, #tpu.memory_space<vmem>>
          %dma_wait3A_570 = tpu.memref_squeeze %dma_wait3A_569 : memref<1x16x128xf32, #tpu.memory_space<vmem>> -> memref<16x128xf32, #tpu.memory_space<vmem>>
          %dma_wait3A_571 = arith.constant 0 : i32
          %dma_wait3A_572 = arith.constant 0 : i32
          %dma_wait3A_573 = tpu.memref_slice %arg6[%dma_wait3A_571, %dma_wait3A_572] : memref<16x1000000xf32, #tpu.memory_space<hbm>> -> memref<16x128xf32, #tpu.memory_space<hbm>>
          tpu.wait_dma2 semaphore(%arg19 : memref<!tpu.dma_semaphore, #tpu.memory_space<semaphore_mem>>) src(%dma_wait3A_573 : memref<16x128xf32, #tpu.memory_space<hbm>>) dst(%dma_wait3A_570 : memref<16x128xf32, #tpu.memory_space<vmem>>)
        } else {
        }
        %eq3A_471 = arith.constant 1 : i32
        %eq3A_472 = arith.cmpi eq, %select_n3A_465, %eq3A_471 : i32
        %convert_element_type3A_473 = arith.extui %eq3A_472 : i1 to i32
        %cond3A_474 = arith.constant 0 : i32
        %cond3A_475 = arith.cmpi ne, %convert_element_type3A_473, %cond3A_474 : i32
        scf.if %cond3A_475 {
          %dma_wait3A_544 = arith.constant 1 : i32
          %dma_wait3A_545 = arith.constant 0 : i32
          %dma_wait3A_546 = arith.constant 0 : i32
          %dma_wait3A_547 = tpu.memref_slice %arg12[%dma_wait3A_544, %dma_wait3A_545, %dma_wait3A_546] : memref<5x64x128xf32, #tpu.memory_space<vmem>> -> memref<1x64x128xf32, #tpu.memory_space<vmem>>
          %dma_wait3A_548 = tpu.memref_squeeze %dma_wait3A_547 : memref<1x64x128xf32, #tpu.memory_space<vmem>> -> memref<64x128xf32, #tpu.memory_space<vmem>>
          %dma_wait3A_549 = arith.constant 0 : i32
          %dma_wait3A_550 = arith.constant 0 : i32
          %dma_wait3A_551 = tpu.memref_slice %arg5[%dma_wait3A_549, %dma_wait3A_550] : memref<64x1000000xf32, #tpu.memory_space<hbm>> -> memref<64x128xf32, #tpu.memory_space<hbm>>
          %dma_wait3A_552 = arith.constant 0 : i32
          %dma_wait3A_553 = arith.constant 0 : i32
          %dma_wait3A_554 = tpu.memref_slice %arg12[%dma_wait3A_544, %dma_wait3A_552, %dma_wait3A_553] : memref<5x64x128xf32, #tpu.memory_space<vmem>> -> memref<1x64x128xf32, #tpu.memory_space<vmem>>
          %dma_wait3A_555 = tpu.memref_squeeze %dma_wait3A_554 : memref<1x64x128xf32, #tpu.memory_space<vmem>> -> memref<64x128xf32, #tpu.memory_space<vmem>>
          %dma_wait3A_556 = arith.constant 0 : i32
          %dma_wait3A_557 = arith.constant 0 : i32
          %dma_wait3A_558 = tpu.memref_slice %arg5[%dma_wait3A_556, %dma_wait3A_557] : memref<64x1000000xf32, #tpu.memory_space<hbm>> -> memref<64x128xf32, #tpu.memory_space<hbm>>
          tpu.wait_dma2 semaphore(%arg15 : memref<!tpu.dma_semaphore, #tpu.memory_space<semaphore_mem>>) src(%dma_wait3A_558 : memref<64x128xf32, #tpu.memory_space<hbm>>) dst(%dma_wait3A_555 : memref<64x128xf32, #tpu.memory_space<vmem>>)
          %dma_wait3A_559 = arith.constant 1 : i32
          %dma_wait3A_560 = arith.constant 0 : i32
          %dma_wait3A_561 = arith.constant 0 : i32
          %dma_wait3A_562 = tpu.memref_slice %arg13[%dma_wait3A_559, %dma_wait3A_560, %dma_wait3A_561] : memref<5x16x128xf32, #tpu.memory_space<vmem>> -> memref<1x16x128xf32, #tpu.memory_space<vmem>>
          %dma_wait3A_563 = tpu.memref_squeeze %dma_wait3A_562 : memref<1x16x128xf32, #tpu.memory_space<vmem>> -> memref<16x128xf32, #tpu.memory_space<vmem>>
          %dma_wait3A_564 = arith.constant 0 : i32
          %dma_wait3A_565 = arith.constant 0 : i32
          %dma_wait3A_566 = tpu.memref_slice %arg6[%dma_wait3A_564, %dma_wait3A_565] : memref<16x1000000xf32, #tpu.memory_space<hbm>> -> memref<16x128xf32, #tpu.memory_space<hbm>>
          %dma_wait3A_567 = arith.constant 0 : i32
          %dma_wait3A_568 = arith.constant 0 : i32
          %dma_wait3A_569 = tpu.memref_slice %arg13[%dma_wait3A_559, %dma_wait3A_567, %dma_wait3A_568] : memref<5x16x128xf32, #tpu.memory_space<vmem>> -> memref<1x16x128xf32, #tpu.memory_space<vmem>>
          %dma_wait3A_570 = tpu.memref_squeeze %dma_wait3A_569 : memref<1x16x128xf32, #tpu.memory_space<vmem>> -> memref<16x128xf32, #tpu.memory_space<vmem>>
          %dma_wait3A_571 = arith.constant 0 : i32
          %dma_wait3A_572 = arith.constant 0 : i32
          %dma_wait3A_573 = tpu.memref_slice %arg6[%dma_wait3A_571, %dma_wait3A_572] : memref<16x1000000xf32, #tpu.memory_space<hbm>> -> memref<16x128xf32, #tpu.memory_space<hbm>>
          tpu.wait_dma2 semaphore(%arg20 : memref<!tpu.dma_semaphore, #tpu.memory_space<semaphore_mem>>) src(%dma_wait3A_573 : memref<16x128xf32, #tpu.memory_space<hbm>>) dst(%dma_wait3A_570 : memref<16x128xf32, #tpu.memory_space<vmem>>)
        } else {
        }
        %eq3A_476 = arith.constant 2 : i32
        %eq3A_477 = arith.cmpi eq, %select_n3A_465, %eq3A_476 : i32
        %convert_element_type3A_478 = arith.extui %eq3A_477 : i1 to i32
        %cond3A_479 = arith.constant 0 : i32
        %cond3A_480 = arith.cmpi ne, %convert_element_type3A_478, %cond3A_479 : i32
        scf.if %cond3A_480 {
          %dma_wait3A_544 = arith.constant 2 : i32
          %dma_wait3A_545 = arith.constant 0 : i32
          %dma_wait3A_546 = arith.constant 0 : i32
          %dma_wait3A_547 = tpu.memref_slice %arg12[%dma_wait3A_544, %dma_wait3A_545, %dma_wait3A_546] : memref<5x64x128xf32, #tpu.memory_space<vmem>> -> memref<1x64x128xf32, #tpu.memory_space<vmem>>
          %dma_wait3A_548 = tpu.memref_squeeze %dma_wait3A_547 : memref<1x64x128xf32, #tpu.memory_space<vmem>> -> memref<64x128xf32, #tpu.memory_space<vmem>>
          %dma_wait3A_549 = arith.constant 0 : i32
          %dma_wait3A_550 = arith.constant 0 : i32
          %dma_wait3A_551 = tpu.memref_slice %arg5[%dma_wait3A_549, %dma_wait3A_550] : memref<64x1000000xf32, #tpu.memory_space<hbm>> -> memref<64x128xf32, #tpu.memory_space<hbm>>
          %dma_wait3A_552 = arith.constant 0 : i32
          %dma_wait3A_553 = arith.constant 0 : i32
          %dma_wait3A_554 = tpu.memref_slice %arg12[%dma_wait3A_544, %dma_wait3A_552, %dma_wait3A_553] : memref<5x64x128xf32, #tpu.memory_space<vmem>> -> memref<1x64x128xf32, #tpu.memory_space<vmem>>
          %dma_wait3A_555 = tpu.memref_squeeze %dma_wait3A_554 : memref<1x64x128xf32, #tpu.memory_space<vmem>> -> memref<64x128xf32, #tpu.memory_space<vmem>>
          %dma_wait3A_556 = arith.constant 0 : i32
          %dma_wait3A_557 = arith.constant 0 : i32
          %dma_wait3A_558 = tpu.memref_slice %arg5[%dma_wait3A_556, %dma_wait3A_557] : memref<64x1000000xf32, #tpu.memory_space<hbm>> -> memref<64x128xf32, #tpu.memory_space<hbm>>
          tpu.wait_dma2 semaphore(%arg16 : memref<!tpu.dma_semaphore, #tpu.memory_space<semaphore_mem>>) src(%dma_wait3A_558 : memref<64x128xf32, #tpu.memory_space<hbm>>) dst(%dma_wait3A_555 : memref<64x128xf32, #tpu.memory_space<vmem>>)
          %dma_wait3A_559 = arith.constant 2 : i32
          %dma_wait3A_560 = arith.constant 0 : i32
          %dma_wait3A_561 = arith.constant 0 : i32
          %dma_wait3A_562 = tpu.memref_slice %arg13[%dma_wait3A_559, %dma_wait3A_560, %dma_wait3A_561] : memref<5x16x128xf32, #tpu.memory_space<vmem>> -> memref<1x16x128xf32, #tpu.memory_space<vmem>>
          %dma_wait3A_563 = tpu.memref_squeeze %dma_wait3A_562 : memref<1x16x128xf32, #tpu.memory_space<vmem>> -> memref<16x128xf32, #tpu.memory_space<vmem>>
          %dma_wait3A_564 = arith.constant 0 : i32
          %dma_wait3A_565 = arith.constant 0 : i32
          %dma_wait3A_566 = tpu.memref_slice %arg6[%dma_wait3A_564, %dma_wait3A_565] : memref<16x1000000xf32, #tpu.memory_space<hbm>> -> memref<16x128xf32, #tpu.memory_space<hbm>>
          %dma_wait3A_567 = arith.constant 0 : i32
          %dma_wait3A_568 = arith.constant 0 : i32
          %dma_wait3A_569 = tpu.memref_slice %arg13[%dma_wait3A_559, %dma_wait3A_567, %dma_wait3A_568] : memref<5x16x128xf32, #tpu.memory_space<vmem>> -> memref<1x16x128xf32, #tpu.memory_space<vmem>>
          %dma_wait3A_570 = tpu.memref_squeeze %dma_wait3A_569 : memref<1x16x128xf32, #tpu.memory_space<vmem>> -> memref<16x128xf32, #tpu.memory_space<vmem>>
          %dma_wait3A_571 = arith.constant 0 : i32
          %dma_wait3A_572 = arith.constant 0 : i32
          %dma_wait3A_573 = tpu.memref_slice %arg6[%dma_wait3A_571, %dma_wait3A_572] : memref<16x1000000xf32, #tpu.memory_space<hbm>> -> memref<16x128xf32, #tpu.memory_space<hbm>>
          tpu.wait_dma2 semaphore(%arg21 : memref<!tpu.dma_semaphore, #tpu.memory_space<semaphore_mem>>) src(%dma_wait3A_573 : memref<16x128xf32, #tpu.memory_space<hbm>>) dst(%dma_wait3A_570 : memref<16x128xf32, #tpu.memory_space<vmem>>)
        } else {
        }
        %eq3A_481 = arith.constant 3 : i32
        %eq3A_482 = arith.cmpi eq, %select_n3A_465, %eq3A_481 : i32
        %convert_element_type3A_483 = arith.extui %eq3A_482 : i1 to i32
        %cond3A_484 = arith.constant 0 : i32
        %cond3A_485 = arith.cmpi ne, %convert_element_type3A_483, %cond3A_484 : i32
        scf.if %cond3A_485 {
          %dma_wait3A_544 = arith.constant 3 : i32
          %dma_wait3A_545 = arith.constant 0 : i32
          %dma_wait3A_546 = arith.constant 0 : i32
          %dma_wait3A_547 = tpu.memref_slice %arg12[%dma_wait3A_544, %dma_wait3A_545, %dma_wait3A_546] : memref<5x64x128xf32, #tpu.memory_space<vmem>> -> memref<1x64x128xf32, #tpu.memory_space<vmem>>
          %dma_wait3A_548 = tpu.memref_squeeze %dma_wait3A_547 : memref<1x64x128xf32, #tpu.memory_space<vmem>> -> memref<64x128xf32, #tpu.memory_space<vmem>>
          %dma_wait3A_549 = arith.constant 0 : i32
          %dma_wait3A_550 = arith.constant 0 : i32
          %dma_wait3A_551 = tpu.memref_slice %arg5[%dma_wait3A_549, %dma_wait3A_550] : memref<64x1000000xf32, #tpu.memory_space<hbm>> -> memref<64x128xf32, #tpu.memory_space<hbm>>
          %dma_wait3A_552 = arith.constant 0 : i32
          %dma_wait3A_553 = arith.constant 0 : i32
          %dma_wait3A_554 = tpu.memref_slice %arg12[%dma_wait3A_544, %dma_wait3A_552, %dma_wait3A_553] : memref<5x64x128xf32, #tpu.memory_space<vmem>> -> memref<1x64x128xf32, #tpu.memory_space<vmem>>
          %dma_wait3A_555 = tpu.memref_squeeze %dma_wait3A_554 : memref<1x64x128xf32, #tpu.memory_space<vmem>> -> memref<64x128xf32, #tpu.memory_space<vmem>>
          %dma_wait3A_556 = arith.constant 0 : i32
          %dma_wait3A_557 = arith.constant 0 : i32
          %dma_wait3A_558 = tpu.memref_slice %arg5[%dma_wait3A_556, %dma_wait3A_557] : memref<64x1000000xf32, #tpu.memory_space<hbm>> -> memref<64x128xf32, #tpu.memory_space<hbm>>
          tpu.wait_dma2 semaphore(%arg17 : memref<!tpu.dma_semaphore, #tpu.memory_space<semaphore_mem>>) src(%dma_wait3A_558 : memref<64x128xf32, #tpu.memory_space<hbm>>) dst(%dma_wait3A_555 : memref<64x128xf32, #tpu.memory_space<vmem>>)
          %dma_wait3A_559 = arith.constant 3 : i32
          %dma_wait3A_560 = arith.constant 0 : i32
          %dma_wait3A_561 = arith.constant 0 : i32
          %dma_wait3A_562 = tpu.memref_slice %arg13[%dma_wait3A_559, %dma_wait3A_560, %dma_wait3A_561] : memref<5x16x128xf32, #tpu.memory_space<vmem>> -> memref<1x16x128xf32, #tpu.memory_space<vmem>>
          %dma_wait3A_563 = tpu.memref_squeeze %dma_wait3A_562 : memref<1x16x128xf32, #tpu.memory_space<vmem>> -> memref<16x128xf32, #tpu.memory_space<vmem>>
          %dma_wait3A_564 = arith.constant 0 : i32
          %dma_wait3A_565 = arith.constant 0 : i32
          %dma_wait3A_566 = tpu.memref_slice %arg6[%dma_wait3A_564, %dma_wait3A_565] : memref<16x1000000xf32, #tpu.memory_space<hbm>> -> memref<16x128xf32, #tpu.memory_space<hbm>>
          %dma_wait3A_567 = arith.constant 0 : i32
          %dma_wait3A_568 = arith.constant 0 : i32
          %dma_wait3A_569 = tpu.memref_slice %arg13[%dma_wait3A_559, %dma_wait3A_567, %dma_wait3A_568] : memref<5x16x128xf32, #tpu.memory_space<vmem>> -> memref<1x16x128xf32, #tpu.memory_space<vmem>>
          %dma_wait3A_570 = tpu.memref_squeeze %dma_wait3A_569 : memref<1x16x128xf32, #tpu.memory_space<vmem>> -> memref<16x128xf32, #tpu.memory_space<vmem>>
          %dma_wait3A_571 = arith.constant 0 : i32
          %dma_wait3A_572 = arith.constant 0 : i32
          %dma_wait3A_573 = tpu.memref_slice %arg6[%dma_wait3A_571, %dma_wait3A_572] : memref<16x1000000xf32, #tpu.memory_space<hbm>> -> memref<16x128xf32, #tpu.memory_space<hbm>>
          tpu.wait_dma2 semaphore(%arg22 : memref<!tpu.dma_semaphore, #tpu.memory_space<semaphore_mem>>) src(%dma_wait3A_573 : memref<16x128xf32, #tpu.memory_space<hbm>>) dst(%dma_wait3A_570 : memref<16x128xf32, #tpu.memory_space<vmem>>)
        } else {
        }
        %eq3A_486 = arith.constant 4 : i32
        %eq3A_487 = arith.cmpi eq, %select_n3A_465, %eq3A_486 : i32
        %convert_element_type3A_488 = arith.extui %eq3A_487 : i1 to i32
        %cond3A_489 = arith.constant 0 : i32
        %cond3A_490 = arith.cmpi ne, %convert_element_type3A_488, %cond3A_489 : i32
        scf.if %cond3A_490 {
          %dma_wait3A_544 = arith.constant 4 : i32
          %dma_wait3A_545 = arith.constant 0 : i32
          %dma_wait3A_546 = arith.constant 0 : i32
          %dma_wait3A_547 = tpu.memref_slice %arg12[%dma_wait3A_544, %dma_wait3A_545, %dma_wait3A_546] : memref<5x64x128xf32, #tpu.memory_space<vmem>> -> memref<1x64x128xf32, #tpu.memory_space<vmem>>
          %dma_wait3A_548 = tpu.memref_squeeze %dma_wait3A_547 : memref<1x64x128xf32, #tpu.memory_space<vmem>> -> memref<64x128xf32, #tpu.memory_space<vmem>>
          %dma_wait3A_549 = arith.constant 0 : i32
          %dma_wait3A_550 = arith.constant 0 : i32
          %dma_wait3A_551 = tpu.memref_slice %arg5[%dma_wait3A_549, %dma_wait3A_550] : memref<64x1000000xf32, #tpu.memory_space<hbm>> -> memref<64x128xf32, #tpu.memory_space<hbm>>
          %dma_wait3A_552 = arith.constant 0 : i32
          %dma_wait3A_553 = arith.constant 0 : i32
          %dma_wait3A_554 = tpu.memref_slice %arg12[%dma_wait3A_544, %dma_wait3A_552, %dma_wait3A_553] : memref<5x64x128xf32, #tpu.memory_space<vmem>> -> memref<1x64x128xf32, #tpu.memory_space<vmem>>
          %dma_wait3A_555 = tpu.memref_squeeze %dma_wait3A_554 : memref<1x64x128xf32, #tpu.memory_space<vmem>> -> memref<64x128xf32, #tpu.memory_space<vmem>>
          %dma_wait3A_556 = arith.constant 0 : i32
          %dma_wait3A_557 = arith.constant 0 : i32
          %dma_wait3A_558 = tpu.memref_slice %arg5[%dma_wait3A_556, %dma_wait3A_557] : memref<64x1000000xf32, #tpu.memory_space<hbm>> -> memref<64x128xf32, #tpu.memory_space<hbm>>
          tpu.wait_dma2 semaphore(%arg18 : memref<!tpu.dma_semaphore, #tpu.memory_space<semaphore_mem>>) src(%dma_wait3A_558 : memref<64x128xf32, #tpu.memory_space<hbm>>) dst(%dma_wait3A_555 : memref<64x128xf32, #tpu.memory_space<vmem>>)
          %dma_wait3A_559 = arith.constant 4 : i32
          %dma_wait3A_560 = arith.constant 0 : i32
          %dma_wait3A_561 = arith.constant 0 : i32
          %dma_wait3A_562 = tpu.memref_slice %arg13[%dma_wait3A_559, %dma_wait3A_560, %dma_wait3A_561] : memref<5x16x128xf32, #tpu.memory_space<vmem>> -> memref<1x16x128xf32, #tpu.memory_space<vmem>>
          %dma_wait3A_563 = tpu.memref_squeeze %dma_wait3A_562 : memref<1x16x128xf32, #tpu.memory_space<vmem>> -> memref<16x128xf32, #tpu.memory_space<vmem>>
          %dma_wait3A_564 = arith.constant 0 : i32
          %dma_wait3A_565 = arith.constant 0 : i32
          %dma_wait3A_566 = tpu.memref_slice %arg6[%dma_wait3A_564, %dma_wait3A_565] : memref<16x1000000xf32, #tpu.memory_space<hbm>> -> memref<16x128xf32, #tpu.memory_space<hbm>>
          %dma_wait3A_567 = arith.constant 0 : i32
          %dma_wait3A_568 = arith.constant 0 : i32
          %dma_wait3A_569 = tpu.memref_slice %arg13[%dma_wait3A_559, %dma_wait3A_567, %dma_wait3A_568] : memref<5x16x128xf32, #tpu.memory_space<vmem>> -> memref<1x16x128xf32, #tpu.memory_space<vmem>>
          %dma_wait3A_570 = tpu.memref_squeeze %dma_wait3A_569 : memref<1x16x128xf32, #tpu.memory_space<vmem>> -> memref<16x128xf32, #tpu.memory_space<vmem>>
          %dma_wait3A_571 = arith.constant 0 : i32
          %dma_wait3A_572 = arith.constant 0 : i32
          %dma_wait3A_573 = tpu.memref_slice %arg6[%dma_wait3A_571, %dma_wait3A_572] : memref<16x1000000xf32, #tpu.memory_space<hbm>> -> memref<16x128xf32, #tpu.memory_space<hbm>>
          tpu.wait_dma2 semaphore(%arg23 : memref<!tpu.dma_semaphore, #tpu.memory_space<semaphore_mem>>) src(%dma_wait3A_573 : memref<16x128xf32, #tpu.memory_space<hbm>>) dst(%dma_wait3A_570 : memref<16x128xf32, #tpu.memory_space<vmem>>)
        } else {
        }
        %add3A_491 = arith.constant 5 : i32
        %add3A_492 = arith.addi %shift_right_arithmetic3A_409, %add3A_491 : i32
        %sub3A = arith.constant 1 : i32
        %sub3A_493 = arith.subi %add3A_492, %sub3A : i32
        %min3A_494 = arith.constant 511 : i32
        %min3A_495 = arith.minsi %sub3A_493, %min3A_494 : i32
        %get3A_496 = arith.index_cast %min3A_495 : i32 to index
        %get3A_497 = tpu.vector_load %arg9[%get3A_496] {strides = array<i32>} : memref<528xi32, #tpu.memory_space<vmem>>, vector<16xi32>,
        %slice3A_498 = vector.extract_strided_slice %get3A_497 {offsets = [0], sizes = [1], strides = [1]} : vector<16xi32> to vector<1xi32>
        %squeeze3A_499 = vector.extract %slice3A_498[0] : i32 from vector<1xi32>
        %mul3A_500 = arith.constant 128 : i32
        %mul3A_501 = arith.muli %squeeze3A_499, %mul3A_500 : i32
        %multiple_of3A_502 = tpu.assume_multiple %mul3A_501, 128 : i32
        %jit3A_503 = arith.constant 5 : i32
        %eq3A_504 = arith.constant 0 : i32
        %eq3A_505 = arith.cmpi eq, %jit3A_503, %eq3A_504 : i32
        %jit3A_506 = arith.constant 1 : i32
        %select_n3A_507 = arith.select %eq3A_505, %jit3A_506, %jit3A_503 : i32
        %rem3A_508 = arith.remsi %sub3A_493, %select_n3A_507 : i32
        %ne3A_509 = arith.constant 0 : i32
        %ne3A_510 = arith.cmpi ne, %rem3A_508, %ne3A_509 : i32
        %lt3A_511 = arith.constant 0 : i32
        %lt3A_512 = arith.cmpi slt, %rem3A_508, %lt3A_511 : i32
        %lt3A_513 = arith.constant 0 : i32
        %lt3A_514 = arith.cmpi slt, %select_n3A_507, %lt3A_513 : i32
        %ne3A_515 = arith.xori %lt3A_512, %lt3A_514 : i1
        %and3A_516 = arith.andi %ne3A_515, %ne3A_510 : i1
        %add3A_517 = arith.addi %rem3A_508, %select_n3A_507 : i32
        %select_n3A_518 = arith.select %and3A_516, %add3A_517, %rem3A_508 : i32
        %eq3A_519 = arith.constant 0 : i32
        %eq3A_520 = arith.cmpi eq, %select_n3A_518, %eq3A_519 : i32
        %convert_element_type3A_521 = arith.extui %eq3A_520 : i1 to i32
        %cond3A_522 = arith.constant 0 : i32
        %cond3A_523 = arith.cmpi ne, %convert_element_type3A_521, %cond3A_522 : i32
        scf.if %cond3A_523 {
          %dma_start3A_544 = arith.constant 0 : i32
          %dma_start3A_545 = arith.constant 0 : i32
          %dma_start3A_546 = arith.constant 0 : i32
          %dma_start3A_547 = tpu.memref_slice %arg12[%dma_start3A_544, %dma_start3A_545, %dma_start3A_546] : memref<5x64x128xf32, #tpu.memory_space<vmem>> -> memref<1x64x128xf32, #tpu.memory_space<vmem>>
          %dma_start3A_548 = tpu.memref_squeeze %dma_start3A_547 : memref<1x64x128xf32, #tpu.memory_space<vmem>> -> memref<64x128xf32, #tpu.memory_space<vmem>>
          %dma_start3A_549 = arith.constant 0 : i32
          %dma_start3A_550 = tpu.memref_slice %arg5[%dma_start3A_549, %multiple_of3A_502] : memref<64x1000000xf32, #tpu.memory_space<hbm>> -> memref<64x128xf32, #tpu.memory_space<hbm>>
          %dma_start3A_551 = arith.constant 0 : i32
          %dma_start3A_552 = arith.constant 0 : i32
          %dma_start3A_553 = tpu.memref_slice %arg12[%dma_start3A_544, %dma_start3A_551, %dma_start3A_552] : memref<5x64x128xf32, #tpu.memory_space<vmem>> -> memref<1x64x128xf32, #tpu.memory_space<vmem>>
          %dma_start3A_554 = tpu.memref_squeeze %dma_start3A_553 : memref<1x64x128xf32, #tpu.memory_space<vmem>> -> memref<64x128xf32, #tpu.memory_space<vmem>>
          %dma_start3A_555 = arith.constant 0 : i32
          %dma_start3A_556 = tpu.memref_slice %arg5[%dma_start3A_555, %multiple_of3A_502] : memref<64x1000000xf32, #tpu.memory_space<hbm>> -> memref<64x128xf32, #tpu.memory_space<hbm>>
          tpu.enqueue_dma source(%dma_start3A_556 : memref<64x128xf32, #tpu.memory_space<hbm>>) target(%dma_start3A_554 : memref<64x128xf32, #tpu.memory_space<vmem>>) target_semaphore(%arg14 : memref<!tpu.dma_semaphore, #tpu.memory_space<semaphore_mem>>)
          %dma_start3A_557 = arith.constant 0 : i32
          %dma_start3A_558 = arith.constant 0 : i32
          %dma_start3A_559 = arith.constant 0 : i32
          %dma_start3A_560 = tpu.memref_slice %arg13[%dma_start3A_557, %dma_start3A_558, %dma_start3A_559] : memref<5x16x128xf32, #tpu.memory_space<vmem>> -> memref<1x16x128xf32, #tpu.memory_space<vmem>>
          %dma_start3A_561 = tpu.memref_squeeze %dma_start3A_560 : memref<1x16x128xf32, #tpu.memory_space<vmem>> -> memref<16x128xf32, #tpu.memory_space<vmem>>
          %dma_start3A_562 = arith.constant 0 : i32
          %dma_start3A_563 = tpu.memref_slice %arg6[%dma_start3A_562, %multiple_of3A_502] : memref<16x1000000xf32, #tpu.memory_space<hbm>> -> memref<16x128xf32, #tpu.memory_space<hbm>>
          %dma_start3A_564 = arith.constant 0 : i32
          %dma_start3A_565 = arith.constant 0 : i32
          %dma_start3A_566 = tpu.memref_slice %arg13[%dma_start3A_557, %dma_start3A_564, %dma_start3A_565] : memref<5x16x128xf32, #tpu.memory_space<vmem>> -> memref<1x16x128xf32, #tpu.memory_space<vmem>>
          %dma_start3A_567 = tpu.memref_squeeze %dma_start3A_566 : memref<1x16x128xf32, #tpu.memory_space<vmem>> -> memref<16x128xf32, #tpu.memory_space<vmem>>
          %dma_start3A_568 = arith.constant 0 : i32
          %dma_start3A_569 = tpu.memref_slice %arg6[%dma_start3A_568, %multiple_of3A_502] : memref<16x1000000xf32, #tpu.memory_space<hbm>> -> memref<16x128xf32, #tpu.memory_space<hbm>>
          tpu.enqueue_dma source(%dma_start3A_569 : memref<16x128xf32, #tpu.memory_space<hbm>>) target(%dma_start3A_567 : memref<16x128xf32, #tpu.memory_space<vmem>>) target_semaphore(%arg19 : memref<!tpu.dma_semaphore, #tpu.memory_space<semaphore_mem>>)
        } else {
        }
        %eq3A_524 = arith.constant 1 : i32
        %eq3A_525 = arith.cmpi eq, %select_n3A_518, %eq3A_524 : i32
        %convert_element_type3A_526 = arith.extui %eq3A_525 : i1 to i32
        %cond3A_527 = arith.constant 0 : i32
        %cond3A_528 = arith.cmpi ne, %convert_element_type3A_526, %cond3A_527 : i32
        scf.if %cond3A_528 {
          %dma_start3A_544 = arith.constant 1 : i32
          %dma_start3A_545 = arith.constant 0 : i32
          %dma_start3A_546 = arith.constant 0 : i32
          %dma_start3A_547 = tpu.memref_slice %arg12[%dma_start3A_544, %dma_start3A_545, %dma_start3A_546] : memref<5x64x128xf32, #tpu.memory_space<vmem>> -> memref<1x64x128xf32, #tpu.memory_space<vmem>>
          %dma_start3A_548 = tpu.memref_squeeze %dma_start3A_547 : memref<1x64x128xf32, #tpu.memory_space<vmem>> -> memref<64x128xf32, #tpu.memory_space<vmem>>
          %dma_start3A_549 = arith.constant 0 : i32
          %dma_start3A_550 = tpu.memref_slice %arg5[%dma_start3A_549, %multiple_of3A_502] : memref<64x1000000xf32, #tpu.memory_space<hbm>> -> memref<64x128xf32, #tpu.memory_space<hbm>>
          %dma_start3A_551 = arith.constant 0 : i32
          %dma_start3A_552 = arith.constant 0 : i32
          %dma_start3A_553 = tpu.memref_slice %arg12[%dma_start3A_544, %dma_start3A_551, %dma_start3A_552] : memref<5x64x128xf32, #tpu.memory_space<vmem>> -> memref<1x64x128xf32, #tpu.memory_space<vmem>>
          %dma_start3A_554 = tpu.memref_squeeze %dma_start3A_553 : memref<1x64x128xf32, #tpu.memory_space<vmem>> -> memref<64x128xf32, #tpu.memory_space<vmem>>
          %dma_start3A_555 = arith.constant 0 : i32
          %dma_start3A_556 = tpu.memref_slice %arg5[%dma_start3A_555, %multiple_of3A_502] : memref<64x1000000xf32, #tpu.memory_space<hbm>> -> memref<64x128xf32, #tpu.memory_space<hbm>>
          tpu.enqueue_dma source(%dma_start3A_556 : memref<64x128xf32, #tpu.memory_space<hbm>>) target(%dma_start3A_554 : memref<64x128xf32, #tpu.memory_space<vmem>>) target_semaphore(%arg15 : memref<!tpu.dma_semaphore, #tpu.memory_space<semaphore_mem>>)
          %dma_start3A_557 = arith.constant 1 : i32
          %dma_start3A_558 = arith.constant 0 : i32
          %dma_start3A_559 = arith.constant 0 : i32
          %dma_start3A_560 = tpu.memref_slice %arg13[%dma_start3A_557, %dma_start3A_558, %dma_start3A_559] : memref<5x16x128xf32, #tpu.memory_space<vmem>> -> memref<1x16x128xf32, #tpu.memory_space<vmem>>
          %dma_start3A_561 = tpu.memref_squeeze %dma_start3A_560 : memref<1x16x128xf32, #tpu.memory_space<vmem>> -> memref<16x128xf32, #tpu.memory_space<vmem>>
          %dma_start3A_562 = arith.constant 0 : i32
          %dma_start3A_563 = tpu.memref_slice %arg6[%dma_start3A_562, %multiple_of3A_502] : memref<16x1000000xf32, #tpu.memory_space<hbm>> -> memref<16x128xf32, #tpu.memory_space<hbm>>
          %dma_start3A_564 = arith.constant 0 : i32
          %dma_start3A_565 = arith.constant 0 : i32
          %dma_start3A_566 = tpu.memref_slice %arg13[%dma_start3A_557, %dma_start3A_564, %dma_start3A_565] : memref<5x16x128xf32, #tpu.memory_space<vmem>> -> memref<1x16x128xf32, #tpu.memory_space<vmem>>
          %dma_start3A_567 = tpu.memref_squeeze %dma_start3A_566 : memref<1x16x128xf32, #tpu.memory_space<vmem>> -> memref<16x128xf32, #tpu.memory_space<vmem>>
          %dma_start3A_568 = arith.constant 0 : i32
          %dma_start3A_569 = tpu.memref_slice %arg6[%dma_start3A_568, %multiple_of3A_502] : memref<16x1000000xf32, #tpu.memory_space<hbm>> -> memref<16x128xf32, #tpu.memory_space<hbm>>
          tpu.enqueue_dma source(%dma_start3A_569 : memref<16x128xf32, #tpu.memory_space<hbm>>) target(%dma_start3A_567 : memref<16x128xf32, #tpu.memory_space<vmem>>) target_semaphore(%arg20 : memref<!tpu.dma_semaphore, #tpu.memory_space<semaphore_mem>>)
        } else {
        }
        %eq3A_529 = arith.constant 2 : i32
        %eq3A_530 = arith.cmpi eq, %select_n3A_518, %eq3A_529 : i32
        %convert_element_type3A_531 = arith.extui %eq3A_530 : i1 to i32
        %cond3A_532 = arith.constant 0 : i32
        %cond3A_533 = arith.cmpi ne, %convert_element_type3A_531, %cond3A_532 : i32
        scf.if %cond3A_533 {
          %dma_start3A_544 = arith.constant 2 : i32
          %dma_start3A_545 = arith.constant 0 : i32
          %dma_start3A_546 = arith.constant 0 : i32
          %dma_start3A_547 = tpu.memref_slice %arg12[%dma_start3A_544, %dma_start3A_545, %dma_start3A_546] : memref<5x64x128xf32, #tpu.memory_space<vmem>> -> memref<1x64x128xf32, #tpu.memory_space<vmem>>
          %dma_start3A_548 = tpu.memref_squeeze %dma_start3A_547 : memref<1x64x128xf32, #tpu.memory_space<vmem>> -> memref<64x128xf32, #tpu.memory_space<vmem>>
          %dma_start3A_549 = arith.constant 0 : i32
          %dma_start3A_550 = tpu.memref_slice %arg5[%dma_start3A_549, %multiple_of3A_502] : memref<64x1000000xf32, #tpu.memory_space<hbm>> -> memref<64x128xf32, #tpu.memory_space<hbm>>
          %dma_start3A_551 = arith.constant 0 : i32
          %dma_start3A_552 = arith.constant 0 : i32
          %dma_start3A_553 = tpu.memref_slice %arg12[%dma_start3A_544, %dma_start3A_551, %dma_start3A_552] : memref<5x64x128xf32, #tpu.memory_space<vmem>> -> memref<1x64x128xf32, #tpu.memory_space<vmem>>
          %dma_start3A_554 = tpu.memref_squeeze %dma_start3A_553 : memref<1x64x128xf32, #tpu.memory_space<vmem>> -> memref<64x128xf32, #tpu.memory_space<vmem>>
          %dma_start3A_555 = arith.constant 0 : i32
          %dma_start3A_556 = tpu.memref_slice %arg5[%dma_start3A_555, %multiple_of3A_502] : memref<64x1000000xf32, #tpu.memory_space<hbm>> -> memref<64x128xf32, #tpu.memory_space<hbm>>
          tpu.enqueue_dma source(%dma_start3A_556 : memref<64x128xf32, #tpu.memory_space<hbm>>) target(%dma_start3A_554 : memref<64x128xf32, #tpu.memory_space<vmem>>) target_semaphore(%arg16 : memref<!tpu.dma_semaphore, #tpu.memory_space<semaphore_mem>>)
          %dma_start3A_557 = arith.constant 2 : i32
          %dma_start3A_558 = arith.constant 0 : i32
          %dma_start3A_559 = arith.constant 0 : i32
          %dma_start3A_560 = tpu.memref_slice %arg13[%dma_start3A_557, %dma_start3A_558, %dma_start3A_559] : memref<5x16x128xf32, #tpu.memory_space<vmem>> -> memref<1x16x128xf32, #tpu.memory_space<vmem>>
          %dma_start3A_561 = tpu.memref_squeeze %dma_start3A_560 : memref<1x16x128xf32, #tpu.memory_space<vmem>> -> memref<16x128xf32, #tpu.memory_space<vmem>>
          %dma_start3A_562 = arith.constant 0 : i32
          %dma_start3A_563 = tpu.memref_slice %arg6[%dma_start3A_562, %multiple_of3A_502] : memref<16x1000000xf32, #tpu.memory_space<hbm>> -> memref<16x128xf32, #tpu.memory_space<hbm>>
          %dma_start3A_564 = arith.constant 0 : i32
          %dma_start3A_565 = arith.constant 0 : i32
          %dma_start3A_566 = tpu.memref_slice %arg13[%dma_start3A_557, %dma_start3A_564, %dma_start3A_565] : memref<5x16x128xf32, #tpu.memory_space<vmem>> -> memref<1x16x128xf32, #tpu.memory_space<vmem>>
          %dma_start3A_567 = tpu.memref_squeeze %dma_start3A_566 : memref<1x16x128xf32, #tpu.memory_space<vmem>> -> memref<16x128xf32, #tpu.memory_space<vmem>>
          %dma_start3A_568 = arith.constant 0 : i32
          %dma_start3A_569 = tpu.memref_slice %arg6[%dma_start3A_568, %multiple_of3A_502] : memref<16x1000000xf32, #tpu.memory_space<hbm>> -> memref<16x128xf32, #tpu.memory_space<hbm>>
          tpu.enqueue_dma source(%dma_start3A_569 : memref<16x128xf32, #tpu.memory_space<hbm>>) target(%dma_start3A_567 : memref<16x128xf32, #tpu.memory_space<vmem>>) target_semaphore(%arg21 : memref<!tpu.dma_semaphore, #tpu.memory_space<semaphore_mem>>)
        } else {
        }
        %eq3A_534 = arith.constant 3 : i32
        %eq3A_535 = arith.cmpi eq, %select_n3A_518, %eq3A_534 : i32
        %convert_element_type3A_536 = arith.extui %eq3A_535 : i1 to i32
        %cond3A_537 = arith.constant 0 : i32
        %cond3A_538 = arith.cmpi ne, %convert_element_type3A_536, %cond3A_537 : i32
        scf.if %cond3A_538 {
          %dma_start3A_544 = arith.constant 3 : i32
          %dma_start3A_545 = arith.constant 0 : i32
          %dma_start3A_546 = arith.constant 0 : i32
          %dma_start3A_547 = tpu.memref_slice %arg12[%dma_start3A_544, %dma_start3A_545, %dma_start3A_546] : memref<5x64x128xf32, #tpu.memory_space<vmem>> -> memref<1x64x128xf32, #tpu.memory_space<vmem>>
          %dma_start3A_548 = tpu.memref_squeeze %dma_start3A_547 : memref<1x64x128xf32, #tpu.memory_space<vmem>> -> memref<64x128xf32, #tpu.memory_space<vmem>>
          %dma_start3A_549 = arith.constant 0 : i32
          %dma_start3A_550 = tpu.memref_slice %arg5[%dma_start3A_549, %multiple_of3A_502] : memref<64x1000000xf32, #tpu.memory_space<hbm>> -> memref<64x128xf32, #tpu.memory_space<hbm>>
          %dma_start3A_551 = arith.constant 0 : i32
          %dma_start3A_552 = arith.constant 0 : i32
          %dma_start3A_553 = tpu.memref_slice %arg12[%dma_start3A_544, %dma_start3A_551, %dma_start3A_552] : memref<5x64x128xf32, #tpu.memory_space<vmem>> -> memref<1x64x128xf32, #tpu.memory_space<vmem>>
          %dma_start3A_554 = tpu.memref_squeeze %dma_start3A_553 : memref<1x64x128xf32, #tpu.memory_space<vmem>> -> memref<64x128xf32, #tpu.memory_space<vmem>>
          %dma_start3A_555 = arith.constant 0 : i32
          %dma_start3A_556 = tpu.memref_slice %arg5[%dma_start3A_555, %multiple_of3A_502] : memref<64x1000000xf32, #tpu.memory_space<hbm>> -> memref<64x128xf32, #tpu.memory_space<hbm>>
          tpu.enqueue_dma source(%dma_start3A_556 : memref<64x128xf32, #tpu.memory_space<hbm>>) target(%dma_start3A_554 : memref<64x128xf32, #tpu.memory_space<vmem>>) target_semaphore(%arg17 : memref<!tpu.dma_semaphore, #tpu.memory_space<semaphore_mem>>)
          %dma_start3A_557 = arith.constant 3 : i32
          %dma_start3A_558 = arith.constant 0 : i32
          %dma_start3A_559 = arith.constant 0 : i32
          %dma_start3A_560 = tpu.memref_slice %arg13[%dma_start3A_557, %dma_start3A_558, %dma_start3A_559] : memref<5x16x128xf32, #tpu.memory_space<vmem>> -> memref<1x16x128xf32, #tpu.memory_space<vmem>>
          %dma_start3A_561 = tpu.memref_squeeze %dma_start3A_560 : memref<1x16x128xf32, #tpu.memory_space<vmem>> -> memref<16x128xf32, #tpu.memory_space<vmem>>
          %dma_start3A_562 = arith.constant 0 : i32
          %dma_start3A_563 = tpu.memref_slice %arg6[%dma_start3A_562, %multiple_of3A_502] : memref<16x1000000xf32, #tpu.memory_space<hbm>> -> memref<16x128xf32, #tpu.memory_space<hbm>>
          %dma_start3A_564 = arith.constant 0 : i32
          %dma_start3A_565 = arith.constant 0 : i32
          %dma_start3A_566 = tpu.memref_slice %arg13[%dma_start3A_557, %dma_start3A_564, %dma_start3A_565] : memref<5x16x128xf32, #tpu.memory_space<vmem>> -> memref<1x16x128xf32, #tpu.memory_space<vmem>>
          %dma_start3A_567 = tpu.memref_squeeze %dma_start3A_566 : memref<1x16x128xf32, #tpu.memory_space<vmem>> -> memref<16x128xf32, #tpu.memory_space<vmem>>
          %dma_start3A_568 = arith.constant 0 : i32
          %dma_start3A_569 = tpu.memref_slice %arg6[%dma_start3A_568, %multiple_of3A_502] : memref<16x1000000xf32, #tpu.memory_space<hbm>> -> memref<16x128xf32, #tpu.memory_space<hbm>>
          tpu.enqueue_dma source(%dma_start3A_569 : memref<16x128xf32, #tpu.memory_space<hbm>>) target(%dma_start3A_567 : memref<16x128xf32, #tpu.memory_space<vmem>>) target_semaphore(%arg22 : memref<!tpu.dma_semaphore, #tpu.memory_space<semaphore_mem>>)
        } else {
        }
        %eq3A_539 = arith.constant 4 : i32
        %eq3A_540 = arith.cmpi eq, %select_n3A_518, %eq3A_539 : i32
        %convert_element_type3A_541 = arith.extui %eq3A_540 : i1 to i32
        %cond3A_542 = arith.constant 0 : i32
        %cond3A_543 = arith.cmpi ne, %convert_element_type3A_541, %cond3A_542 : i32
        scf.if %cond3A_543 {
          %dma_start3A_544 = arith.constant 4 : i32
          %dma_start3A_545 = arith.constant 0 : i32
          %dma_start3A_546 = arith.constant 0 : i32
          %dma_start3A_547 = tpu.memref_slice %arg12[%dma_start3A_544, %dma_start3A_545, %dma_start3A_546] : memref<5x64x128xf32, #tpu.memory_space<vmem>> -> memref<1x64x128xf32, #tpu.memory_space<vmem>>
          %dma_start3A_548 = tpu.memref_squeeze %dma_start3A_547 : memref<1x64x128xf32, #tpu.memory_space<vmem>> -> memref<64x128xf32, #tpu.memory_space<vmem>>
          %dma_start3A_549 = arith.constant 0 : i32
          %dma_start3A_550 = tpu.memref_slice %arg5[%dma_start3A_549, %multiple_of3A_502] : memref<64x1000000xf32, #tpu.memory_space<hbm>> -> memref<64x128xf32, #tpu.memory_space<hbm>>
          %dma_start3A_551 = arith.constant 0 : i32
          %dma_start3A_552 = arith.constant 0 : i32
          %dma_start3A_553 = tpu.memref_slice %arg12[%dma_start3A_544, %dma_start3A_551, %dma_start3A_552] : memref<5x64x128xf32, #tpu.memory_space<vmem>> -> memref<1x64x128xf32, #tpu.memory_space<vmem>>
          %dma_start3A_554 = tpu.memref_squeeze %dma_start3A_553 : memref<1x64x128xf32, #tpu.memory_space<vmem>> -> memref<64x128xf32, #tpu.memory_space<vmem>>
          %dma_start3A_555 = arith.constant 0 : i32
          %dma_start3A_556 = tpu.memref_slice %arg5[%dma_start3A_555, %multiple_of3A_502] : memref<64x1000000xf32, #tpu.memory_space<hbm>> -> memref<64x128xf32, #tpu.memory_space<hbm>>
          tpu.enqueue_dma source(%dma_start3A_556 : memref<64x128xf32, #tpu.memory_space<hbm>>) target(%dma_start3A_554 : memref<64x128xf32, #tpu.memory_space<vmem>>) target_semaphore(%arg18 : memref<!tpu.dma_semaphore, #tpu.memory_space<semaphore_mem>>)
          %dma_start3A_557 = arith.constant 4 : i32
          %dma_start3A_558 = arith.constant 0 : i32
          %dma_start3A_559 = arith.constant 0 : i32
          %dma_start3A_560 = tpu.memref_slice %arg13[%dma_start3A_557, %dma_start3A_558, %dma_start3A_559] : memref<5x16x128xf32, #tpu.memory_space<vmem>> -> memref<1x16x128xf32, #tpu.memory_space<vmem>>
          %dma_start3A_561 = tpu.memref_squeeze %dma_start3A_560 : memref<1x16x128xf32, #tpu.memory_space<vmem>> -> memref<16x128xf32, #tpu.memory_space<vmem>>
          %dma_start3A_562 = arith.constant 0 : i32
          %dma_start3A_563 = tpu.memref_slice %arg6[%dma_start3A_562, %multiple_of3A_502] : memref<16x1000000xf32, #tpu.memory_space<hbm>> -> memref<16x128xf32, #tpu.memory_space<hbm>>
          %dma_start3A_564 = arith.constant 0 : i32
          %dma_start3A_565 = arith.constant 0 : i32
          %dma_start3A_566 = tpu.memref_slice %arg13[%dma_start3A_557, %dma_start3A_564, %dma_start3A_565] : memref<5x16x128xf32, #tpu.memory_space<vmem>> -> memref<1x16x128xf32, #tpu.memory_space<vmem>>
          %dma_start3A_567 = tpu.memref_squeeze %dma_start3A_566 : memref<1x16x128xf32, #tpu.memory_space<vmem>> -> memref<16x128xf32, #tpu.memory_space<vmem>>
          %dma_start3A_568 = arith.constant 0 : i32
          %dma_start3A_569 = tpu.memref_slice %arg6[%dma_start3A_568, %multiple_of3A_502] : memref<16x1000000xf32, #tpu.memory_space<hbm>> -> memref<16x128xf32, #tpu.memory_space<hbm>>
          tpu.enqueue_dma source(%dma_start3A_569 : memref<16x128xf32, #tpu.memory_space<hbm>>) target(%dma_start3A_567 : memref<16x128xf32, #tpu.memory_space<vmem>>) target_semaphore(%arg23 : memref<!tpu.dma_semaphore, #tpu.memory_space<semaphore_mem>>)
        } else {
        }
      } else {
      }
      %jit3A_415 = arith.constant 5 : i32
      %eq3A_416 = arith.constant 0 : i32
      %eq3A_417 = arith.cmpi eq, %jit3A_415, %eq3A_416 : i32
      %jit3A_418 = arith.constant 1 : i32
      %select_n3A_419 = arith.select %eq3A_417, %jit3A_418, %jit3A_415 : i32
      %rem3A_420 = arith.remsi %shift_right_arithmetic3A_409, %select_n3A_419 : i32
      %ne3A_421 = arith.constant 0 : i32
      %ne3A_422 = arith.cmpi ne, %rem3A_420, %ne3A_421 : i32
      %lt3A_423 = arith.constant 0 : i32
      %lt3A_424 = arith.cmpi slt, %rem3A_420, %lt3A_423 : i32
      %lt3A_425 = arith.constant 0 : i32
      %lt3A_426 = arith.cmpi slt, %select_n3A_419, %lt3A_425 : i32
      %ne3A_427 = arith.xori %lt3A_424, %lt3A_426 : i1
      %and3A_428 = arith.andi %ne3A_427, %ne3A_422 : i1
      %add3A_429 = arith.addi %rem3A_420, %select_n3A_419 : i32
      %select_n3A_430 = arith.select %and3A_428, %add3A_429, %rem3A_420 : i32
      %broadcast_in_dim3A = vector.broadcast %select_n3A_430 : i32 to vector<16xi32>
      %broadcast_in_dim3A_431 = vector.broadcast %and3A_411 : i32 to vector<16xi32>
      %gather3A = tpu.vector_load_idx %arg12[%broadcast_in_dim3A, %add3A_141, %broadcast_in_dim3A_431] : memref<5x64x128xf32, #tpu.memory_space<vmem>>[vector<16xi32>, vector<16xi32>, vector<16xi32>], vector<16xf32>,
      %swap3A = arith.index_cast %scan3A_403 : i32 to index
      %swap3A_432 = arith.constant 0 : index
      %swap3A_433 = tpu.vector_load %arg11[%swap3A, %swap3A_432] {strides = array<i32>} : memref<512x128xf32, #tpu.memory_space<vmem>>, vector<16xf32>,
      tpu.vector_store %arg11[%swap3A, %swap3A_432], %gather3A {strides = array<i32>} : memref<512x128xf32, #tpu.memory_space<vmem>>, vector<16xf32>,
      %gather3A_434 = tpu.vector_load_idx %arg12[%broadcast_in_dim3A, %add3A_145, %broadcast_in_dim3A_431] : memref<5x64x128xf32, #tpu.memory_space<vmem>>[vector<16xi32>, vector<16xi32>, vector<16xi32>], vector<16xf32>,
      %swap3A_435 = arith.index_cast %scan3A_403 : i32 to index
      %swap3A_436 = arith.constant 16 : index
      %swap3A_437 = tpu.vector_load %arg11[%swap3A_435, %swap3A_436] {strides = array<i32>} : memref<512x128xf32, #tpu.memory_space<vmem>>, vector<16xf32>,
      tpu.vector_store %arg11[%swap3A_435, %swap3A_436], %gather3A_434 {strides = array<i32>} : memref<512x128xf32, #tpu.memory_space<vmem>>, vector<16xf32>,
      %gather3A_438 = tpu.vector_load_idx %arg12[%broadcast_in_dim3A, %add3A_149, %broadcast_in_dim3A_431] : memref<5x64x128xf32, #tpu.memory_space<vmem>>[vector<16xi32>, vector<16xi32>, vector<16xi32>], vector<16xf32>,
      %swap3A_439 = arith.index_cast %scan3A_403 : i32 to index
      %swap3A_440 = arith.constant 32 : index
      %swap3A_441 = tpu.vector_load %arg11[%swap3A_439, %swap3A_440] {strides = array<i32>} : memref<512x128xf32, #tpu.memory_space<vmem>>, vector<16xf32>,
      tpu.vector_store %arg11[%swap3A_439, %swap3A_440], %gather3A_438 {strides = array<i32>} : memref<512x128xf32, #tpu.memory_space<vmem>>, vector<16xf32>,
      %gather3A_442 = tpu.vector_load_idx %arg12[%broadcast_in_dim3A, %add3A_153, %broadcast_in_dim3A_431] : memref<5x64x128xf32, #tpu.memory_space<vmem>>[vector<16xi32>, vector<16xi32>, vector<16xi32>], vector<16xf32>,
      %swap3A_443 = arith.index_cast %scan3A_403 : i32 to index
      %swap3A_444 = arith.constant 48 : index
      %swap3A_445 = tpu.vector_load %arg11[%swap3A_443, %swap3A_444] {strides = array<i32>} : memref<512x128xf32, #tpu.memory_space<vmem>>, vector<16xf32>,
      tpu.vector_store %arg11[%swap3A_443, %swap3A_444], %gather3A_442 {strides = array<i32>} : memref<512x128xf32, #tpu.memory_space<vmem>>, vector<16xf32>,
      %gather3A_446 = tpu.vector_load_idx %arg13[%broadcast_in_dim3A, %iota3A_154, %broadcast_in_dim3A_431] : memref<5x16x128xf32, #tpu.memory_space<vmem>>[vector<16xi32>, vector<16xi32>, vector<16xi32>], vector<16xf32>,
      %swap3A_447 = arith.index_cast %scan3A_403 : i32 to index
      %swap3A_448 = arith.constant 64 : index
      %swap3A_449 = tpu.vector_load %arg11[%swap3A_447, %swap3A_448] {strides = array<i32>} : memref<512x128xf32, #tpu.memory_space<vmem>>, vector<16xf32>,
      tpu.vector_store %arg11[%swap3A_447, %swap3A_448], %gather3A_446 {strides = array<i32>} : memref<512x128xf32, #tpu.memory_space<vmem>>, vector<16xf32>,
      scf.yield %shift_right_arithmetic3A_409 : i32
    }
    %scan3A_160 = arith.constant 512 : i32
    %add3A_161 = arith.constant 1 : i32
    %add3A_162 = arith.addi %scan3A_159, %add3A_161 : i32
    %jit3A = arith.constant 5 : i32
    %eq3A = arith.constant 0 : i32
    %eq3A_163 = arith.cmpi eq, %jit3A, %eq3A : i32
    %jit3A_164 = arith.constant 1 : i32
    %select_n3A = arith.select %eq3A_163, %jit3A_164, %jit3A : i32
    %rem3A = arith.remsi %add3A_162, %select_n3A : i32
    %ne3A = arith.constant 0 : i32
    %ne3A_165 = arith.cmpi ne, %rem3A, %ne3A : i32
    %lt3A = arith.constant 0 : i32
    %lt3A_166 = arith.cmpi slt, %rem3A, %lt3A : i32
    %lt3A_167 = arith.constant 0 : i32
    %lt3A_168 = arith.cmpi slt, %select_n3A, %lt3A_167 : i32
    %ne3A_169 = arith.xori %lt3A_166, %lt3A_168 : i1
    %and3A = arith.andi %ne3A_169, %ne3A_165 : i1
    %add3A_170 = arith.addi %rem3A, %select_n3A : i32
    %select_n3A_171 = arith.select %and3A, %add3A_170, %rem3A : i32
    %eq3A_172 = arith.constant 0 : i32
    %eq3A_173 = arith.cmpi eq, %select_n3A_171, %eq3A_172 : i32
    %convert_element_type3A = arith.extui %eq3A_173 : i1 to i32
    %cond3A = arith.constant 0 : i32
    %cond3A_174 = arith.cmpi ne, %convert_element_type3A, %cond3A : i32
    scf.if %cond3A_174 {
      %dma_wait3A_403 = arith.constant 0 : i32
      %dma_wait3A_404 = arith.constant 0 : i32
      %dma_wait3A_405 = arith.constant 0 : i32
      %dma_wait3A_406 = tpu.memref_slice %arg12[%dma_wait3A_403, %dma_wait3A_404, %dma_wait3A_405] : memref<5x64x128xf32, #tpu.memory_space<vmem>> -> memref<1x64x128xf32, #tpu.memory_space<vmem>>
      %dma_wait3A_407 = tpu.memref_squeeze %dma_wait3A_406 : memref<1x64x128xf32, #tpu.memory_space<vmem>> -> memref<64x128xf32, #tpu.memory_space<vmem>>
      %dma_wait3A_408 = arith.constant 0 : i32
      %dma_wait3A_409 = arith.constant 0 : i32
      %dma_wait3A_410 = tpu.memref_slice %arg5[%dma_wait3A_408, %dma_wait3A_409] : memref<64x1000000xf32, #tpu.memory_space<hbm>> -> memref<64x128xf32, #tpu.memory_space<hbm>>
      %dma_wait3A_411 = arith.constant 0 : i32
      %dma_wait3A_412 = arith.constant 0 : i32
      %dma_wait3A_413 = tpu.memref_slice %arg12[%dma_wait3A_403, %dma_wait3A_411, %dma_wait3A_412] : memref<5x64x128xf32, #tpu.memory_space<vmem>> -> memref<1x64x128xf32, #tpu.memory_space<vmem>>
      %dma_wait3A_414 = tpu.memref_squeeze %dma_wait3A_413 : memref<1x64x128xf32, #tpu.memory_space<vmem>> -> memref<64x128xf32, #tpu.memory_space<vmem>>
      %dma_wait3A_415 = arith.constant 0 : i32
      %dma_wait3A_416 = arith.constant 0 : i32
      %dma_wait3A_417 = tpu.memref_slice %arg5[%dma_wait3A_415, %dma_wait3A_416] : memref<64x1000000xf32, #tpu.memory_space<hbm>> -> memref<64x128xf32, #tpu.memory_space<hbm>>
      tpu.wait_dma2 semaphore(%arg14 : memref<!tpu.dma_semaphore, #tpu.memory_space<semaphore_mem>>) src(%dma_wait3A_417 : memref<64x128xf32, #tpu.memory_space<hbm>>) dst(%dma_wait3A_414 : memref<64x128xf32, #tpu.memory_space<vmem>>)
      %dma_wait3A_418 = arith.constant 0 : i32
      %dma_wait3A_419 = arith.constant 0 : i32
      %dma_wait3A_420 = arith.constant 0 : i32
      %dma_wait3A_421 = tpu.memref_slice %arg13[%dma_wait3A_418, %dma_wait3A_419, %dma_wait3A_420] : memref<5x16x128xf32, #tpu.memory_space<vmem>> -> memref<1x16x128xf32, #tpu.memory_space<vmem>>
      %dma_wait3A_422 = tpu.memref_squeeze %dma_wait3A_421 : memref<1x16x128xf32, #tpu.memory_space<vmem>> -> memref<16x128xf32, #tpu.memory_space<vmem>>
      %dma_wait3A_423 = arith.constant 0 : i32
      %dma_wait3A_424 = arith.constant 0 : i32
      %dma_wait3A_425 = tpu.memref_slice %arg6[%dma_wait3A_423, %dma_wait3A_424] : memref<16x1000000xf32, #tpu.memory_space<hbm>> -> memref<16x128xf32, #tpu.memory_space<hbm>>
      %dma_wait3A_426 = arith.constant 0 : i32
      %dma_wait3A_427 = arith.constant 0 : i32
      %dma_wait3A_428 = tpu.memref_slice %arg13[%dma_wait3A_418, %dma_wait3A_426, %dma_wait3A_427] : memref<5x16x128xf32, #tpu.memory_space<vmem>> -> memref<1x16x128xf32, #tpu.memory_space<vmem>>
      %dma_wait3A_429 = tpu.memref_squeeze %dma_wait3A_428 : memref<1x16x128xf32, #tpu.memory_space<vmem>> -> memref<16x128xf32, #tpu.memory_space<vmem>>
      %dma_wait3A_430 = arith.constant 0 : i32
      %dma_wait3A_431 = arith.constant 0 : i32
      %dma_wait3A_432 = tpu.memref_slice %arg6[%dma_wait3A_430, %dma_wait3A_431] : memref<16x1000000xf32, #tpu.memory_space<hbm>> -> memref<16x128xf32, #tpu.memory_space<hbm>>
      tpu.wait_dma2 semaphore(%arg19 : memref<!tpu.dma_semaphore, #tpu.memory_space<semaphore_mem>>) src(%dma_wait3A_432 : memref<16x128xf32, #tpu.memory_space<hbm>>) dst(%dma_wait3A_429 : memref<16x128xf32, #tpu.memory_space<vmem>>)
    } else {
    }
    %eq3A_175 = arith.constant 1 : i32
    %eq3A_176 = arith.cmpi eq, %select_n3A_171, %eq3A_175 : i32
    %convert_element_type3A_177 = arith.extui %eq3A_176 : i1 to i32
    %cond3A_178 = arith.constant 0 : i32
    %cond3A_179 = arith.cmpi ne, %convert_element_type3A_177, %cond3A_178 : i32
    scf.if %cond3A_179 {
      %dma_wait3A_403 = arith.constant 1 : i32
      %dma_wait3A_404 = arith.constant 0 : i32
      %dma_wait3A_405 = arith.constant 0 : i32
      %dma_wait3A_406 = tpu.memref_slice %arg12[%dma_wait3A_403, %dma_wait3A_404, %dma_wait3A_405] : memref<5x64x128xf32, #tpu.memory_space<vmem>> -> memref<1x64x128xf32, #tpu.memory_space<vmem>>
      %dma_wait3A_407 = tpu.memref_squeeze %dma_wait3A_406 : memref<1x64x128xf32, #tpu.memory_space<vmem>> -> memref<64x128xf32, #tpu.memory_space<vmem>>
      %dma_wait3A_408 = arith.constant 0 : i32
      %dma_wait3A_409 = arith.constant 0 : i32
      %dma_wait3A_410 = tpu.memref_slice %arg5[%dma_wait3A_408, %dma_wait3A_409] : memref<64x1000000xf32, #tpu.memory_space<hbm>> -> memref<64x128xf32, #tpu.memory_space<hbm>>
      %dma_wait3A_411 = arith.constant 0 : i32
      %dma_wait3A_412 = arith.constant 0 : i32
      %dma_wait3A_413 = tpu.memref_slice %arg12[%dma_wait3A_403, %dma_wait3A_411, %dma_wait3A_412] : memref<5x64x128xf32, #tpu.memory_space<vmem>> -> memref<1x64x128xf32, #tpu.memory_space<vmem>>
      %dma_wait3A_414 = tpu.memref_squeeze %dma_wait3A_413 : memref<1x64x128xf32, #tpu.memory_space<vmem>> -> memref<64x128xf32, #tpu.memory_space<vmem>>
      %dma_wait3A_415 = arith.constant 0 : i32
      %dma_wait3A_416 = arith.constant 0 : i32
      %dma_wait3A_417 = tpu.memref_slice %arg5[%dma_wait3A_415, %dma_wait3A_416] : memref<64x1000000xf32, #tpu.memory_space<hbm>> -> memref<64x128xf32, #tpu.memory_space<hbm>>
      tpu.wait_dma2 semaphore(%arg15 : memref<!tpu.dma_semaphore, #tpu.memory_space<semaphore_mem>>) src(%dma_wait3A_417 : memref<64x128xf32, #tpu.memory_space<hbm>>) dst(%dma_wait3A_414 : memref<64x128xf32, #tpu.memory_space<vmem>>)
      %dma_wait3A_418 = arith.constant 1 : i32
      %dma_wait3A_419 = arith.constant 0 : i32
      %dma_wait3A_420 = arith.constant 0 : i32
      %dma_wait3A_421 = tpu.memref_slice %arg13[%dma_wait3A_418, %dma_wait3A_419, %dma_wait3A_420] : memref<5x16x128xf32, #tpu.memory_space<vmem>> -> memref<1x16x128xf32, #tpu.memory_space<vmem>>
      %dma_wait3A_422 = tpu.memref_squeeze %dma_wait3A_421 : memref<1x16x128xf32, #tpu.memory_space<vmem>> -> memref<16x128xf32, #tpu.memory_space<vmem>>
      %dma_wait3A_423 = arith.constant 0 : i32
      %dma_wait3A_424 = arith.constant 0 : i32
      %dma_wait3A_425 = tpu.memref_slice %arg6[%dma_wait3A_423, %dma_wait3A_424] : memref<16x1000000xf32, #tpu.memory_space<hbm>> -> memref<16x128xf32, #tpu.memory_space<hbm>>
      %dma_wait3A_426 = arith.constant 0 : i32
      %dma_wait3A_427 = arith.constant 0 : i32
      %dma_wait3A_428 = tpu.memref_slice %arg13[%dma_wait3A_418, %dma_wait3A_426, %dma_wait3A_427] : memref<5x16x128xf32, #tpu.memory_space<vmem>> -> memref<1x16x128xf32, #tpu.memory_space<vmem>>
      %dma_wait3A_429 = tpu.memref_squeeze %dma_wait3A_428 : memref<1x16x128xf32, #tpu.memory_space<vmem>> -> memref<16x128xf32, #tpu.memory_space<vmem>>
      %dma_wait3A_430 = arith.constant 0 : i32
      %dma_wait3A_431 = arith.constant 0 : i32
      %dma_wait3A_432 = tpu.memref_slice %arg6[%dma_wait3A_430, %dma_wait3A_431] : memref<16x1000000xf32, #tpu.memory_space<hbm>> -> memref<16x128xf32, #tpu.memory_space<hbm>>
      tpu.wait_dma2 semaphore(%arg20 : memref<!tpu.dma_semaphore, #tpu.memory_space<semaphore_mem>>) src(%dma_wait3A_432 : memref<16x128xf32, #tpu.memory_space<hbm>>) dst(%dma_wait3A_429 : memref<16x128xf32, #tpu.memory_space<vmem>>)
    } else {
    }
    %eq3A_180 = arith.constant 2 : i32
    %eq3A_181 = arith.cmpi eq, %select_n3A_171, %eq3A_180 : i32
    %convert_element_type3A_182 = arith.extui %eq3A_181 : i1 to i32
    %cond3A_183 = arith.constant 0 : i32
    %cond3A_184 = arith.cmpi ne, %convert_element_type3A_182, %cond3A_183 : i32
    scf.if %cond3A_184 {
      %dma_wait3A_403 = arith.constant 2 : i32
      %dma_wait3A_404 = arith.constant 0 : i32
      %dma_wait3A_405 = arith.constant 0 : i32
      %dma_wait3A_406 = tpu.memref_slice %arg12[%dma_wait3A_403, %dma_wait3A_404, %dma_wait3A_405] : memref<5x64x128xf32, #tpu.memory_space<vmem>> -> memref<1x64x128xf32, #tpu.memory_space<vmem>>
      %dma_wait3A_407 = tpu.memref_squeeze %dma_wait3A_406 : memref<1x64x128xf32, #tpu.memory_space<vmem>> -> memref<64x128xf32, #tpu.memory_space<vmem>>
      %dma_wait3A_408 = arith.constant 0 : i32
      %dma_wait3A_409 = arith.constant 0 : i32
      %dma_wait3A_410 = tpu.memref_slice %arg5[%dma_wait3A_408, %dma_wait3A_409] : memref<64x1000000xf32, #tpu.memory_space<hbm>> -> memref<64x128xf32, #tpu.memory_space<hbm>>
      %dma_wait3A_411 = arith.constant 0 : i32
      %dma_wait3A_412 = arith.constant 0 : i32
      %dma_wait3A_413 = tpu.memref_slice %arg12[%dma_wait3A_403, %dma_wait3A_411, %dma_wait3A_412] : memref<5x64x128xf32, #tpu.memory_space<vmem>> -> memref<1x64x128xf32, #tpu.memory_space<vmem>>
      %dma_wait3A_414 = tpu.memref_squeeze %dma_wait3A_413 : memref<1x64x128xf32, #tpu.memory_space<vmem>> -> memref<64x128xf32, #tpu.memory_space<vmem>>
      %dma_wait3A_415 = arith.constant 0 : i32
      %dma_wait3A_416 = arith.constant 0 : i32
      %dma_wait3A_417 = tpu.memref_slice %arg5[%dma_wait3A_415, %dma_wait3A_416] : memref<64x1000000xf32, #tpu.memory_space<hbm>> -> memref<64x128xf32, #tpu.memory_space<hbm>>
      tpu.wait_dma2 semaphore(%arg16 : memref<!tpu.dma_semaphore, #tpu.memory_space<semaphore_mem>>) src(%dma_wait3A_417 : memref<64x128xf32, #tpu.memory_space<hbm>>) dst(%dma_wait3A_414 : memref<64x128xf32, #tpu.memory_space<vmem>>)
      %dma_wait3A_418 = arith.constant 2 : i32
      %dma_wait3A_419 = arith.constant 0 : i32
      %dma_wait3A_420 = arith.constant 0 : i32
      %dma_wait3A_421 = tpu.memref_slice %arg13[%dma_wait3A_418, %dma_wait3A_419, %dma_wait3A_420] : memref<5x16x128xf32, #tpu.memory_space<vmem>> -> memref<1x16x128xf32, #tpu.memory_space<vmem>>
      %dma_wait3A_422 = tpu.memref_squeeze %dma_wait3A_421 : memref<1x16x128xf32, #tpu.memory_space<vmem>> -> memref<16x128xf32, #tpu.memory_space<vmem>>
      %dma_wait3A_423 = arith.constant 0 : i32
      %dma_wait3A_424 = arith.constant 0 : i32
      %dma_wait3A_425 = tpu.memref_slice %arg6[%dma_wait3A_423, %dma_wait3A_424] : memref<16x1000000xf32, #tpu.memory_space<hbm>> -> memref<16x128xf32, #tpu.memory_space<hbm>>
      %dma_wait3A_426 = arith.constant 0 : i32
      %dma_wait3A_427 = arith.constant 0 : i32
      %dma_wait3A_428 = tpu.memref_slice %arg13[%dma_wait3A_418, %dma_wait3A_426, %dma_wait3A_427] : memref<5x16x128xf32, #tpu.memory_space<vmem>> -> memref<1x16x128xf32, #tpu.memory_space<vmem>>
      %dma_wait3A_429 = tpu.memref_squeeze %dma_wait3A_428 : memref<1x16x128xf32, #tpu.memory_space<vmem>> -> memref<16x128xf32, #tpu.memory_space<vmem>>
      %dma_wait3A_430 = arith.constant 0 : i32
      %dma_wait3A_431 = arith.constant 0 : i32
      %dma_wait3A_432 = tpu.memref_slice %arg6[%dma_wait3A_430, %dma_wait3A_431] : memref<16x1000000xf32, #tpu.memory_space<hbm>> -> memref<16x128xf32, #tpu.memory_space<hbm>>
      tpu.wait_dma2 semaphore(%arg21 : memref<!tpu.dma_semaphore, #tpu.memory_space<semaphore_mem>>) src(%dma_wait3A_432 : memref<16x128xf32, #tpu.memory_space<hbm>>) dst(%dma_wait3A_429 : memref<16x128xf32, #tpu.memory_space<vmem>>)
    } else {
    }
    %eq3A_185 = arith.constant 3 : i32
    %eq3A_186 = arith.cmpi eq, %select_n3A_171, %eq3A_185 : i32
    %convert_element_type3A_187 = arith.extui %eq3A_186 : i1 to i32
    %cond3A_188 = arith.constant 0 : i32
    %cond3A_189 = arith.cmpi ne, %convert_element_type3A_187, %cond3A_188 : i32
    scf.if %cond3A_189 {
      %dma_wait3A_403 = arith.constant 3 : i32
      %dma_wait3A_404 = arith.constant 0 : i32
      %dma_wait3A_405 = arith.constant 0 : i32
      %dma_wait3A_406 = tpu.memref_slice %arg12[%dma_wait3A_403, %dma_wait3A_404, %dma_wait3A_405] : memref<5x64x128xf32, #tpu.memory_space<vmem>> -> memref<1x64x128xf32, #tpu.memory_space<vmem>>
      %dma_wait3A_407 = tpu.memref_squeeze %dma_wait3A_406 : memref<1x64x128xf32, #tpu.memory_space<vmem>> -> memref<64x128xf32, #tpu.memory_space<vmem>>
      %dma_wait3A_408 = arith.constant 0 : i32
      %dma_wait3A_409 = arith.constant 0 : i32
      %dma_wait3A_410 = tpu.memref_slice %arg5[%dma_wait3A_408, %dma_wait3A_409] : memref<64x1000000xf32, #tpu.memory_space<hbm>> -> memref<64x128xf32, #tpu.memory_space<hbm>>
      %dma_wait3A_411 = arith.constant 0 : i32
      %dma_wait3A_412 = arith.constant 0 : i32
      %dma_wait3A_413 = tpu.memref_slice %arg12[%dma_wait3A_403, %dma_wait3A_411, %dma_wait3A_412] : memref<5x64x128xf32, #tpu.memory_space<vmem>> -> memref<1x64x128xf32, #tpu.memory_space<vmem>>
      %dma_wait3A_414 = tpu.memref_squeeze %dma_wait3A_413 : memref<1x64x128xf32, #tpu.memory_space<vmem>> -> memref<64x128xf32, #tpu.memory_space<vmem>>
      %dma_wait3A_415 = arith.constant 0 : i32
      %dma_wait3A_416 = arith.constant 0 : i32
      %dma_wait3A_417 = tpu.memref_slice %arg5[%dma_wait3A_415, %dma_wait3A_416] : memref<64x1000000xf32, #tpu.memory_space<hbm>> -> memref<64x128xf32, #tpu.memory_space<hbm>>
      tpu.wait_dma2 semaphore(%arg17 : memref<!tpu.dma_semaphore, #tpu.memory_space<semaphore_mem>>) src(%dma_wait3A_417 : memref<64x128xf32, #tpu.memory_space<hbm>>) dst(%dma_wait3A_414 : memref<64x128xf32, #tpu.memory_space<vmem>>)
      %dma_wait3A_418 = arith.constant 3 : i32
      %dma_wait3A_419 = arith.constant 0 : i32
      %dma_wait3A_420 = arith.constant 0 : i32
      %dma_wait3A_421 = tpu.memref_slice %arg13[%dma_wait3A_418, %dma_wait3A_419, %dma_wait3A_420] : memref<5x16x128xf32, #tpu.memory_space<vmem>> -> memref<1x16x128xf32, #tpu.memory_space<vmem>>
      %dma_wait3A_422 = tpu.memref_squeeze %dma_wait3A_421 : memref<1x16x128xf32, #tpu.memory_space<vmem>> -> memref<16x128xf32, #tpu.memory_space<vmem>>
      %dma_wait3A_423 = arith.constant 0 : i32
      %dma_wait3A_424 = arith.constant 0 : i32
      %dma_wait3A_425 = tpu.memref_slice %arg6[%dma_wait3A_423, %dma_wait3A_424] : memref<16x1000000xf32, #tpu.memory_space<hbm>> -> memref<16x128xf32, #tpu.memory_space<hbm>>
      %dma_wait3A_426 = arith.constant 0 : i32
      %dma_wait3A_427 = arith.constant 0 : i32
      %dma_wait3A_428 = tpu.memref_slice %arg13[%dma_wait3A_418, %dma_wait3A_426, %dma_wait3A_427] : memref<5x16x128xf32, #tpu.memory_space<vmem>> -> memref<1x16x128xf32, #tpu.memory_space<vmem>>
      %dma_wait3A_429 = tpu.memref_squeeze %dma_wait3A_428 : memref<1x16x128xf32, #tpu.memory_space<vmem>> -> memref<16x128xf32, #tpu.memory_space<vmem>>
      %dma_wait3A_430 = arith.constant 0 : i32
      %dma_wait3A_431 = arith.constant 0 : i32
      %dma_wait3A_432 = tpu.memref_slice %arg6[%dma_wait3A_430, %dma_wait3A_431] : memref<16x1000000xf32, #tpu.memory_space<hbm>> -> memref<16x128xf32, #tpu.memory_space<hbm>>
      tpu.wait_dma2 semaphore(%arg22 : memref<!tpu.dma_semaphore, #tpu.memory_space<semaphore_mem>>) src(%dma_wait3A_432 : memref<16x128xf32, #tpu.memory_space<hbm>>) dst(%dma_wait3A_429 : memref<16x128xf32, #tpu.memory_space<vmem>>)
    } else {
    }
    %eq3A_190 = arith.constant 4 : i32
    %eq3A_191 = arith.cmpi eq, %select_n3A_171, %eq3A_190 : i32
    %convert_element_type3A_192 = arith.extui %eq3A_191 : i1 to i32
    %cond3A_193 = arith.constant 0 : i32
    %cond3A_194 = arith.cmpi ne, %convert_element_type3A_192, %cond3A_193 : i32
    scf.if %cond3A_194 {
      %dma_wait3A_403 = arith.constant 4 : i32
      %dma_wait3A_404 = arith.constant 0 : i32
      %dma_wait3A_405 = arith.constant 0 : i32
      %dma_wait3A_406 = tpu.memref_slice %arg12[%dma_wait3A_403, %dma_wait3A_404, %dma_wait3A_405] : memref<5x64x128xf32, #tpu.memory_space<vmem>> -> memref<1x64x128xf32, #tpu.memory_space<vmem>>
      %dma_wait3A_407 = tpu.memref_squeeze %dma_wait3A_406 : memref<1x64x128xf32, #tpu.memory_space<vmem>> -> memref<64x128xf32, #tpu.memory_space<vmem>>
      %dma_wait3A_408 = arith.constant 0 : i32
      %dma_wait3A_409 = arith.constant 0 : i32
      %dma_wait3A_410 = tpu.memref_slice %arg5[%dma_wait3A_408, %dma_wait3A_409] : memref<64x1000000xf32, #tpu.memory_space<hbm>> -> memref<64x128xf32, #tpu.memory_space<hbm>>
      %dma_wait3A_411 = arith.constant 0 : i32
      %dma_wait3A_412 = arith.constant 0 : i32
      %dma_wait3A_413 = tpu.memref_slice %arg12[%dma_wait3A_403, %dma_wait3A_411, %dma_wait3A_412] : memref<5x64x128xf32, #tpu.memory_space<vmem>> -> memref<1x64x128xf32, #tpu.memory_space<vmem>>
      %dma_wait3A_414 = tpu.memref_squeeze %dma_wait3A_413 : memref<1x64x128xf32, #tpu.memory_space<vmem>> -> memref<64x128xf32, #tpu.memory_space<vmem>>
      %dma_wait3A_415 = arith.constant 0 : i32
      %dma_wait3A_416 = arith.constant 0 : i32
      %dma_wait3A_417 = tpu.memref_slice %arg5[%dma_wait3A_415, %dma_wait3A_416] : memref<64x1000000xf32, #tpu.memory_space<hbm>> -> memref<64x128xf32, #tpu.memory_space<hbm>>
      tpu.wait_dma2 semaphore(%arg18 : memref<!tpu.dma_semaphore, #tpu.memory_space<semaphore_mem>>) src(%dma_wait3A_417 : memref<64x128xf32, #tpu.memory_space<hbm>>) dst(%dma_wait3A_414 : memref<64x128xf32, #tpu.memory_space<vmem>>)
      %dma_wait3A_418 = arith.constant 4 : i32
      %dma_wait3A_419 = arith.constant 0 : i32
      %dma_wait3A_420 = arith.constant 0 : i32
      %dma_wait3A_421 = tpu.memref_slice %arg13[%dma_wait3A_418, %dma_wait3A_419, %dma_wait3A_420] : memref<5x16x128xf32, #tpu.memory_space<vmem>> -> memref<1x16x128xf32, #tpu.memory_space<vmem>>
      %dma_wait3A_422 = tpu.memref_squeeze %dma_wait3A_421 : memref<1x16x128xf32, #tpu.memory_space<vmem>> -> memref<16x128xf32, #tpu.memory_space<vmem>>
      %dma_wait3A_423 = arith.constant 0 : i32
      %dma_wait3A_424 = arith.constant 0 : i32
      %dma_wait3A_425 = tpu.memref_slice %arg6[%dma_wait3A_423, %dma_wait3A_424] : memref<16x1000000xf32, #tpu.memory_space<hbm>> -> memref<16x128xf32, #tpu.memory_space<hbm>>
      %dma_wait3A_426 = arith.constant 0 : i32
      %dma_wait3A_427 = arith.constant 0 : i32
      %dma_wait3A_428 = tpu.memref_slice %arg13[%dma_wait3A_418, %dma_wait3A_426, %dma_wait3A_427] : memref<5x16x128xf32, #tpu.memory_space<vmem>> -> memref<1x16x128xf32, #tpu.memory_space<vmem>>
      %dma_wait3A_429 = tpu.memref_squeeze %dma_wait3A_428 : memref<1x16x128xf32, #tpu.memory_space<vmem>> -> memref<16x128xf32, #tpu.memory_space<vmem>>
      %dma_wait3A_430 = arith.constant 0 : i32
      %dma_wait3A_431 = arith.constant 0 : i32
      %dma_wait3A_432 = tpu.memref_slice %arg6[%dma_wait3A_430, %dma_wait3A_431] : memref<16x1000000xf32, #tpu.memory_space<hbm>> -> memref<16x128xf32, #tpu.memory_space<hbm>>
      tpu.wait_dma2 semaphore(%arg23 : memref<!tpu.dma_semaphore, #tpu.memory_space<semaphore_mem>>) src(%dma_wait3A_432 : memref<16x128xf32, #tpu.memory_space<hbm>>) dst(%dma_wait3A_429 : memref<16x128xf32, #tpu.memory_space<vmem>>)
    } else {
    }
    %add3A_195 = arith.constant 2 : i32
    %add3A_196 = arith.addi %scan3A_159, %add3A_195 : i32
    %jit3A_197 = arith.constant 5 : i32
    %eq3A_198 = arith.constant 0 : i32
    %eq3A_199 = arith.cmpi eq, %jit3A_197, %eq3A_198 : i32
    %jit3A_200 = arith.constant 1 : i32
    %select_n3A_201 = arith.select %eq3A_199, %jit3A_200, %jit3A_197 : i32
    %rem3A_202 = arith.remsi %add3A_196, %select_n3A_201 : i32
    %ne3A_203 = arith.constant 0 : i32
    %ne3A_204 = arith.cmpi ne, %rem3A_202, %ne3A_203 : i32
    %lt3A_205 = arith.constant 0 : i32
    %lt3A_206 = arith.cmpi slt, %rem3A_202, %lt3A_205 : i32
    %lt3A_207 = arith.constant 0 : i32
    %lt3A_208 = arith.cmpi slt, %select_n3A_201, %lt3A_207 : i32
    %ne3A_209 = arith.xori %lt3A_206, %lt3A_208 : i1
    %and3A_210 = arith.andi %ne3A_209, %ne3A_204 : i1
    %add3A_211 = arith.addi %rem3A_202, %select_n3A_201 : i32
    %select_n3A_212 = arith.select %and3A_210, %add3A_211, %rem3A_202 : i32
    %eq3A_213 = arith.constant 0 : i32
    %eq3A_214 = arith.cmpi eq, %select_n3A_212, %eq3A_213 : i32
    %convert_element_type3A_215 = arith.extui %eq3A_214 : i1 to i32
    %cond3A_216 = arith.constant 0 : i32
    %cond3A_217 = arith.cmpi ne, %convert_element_type3A_215, %cond3A_216 : i32
    scf.if %cond3A_217 {
      %dma_wait3A_403 = arith.constant 0 : i32
      %dma_wait3A_404 = arith.constant 0 : i32
      %dma_wait3A_405 = arith.constant 0 : i32
      %dma_wait3A_406 = tpu.memref_slice %arg12[%dma_wait3A_403, %dma_wait3A_404, %dma_wait3A_405] : memref<5x64x128xf32, #tpu.memory_space<vmem>> -> memref<1x64x128xf32, #tpu.memory_space<vmem>>
      %dma_wait3A_407 = tpu.memref_squeeze %dma_wait3A_406 : memref<1x64x128xf32, #tpu.memory_space<vmem>> -> memref<64x128xf32, #tpu.memory_space<vmem>>
      %dma_wait3A_408 = arith.constant 0 : i32
      %dma_wait3A_409 = arith.constant 0 : i32
      %dma_wait3A_410 = tpu.memref_slice %arg5[%dma_wait3A_408, %dma_wait3A_409] : memref<64x1000000xf32, #tpu.memory_space<hbm>> -> memref<64x128xf32, #tpu.memory_space<hbm>>
      %dma_wait3A_411 = arith.constant 0 : i32
      %dma_wait3A_412 = arith.constant 0 : i32
      %dma_wait3A_413 = tpu.memref_slice %arg12[%dma_wait3A_403, %dma_wait3A_411, %dma_wait3A_412] : memref<5x64x128xf32, #tpu.memory_space<vmem>> -> memref<1x64x128xf32, #tpu.memory_space<vmem>>
      %dma_wait3A_414 = tpu.memref_squeeze %dma_wait3A_413 : memref<1x64x128xf32, #tpu.memory_space<vmem>> -> memref<64x128xf32, #tpu.memory_space<vmem>>
      %dma_wait3A_415 = arith.constant 0 : i32
      %dma_wait3A_416 = arith.constant 0 : i32
      %dma_wait3A_417 = tpu.memref_slice %arg5[%dma_wait3A_415, %dma_wait3A_416] : memref<64x1000000xf32, #tpu.memory_space<hbm>> -> memref<64x128xf32, #tpu.memory_space<hbm>>
      tpu.wait_dma2 semaphore(%arg14 : memref<!tpu.dma_semaphore, #tpu.memory_space<semaphore_mem>>) src(%dma_wait3A_417 : memref<64x128xf32, #tpu.memory_space<hbm>>) dst(%dma_wait3A_414 : memref<64x128xf32, #tpu.memory_space<vmem>>)
      %dma_wait3A_418 = arith.constant 0 : i32
      %dma_wait3A_419 = arith.constant 0 : i32
      %dma_wait3A_420 = arith.constant 0 : i32
      %dma_wait3A_421 = tpu.memref_slice %arg13[%dma_wait3A_418, %dma_wait3A_419, %dma_wait3A_420] : memref<5x16x128xf32, #tpu.memory_space<vmem>> -> memref<1x16x128xf32, #tpu.memory_space<vmem>>
      %dma_wait3A_422 = tpu.memref_squeeze %dma_wait3A_421 : memref<1x16x128xf32, #tpu.memory_space<vmem>> -> memref<16x128xf32, #tpu.memory_space<vmem>>
      %dma_wait3A_423 = arith.constant 0 : i32
      %dma_wait3A_424 = arith.constant 0 : i32
      %dma_wait3A_425 = tpu.memref_slice %arg6[%dma_wait3A_423, %dma_wait3A_424] : memref<16x1000000xf32, #tpu.memory_space<hbm>> -> memref<16x128xf32, #tpu.memory_space<hbm>>
      %dma_wait3A_426 = arith.constant 0 : i32
      %dma_wait3A_427 = arith.constant 0 : i32
      %dma_wait3A_428 = tpu.memref_slice %arg13[%dma_wait3A_418, %dma_wait3A_426, %dma_wait3A_427] : memref<5x16x128xf32, #tpu.memory_space<vmem>> -> memref<1x16x128xf32, #tpu.memory_space<vmem>>
      %dma_wait3A_429 = tpu.memref_squeeze %dma_wait3A_428 : memref<1x16x128xf32, #tpu.memory_space<vmem>> -> memref<16x128xf32, #tpu.memory_space<vmem>>
      %dma_wait3A_430 = arith.constant 0 : i32
      %dma_wait3A_431 = arith.constant 0 : i32
      %dma_wait3A_432 = tpu.memref_slice %arg6[%dma_wait3A_430, %dma_wait3A_431] : memref<16x1000000xf32, #tpu.memory_space<hbm>> -> memref<16x128xf32, #tpu.memory_space<hbm>>
      tpu.wait_dma2 semaphore(%arg19 : memref<!tpu.dma_semaphore, #tpu.memory_space<semaphore_mem>>) src(%dma_wait3A_432 : memref<16x128xf32, #tpu.memory_space<hbm>>) dst(%dma_wait3A_429 : memref<16x128xf32, #tpu.memory_space<vmem>>)
    } else {
    }
    %eq3A_218 = arith.constant 1 : i32
    %eq3A_219 = arith.cmpi eq, %select_n3A_212, %eq3A_218 : i32
    %convert_element_type3A_220 = arith.extui %eq3A_219 : i1 to i32
    %cond3A_221 = arith.constant 0 : i32
    %cond3A_222 = arith.cmpi ne, %convert_element_type3A_220, %cond3A_221 : i32
    scf.if %cond3A_222 {
      %dma_wait3A_403 = arith.constant 1 : i32
      %dma_wait3A_404 = arith.constant 0 : i32
      %dma_wait3A_405 = arith.constant 0 : i32
      %dma_wait3A_406 = tpu.memref_slice %arg12[%dma_wait3A_403, %dma_wait3A_404, %dma_wait3A_405] : memref<5x64x128xf32, #tpu.memory_space<vmem>> -> memref<1x64x128xf32, #tpu.memory_space<vmem>>
      %dma_wait3A_407 = tpu.memref_squeeze %dma_wait3A_406 : memref<1x64x128xf32, #tpu.memory_space<vmem>> -> memref<64x128xf32, #tpu.memory_space<vmem>>
      %dma_wait3A_408 = arith.constant 0 : i32
      %dma_wait3A_409 = arith.constant 0 : i32
      %dma_wait3A_410 = tpu.memref_slice %arg5[%dma_wait3A_408, %dma_wait3A_409] : memref<64x1000000xf32, #tpu.memory_space<hbm>> -> memref<64x128xf32, #tpu.memory_space<hbm>>
      %dma_wait3A_411 = arith.constant 0 : i32
      %dma_wait3A_412 = arith.constant 0 : i32
      %dma_wait3A_413 = tpu.memref_slice %arg12[%dma_wait3A_403, %dma_wait3A_411, %dma_wait3A_412] : memref<5x64x128xf32, #tpu.memory_space<vmem>> -> memref<1x64x128xf32, #tpu.memory_space<vmem>>
      %dma_wait3A_414 = tpu.memref_squeeze %dma_wait3A_413 : memref<1x64x128xf32, #tpu.memory_space<vmem>> -> memref<64x128xf32, #tpu.memory_space<vmem>>
      %dma_wait3A_415 = arith.constant 0 : i32
      %dma_wait3A_416 = arith.constant 0 : i32
      %dma_wait3A_417 = tpu.memref_slice %arg5[%dma_wait3A_415, %dma_wait3A_416] : memref<64x1000000xf32, #tpu.memory_space<hbm>> -> memref<64x128xf32, #tpu.memory_space<hbm>>
      tpu.wait_dma2 semaphore(%arg15 : memref<!tpu.dma_semaphore, #tpu.memory_space<semaphore_mem>>) src(%dma_wait3A_417 : memref<64x128xf32, #tpu.memory_space<hbm>>) dst(%dma_wait3A_414 : memref<64x128xf32, #tpu.memory_space<vmem>>)
      %dma_wait3A_418 = arith.constant 1 : i32
      %dma_wait3A_419 = arith.constant 0 : i32
      %dma_wait3A_420 = arith.constant 0 : i32
      %dma_wait3A_421 = tpu.memref_slice %arg13[%dma_wait3A_418, %dma_wait3A_419, %dma_wait3A_420] : memref<5x16x128xf32, #tpu.memory_space<vmem>> -> memref<1x16x128xf32, #tpu.memory_space<vmem>>
      %dma_wait3A_422 = tpu.memref_squeeze %dma_wait3A_421 : memref<1x16x128xf32, #tpu.memory_space<vmem>> -> memref<16x128xf32, #tpu.memory_space<vmem>>
      %dma_wait3A_423 = arith.constant 0 : i32
      %dma_wait3A_424 = arith.constant 0 : i32
      %dma_wait3A_425 = tpu.memref_slice %arg6[%dma_wait3A_423, %dma_wait3A_424] : memref<16x1000000xf32, #tpu.memory_space<hbm>> -> memref<16x128xf32, #tpu.memory_space<hbm>>
      %dma_wait3A_426 = arith.constant 0 : i32
      %dma_wait3A_427 = arith.constant 0 : i32
      %dma_wait3A_428 = tpu.memref_slice %arg13[%dma_wait3A_418, %dma_wait3A_426, %dma_wait3A_427] : memref<5x16x128xf32, #tpu.memory_space<vmem>> -> memref<1x16x128xf32, #tpu.memory_space<vmem>>
      %dma_wait3A_429 = tpu.memref_squeeze %dma_wait3A_428 : memref<1x16x128xf32, #tpu.memory_space<vmem>> -> memref<16x128xf32, #tpu.memory_space<vmem>>
      %dma_wait3A_430 = arith.constant 0 : i32
      %dma_wait3A_431 = arith.constant 0 : i32
      %dma_wait3A_432 = tpu.memref_slice %arg6[%dma_wait3A_430, %dma_wait3A_431] : memref<16x1000000xf32, #tpu.memory_space<hbm>> -> memref<16x128xf32, #tpu.memory_space<hbm>>
      tpu.wait_dma2 semaphore(%arg20 : memref<!tpu.dma_semaphore, #tpu.memory_space<semaphore_mem>>) src(%dma_wait3A_432 : memref<16x128xf32, #tpu.memory_space<hbm>>) dst(%dma_wait3A_429 : memref<16x128xf32, #tpu.memory_space<vmem>>)
    } else {
    }
    %eq3A_223 = arith.constant 2 : i32
    %eq3A_224 = arith.cmpi eq, %select_n3A_212, %eq3A_223 : i32
    %convert_element_type3A_225 = arith.extui %eq3A_224 : i1 to i32
    %cond3A_226 = arith.constant 0 : i32
    %cond3A_227 = arith.cmpi ne, %convert_element_type3A_225, %cond3A_226 : i32
    scf.if %cond3A_227 {
      %dma_wait3A_403 = arith.constant 2 : i32
      %dma_wait3A_404 = arith.constant 0 : i32
      %dma_wait3A_405 = arith.constant 0 : i32
      %dma_wait3A_406 = tpu.memref_slice %arg12[%dma_wait3A_403, %dma_wait3A_404, %dma_wait3A_405] : memref<5x64x128xf32, #tpu.memory_space<vmem>> -> memref<1x64x128xf32, #tpu.memory_space<vmem>>
      %dma_wait3A_407 = tpu.memref_squeeze %dma_wait3A_406 : memref<1x64x128xf32, #tpu.memory_space<vmem>> -> memref<64x128xf32, #tpu.memory_space<vmem>>
      %dma_wait3A_408 = arith.constant 0 : i32
      %dma_wait3A_409 = arith.constant 0 : i32
      %dma_wait3A_410 = tpu.memref_slice %arg5[%dma_wait3A_408, %dma_wait3A_409] : memref<64x1000000xf32, #tpu.memory_space<hbm>> -> memref<64x128xf32, #tpu.memory_space<hbm>>
      %dma_wait3A_411 = arith.constant 0 : i32
      %dma_wait3A_412 = arith.constant 0 : i32
      %dma_wait3A_413 = tpu.memref_slice %arg12[%dma_wait3A_403, %dma_wait3A_411, %dma_wait3A_412] : memref<5x64x128xf32, #tpu.memory_space<vmem>> -> memref<1x64x128xf32, #tpu.memory_space<vmem>>
      %dma_wait3A_414 = tpu.memref_squeeze %dma_wait3A_413 : memref<1x64x128xf32, #tpu.memory_space<vmem>> -> memref<64x128xf32, #tpu.memory_space<vmem>>
      %dma_wait3A_415 = arith.constant 0 : i32
      %dma_wait3A_416 = arith.constant 0 : i32
      %dma_wait3A_417 = tpu.memref_slice %arg5[%dma_wait3A_415, %dma_wait3A_416] : memref<64x1000000xf32, #tpu.memory_space<hbm>> -> memref<64x128xf32, #tpu.memory_space<hbm>>
      tpu.wait_dma2 semaphore(%arg16 : memref<!tpu.dma_semaphore, #tpu.memory_space<semaphore_mem>>) src(%dma_wait3A_417 : memref<64x128xf32, #tpu.memory_space<hbm>>) dst(%dma_wait3A_414 : memref<64x128xf32, #tpu.memory_space<vmem>>)
      %dma_wait3A_418 = arith.constant 2 : i32
      %dma_wait3A_419 = arith.constant 0 : i32
      %dma_wait3A_420 = arith.constant 0 : i32
      %dma_wait3A_421 = tpu.memref_slice %arg13[%dma_wait3A_418, %dma_wait3A_419, %dma_wait3A_420] : memref<5x16x128xf32, #tpu.memory_space<vmem>> -> memref<1x16x128xf32, #tpu.memory_space<vmem>>
      %dma_wait3A_422 = tpu.memref_squeeze %dma_wait3A_421 : memref<1x16x128xf32, #tpu.memory_space<vmem>> -> memref<16x128xf32, #tpu.memory_space<vmem>>
      %dma_wait3A_423 = arith.constant 0 : i32
      %dma_wait3A_424 = arith.constant 0 : i32
      %dma_wait3A_425 = tpu.memref_slice %arg6[%dma_wait3A_423, %dma_wait3A_424] : memref<16x1000000xf32, #tpu.memory_space<hbm>> -> memref<16x128xf32, #tpu.memory_space<hbm>>
      %dma_wait3A_426 = arith.constant 0 : i32
      %dma_wait3A_427 = arith.constant 0 : i32
      %dma_wait3A_428 = tpu.memref_slice %arg13[%dma_wait3A_418, %dma_wait3A_426, %dma_wait3A_427] : memref<5x16x128xf32, #tpu.memory_space<vmem>> -> memref<1x16x128xf32, #tpu.memory_space<vmem>>
      %dma_wait3A_429 = tpu.memref_squeeze %dma_wait3A_428 : memref<1x16x128xf32, #tpu.memory_space<vmem>> -> memref<16x128xf32, #tpu.memory_space<vmem>>
      %dma_wait3A_430 = arith.constant 0 : i32
      %dma_wait3A_431 = arith.constant 0 : i32
      %dma_wait3A_432 = tpu.memref_slice %arg6[%dma_wait3A_430, %dma_wait3A_431] : memref<16x1000000xf32, #tpu.memory_space<hbm>> -> memref<16x128xf32, #tpu.memory_space<hbm>>
      tpu.wait_dma2 semaphore(%arg21 : memref<!tpu.dma_semaphore, #tpu.memory_space<semaphore_mem>>) src(%dma_wait3A_432 : memref<16x128xf32, #tpu.memory_space<hbm>>) dst(%dma_wait3A_429 : memref<16x128xf32, #tpu.memory_space<vmem>>)
    } else {
    }
    %eq3A_228 = arith.constant 3 : i32
    %eq3A_229 = arith.cmpi eq, %select_n3A_212, %eq3A_228 : i32
    %convert_element_type3A_230 = arith.extui %eq3A_229 : i1 to i32
    %cond3A_231 = arith.constant 0 : i32
    %cond3A_232 = arith.cmpi ne, %convert_element_type3A_230, %cond3A_231 : i32
    scf.if %cond3A_232 {
      %dma_wait3A_403 = arith.constant 3 : i32
      %dma_wait3A_404 = arith.constant 0 : i32
      %dma_wait3A_405 = arith.constant 0 : i32
      %dma_wait3A_406 = tpu.memref_slice %arg12[%dma_wait3A_403, %dma_wait3A_404, %dma_wait3A_405] : memref<5x64x128xf32, #tpu.memory_space<vmem>> -> memref<1x64x128xf32, #tpu.memory_space<vmem>>
      %dma_wait3A_407 = tpu.memref_squeeze %dma_wait3A_406 : memref<1x64x128xf32, #tpu.memory_space<vmem>> -> memref<64x128xf32, #tpu.memory_space<vmem>>
      %dma_wait3A_408 = arith.constant 0 : i32
      %dma_wait3A_409 = arith.constant 0 : i32
      %dma_wait3A_410 = tpu.memref_slice %arg5[%dma_wait3A_408, %dma_wait3A_409] : memref<64x1000000xf32, #tpu.memory_space<hbm>> -> memref<64x128xf32, #tpu.memory_space<hbm>>
      %dma_wait3A_411 = arith.constant 0 : i32
      %dma_wait3A_412 = arith.constant 0 : i32
      %dma_wait3A_413 = tpu.memref_slice %arg12[%dma_wait3A_403, %dma_wait3A_411, %dma_wait3A_412] : memref<5x64x128xf32, #tpu.memory_space<vmem>> -> memref<1x64x128xf32, #tpu.memory_space<vmem>>
      %dma_wait3A_414 = tpu.memref_squeeze %dma_wait3A_413 : memref<1x64x128xf32, #tpu.memory_space<vmem>> -> memref<64x128xf32, #tpu.memory_space<vmem>>
      %dma_wait3A_415 = arith.constant 0 : i32
      %dma_wait3A_416 = arith.constant 0 : i32
      %dma_wait3A_417 = tpu.memref_slice %arg5[%dma_wait3A_415, %dma_wait3A_416] : memref<64x1000000xf32, #tpu.memory_space<hbm>> -> memref<64x128xf32, #tpu.memory_space<hbm>>
      tpu.wait_dma2 semaphore(%arg17 : memref<!tpu.dma_semaphore, #tpu.memory_space<semaphore_mem>>) src(%dma_wait3A_417 : memref<64x128xf32, #tpu.memory_space<hbm>>) dst(%dma_wait3A_414 : memref<64x128xf32, #tpu.memory_space<vmem>>)
      %dma_wait3A_418 = arith.constant 3 : i32
      %dma_wait3A_419 = arith.constant 0 : i32
      %dma_wait3A_420 = arith.constant 0 : i32
      %dma_wait3A_421 = tpu.memref_slice %arg13[%dma_wait3A_418, %dma_wait3A_419, %dma_wait3A_420] : memref<5x16x128xf32, #tpu.memory_space<vmem>> -> memref<1x16x128xf32, #tpu.memory_space<vmem>>
      %dma_wait3A_422 = tpu.memref_squeeze %dma_wait3A_421 : memref<1x16x128xf32, #tpu.memory_space<vmem>> -> memref<16x128xf32, #tpu.memory_space<vmem>>
      %dma_wait3A_423 = arith.constant 0 : i32
      %dma_wait3A_424 = arith.constant 0 : i32
      %dma_wait3A_425 = tpu.memref_slice %arg6[%dma_wait3A_423, %dma_wait3A_424] : memref<16x1000000xf32, #tpu.memory_space<hbm>> -> memref<16x128xf32, #tpu.memory_space<hbm>>
      %dma_wait3A_426 = arith.constant 0 : i32
      %dma_wait3A_427 = arith.constant 0 : i32
      %dma_wait3A_428 = tpu.memref_slice %arg13[%dma_wait3A_418, %dma_wait3A_426, %dma_wait3A_427] : memref<5x16x128xf32, #tpu.memory_space<vmem>> -> memref<1x16x128xf32, #tpu.memory_space<vmem>>
      %dma_wait3A_429 = tpu.memref_squeeze %dma_wait3A_428 : memref<1x16x128xf32, #tpu.memory_space<vmem>> -> memref<16x128xf32, #tpu.memory_space<vmem>>
      %dma_wait3A_430 = arith.constant 0 : i32
      %dma_wait3A_431 = arith.constant 0 : i32
      %dma_wait3A_432 = tpu.memref_slice %arg6[%dma_wait3A_430, %dma_wait3A_431] : memref<16x1000000xf32, #tpu.memory_space<hbm>> -> memref<16x128xf32, #tpu.memory_space<hbm>>
      tpu.wait_dma2 semaphore(%arg22 : memref<!tpu.dma_semaphore, #tpu.memory_space<semaphore_mem>>) src(%dma_wait3A_432 : memref<16x128xf32, #tpu.memory_space<hbm>>) dst(%dma_wait3A_429 : memref<16x128xf32, #tpu.memory_space<vmem>>)
    } else {
    }
    %eq3A_233 = arith.constant 4 : i32
    %eq3A_234 = arith.cmpi eq, %select_n3A_212, %eq3A_233 : i32
    %convert_element_type3A_235 = arith.extui %eq3A_234 : i1 to i32
    %cond3A_236 = arith.constant 0 : i32
    %cond3A_237 = arith.cmpi ne, %convert_element_type3A_235, %cond3A_236 : i32
    scf.if %cond3A_237 {
      %dma_wait3A_403 = arith.constant 4 : i32
      %dma_wait3A_404 = arith.constant 0 : i32
      %dma_wait3A_405 = arith.constant 0 : i32
      %dma_wait3A_406 = tpu.memref_slice %arg12[%dma_wait3A_403, %dma_wait3A_404, %dma_wait3A_405] : memref<5x64x128xf32, #tpu.memory_space<vmem>> -> memref<1x64x128xf32, #tpu.memory_space<vmem>>
      %dma_wait3A_407 = tpu.memref_squeeze %dma_wait3A_406 : memref<1x64x128xf32, #tpu.memory_space<vmem>> -> memref<64x128xf32, #tpu.memory_space<vmem>>
      %dma_wait3A_408 = arith.constant 0 : i32
      %dma_wait3A_409 = arith.constant 0 : i32
      %dma_wait3A_410 = tpu.memref_slice %arg5[%dma_wait3A_408, %dma_wait3A_409] : memref<64x1000000xf32, #tpu.memory_space<hbm>> -> memref<64x128xf32, #tpu.memory_space<hbm>>
      %dma_wait3A_411 = arith.constant 0 : i32
      %dma_wait3A_412 = arith.constant 0 : i32
      %dma_wait3A_413 = tpu.memref_slice %arg12[%dma_wait3A_403, %dma_wait3A_411, %dma_wait3A_412] : memref<5x64x128xf32, #tpu.memory_space<vmem>> -> memref<1x64x128xf32, #tpu.memory_space<vmem>>
      %dma_wait3A_414 = tpu.memref_squeeze %dma_wait3A_413 : memref<1x64x128xf32, #tpu.memory_space<vmem>> -> memref<64x128xf32, #tpu.memory_space<vmem>>
      %dma_wait3A_415 = arith.constant 0 : i32
      %dma_wait3A_416 = arith.constant 0 : i32
      %dma_wait3A_417 = tpu.memref_slice %arg5[%dma_wait3A_415, %dma_wait3A_416] : memref<64x1000000xf32, #tpu.memory_space<hbm>> -> memref<64x128xf32, #tpu.memory_space<hbm>>
      tpu.wait_dma2 semaphore(%arg18 : memref<!tpu.dma_semaphore, #tpu.memory_space<semaphore_mem>>) src(%dma_wait3A_417 : memref<64x128xf32, #tpu.memory_space<hbm>>) dst(%dma_wait3A_414 : memref<64x128xf32, #tpu.memory_space<vmem>>)
      %dma_wait3A_418 = arith.constant 4 : i32
      %dma_wait3A_419 = arith.constant 0 : i32
      %dma_wait3A_420 = arith.constant 0 : i32
      %dma_wait3A_421 = tpu.memref_slice %arg13[%dma_wait3A_418, %dma_wait3A_419, %dma_wait3A_420] : memref<5x16x128xf32, #tpu.memory_space<vmem>> -> memref<1x16x128xf32, #tpu.memory_space<vmem>>
      %dma_wait3A_422 = tpu.memref_squeeze %dma_wait3A_421 : memref<1x16x128xf32, #tpu.memory_space<vmem>> -> memref<16x128xf32, #tpu.memory_space<vmem>>
      %dma_wait3A_423 = arith.constant 0 : i32
      %dma_wait3A_424 = arith.constant 0 : i32
      %dma_wait3A_425 = tpu.memref_slice %arg6[%dma_wait3A_423, %dma_wait3A_424] : memref<16x1000000xf32, #tpu.memory_space<hbm>> -> memref<16x128xf32, #tpu.memory_space<hbm>>
      %dma_wait3A_426 = arith.constant 0 : i32
      %dma_wait3A_427 = arith.constant 0 : i32
      %dma_wait3A_428 = tpu.memref_slice %arg13[%dma_wait3A_418, %dma_wait3A_426, %dma_wait3A_427] : memref<5x16x128xf32, #tpu.memory_space<vmem>> -> memref<1x16x128xf32, #tpu.memory_space<vmem>>
      %dma_wait3A_429 = tpu.memref_squeeze %dma_wait3A_428 : memref<1x16x128xf32, #tpu.memory_space<vmem>> -> memref<16x128xf32, #tpu.memory_space<vmem>>
      %dma_wait3A_430 = arith.constant 0 : i32
      %dma_wait3A_431 = arith.constant 0 : i32
      %dma_wait3A_432 = tpu.memref_slice %arg6[%dma_wait3A_430, %dma_wait3A_431] : memref<16x1000000xf32, #tpu.memory_space<hbm>> -> memref<16x128xf32, #tpu.memory_space<hbm>>
      tpu.wait_dma2 semaphore(%arg23 : memref<!tpu.dma_semaphore, #tpu.memory_space<semaphore_mem>>) src(%dma_wait3A_432 : memref<16x128xf32, #tpu.memory_space<hbm>>) dst(%dma_wait3A_429 : memref<16x128xf32, #tpu.memory_space<vmem>>)
    } else {
    }
    %add3A_238 = arith.constant 3 : i32
    %add3A_239 = arith.addi %scan3A_159, %add3A_238 : i32
    %jit3A_240 = arith.constant 5 : i32
    %eq3A_241 = arith.constant 0 : i32
    %eq3A_242 = arith.cmpi eq, %jit3A_240, %eq3A_241 : i32
    %jit3A_243 = arith.constant 1 : i32
    %select_n3A_244 = arith.select %eq3A_242, %jit3A_243, %jit3A_240 : i32
    %rem3A_245 = arith.remsi %add3A_239, %select_n3A_244 : i32
    %ne3A_246 = arith.constant 0 : i32
    %ne3A_247 = arith.cmpi ne, %rem3A_245, %ne3A_246 : i32
    %lt3A_248 = arith.constant 0 : i32
    %lt3A_249 = arith.cmpi slt, %rem3A_245, %lt3A_248 : i32
    %lt3A_250 = arith.constant 0 : i32
    %lt3A_251 = arith.cmpi slt, %select_n3A_244, %lt3A_250 : i32
    %ne3A_252 = arith.xori %lt3A_249, %lt3A_251 : i1
    %and3A_253 = arith.andi %ne3A_252, %ne3A_247 : i1
    %add3A_254 = arith.addi %rem3A_245, %select_n3A_244 : i32
    %select_n3A_255 = arith.select %and3A_253, %add3A_254, %rem3A_245 : i32
    %eq3A_256 = arith.constant 0 : i32
    %eq3A_257 = arith.cmpi eq, %select_n3A_255, %eq3A_256 : i32
    %convert_element_type3A_258 = arith.extui %eq3A_257 : i1 to i32
    %cond3A_259 = arith.constant 0 : i32
    %cond3A_260 = arith.cmpi ne, %convert_element_type3A_258, %cond3A_259 : i32
    scf.if %cond3A_260 {
      %dma_wait3A_403 = arith.constant 0 : i32
      %dma_wait3A_404 = arith.constant 0 : i32
      %dma_wait3A_405 = arith.constant 0 : i32
      %dma_wait3A_406 = tpu.memref_slice %arg12[%dma_wait3A_403, %dma_wait3A_404, %dma_wait3A_405] : memref<5x64x128xf32, #tpu.memory_space<vmem>> -> memref<1x64x128xf32, #tpu.memory_space<vmem>>
      %dma_wait3A_407 = tpu.memref_squeeze %dma_wait3A_406 : memref<1x64x128xf32, #tpu.memory_space<vmem>> -> memref<64x128xf32, #tpu.memory_space<vmem>>
      %dma_wait3A_408 = arith.constant 0 : i32
      %dma_wait3A_409 = arith.constant 0 : i32
      %dma_wait3A_410 = tpu.memref_slice %arg5[%dma_wait3A_408, %dma_wait3A_409] : memref<64x1000000xf32, #tpu.memory_space<hbm>> -> memref<64x128xf32, #tpu.memory_space<hbm>>
      %dma_wait3A_411 = arith.constant 0 : i32
      %dma_wait3A_412 = arith.constant 0 : i32
      %dma_wait3A_413 = tpu.memref_slice %arg12[%dma_wait3A_403, %dma_wait3A_411, %dma_wait3A_412] : memref<5x64x128xf32, #tpu.memory_space<vmem>> -> memref<1x64x128xf32, #tpu.memory_space<vmem>>
      %dma_wait3A_414 = tpu.memref_squeeze %dma_wait3A_413 : memref<1x64x128xf32, #tpu.memory_space<vmem>> -> memref<64x128xf32, #tpu.memory_space<vmem>>
      %dma_wait3A_415 = arith.constant 0 : i32
      %dma_wait3A_416 = arith.constant 0 : i32
      %dma_wait3A_417 = tpu.memref_slice %arg5[%dma_wait3A_415, %dma_wait3A_416] : memref<64x1000000xf32, #tpu.memory_space<hbm>> -> memref<64x128xf32, #tpu.memory_space<hbm>>
      tpu.wait_dma2 semaphore(%arg14 : memref<!tpu.dma_semaphore, #tpu.memory_space<semaphore_mem>>) src(%dma_wait3A_417 : memref<64x128xf32, #tpu.memory_space<hbm>>) dst(%dma_wait3A_414 : memref<64x128xf32, #tpu.memory_space<vmem>>)
      %dma_wait3A_418 = arith.constant 0 : i32
      %dma_wait3A_419 = arith.constant 0 : i32
      %dma_wait3A_420 = arith.constant 0 : i32
      %dma_wait3A_421 = tpu.memref_slice %arg13[%dma_wait3A_418, %dma_wait3A_419, %dma_wait3A_420] : memref<5x16x128xf32, #tpu.memory_space<vmem>> -> memref<1x16x128xf32, #tpu.memory_space<vmem>>
      %dma_wait3A_422 = tpu.memref_squeeze %dma_wait3A_421 : memref<1x16x128xf32, #tpu.memory_space<vmem>> -> memref<16x128xf32, #tpu.memory_space<vmem>>
      %dma_wait3A_423 = arith.constant 0 : i32
      %dma_wait3A_424 = arith.constant 0 : i32
      %dma_wait3A_425 = tpu.memref_slice %arg6[%dma_wait3A_423, %dma_wait3A_424] : memref<16x1000000xf32, #tpu.memory_space<hbm>> -> memref<16x128xf32, #tpu.memory_space<hbm>>
      %dma_wait3A_426 = arith.constant 0 : i32
      %dma_wait3A_427 = arith.constant 0 : i32
      %dma_wait3A_428 = tpu.memref_slice %arg13[%dma_wait3A_418, %dma_wait3A_426, %dma_wait3A_427] : memref<5x16x128xf32, #tpu.memory_space<vmem>> -> memref<1x16x128xf32, #tpu.memory_space<vmem>>
      %dma_wait3A_429 = tpu.memref_squeeze %dma_wait3A_428 : memref<1x16x128xf32, #tpu.memory_space<vmem>> -> memref<16x128xf32, #tpu.memory_space<vmem>>
      %dma_wait3A_430 = arith.constant 0 : i32
      %dma_wait3A_431 = arith.constant 0 : i32
      %dma_wait3A_432 = tpu.memref_slice %arg6[%dma_wait3A_430, %dma_wait3A_431] : memref<16x1000000xf32, #tpu.memory_space<hbm>> -> memref<16x128xf32, #tpu.memory_space<hbm>>
      tpu.wait_dma2 semaphore(%arg19 : memref<!tpu.dma_semaphore, #tpu.memory_space<semaphore_mem>>) src(%dma_wait3A_432 : memref<16x128xf32, #tpu.memory_space<hbm>>) dst(%dma_wait3A_429 : memref<16x128xf32, #tpu.memory_space<vmem>>)
    } else {
    }
    %eq3A_261 = arith.constant 1 : i32
    %eq3A_262 = arith.cmpi eq, %select_n3A_255, %eq3A_261 : i32
    %convert_element_type3A_263 = arith.extui %eq3A_262 : i1 to i32
    %cond3A_264 = arith.constant 0 : i32
    %cond3A_265 = arith.cmpi ne, %convert_element_type3A_263, %cond3A_264 : i32
    scf.if %cond3A_265 {
      %dma_wait3A_403 = arith.constant 1 : i32
      %dma_wait3A_404 = arith.constant 0 : i32
      %dma_wait3A_405 = arith.constant 0 : i32
      %dma_wait3A_406 = tpu.memref_slice %arg12[%dma_wait3A_403, %dma_wait3A_404, %dma_wait3A_405] : memref<5x64x128xf32, #tpu.memory_space<vmem>> -> memref<1x64x128xf32, #tpu.memory_space<vmem>>
      %dma_wait3A_407 = tpu.memref_squeeze %dma_wait3A_406 : memref<1x64x128xf32, #tpu.memory_space<vmem>> -> memref<64x128xf32, #tpu.memory_space<vmem>>
      %dma_wait3A_408 = arith.constant 0 : i32
      %dma_wait3A_409 = arith.constant 0 : i32
      %dma_wait3A_410 = tpu.memref_slice %arg5[%dma_wait3A_408, %dma_wait3A_409] : memref<64x1000000xf32, #tpu.memory_space<hbm>> -> memref<64x128xf32, #tpu.memory_space<hbm>>
      %dma_wait3A_411 = arith.constant 0 : i32
      %dma_wait3A_412 = arith.constant 0 : i32
      %dma_wait3A_413 = tpu.memref_slice %arg12[%dma_wait3A_403, %dma_wait3A_411, %dma_wait3A_412] : memref<5x64x128xf32, #tpu.memory_space<vmem>> -> memref<1x64x128xf32, #tpu.memory_space<vmem>>
      %dma_wait3A_414 = tpu.memref_squeeze %dma_wait3A_413 : memref<1x64x128xf32, #tpu.memory_space<vmem>> -> memref<64x128xf32, #tpu.memory_space<vmem>>
      %dma_wait3A_415 = arith.constant 0 : i32
      %dma_wait3A_416 = arith.constant 0 : i32
      %dma_wait3A_417 = tpu.memref_slice %arg5[%dma_wait3A_415, %dma_wait3A_416] : memref<64x1000000xf32, #tpu.memory_space<hbm>> -> memref<64x128xf32, #tpu.memory_space<hbm>>
      tpu.wait_dma2 semaphore(%arg15 : memref<!tpu.dma_semaphore, #tpu.memory_space<semaphore_mem>>) src(%dma_wait3A_417 : memref<64x128xf32, #tpu.memory_space<hbm>>) dst(%dma_wait3A_414 : memref<64x128xf32, #tpu.memory_space<vmem>>)
      %dma_wait3A_418 = arith.constant 1 : i32
      %dma_wait3A_419 = arith.constant 0 : i32
      %dma_wait3A_420 = arith.constant 0 : i32
      %dma_wait3A_421 = tpu.memref_slice %arg13[%dma_wait3A_418, %dma_wait3A_419, %dma_wait3A_420] : memref<5x16x128xf32, #tpu.memory_space<vmem>> -> memref<1x16x128xf32, #tpu.memory_space<vmem>>
      %dma_wait3A_422 = tpu.memref_squeeze %dma_wait3A_421 : memref<1x16x128xf32, #tpu.memory_space<vmem>> -> memref<16x128xf32, #tpu.memory_space<vmem>>
      %dma_wait3A_423 = arith.constant 0 : i32
      %dma_wait3A_424 = arith.constant 0 : i32
      %dma_wait3A_425 = tpu.memref_slice %arg6[%dma_wait3A_423, %dma_wait3A_424] : memref<16x1000000xf32, #tpu.memory_space<hbm>> -> memref<16x128xf32, #tpu.memory_space<hbm>>
      %dma_wait3A_426 = arith.constant 0 : i32
      %dma_wait3A_427 = arith.constant 0 : i32
      %dma_wait3A_428 = tpu.memref_slice %arg13[%dma_wait3A_418, %dma_wait3A_426, %dma_wait3A_427] : memref<5x16x128xf32, #tpu.memory_space<vmem>> -> memref<1x16x128xf32, #tpu.memory_space<vmem>>
      %dma_wait3A_429 = tpu.memref_squeeze %dma_wait3A_428 : memref<1x16x128xf32, #tpu.memory_space<vmem>> -> memref<16x128xf32, #tpu.memory_space<vmem>>
      %dma_wait3A_430 = arith.constant 0 : i32
      %dma_wait3A_431 = arith.constant 0 : i32
      %dma_wait3A_432 = tpu.memref_slice %arg6[%dma_wait3A_430, %dma_wait3A_431] : memref<16x1000000xf32, #tpu.memory_space<hbm>> -> memref<16x128xf32, #tpu.memory_space<hbm>>
      tpu.wait_dma2 semaphore(%arg20 : memref<!tpu.dma_semaphore, #tpu.memory_space<semaphore_mem>>) src(%dma_wait3A_432 : memref<16x128xf32, #tpu.memory_space<hbm>>) dst(%dma_wait3A_429 : memref<16x128xf32, #tpu.memory_space<vmem>>)
    } else {
    }
    %eq3A_266 = arith.constant 2 : i32
    %eq3A_267 = arith.cmpi eq, %select_n3A_255, %eq3A_266 : i32
    %convert_element_type3A_268 = arith.extui %eq3A_267 : i1 to i32
    %cond3A_269 = arith.constant 0 : i32
    %cond3A_270 = arith.cmpi ne, %convert_element_type3A_268, %cond3A_269 : i32
    scf.if %cond3A_270 {
      %dma_wait3A_403 = arith.constant 2 : i32
      %dma_wait3A_404 = arith.constant 0 : i32
      %dma_wait3A_405 = arith.constant 0 : i32
      %dma_wait3A_406 = tpu.memref_slice %arg12[%dma_wait3A_403, %dma_wait3A_404, %dma_wait3A_405] : memref<5x64x128xf32, #tpu.memory_space<vmem>> -> memref<1x64x128xf32, #tpu.memory_space<vmem>>
      %dma_wait3A_407 = tpu.memref_squeeze %dma_wait3A_406 : memref<1x64x128xf32, #tpu.memory_space<vmem>> -> memref<64x128xf32, #tpu.memory_space<vmem>>
      %dma_wait3A_408 = arith.constant 0 : i32
      %dma_wait3A_409 = arith.constant 0 : i32
      %dma_wait3A_410 = tpu.memref_slice %arg5[%dma_wait3A_408, %dma_wait3A_409] : memref<64x1000000xf32, #tpu.memory_space<hbm>> -> memref<64x128xf32, #tpu.memory_space<hbm>>
      %dma_wait3A_411 = arith.constant 0 : i32
      %dma_wait3A_412 = arith.constant 0 : i32
      %dma_wait3A_413 = tpu.memref_slice %arg12[%dma_wait3A_403, %dma_wait3A_411, %dma_wait3A_412] : memref<5x64x128xf32, #tpu.memory_space<vmem>> -> memref<1x64x128xf32, #tpu.memory_space<vmem>>
      %dma_wait3A_414 = tpu.memref_squeeze %dma_wait3A_413 : memref<1x64x128xf32, #tpu.memory_space<vmem>> -> memref<64x128xf32, #tpu.memory_space<vmem>>
      %dma_wait3A_415 = arith.constant 0 : i32
      %dma_wait3A_416 = arith.constant 0 : i32
      %dma_wait3A_417 = tpu.memref_slice %arg5[%dma_wait3A_415, %dma_wait3A_416] : memref<64x1000000xf32, #tpu.memory_space<hbm>> -> memref<64x128xf32, #tpu.memory_space<hbm>>
      tpu.wait_dma2 semaphore(%arg16 : memref<!tpu.dma_semaphore, #tpu.memory_space<semaphore_mem>>) src(%dma_wait3A_417 : memref<64x128xf32, #tpu.memory_space<hbm>>) dst(%dma_wait3A_414 : memref<64x128xf32, #tpu.memory_space<vmem>>)
      %dma_wait3A_418 = arith.constant 2 : i32
      %dma_wait3A_419 = arith.constant 0 : i32
      %dma_wait3A_420 = arith.constant 0 : i32
      %dma_wait3A_421 = tpu.memref_slice %arg13[%dma_wait3A_418, %dma_wait3A_419, %dma_wait3A_420] : memref<5x16x128xf32, #tpu.memory_space<vmem>> -> memref<1x16x128xf32, #tpu.memory_space<vmem>>
      %dma_wait3A_422 = tpu.memref_squeeze %dma_wait3A_421 : memref<1x16x128xf32, #tpu.memory_space<vmem>> -> memref<16x128xf32, #tpu.memory_space<vmem>>
      %dma_wait3A_423 = arith.constant 0 : i32
      %dma_wait3A_424 = arith.constant 0 : i32
      %dma_wait3A_425 = tpu.memref_slice %arg6[%dma_wait3A_423, %dma_wait3A_424] : memref<16x1000000xf32, #tpu.memory_space<hbm>> -> memref<16x128xf32, #tpu.memory_space<hbm>>
      %dma_wait3A_426 = arith.constant 0 : i32
      %dma_wait3A_427 = arith.constant 0 : i32
      %dma_wait3A_428 = tpu.memref_slice %arg13[%dma_wait3A_418, %dma_wait3A_426, %dma_wait3A_427] : memref<5x16x128xf32, #tpu.memory_space<vmem>> -> memref<1x16x128xf32, #tpu.memory_space<vmem>>
      %dma_wait3A_429 = tpu.memref_squeeze %dma_wait3A_428 : memref<1x16x128xf32, #tpu.memory_space<vmem>> -> memref<16x128xf32, #tpu.memory_space<vmem>>
      %dma_wait3A_430 = arith.constant 0 : i32
      %dma_wait3A_431 = arith.constant 0 : i32
      %dma_wait3A_432 = tpu.memref_slice %arg6[%dma_wait3A_430, %dma_wait3A_431] : memref<16x1000000xf32, #tpu.memory_space<hbm>> -> memref<16x128xf32, #tpu.memory_space<hbm>>
      tpu.wait_dma2 semaphore(%arg21 : memref<!tpu.dma_semaphore, #tpu.memory_space<semaphore_mem>>) src(%dma_wait3A_432 : memref<16x128xf32, #tpu.memory_space<hbm>>) dst(%dma_wait3A_429 : memref<16x128xf32, #tpu.memory_space<vmem>>)
    } else {
    }
    %eq3A_271 = arith.constant 3 : i32
    %eq3A_272 = arith.cmpi eq, %select_n3A_255, %eq3A_271 : i32
    %convert_element_type3A_273 = arith.extui %eq3A_272 : i1 to i32
    %cond3A_274 = arith.constant 0 : i32
    %cond3A_275 = arith.cmpi ne, %convert_element_type3A_273, %cond3A_274 : i32
    scf.if %cond3A_275 {
      %dma_wait3A_403 = arith.constant 3 : i32
      %dma_wait3A_404 = arith.constant 0 : i32
      %dma_wait3A_405 = arith.constant 0 : i32
      %dma_wait3A_406 = tpu.memref_slice %arg12[%dma_wait3A_403, %dma_wait3A_404, %dma_wait3A_405] : memref<5x64x128xf32, #tpu.memory_space<vmem>> -> memref<1x64x128xf32, #tpu.memory_space<vmem>>
      %dma_wait3A_407 = tpu.memref_squeeze %dma_wait3A_406 : memref<1x64x128xf32, #tpu.memory_space<vmem>> -> memref<64x128xf32, #tpu.memory_space<vmem>>
      %dma_wait3A_408 = arith.constant 0 : i32
      %dma_wait3A_409 = arith.constant 0 : i32
      %dma_wait3A_410 = tpu.memref_slice %arg5[%dma_wait3A_408, %dma_wait3A_409] : memref<64x1000000xf32, #tpu.memory_space<hbm>> -> memref<64x128xf32, #tpu.memory_space<hbm>>
      %dma_wait3A_411 = arith.constant 0 : i32
      %dma_wait3A_412 = arith.constant 0 : i32
      %dma_wait3A_413 = tpu.memref_slice %arg12[%dma_wait3A_403, %dma_wait3A_411, %dma_wait3A_412] : memref<5x64x128xf32, #tpu.memory_space<vmem>> -> memref<1x64x128xf32, #tpu.memory_space<vmem>>
      %dma_wait3A_414 = tpu.memref_squeeze %dma_wait3A_413 : memref<1x64x128xf32, #tpu.memory_space<vmem>> -> memref<64x128xf32, #tpu.memory_space<vmem>>
      %dma_wait3A_415 = arith.constant 0 : i32
      %dma_wait3A_416 = arith.constant 0 : i32
      %dma_wait3A_417 = tpu.memref_slice %arg5[%dma_wait3A_415, %dma_wait3A_416] : memref<64x1000000xf32, #tpu.memory_space<hbm>> -> memref<64x128xf32, #tpu.memory_space<hbm>>
      tpu.wait_dma2 semaphore(%arg17 : memref<!tpu.dma_semaphore, #tpu.memory_space<semaphore_mem>>) src(%dma_wait3A_417 : memref<64x128xf32, #tpu.memory_space<hbm>>) dst(%dma_wait3A_414 : memref<64x128xf32, #tpu.memory_space<vmem>>)
      %dma_wait3A_418 = arith.constant 3 : i32
      %dma_wait3A_419 = arith.constant 0 : i32
      %dma_wait3A_420 = arith.constant 0 : i32
      %dma_wait3A_421 = tpu.memref_slice %arg13[%dma_wait3A_418, %dma_wait3A_419, %dma_wait3A_420] : memref<5x16x128xf32, #tpu.memory_space<vmem>> -> memref<1x16x128xf32, #tpu.memory_space<vmem>>
      %dma_wait3A_422 = tpu.memref_squeeze %dma_wait3A_421 : memref<1x16x128xf32, #tpu.memory_space<vmem>> -> memref<16x128xf32, #tpu.memory_space<vmem>>
      %dma_wait3A_423 = arith.constant 0 : i32
      %dma_wait3A_424 = arith.constant 0 : i32
      %dma_wait3A_425 = tpu.memref_slice %arg6[%dma_wait3A_423, %dma_wait3A_424] : memref<16x1000000xf32, #tpu.memory_space<hbm>> -> memref<16x128xf32, #tpu.memory_space<hbm>>
      %dma_wait3A_426 = arith.constant 0 : i32
      %dma_wait3A_427 = arith.constant 0 : i32
      %dma_wait3A_428 = tpu.memref_slice %arg13[%dma_wait3A_418, %dma_wait3A_426, %dma_wait3A_427] : memref<5x16x128xf32, #tpu.memory_space<vmem>> -> memref<1x16x128xf32, #tpu.memory_space<vmem>>
      %dma_wait3A_429 = tpu.memref_squeeze %dma_wait3A_428 : memref<1x16x128xf32, #tpu.memory_space<vmem>> -> memref<16x128xf32, #tpu.memory_space<vmem>>
      %dma_wait3A_430 = arith.constant 0 : i32
      %dma_wait3A_431 = arith.constant 0 : i32
      %dma_wait3A_432 = tpu.memref_slice %arg6[%dma_wait3A_430, %dma_wait3A_431] : memref<16x1000000xf32, #tpu.memory_space<hbm>> -> memref<16x128xf32, #tpu.memory_space<hbm>>
      tpu.wait_dma2 semaphore(%arg22 : memref<!tpu.dma_semaphore, #tpu.memory_space<semaphore_mem>>) src(%dma_wait3A_432 : memref<16x128xf32, #tpu.memory_space<hbm>>) dst(%dma_wait3A_429 : memref<16x128xf32, #tpu.memory_space<vmem>>)
    } else {
    }
    %eq3A_276 = arith.constant 4 : i32
    %eq3A_277 = arith.cmpi eq, %select_n3A_255, %eq3A_276 : i32
    %convert_element_type3A_278 = arith.extui %eq3A_277 : i1 to i32
    %cond3A_279 = arith.constant 0 : i32
    %cond3A_280 = arith.cmpi ne, %convert_element_type3A_278, %cond3A_279 : i32
    scf.if %cond3A_280 {
      %dma_wait3A_403 = arith.constant 4 : i32
      %dma_wait3A_404 = arith.constant 0 : i32
      %dma_wait3A_405 = arith.constant 0 : i32
      %dma_wait3A_406 = tpu.memref_slice %arg12[%dma_wait3A_403, %dma_wait3A_404, %dma_wait3A_405] : memref<5x64x128xf32, #tpu.memory_space<vmem>> -> memref<1x64x128xf32, #tpu.memory_space<vmem>>
      %dma_wait3A_407 = tpu.memref_squeeze %dma_wait3A_406 : memref<1x64x128xf32, #tpu.memory_space<vmem>> -> memref<64x128xf32, #tpu.memory_space<vmem>>
      %dma_wait3A_408 = arith.constant 0 : i32
      %dma_wait3A_409 = arith.constant 0 : i32
      %dma_wait3A_410 = tpu.memref_slice %arg5[%dma_wait3A_408, %dma_wait3A_409] : memref<64x1000000xf32, #tpu.memory_space<hbm>> -> memref<64x128xf32, #tpu.memory_space<hbm>>
      %dma_wait3A_411 = arith.constant 0 : i32
      %dma_wait3A_412 = arith.constant 0 : i32
      %dma_wait3A_413 = tpu.memref_slice %arg12[%dma_wait3A_403, %dma_wait3A_411, %dma_wait3A_412] : memref<5x64x128xf32, #tpu.memory_space<vmem>> -> memref<1x64x128xf32, #tpu.memory_space<vmem>>
      %dma_wait3A_414 = tpu.memref_squeeze %dma_wait3A_413 : memref<1x64x128xf32, #tpu.memory_space<vmem>> -> memref<64x128xf32, #tpu.memory_space<vmem>>
      %dma_wait3A_415 = arith.constant 0 : i32
      %dma_wait3A_416 = arith.constant 0 : i32
      %dma_wait3A_417 = tpu.memref_slice %arg5[%dma_wait3A_415, %dma_wait3A_416] : memref<64x1000000xf32, #tpu.memory_space<hbm>> -> memref<64x128xf32, #tpu.memory_space<hbm>>
      tpu.wait_dma2 semaphore(%arg18 : memref<!tpu.dma_semaphore, #tpu.memory_space<semaphore_mem>>) src(%dma_wait3A_417 : memref<64x128xf32, #tpu.memory_space<hbm>>) dst(%dma_wait3A_414 : memref<64x128xf32, #tpu.memory_space<vmem>>)
      %dma_wait3A_418 = arith.constant 4 : i32
      %dma_wait3A_419 = arith.constant 0 : i32
      %dma_wait3A_420 = arith.constant 0 : i32
      %dma_wait3A_421 = tpu.memref_slice %arg13[%dma_wait3A_418, %dma_wait3A_419, %dma_wait3A_420] : memref<5x16x128xf32, #tpu.memory_space<vmem>> -> memref<1x16x128xf32, #tpu.memory_space<vmem>>
      %dma_wait3A_422 = tpu.memref_squeeze %dma_wait3A_421 : memref<1x16x128xf32, #tpu.memory_space<vmem>> -> memref<16x128xf32, #tpu.memory_space<vmem>>
      %dma_wait3A_423 = arith.constant 0 : i32
      %dma_wait3A_424 = arith.constant 0 : i32
      %dma_wait3A_425 = tpu.memref_slice %arg6[%dma_wait3A_423, %dma_wait3A_424] : memref<16x1000000xf32, #tpu.memory_space<hbm>> -> memref<16x128xf32, #tpu.memory_space<hbm>>
      %dma_wait3A_426 = arith.constant 0 : i32
      %dma_wait3A_427 = arith.constant 0 : i32
      %dma_wait3A_428 = tpu.memref_slice %arg13[%dma_wait3A_418, %dma_wait3A_426, %dma_wait3A_427] : memref<5x16x128xf32, #tpu.memory_space<vmem>> -> memref<1x16x128xf32, #tpu.memory_space<vmem>>
      %dma_wait3A_429 = tpu.memref_squeeze %dma_wait3A_428 : memref<1x16x128xf32, #tpu.memory_space<vmem>> -> memref<16x128xf32, #tpu.memory_space<vmem>>
      %dma_wait3A_430 = arith.constant 0 : i32
      %dma_wait3A_431 = arith.constant 0 : i32
      %dma_wait3A_432 = tpu.memref_slice %arg6[%dma_wait3A_430, %dma_wait3A_431] : memref<16x1000000xf32, #tpu.memory_space<hbm>> -> memref<16x128xf32, #tpu.memory_space<hbm>>
      tpu.wait_dma2 semaphore(%arg23 : memref<!tpu.dma_semaphore, #tpu.memory_space<semaphore_mem>>) src(%dma_wait3A_432 : memref<16x128xf32, #tpu.memory_space<hbm>>) dst(%dma_wait3A_429 : memref<16x128xf32, #tpu.memory_space<vmem>>)
    } else {
    }
    %add3A_281 = arith.constant 4 : i32
    %add3A_282 = arith.addi %scan3A_159, %add3A_281 : i32
    %jit3A_283 = arith.constant 5 : i32
    %eq3A_284 = arith.constant 0 : i32
    %eq3A_285 = arith.cmpi eq, %jit3A_283, %eq3A_284 : i32
    %jit3A_286 = arith.constant 1 : i32
    %select_n3A_287 = arith.select %eq3A_285, %jit3A_286, %jit3A_283 : i32
    %rem3A_288 = arith.remsi %add3A_282, %select_n3A_287 : i32
    %ne3A_289 = arith.constant 0 : i32
    %ne3A_290 = arith.cmpi ne, %rem3A_288, %ne3A_289 : i32
    %lt3A_291 = arith.constant 0 : i32
    %lt3A_292 = arith.cmpi slt, %rem3A_288, %lt3A_291 : i32
    %lt3A_293 = arith.constant 0 : i32
    %lt3A_294 = arith.cmpi slt, %select_n3A_287, %lt3A_293 : i32
    %ne3A_295 = arith.xori %lt3A_292, %lt3A_294 : i1
    %and3A_296 = arith.andi %ne3A_295, %ne3A_290 : i1
    %add3A_297 = arith.addi %rem3A_288, %select_n3A_287 : i32
    %select_n3A_298 = arith.select %and3A_296, %add3A_297, %rem3A_288 : i32
    %eq3A_299 = arith.constant 0 : i32
    %eq3A_300 = arith.cmpi eq, %select_n3A_298, %eq3A_299 : i32
    %convert_element_type3A_301 = arith.extui %eq3A_300 : i1 to i32
    %cond3A_302 = arith.constant 0 : i32
    %cond3A_303 = arith.cmpi ne, %convert_element_type3A_301, %cond3A_302 : i32
    scf.if %cond3A_303 {
      %dma_wait3A_403 = arith.constant 0 : i32
      %dma_wait3A_404 = arith.constant 0 : i32
      %dma_wait3A_405 = arith.constant 0 : i32
      %dma_wait3A_406 = tpu.memref_slice %arg12[%dma_wait3A_403, %dma_wait3A_404, %dma_wait3A_405] : memref<5x64x128xf32, #tpu.memory_space<vmem>> -> memref<1x64x128xf32, #tpu.memory_space<vmem>>
      %dma_wait3A_407 = tpu.memref_squeeze %dma_wait3A_406 : memref<1x64x128xf32, #tpu.memory_space<vmem>> -> memref<64x128xf32, #tpu.memory_space<vmem>>
      %dma_wait3A_408 = arith.constant 0 : i32
      %dma_wait3A_409 = arith.constant 0 : i32
      %dma_wait3A_410 = tpu.memref_slice %arg5[%dma_wait3A_408, %dma_wait3A_409] : memref<64x1000000xf32, #tpu.memory_space<hbm>> -> memref<64x128xf32, #tpu.memory_space<hbm>>
      %dma_wait3A_411 = arith.constant 0 : i32
      %dma_wait3A_412 = arith.constant 0 : i32
      %dma_wait3A_413 = tpu.memref_slice %arg12[%dma_wait3A_403, %dma_wait3A_411, %dma_wait3A_412] : memref<5x64x128xf32, #tpu.memory_space<vmem>> -> memref<1x64x128xf32, #tpu.memory_space<vmem>>
      %dma_wait3A_414 = tpu.memref_squeeze %dma_wait3A_413 : memref<1x64x128xf32, #tpu.memory_space<vmem>> -> memref<64x128xf32, #tpu.memory_space<vmem>>
      %dma_wait3A_415 = arith.constant 0 : i32
      %dma_wait3A_416 = arith.constant 0 : i32
      %dma_wait3A_417 = tpu.memref_slice %arg5[%dma_wait3A_415, %dma_wait3A_416] : memref<64x1000000xf32, #tpu.memory_space<hbm>> -> memref<64x128xf32, #tpu.memory_space<hbm>>
      tpu.wait_dma2 semaphore(%arg14 : memref<!tpu.dma_semaphore, #tpu.memory_space<semaphore_mem>>) src(%dma_wait3A_417 : memref<64x128xf32, #tpu.memory_space<hbm>>) dst(%dma_wait3A_414 : memref<64x128xf32, #tpu.memory_space<vmem>>)
      %dma_wait3A_418 = arith.constant 0 : i32
      %dma_wait3A_419 = arith.constant 0 : i32
      %dma_wait3A_420 = arith.constant 0 : i32
      %dma_wait3A_421 = tpu.memref_slice %arg13[%dma_wait3A_418, %dma_wait3A_419, %dma_wait3A_420] : memref<5x16x128xf32, #tpu.memory_space<vmem>> -> memref<1x16x128xf32, #tpu.memory_space<vmem>>
      %dma_wait3A_422 = tpu.memref_squeeze %dma_wait3A_421 : memref<1x16x128xf32, #tpu.memory_space<vmem>> -> memref<16x128xf32, #tpu.memory_space<vmem>>
      %dma_wait3A_423 = arith.constant 0 : i32
      %dma_wait3A_424 = arith.constant 0 : i32
      %dma_wait3A_425 = tpu.memref_slice %arg6[%dma_wait3A_423, %dma_wait3A_424] : memref<16x1000000xf32, #tpu.memory_space<hbm>> -> memref<16x128xf32, #tpu.memory_space<hbm>>
      %dma_wait3A_426 = arith.constant 0 : i32
      %dma_wait3A_427 = arith.constant 0 : i32
      %dma_wait3A_428 = tpu.memref_slice %arg13[%dma_wait3A_418, %dma_wait3A_426, %dma_wait3A_427] : memref<5x16x128xf32, #tpu.memory_space<vmem>> -> memref<1x16x128xf32, #tpu.memory_space<vmem>>
      %dma_wait3A_429 = tpu.memref_squeeze %dma_wait3A_428 : memref<1x16x128xf32, #tpu.memory_space<vmem>> -> memref<16x128xf32, #tpu.memory_space<vmem>>
      %dma_wait3A_430 = arith.constant 0 : i32
      %dma_wait3A_431 = arith.constant 0 : i32
      %dma_wait3A_432 = tpu.memref_slice %arg6[%dma_wait3A_430, %dma_wait3A_431] : memref<16x1000000xf32, #tpu.memory_space<hbm>> -> memref<16x128xf32, #tpu.memory_space<hbm>>
      tpu.wait_dma2 semaphore(%arg19 : memref<!tpu.dma_semaphore, #tpu.memory_space<semaphore_mem>>) src(%dma_wait3A_432 : memref<16x128xf32, #tpu.memory_space<hbm>>) dst(%dma_wait3A_429 : memref<16x128xf32, #tpu.memory_space<vmem>>)
    } else {
    }
    %eq3A_304 = arith.constant 1 : i32
    %eq3A_305 = arith.cmpi eq, %select_n3A_298, %eq3A_304 : i32
    %convert_element_type3A_306 = arith.extui %eq3A_305 : i1 to i32
    %cond3A_307 = arith.constant 0 : i32
    %cond3A_308 = arith.cmpi ne, %convert_element_type3A_306, %cond3A_307 : i32
    scf.if %cond3A_308 {
      %dma_wait3A_403 = arith.constant 1 : i32
      %dma_wait3A_404 = arith.constant 0 : i32
      %dma_wait3A_405 = arith.constant 0 : i32
      %dma_wait3A_406 = tpu.memref_slice %arg12[%dma_wait3A_403, %dma_wait3A_404, %dma_wait3A_405] : memref<5x64x128xf32, #tpu.memory_space<vmem>> -> memref<1x64x128xf32, #tpu.memory_space<vmem>>
      %dma_wait3A_407 = tpu.memref_squeeze %dma_wait3A_406 : memref<1x64x128xf32, #tpu.memory_space<vmem>> -> memref<64x128xf32, #tpu.memory_space<vmem>>
      %dma_wait3A_408 = arith.constant 0 : i32
      %dma_wait3A_409 = arith.constant 0 : i32
      %dma_wait3A_410 = tpu.memref_slice %arg5[%dma_wait3A_408, %dma_wait3A_409] : memref<64x1000000xf32, #tpu.memory_space<hbm>> -> memref<64x128xf32, #tpu.memory_space<hbm>>
      %dma_wait3A_411 = arith.constant 0 : i32
      %dma_wait3A_412 = arith.constant 0 : i32
      %dma_wait3A_413 = tpu.memref_slice %arg12[%dma_wait3A_403, %dma_wait3A_411, %dma_wait3A_412] : memref<5x64x128xf32, #tpu.memory_space<vmem>> -> memref<1x64x128xf32, #tpu.memory_space<vmem>>
      %dma_wait3A_414 = tpu.memref_squeeze %dma_wait3A_413 : memref<1x64x128xf32, #tpu.memory_space<vmem>> -> memref<64x128xf32, #tpu.memory_space<vmem>>
      %dma_wait3A_415 = arith.constant 0 : i32
      %dma_wait3A_416 = arith.constant 0 : i32
      %dma_wait3A_417 = tpu.memref_slice %arg5[%dma_wait3A_415, %dma_wait3A_416] : memref<64x1000000xf32, #tpu.memory_space<hbm>> -> memref<64x128xf32, #tpu.memory_space<hbm>>
      tpu.wait_dma2 semaphore(%arg15 : memref<!tpu.dma_semaphore, #tpu.memory_space<semaphore_mem>>) src(%dma_wait3A_417 : memref<64x128xf32, #tpu.memory_space<hbm>>) dst(%dma_wait3A_414 : memref<64x128xf32, #tpu.memory_space<vmem>>)
      %dma_wait3A_418 = arith.constant 1 : i32
      %dma_wait3A_419 = arith.constant 0 : i32
      %dma_wait3A_420 = arith.constant 0 : i32
      %dma_wait3A_421 = tpu.memref_slice %arg13[%dma_wait3A_418, %dma_wait3A_419, %dma_wait3A_420] : memref<5x16x128xf32, #tpu.memory_space<vmem>> -> memref<1x16x128xf32, #tpu.memory_space<vmem>>
      %dma_wait3A_422 = tpu.memref_squeeze %dma_wait3A_421 : memref<1x16x128xf32, #tpu.memory_space<vmem>> -> memref<16x128xf32, #tpu.memory_space<vmem>>
      %dma_wait3A_423 = arith.constant 0 : i32
      %dma_wait3A_424 = arith.constant 0 : i32
      %dma_wait3A_425 = tpu.memref_slice %arg6[%dma_wait3A_423, %dma_wait3A_424] : memref<16x1000000xf32, #tpu.memory_space<hbm>> -> memref<16x128xf32, #tpu.memory_space<hbm>>
      %dma_wait3A_426 = arith.constant 0 : i32
      %dma_wait3A_427 = arith.constant 0 : i32
      %dma_wait3A_428 = tpu.memref_slice %arg13[%dma_wait3A_418, %dma_wait3A_426, %dma_wait3A_427] : memref<5x16x128xf32, #tpu.memory_space<vmem>> -> memref<1x16x128xf32, #tpu.memory_space<vmem>>
      %dma_wait3A_429 = tpu.memref_squeeze %dma_wait3A_428 : memref<1x16x128xf32, #tpu.memory_space<vmem>> -> memref<16x128xf32, #tpu.memory_space<vmem>>
      %dma_wait3A_430 = arith.constant 0 : i32
      %dma_wait3A_431 = arith.constant 0 : i32
      %dma_wait3A_432 = tpu.memref_slice %arg6[%dma_wait3A_430, %dma_wait3A_431] : memref<16x1000000xf32, #tpu.memory_space<hbm>> -> memref<16x128xf32, #tpu.memory_space<hbm>>
      tpu.wait_dma2 semaphore(%arg20 : memref<!tpu.dma_semaphore, #tpu.memory_space<semaphore_mem>>) src(%dma_wait3A_432 : memref<16x128xf32, #tpu.memory_space<hbm>>) dst(%dma_wait3A_429 : memref<16x128xf32, #tpu.memory_space<vmem>>)
    } else {
    }
    %eq3A_309 = arith.constant 2 : i32
    %eq3A_310 = arith.cmpi eq, %select_n3A_298, %eq3A_309 : i32
    %convert_element_type3A_311 = arith.extui %eq3A_310 : i1 to i32
    %cond3A_312 = arith.constant 0 : i32
    %cond3A_313 = arith.cmpi ne, %convert_element_type3A_311, %cond3A_312 : i32
    scf.if %cond3A_313 {
      %dma_wait3A_403 = arith.constant 2 : i32
      %dma_wait3A_404 = arith.constant 0 : i32
      %dma_wait3A_405 = arith.constant 0 : i32
      %dma_wait3A_406 = tpu.memref_slice %arg12[%dma_wait3A_403, %dma_wait3A_404, %dma_wait3A_405] : memref<5x64x128xf32, #tpu.memory_space<vmem>> -> memref<1x64x128xf32, #tpu.memory_space<vmem>>
      %dma_wait3A_407 = tpu.memref_squeeze %dma_wait3A_406 : memref<1x64x128xf32, #tpu.memory_space<vmem>> -> memref<64x128xf32, #tpu.memory_space<vmem>>
      %dma_wait3A_408 = arith.constant 0 : i32
      %dma_wait3A_409 = arith.constant 0 : i32
      %dma_wait3A_410 = tpu.memref_slice %arg5[%dma_wait3A_408, %dma_wait3A_409] : memref<64x1000000xf32, #tpu.memory_space<hbm>> -> memref<64x128xf32, #tpu.memory_space<hbm>>
      %dma_wait3A_411 = arith.constant 0 : i32
      %dma_wait3A_412 = arith.constant 0 : i32
      %dma_wait3A_413 = tpu.memref_slice %arg12[%dma_wait3A_403, %dma_wait3A_411, %dma_wait3A_412] : memref<5x64x128xf32, #tpu.memory_space<vmem>> -> memref<1x64x128xf32, #tpu.memory_space<vmem>>
      %dma_wait3A_414 = tpu.memref_squeeze %dma_wait3A_413 : memref<1x64x128xf32, #tpu.memory_space<vmem>> -> memref<64x128xf32, #tpu.memory_space<vmem>>
      %dma_wait3A_415 = arith.constant 0 : i32
      %dma_wait3A_416 = arith.constant 0 : i32
      %dma_wait3A_417 = tpu.memref_slice %arg5[%dma_wait3A_415, %dma_wait3A_416] : memref<64x1000000xf32, #tpu.memory_space<hbm>> -> memref<64x128xf32, #tpu.memory_space<hbm>>
      tpu.wait_dma2 semaphore(%arg16 : memref<!tpu.dma_semaphore, #tpu.memory_space<semaphore_mem>>) src(%dma_wait3A_417 : memref<64x128xf32, #tpu.memory_space<hbm>>) dst(%dma_wait3A_414 : memref<64x128xf32, #tpu.memory_space<vmem>>)
      %dma_wait3A_418 = arith.constant 2 : i32
      %dma_wait3A_419 = arith.constant 0 : i32
      %dma_wait3A_420 = arith.constant 0 : i32
      %dma_wait3A_421 = tpu.memref_slice %arg13[%dma_wait3A_418, %dma_wait3A_419, %dma_wait3A_420] : memref<5x16x128xf32, #tpu.memory_space<vmem>> -> memref<1x16x128xf32, #tpu.memory_space<vmem>>
      %dma_wait3A_422 = tpu.memref_squeeze %dma_wait3A_421 : memref<1x16x128xf32, #tpu.memory_space<vmem>> -> memref<16x128xf32, #tpu.memory_space<vmem>>
      %dma_wait3A_423 = arith.constant 0 : i32
      %dma_wait3A_424 = arith.constant 0 : i32
      %dma_wait3A_425 = tpu.memref_slice %arg6[%dma_wait3A_423, %dma_wait3A_424] : memref<16x1000000xf32, #tpu.memory_space<hbm>> -> memref<16x128xf32, #tpu.memory_space<hbm>>
      %dma_wait3A_426 = arith.constant 0 : i32
      %dma_wait3A_427 = arith.constant 0 : i32
      %dma_wait3A_428 = tpu.memref_slice %arg13[%dma_wait3A_418, %dma_wait3A_426, %dma_wait3A_427] : memref<5x16x128xf32, #tpu.memory_space<vmem>> -> memref<1x16x128xf32, #tpu.memory_space<vmem>>
      %dma_wait3A_429 = tpu.memref_squeeze %dma_wait3A_428 : memref<1x16x128xf32, #tpu.memory_space<vmem>> -> memref<16x128xf32, #tpu.memory_space<vmem>>
      %dma_wait3A_430 = arith.constant 0 : i32
      %dma_wait3A_431 = arith.constant 0 : i32
      %dma_wait3A_432 = tpu.memref_slice %arg6[%dma_wait3A_430, %dma_wait3A_431] : memref<16x1000000xf32, #tpu.memory_space<hbm>> -> memref<16x128xf32, #tpu.memory_space<hbm>>
      tpu.wait_dma2 semaphore(%arg21 : memref<!tpu.dma_semaphore, #tpu.memory_space<semaphore_mem>>) src(%dma_wait3A_432 : memref<16x128xf32, #tpu.memory_space<hbm>>) dst(%dma_wait3A_429 : memref<16x128xf32, #tpu.memory_space<vmem>>)
    } else {
    }
    %eq3A_314 = arith.constant 3 : i32
    %eq3A_315 = arith.cmpi eq, %select_n3A_298, %eq3A_314 : i32
    %convert_element_type3A_316 = arith.extui %eq3A_315 : i1 to i32
    %cond3A_317 = arith.constant 0 : i32
    %cond3A_318 = arith.cmpi ne, %convert_element_type3A_316, %cond3A_317 : i32
    scf.if %cond3A_318 {
      %dma_wait3A_403 = arith.constant 3 : i32
      %dma_wait3A_404 = arith.constant 0 : i32
      %dma_wait3A_405 = arith.constant 0 : i32
      %dma_wait3A_406 = tpu.memref_slice %arg12[%dma_wait3A_403, %dma_wait3A_404, %dma_wait3A_405] : memref<5x64x128xf32, #tpu.memory_space<vmem>> -> memref<1x64x128xf32, #tpu.memory_space<vmem>>
      %dma_wait3A_407 = tpu.memref_squeeze %dma_wait3A_406 : memref<1x64x128xf32, #tpu.memory_space<vmem>> -> memref<64x128xf32, #tpu.memory_space<vmem>>
      %dma_wait3A_408 = arith.constant 0 : i32
      %dma_wait3A_409 = arith.constant 0 : i32
      %dma_wait3A_410 = tpu.memref_slice %arg5[%dma_wait3A_408, %dma_wait3A_409] : memref<64x1000000xf32, #tpu.memory_space<hbm>> -> memref<64x128xf32, #tpu.memory_space<hbm>>
      %dma_wait3A_411 = arith.constant 0 : i32
      %dma_wait3A_412 = arith.constant 0 : i32
      %dma_wait3A_413 = tpu.memref_slice %arg12[%dma_wait3A_403, %dma_wait3A_411, %dma_wait3A_412] : memref<5x64x128xf32, #tpu.memory_space<vmem>> -> memref<1x64x128xf32, #tpu.memory_space<vmem>>
      %dma_wait3A_414 = tpu.memref_squeeze %dma_wait3A_413 : memref<1x64x128xf32, #tpu.memory_space<vmem>> -> memref<64x128xf32, #tpu.memory_space<vmem>>
      %dma_wait3A_415 = arith.constant 0 : i32
      %dma_wait3A_416 = arith.constant 0 : i32
      %dma_wait3A_417 = tpu.memref_slice %arg5[%dma_wait3A_415, %dma_wait3A_416] : memref<64x1000000xf32, #tpu.memory_space<hbm>> -> memref<64x128xf32, #tpu.memory_space<hbm>>
      tpu.wait_dma2 semaphore(%arg17 : memref<!tpu.dma_semaphore, #tpu.memory_space<semaphore_mem>>) src(%dma_wait3A_417 : memref<64x128xf32, #tpu.memory_space<hbm>>) dst(%dma_wait3A_414 : memref<64x128xf32, #tpu.memory_space<vmem>>)
      %dma_wait3A_418 = arith.constant 3 : i32
      %dma_wait3A_419 = arith.constant 0 : i32
      %dma_wait3A_420 = arith.constant 0 : i32
      %dma_wait3A_421 = tpu.memref_slice %arg13[%dma_wait3A_418, %dma_wait3A_419, %dma_wait3A_420] : memref<5x16x128xf32, #tpu.memory_space<vmem>> -> memref<1x16x128xf32, #tpu.memory_space<vmem>>
      %dma_wait3A_422 = tpu.memref_squeeze %dma_wait3A_421 : memref<1x16x128xf32, #tpu.memory_space<vmem>> -> memref<16x128xf32, #tpu.memory_space<vmem>>
      %dma_wait3A_423 = arith.constant 0 : i32
      %dma_wait3A_424 = arith.constant 0 : i32
      %dma_wait3A_425 = tpu.memref_slice %arg6[%dma_wait3A_423, %dma_wait3A_424] : memref<16x1000000xf32, #tpu.memory_space<hbm>> -> memref<16x128xf32, #tpu.memory_space<hbm>>
      %dma_wait3A_426 = arith.constant 0 : i32
      %dma_wait3A_427 = arith.constant 0 : i32
      %dma_wait3A_428 = tpu.memref_slice %arg13[%dma_wait3A_418, %dma_wait3A_426, %dma_wait3A_427] : memref<5x16x128xf32, #tpu.memory_space<vmem>> -> memref<1x16x128xf32, #tpu.memory_space<vmem>>
      %dma_wait3A_429 = tpu.memref_squeeze %dma_wait3A_428 : memref<1x16x128xf32, #tpu.memory_space<vmem>> -> memref<16x128xf32, #tpu.memory_space<vmem>>
      %dma_wait3A_430 = arith.constant 0 : i32
      %dma_wait3A_431 = arith.constant 0 : i32
      %dma_wait3A_432 = tpu.memref_slice %arg6[%dma_wait3A_430, %dma_wait3A_431] : memref<16x1000000xf32, #tpu.memory_space<hbm>> -> memref<16x128xf32, #tpu.memory_space<hbm>>
      tpu.wait_dma2 semaphore(%arg22 : memref<!tpu.dma_semaphore, #tpu.memory_space<semaphore_mem>>) src(%dma_wait3A_432 : memref<16x128xf32, #tpu.memory_space<hbm>>) dst(%dma_wait3A_429 : memref<16x128xf32, #tpu.memory_space<vmem>>)
    } else {
    }
    %eq3A_319 = arith.constant 4 : i32
    %eq3A_320 = arith.cmpi eq, %select_n3A_298, %eq3A_319 : i32
    %convert_element_type3A_321 = arith.extui %eq3A_320 : i1 to i32
    %cond3A_322 = arith.constant 0 : i32
    %cond3A_323 = arith.cmpi ne, %convert_element_type3A_321, %cond3A_322 : i32
    scf.if %cond3A_323 {
      %dma_wait3A_403 = arith.constant 4 : i32
      %dma_wait3A_404 = arith.constant 0 : i32
      %dma_wait3A_405 = arith.constant 0 : i32
      %dma_wait3A_406 = tpu.memref_slice %arg12[%dma_wait3A_403, %dma_wait3A_404, %dma_wait3A_405] : memref<5x64x128xf32, #tpu.memory_space<vmem>> -> memref<1x64x128xf32, #tpu.memory_space<vmem>>
      %dma_wait3A_407 = tpu.memref_squeeze %dma_wait3A_406 : memref<1x64x128xf32, #tpu.memory_space<vmem>> -> memref<64x128xf32, #tpu.memory_space<vmem>>
      %dma_wait3A_408 = arith.constant 0 : i32
      %dma_wait3A_409 = arith.constant 0 : i32
      %dma_wait3A_410 = tpu.memref_slice %arg5[%dma_wait3A_408, %dma_wait3A_409] : memref<64x1000000xf32, #tpu.memory_space<hbm>> -> memref<64x128xf32, #tpu.memory_space<hbm>>
      %dma_wait3A_411 = arith.constant 0 : i32
      %dma_wait3A_412 = arith.constant 0 : i32
      %dma_wait3A_413 = tpu.memref_slice %arg12[%dma_wait3A_403, %dma_wait3A_411, %dma_wait3A_412] : memref<5x64x128xf32, #tpu.memory_space<vmem>> -> memref<1x64x128xf32, #tpu.memory_space<vmem>>
      %dma_wait3A_414 = tpu.memref_squeeze %dma_wait3A_413 : memref<1x64x128xf32, #tpu.memory_space<vmem>> -> memref<64x128xf32, #tpu.memory_space<vmem>>
      %dma_wait3A_415 = arith.constant 0 : i32
      %dma_wait3A_416 = arith.constant 0 : i32
      %dma_wait3A_417 = tpu.memref_slice %arg5[%dma_wait3A_415, %dma_wait3A_416] : memref<64x1000000xf32, #tpu.memory_space<hbm>> -> memref<64x128xf32, #tpu.memory_space<hbm>>
      tpu.wait_dma2 semaphore(%arg18 : memref<!tpu.dma_semaphore, #tpu.memory_space<semaphore_mem>>) src(%dma_wait3A_417 : memref<64x128xf32, #tpu.memory_space<hbm>>) dst(%dma_wait3A_414 : memref<64x128xf32, #tpu.memory_space<vmem>>)
      %dma_wait3A_418 = arith.constant 4 : i32
      %dma_wait3A_419 = arith.constant 0 : i32
      %dma_wait3A_420 = arith.constant 0 : i32
      %dma_wait3A_421 = tpu.memref_slice %arg13[%dma_wait3A_418, %dma_wait3A_419, %dma_wait3A_420] : memref<5x16x128xf32, #tpu.memory_space<vmem>> -> memref<1x16x128xf32, #tpu.memory_space<vmem>>
      %dma_wait3A_422 = tpu.memref_squeeze %dma_wait3A_421 : memref<1x16x128xf32, #tpu.memory_space<vmem>> -> memref<16x128xf32, #tpu.memory_space<vmem>>
      %dma_wait3A_423 = arith.constant 0 : i32
      %dma_wait3A_424 = arith.constant 0 : i32
      %dma_wait3A_425 = tpu.memref_slice %arg6[%dma_wait3A_423, %dma_wait3A_424] : memref<16x1000000xf32, #tpu.memory_space<hbm>> -> memref<16x128xf32, #tpu.memory_space<hbm>>
      %dma_wait3A_426 = arith.constant 0 : i32
      %dma_wait3A_427 = arith.constant 0 : i32
      %dma_wait3A_428 = tpu.memref_slice %arg13[%dma_wait3A_418, %dma_wait3A_426, %dma_wait3A_427] : memref<5x16x128xf32, #tpu.memory_space<vmem>> -> memref<1x16x128xf32, #tpu.memory_space<vmem>>
      %dma_wait3A_429 = tpu.memref_squeeze %dma_wait3A_428 : memref<1x16x128xf32, #tpu.memory_space<vmem>> -> memref<16x128xf32, #tpu.memory_space<vmem>>
      %dma_wait3A_430 = arith.constant 0 : i32
      %dma_wait3A_431 = arith.constant 0 : i32
      %dma_wait3A_432 = tpu.memref_slice %arg6[%dma_wait3A_430, %dma_wait3A_431] : memref<16x1000000xf32, #tpu.memory_space<hbm>> -> memref<16x128xf32, #tpu.memory_space<hbm>>
      tpu.wait_dma2 semaphore(%arg23 : memref<!tpu.dma_semaphore, #tpu.memory_space<semaphore_mem>>) src(%dma_wait3A_432 : memref<16x128xf32, #tpu.memory_space<hbm>>) dst(%dma_wait3A_429 : memref<16x128xf32, #tpu.memory_space<vmem>>)
    } else {
    }
    %dma_start3A_324 = arith.constant 0 : i32
    %dma_start3A_325 = arith.constant 0 : i32
    %dma_start3A_326 = arith.constant 0 : i32
    %dma_start3A_327 = tpu.memref_slice %arg11[%dma_start3A_325, %dma_start3A_326] : memref<512x128xf32, #tpu.memory_space<vmem>> -> memref<128x128xf32, #tpu.memory_space<vmem>>
    %dma_start3A_328 = arith.constant 0 : i32
    %dma_start3A_329 = tpu.memref_slice %arg10[%dma_start3A_324, %dma_start3A_328] : memref<4x128xi32, #tpu.memory_space<vmem>> -> memref<1x128xi32, #tpu.memory_space<vmem>>
    %dma_start3A_330 = tpu.memref_squeeze %dma_start3A_329 : memref<1x128xi32, #tpu.memory_space<vmem>> -> memref<128xi32, #tpu.memory_space<vmem>>
    %dma_start3A_331 = arith.constant 0 : i32
    %dma_start3A_332 = arith.constant 0 : i32
    %dma_start3A_333 = tpu.memref_slice %arg7[%dma_start3A_331, %dma_start3A_332] : memref<16384x128xf32, #tpu.memory_space<hbm>> -> memref<16384x128xf32, #tpu.memory_space<hbm>>
    tpu.enqueue_indirect_dma source(%dma_start3A_327 : memref<128x128xf32, #tpu.memory_space<vmem>>) target(%dma_start3A_333 : memref<16384x128xf32, #tpu.memory_space<hbm>>) offsets(%dma_start3A_330 : memref<128xi32, #tpu.memory_space<vmem>>) semaphore(%arg24 : memref<!tpu.dma_semaphore, #tpu.memory_space<semaphore_mem>>)
    %dma_wait3A = arith.constant 0 : i32
    %dma_wait3A_334 = arith.constant 0 : i32
    %dma_wait3A_335 = arith.constant 0 : i32
    %dma_wait3A_336 = tpu.memref_slice %arg11[%dma_wait3A_334, %dma_wait3A_335] : memref<512x128xf32, #tpu.memory_space<vmem>> -> memref<128x128xf32, #tpu.memory_space<vmem>>
    %dma_wait3A_337 = arith.constant 0 : i32
    %dma_wait3A_338 = tpu.memref_slice %arg10[%dma_wait3A, %dma_wait3A_337] : memref<4x128xi32, #tpu.memory_space<vmem>> -> memref<1x128xi32, #tpu.memory_space<vmem>>
    %dma_wait3A_339 = tpu.memref_squeeze %dma_wait3A_338 : memref<1x128xi32, #tpu.memory_space<vmem>> -> memref<128xi32, #tpu.memory_space<vmem>>
    %dma_wait3A_340 = arith.constant 0 : i32
    %dma_wait3A_341 = arith.constant 0 : i32
    %dma_wait3A_342 = tpu.memref_slice %arg7[%dma_wait3A_340, %dma_wait3A_341] : memref<16384x128xf32, #tpu.memory_space<hbm>> -> memref<16384x128xf32, #tpu.memory_space<hbm>>
    tpu.wait_indirect_dma semaphore(%arg24 : memref<!tpu.dma_semaphore, #tpu.memory_space<semaphore_mem>>) src(%dma_wait3A_336 : memref<128x128xf32, #tpu.memory_space<vmem>>) dst(%dma_wait3A_342 : memref<16384x128xf32, #tpu.memory_space<hbm>>)
    %dma_start3A_343 = arith.constant 1 : i32
    %dma_start3A_344 = arith.constant 128 : i32
    %dma_start3A_345 = arith.constant 0 : i32
    %dma_start3A_346 = tpu.memref_slice %arg11[%dma_start3A_344, %dma_start3A_345] : memref<512x128xf32, #tpu.memory_space<vmem>> -> memref<128x128xf32, #tpu.memory_space<vmem>>
    %dma_start3A_347 = arith.constant 0 : i32
    %dma_start3A_348 = tpu.memref_slice %arg10[%dma_start3A_343, %dma_start3A_347] : memref<4x128xi32, #tpu.memory_space<vmem>> -> memref<1x128xi32, #tpu.memory_space<vmem>>
    %dma_start3A_349 = tpu.memref_squeeze %dma_start3A_348 : memref<1x128xi32, #tpu.memory_space<vmem>> -> memref<128xi32, #tpu.memory_space<vmem>>
    %dma_start3A_350 = arith.constant 0 : i32
    %dma_start3A_351 = arith.constant 0 : i32
    %dma_start3A_352 = tpu.memref_slice %arg7[%dma_start3A_350, %dma_start3A_351] : memref<16384x128xf32, #tpu.memory_space<hbm>> -> memref<16384x128xf32, #tpu.memory_space<hbm>>
    tpu.enqueue_indirect_dma source(%dma_start3A_346 : memref<128x128xf32, #tpu.memory_space<vmem>>) target(%dma_start3A_352 : memref<16384x128xf32, #tpu.memory_space<hbm>>) offsets(%dma_start3A_349 : memref<128xi32, #tpu.memory_space<vmem>>) semaphore(%arg24 : memref<!tpu.dma_semaphore, #tpu.memory_space<semaphore_mem>>)
    %dma_wait3A_353 = arith.constant 1 : i32
    %dma_wait3A_354 = arith.constant 128 : i32
    %dma_wait3A_355 = arith.constant 0 : i32
    %dma_wait3A_356 = tpu.memref_slice %arg11[%dma_wait3A_354, %dma_wait3A_355] : memref<512x128xf32, #tpu.memory_space<vmem>> -> memref<128x128xf32, #tpu.memory_space<vmem>>
    %dma_wait3A_357 = arith.constant 0 : i32
    %dma_wait3A_358 = tpu.memref_slice %arg10[%dma_wait3A_353, %dma_wait3A_357] : memref<4x128xi32, #tpu.memory_space<vmem>> -> memref<1x128xi32, #tpu.memory_space<vmem>>
    %dma_wait3A_359 = tpu.memref_squeeze %dma_wait3A_358 : memref<1x128xi32, #tpu.memory_space<vmem>> -> memref<128xi32, #tpu.memory_space<vmem>>
    %dma_wait3A_360 = arith.constant 0 : i32
    %dma_wait3A_361 = arith.constant 0 : i32
    %dma_wait3A_362 = tpu.memref_slice %arg7[%dma_wait3A_360, %dma_wait3A_361] : memref<16384x128xf32, #tpu.memory_space<hbm>> -> memref<16384x128xf32, #tpu.memory_space<hbm>>
    tpu.wait_indirect_dma semaphore(%arg24 : memref<!tpu.dma_semaphore, #tpu.memory_space<semaphore_mem>>) src(%dma_wait3A_356 : memref<128x128xf32, #tpu.memory_space<vmem>>) dst(%dma_wait3A_362 : memref<16384x128xf32, #tpu.memory_space<hbm>>)
    %dma_start3A_363 = arith.constant 2 : i32
    %dma_start3A_364 = arith.constant 256 : i32
    %dma_start3A_365 = arith.constant 0 : i32
    %dma_start3A_366 = tpu.memref_slice %arg11[%dma_start3A_364, %dma_start3A_365] : memref<512x128xf32, #tpu.memory_space<vmem>> -> memref<128x128xf32, #tpu.memory_space<vmem>>
    %dma_start3A_367 = arith.constant 0 : i32
    %dma_start3A_368 = tpu.memref_slice %arg10[%dma_start3A_363, %dma_start3A_367] : memref<4x128xi32, #tpu.memory_space<vmem>> -> memref<1x128xi32, #tpu.memory_space<vmem>>
    %dma_start3A_369 = tpu.memref_squeeze %dma_start3A_368 : memref<1x128xi32, #tpu.memory_space<vmem>> -> memref<128xi32, #tpu.memory_space<vmem>>
    %dma_start3A_370 = arith.constant 0 : i32
    %dma_start3A_371 = arith.constant 0 : i32
    %dma_start3A_372 = tpu.memref_slice %arg7[%dma_start3A_370, %dma_start3A_371] : memref<16384x128xf32, #tpu.memory_space<hbm>> -> memref<16384x128xf32, #tpu.memory_space<hbm>>
    tpu.enqueue_indirect_dma source(%dma_start3A_366 : memref<128x128xf32, #tpu.memory_space<vmem>>) target(%dma_start3A_372 : memref<16384x128xf32, #tpu.memory_space<hbm>>) offsets(%dma_start3A_369 : memref<128xi32, #tpu.memory_space<vmem>>) semaphore(%arg24 : memref<!tpu.dma_semaphore, #tpu.memory_space<semaphore_mem>>)
    %dma_wait3A_373 = arith.constant 2 : i32
    %dma_wait3A_374 = arith.constant 256 : i32
    %dma_wait3A_375 = arith.constant 0 : i32
    %dma_wait3A_376 = tpu.memref_slice %arg11[%dma_wait3A_374, %dma_wait3A_375] : memref<512x128xf32, #tpu.memory_space<vmem>> -> memref<128x128xf32, #tpu.memory_space<vmem>>
    %dma_wait3A_377 = arith.constant 0 : i32
    %dma_wait3A_378 = tpu.memref_slice %arg10[%dma_wait3A_373, %dma_wait3A_377] : memref<4x128xi32, #tpu.memory_space<vmem>> -> memref<1x128xi32, #tpu.memory_space<vmem>>
    %dma_wait3A_379 = tpu.memref_squeeze %dma_wait3A_378 : memref<1x128xi32, #tpu.memory_space<vmem>> -> memref<128xi32, #tpu.memory_space<vmem>>
    %dma_wait3A_380 = arith.constant 0 : i32
    %dma_wait3A_381 = arith.constant 0 : i32
    %dma_wait3A_382 = tpu.memref_slice %arg7[%dma_wait3A_380, %dma_wait3A_381] : memref<16384x128xf32, #tpu.memory_space<hbm>> -> memref<16384x128xf32, #tpu.memory_space<hbm>>
    tpu.wait_indirect_dma semaphore(%arg24 : memref<!tpu.dma_semaphore, #tpu.memory_space<semaphore_mem>>) src(%dma_wait3A_376 : memref<128x128xf32, #tpu.memory_space<vmem>>) dst(%dma_wait3A_382 : memref<16384x128xf32, #tpu.memory_space<hbm>>)
    %dma_start3A_383 = arith.constant 3 : i32
    %dma_start3A_384 = arith.constant 384 : i32
    %dma_start3A_385 = arith.constant 0 : i32
    %dma_start3A_386 = tpu.memref_slice %arg11[%dma_start3A_384, %dma_start3A_385] : memref<512x128xf32, #tpu.memory_space<vmem>> -> memref<128x128xf32, #tpu.memory_space<vmem>>
    %dma_start3A_387 = arith.constant 0 : i32
    %dma_start3A_388 = tpu.memref_slice %arg10[%dma_start3A_383, %dma_start3A_387] : memref<4x128xi32, #tpu.memory_space<vmem>> -> memref<1x128xi32, #tpu.memory_space<vmem>>
    %dma_start3A_389 = tpu.memref_squeeze %dma_start3A_388 : memref<1x128xi32, #tpu.memory_space<vmem>> -> memref<128xi32, #tpu.memory_space<vmem>>
    %dma_start3A_390 = arith.constant 0 : i32
    %dma_start3A_391 = arith.constant 0 : i32
    %dma_start3A_392 = tpu.memref_slice %arg7[%dma_start3A_390, %dma_start3A_391] : memref<16384x128xf32, #tpu.memory_space<hbm>> -> memref<16384x128xf32, #tpu.memory_space<hbm>>
    tpu.enqueue_indirect_dma source(%dma_start3A_386 : memref<128x128xf32, #tpu.memory_space<vmem>>) target(%dma_start3A_392 : memref<16384x128xf32, #tpu.memory_space<hbm>>) offsets(%dma_start3A_389 : memref<128xi32, #tpu.memory_space<vmem>>) semaphore(%arg24 : memref<!tpu.dma_semaphore, #tpu.memory_space<semaphore_mem>>)
    %dma_wait3A_393 = arith.constant 3 : i32
    %dma_wait3A_394 = arith.constant 384 : i32
    %dma_wait3A_395 = arith.constant 0 : i32
    %dma_wait3A_396 = tpu.memref_slice %arg11[%dma_wait3A_394, %dma_wait3A_395] : memref<512x128xf32, #tpu.memory_space<vmem>> -> memref<128x128xf32, #tpu.memory_space<vmem>>
    %dma_wait3A_397 = arith.constant 0 : i32
    %dma_wait3A_398 = tpu.memref_slice %arg10[%dma_wait3A_393, %dma_wait3A_397] : memref<4x128xi32, #tpu.memory_space<vmem>> -> memref<1x128xi32, #tpu.memory_space<vmem>>
    %dma_wait3A_399 = tpu.memref_squeeze %dma_wait3A_398 : memref<1x128xi32, #tpu.memory_space<vmem>> -> memref<128xi32, #tpu.memory_space<vmem>>
    %dma_wait3A_400 = arith.constant 0 : i32
    %dma_wait3A_401 = arith.constant 0 : i32
    %dma_wait3A_402 = tpu.memref_slice %arg7[%dma_wait3A_400, %dma_wait3A_401] : memref<16384x128xf32, #tpu.memory_space<hbm>> -> memref<16384x128xf32, #tpu.memory_space<hbm>>
    tpu.wait_indirect_dma semaphore(%arg24 : memref<!tpu.dma_semaphore, #tpu.memory_space<semaphore_mem>>) src(%dma_wait3A_396 : memref<128x128xf32, #tpu.memory_space<vmem>>) dst(%dma_wait3A_402 : memref<16384x128xf32, #tpu.memory_space<hbm>>)
    return
  }
}

#map = affine_map<(d0, d1) -> (0, 0)>
#map1 = affine_map<(d0, d1) -> (0, 0, 0)>
module attributes {stable_mosaic.version = 14 : i64} {
  func.func @_sc_body(%arg0: i32, %arg1: i32, %arg2: memref<32x512xi32, #tpu.memory_space<hbm>>, %arg3: memref<32x512xi32, #tpu.memory_space<hbm>>, %arg4: memref<32x4x128xi32, #tpu.memory_space<hbm>>, %arg5: memref<64x1000000xf32, #tpu.memory_space<hbm>>, %arg6: memref<16x1000000xf32, #tpu.memory_space<hbm>>, %arg7: memref<16384x128xf32, #tpu.memory_space<hbm>>, %arg8: memref<528xi32, #tpu.memory_space<vmem>>, %arg9: memref<528xi32, #tpu.memory_space<vmem>>, %arg10: memref<4x128xi32, #tpu.memory_space<vmem>>, %arg11: memref<512x128xf32, #tpu.memory_space<vmem>>, %arg12: memref<5x64x128xf32, #tpu.memory_space<vmem>>, %arg13: memref<5x16x128xf32, #tpu.memory_space<vmem>>, %arg14: memref<!tpu.dma_semaphore, #tpu.memory_space<semaphore_mem>>, %arg15: memref<!tpu.dma_semaphore, #tpu.memory_space<semaphore_mem>>, %arg16: memref<!tpu.dma_semaphore, #tpu.memory_space<semaphore_mem>>, %arg17: memref<!tpu.dma_semaphore, #tpu.memory_space<semaphore_mem>>, %arg18: memref<!tpu.dma_semaphore, #tpu.memory_space<semaphore_mem>>, %arg19: memref<!tpu.dma_semaphore, #tpu.memory_space<semaphore_mem>>, %arg20: memref<!tpu.dma_semaphore, #tpu.memory_space<semaphore_mem>>, %arg21: memref<!tpu.dma_semaphore, #tpu.memory_space<semaphore_mem>>, %arg22: memref<!tpu.dma_semaphore, #tpu.memory_space<semaphore_mem>>, %arg23: memref<!tpu.dma_semaphore, #tpu.memory_space<semaphore_mem>>, %arg24: memref<!tpu.dma_semaphore, #tpu.memory_space<semaphore_mem>>) attributes {dimension_semantics = [#tpu.dimension_semantics<core_parallel>, #tpu.dimension_semantics<subcore_parallel>], iteration_bounds = array<i64: 2, 16>, scalar_prefetch = 0 : i64, scratch_operands = 17 : i64, tpu.core_type = #tpu.core_type<sc_vector_subcore>, window_params = [{transform_indices = #map}, {transform_indices = #map}, {transform_indices = #map1}, {transform_indices = #map}, {transform_indices = #map}, {transform_indices = #map}]} {
    %mul3A = arith.constant 2 : i32
    %mul3A_0 = arith.muli %arg1, %mul3A : i32
    %add3A = arith.addi %mul3A_0, %arg0 : i32
    "tpu.region"() ({
      %run_scoped3A = tpu.sem_alloc : memref<!tpu.dma_semaphore, #tpu.memory_space<semaphore_mem>>
      %dma_start3A_403 = arith.constant 0 : i32
      %dma_start3A_404 = tpu.memref_slice %arg8[%dma_start3A_403] : memref<528xi32, #tpu.memory_space<vmem>> -> memref<512xi32, #tpu.memory_space<vmem>>
      %dma_start3A_405 = arith.constant 0 : i32
      %dma_start3A_406 = tpu.memref_slice %arg2[%add3A, %dma_start3A_405] : memref<32x512xi32, #tpu.memory_space<hbm>> -> memref<1x512xi32, #tpu.memory_space<hbm>>
      %dma_start3A_407 = tpu.memref_squeeze %dma_start3A_406 : memref<1x512xi32, #tpu.memory_space<hbm>> -> memref<512xi32, #tpu.memory_space<hbm>>
      %dma_start3A_408 = arith.constant 0 : i32
      %dma_start3A_409 = tpu.memref_slice %arg8[%dma_start3A_408] : memref<528xi32, #tpu.memory_space<vmem>> -> memref<512xi32, #tpu.memory_space<vmem>>
      %dma_start3A_410 = arith.constant 0 : i32
      %dma_start3A_411 = tpu.memref_slice %arg2[%add3A, %dma_start3A_410] : memref<32x512xi32, #tpu.memory_space<hbm>> -> memref<1x512xi32, #tpu.memory_space<hbm>>
      %dma_start3A_412 = tpu.memref_squeeze %dma_start3A_411 : memref<1x512xi32, #tpu.memory_space<hbm>> -> memref<512xi32, #tpu.memory_space<hbm>>
      tpu.enqueue_dma source(%dma_start3A_412 : memref<512xi32, #tpu.memory_space<hbm>>) target(%dma_start3A_409 : memref<512xi32, #tpu.memory_space<vmem>>) target_semaphore(%run_scoped3A : memref<!tpu.dma_semaphore, #tpu.memory_space<semaphore_mem>>)
      %dma_wait3A_413 = arith.constant 0 : i32
      %dma_wait3A_414 = tpu.memref_slice %arg8[%dma_wait3A_413] : memref<528xi32, #tpu.memory_space<vmem>> -> memref<512xi32, #tpu.memory_space<vmem>>
      %dma_wait3A_415 = arith.constant 0 : i32
      %dma_wait3A_416 = tpu.memref_slice %arg2[%add3A, %dma_wait3A_415] : memref<32x512xi32, #tpu.memory_space<hbm>> -> memref<1x512xi32, #tpu.memory_space<hbm>>
      %dma_wait3A_417 = tpu.memref_squeeze %dma_wait3A_416 : memref<1x512xi32, #tpu.memory_space<hbm>> -> memref<512xi32, #tpu.memory_space<hbm>>
      %dma_wait3A_418 = arith.constant 0 : i32
      %dma_wait3A_419 = tpu.memref_slice %arg8[%dma_wait3A_418] : memref<528xi32, #tpu.memory_space<vmem>> -> memref<512xi32, #tpu.memory_space<vmem>>
      %dma_wait3A_420 = arith.constant 0 : i32
      %dma_wait3A_421 = tpu.memref_slice %arg2[%add3A, %dma_wait3A_420] : memref<32x512xi32, #tpu.memory_space<hbm>> -> memref<1x512xi32, #tpu.memory_space<hbm>>
      %dma_wait3A_422 = tpu.memref_squeeze %dma_wait3A_421 : memref<1x512xi32, #tpu.memory_space<hbm>> -> memref<512xi32, #tpu.memory_space<hbm>>
      tpu.wait_dma2 semaphore(%run_scoped3A : memref<!tpu.dma_semaphore, #tpu.memory_space<semaphore_mem>>) src(%dma_wait3A_422 : memref<512xi32, #tpu.memory_space<hbm>>) dst(%dma_wait3A_419 : memref<512xi32, #tpu.memory_space<vmem>>)
      tpu.yield
    }) : () -> ()
    "tpu.region"() ({
      %run_scoped3A = tpu.sem_alloc : memref<!tpu.dma_semaphore, #tpu.memory_space<semaphore_mem>>
      %dma_start3A_403 = arith.constant 0 : i32
      %dma_start3A_404 = tpu.memref_slice %arg9[%dma_start3A_403] : memref<528xi32, #tpu.memory_space<vmem>> -> memref<512xi32, #tpu.memory_space<vmem>>
      %dma_start3A_405 = arith.constant 0 : i32
      %dma_start3A_406 = tpu.memref_slice %arg3[%add3A, %dma_start3A_405] : memref<32x512xi32, #tpu.memory_space<hbm>> -> memref<1x512xi32, #tpu.memory_space<hbm>>
      %dma_start3A_407 = tpu.memref_squeeze %dma_start3A_406 : memref<1x512xi32, #tpu.memory_space<hbm>> -> memref<512xi32, #tpu.memory_space<hbm>>
      %dma_start3A_408 = arith.constant 0 : i32
      %dma_start3A_409 = tpu.memref_slice %arg9[%dma_start3A_408] : memref<528xi32, #tpu.memory_space<vmem>> -> memref<512xi32, #tpu.memory_space<vmem>>
      %dma_start3A_410 = arith.constant 0 : i32
      %dma_start3A_411 = tpu.memref_slice %arg3[%add3A, %dma_start3A_410] : memref<32x512xi32, #tpu.memory_space<hbm>> -> memref<1x512xi32, #tpu.memory_space<hbm>>
      %dma_start3A_412 = tpu.memref_squeeze %dma_start3A_411 : memref<1x512xi32, #tpu.memory_space<hbm>> -> memref<512xi32, #tpu.memory_space<hbm>>
      tpu.enqueue_dma source(%dma_start3A_412 : memref<512xi32, #tpu.memory_space<hbm>>) target(%dma_start3A_409 : memref<512xi32, #tpu.memory_space<vmem>>) target_semaphore(%run_scoped3A : memref<!tpu.dma_semaphore, #tpu.memory_space<semaphore_mem>>)
      %dma_wait3A_413 = arith.constant 0 : i32
      %dma_wait3A_414 = tpu.memref_slice %arg9[%dma_wait3A_413] : memref<528xi32, #tpu.memory_space<vmem>> -> memref<512xi32, #tpu.memory_space<vmem>>
      %dma_wait3A_415 = arith.constant 0 : i32
      %dma_wait3A_416 = tpu.memref_slice %arg3[%add3A, %dma_wait3A_415] : memref<32x512xi32, #tpu.memory_space<hbm>> -> memref<1x512xi32, #tpu.memory_space<hbm>>
      %dma_wait3A_417 = tpu.memref_squeeze %dma_wait3A_416 : memref<1x512xi32, #tpu.memory_space<hbm>> -> memref<512xi32, #tpu.memory_space<hbm>>
      %dma_wait3A_418 = arith.constant 0 : i32
      %dma_wait3A_419 = tpu.memref_slice %arg9[%dma_wait3A_418] : memref<528xi32, #tpu.memory_space<vmem>> -> memref<512xi32, #tpu.memory_space<vmem>>
      %dma_wait3A_420 = arith.constant 0 : i32
      %dma_wait3A_421 = tpu.memref_slice %arg3[%add3A, %dma_wait3A_420] : memref<32x512xi32, #tpu.memory_space<hbm>> -> memref<1x512xi32, #tpu.memory_space<hbm>>
      %dma_wait3A_422 = tpu.memref_squeeze %dma_wait3A_421 : memref<1x512xi32, #tpu.memory_space<hbm>> -> memref<512xi32, #tpu.memory_space<hbm>>
      tpu.wait_dma2 semaphore(%run_scoped3A : memref<!tpu.dma_semaphore, #tpu.memory_space<semaphore_mem>>) src(%dma_wait3A_422 : memref<512xi32, #tpu.memory_space<hbm>>) dst(%dma_wait3A_419 : memref<512xi32, #tpu.memory_space<vmem>>)
      tpu.yield
    }) : () -> ()
    "tpu.region"() ({
      %run_scoped3A = tpu.sem_alloc : memref<!tpu.dma_semaphore, #tpu.memory_space<semaphore_mem>>
      %dma_start3A_403 = arith.constant 0 : i32
      %dma_start3A_404 = arith.constant 0 : i32
      %dma_start3A_405 = tpu.memref_slice %arg4[%add3A, %dma_start3A_403, %dma_start3A_404] : memref<32x4x128xi32, #tpu.memory_space<hbm>> -> memref<1x4x128xi32, #tpu.memory_space<hbm>>
      %dma_start3A_406 = tpu.memref_squeeze %dma_start3A_405 : memref<1x4x128xi32, #tpu.memory_space<hbm>> -> memref<4x128xi32, #tpu.memory_space<hbm>>
      %dma_start3A_407 = arith.constant 0 : i32
      %dma_start3A_408 = arith.constant 0 : i32
      %dma_start3A_409 = tpu.memref_slice %arg4[%add3A, %dma_start3A_407, %dma_start3A_408] : memref<32x4x128xi32, #tpu.memory_space<hbm>> -> memref<1x4x128xi32, #tpu.memory_space<hbm>>
      %dma_start3A_410 = tpu.memref_squeeze %dma_start3A_409 : memref<1x4x128xi32, #tpu.memory_space<hbm>> -> memref<4x128xi32, #tpu.memory_space<hbm>>
      tpu.enqueue_dma source(%dma_start3A_410 : memref<4x128xi32, #tpu.memory_space<hbm>>) target(%arg10 : memref<4x128xi32, #tpu.memory_space<vmem>>) target_semaphore(%run_scoped3A : memref<!tpu.dma_semaphore, #tpu.memory_space<semaphore_mem>>)
      %dma_wait3A_411 = arith.constant 0 : i32
      %dma_wait3A_412 = arith.constant 0 : i32
      %dma_wait3A_413 = tpu.memref_slice %arg4[%add3A, %dma_wait3A_411, %dma_wait3A_412] : memref<32x4x128xi32, #tpu.memory_space<hbm>> -> memref<1x4x128xi32, #tpu.memory_space<hbm>>
      %dma_wait3A_414 = tpu.memref_squeeze %dma_wait3A_413 : memref<1x4x128xi32, #tpu.memory_space<hbm>> -> memref<4x128xi32, #tpu.memory_space<hbm>>
      %dma_wait3A_415 = arith.constant 0 : i32
      %dma_wait3A_416 = arith.constant 0 : i32
      %dma_wait3A_417 = tpu.memref_slice %arg4[%add3A, %dma_wait3A_415, %dma_wait3A_416] : memref<32x4x128xi32, #tpu.memory_space<hbm>> -> memref<1x4x128xi32, #tpu.memory_space<hbm>>
      %dma_wait3A_418 = tpu.memref_squeeze %dma_wait3A_417 : memref<1x4x128xi32, #tpu.memory_space<hbm>> -> memref<4x128xi32, #tpu.memory_space<hbm>>
      tpu.wait_dma2 semaphore(%run_scoped3A : memref<!tpu.dma_semaphore, #tpu.memory_space<semaphore_mem>>) src(%dma_wait3A_418 : memref<4x128xi32, #tpu.memory_space<hbm>>) dst(%arg10 : memref<4x128xi32, #tpu.memory_space<vmem>>)
      tpu.yield
    }) : () -> ()
    %min3A = arith.constant 0 : i32
    %min3A_1 = arith.constant 511 : i32
    %min3A_2 = arith.minsi %min3A, %min3A_1 : i32
    %get3A = arith.index_cast %min3A_2 : i32 to index
    %get3A_3 = tpu.vector_load %arg9[%get3A] {strides = array<i32>} : memref<528xi32, #tpu.memory_space<vmem>>, vector<16xi32>,
    %slice3A = vector.extract_strided_slice %get3A_3 {offsets = [0], sizes = [1], strides = [1]} : vector<16xi32> to vector<1xi32>
    %squeeze3A = vector.extract %slice3A[0] : i32 from vector<1xi32>
    %mul3A_4 = arith.constant 128 : i32
    %mul3A_5 = arith.muli %squeeze3A, %mul3A_4 : i32
    %multiple_of3A = tpu.assume_multiple %mul3A_5, 128 : i32
    %dma_start3A = arith.constant 0 : i32
    %dma_start3A_6 = arith.constant 0 : i32
    %dma_start3A_7 = arith.constant 0 : i32
    %dma_start3A_8 = tpu.memref_slice %arg12[%dma_start3A, %dma_start3A_6, %dma_start3A_7] : memref<5x64x128xf32, #tpu.memory_space<vmem>> -> memref<1x64x128xf32, #tpu.memory_space<vmem>>
    %dma_start3A_9 = tpu.memref_squeeze %dma_start3A_8 : memref<1x64x128xf32, #tpu.memory_space<vmem>> -> memref<64x128xf32, #tpu.memory_space<vmem>>
    %dma_start3A_10 = arith.constant 0 : i32
    %dma_start3A_11 = tpu.memref_slice %arg5[%dma_start3A_10, %multiple_of3A] : memref<64x1000000xf32, #tpu.memory_space<hbm>> -> memref<64x128xf32, #tpu.memory_space<hbm>>
    %dma_start3A_12 = arith.constant 0 : i32
    %dma_start3A_13 = arith.constant 0 : i32
    %dma_start3A_14 = tpu.memref_slice %arg12[%dma_start3A, %dma_start3A_12, %dma_start3A_13] : memref<5x64x128xf32, #tpu.memory_space<vmem>> -> memref<1x64x128xf32, #tpu.memory_space<vmem>>
    %dma_start3A_15 = tpu.memref_squeeze %dma_start3A_14 : memref<1x64x128xf32, #tpu.memory_space<vmem>> -> memref<64x128xf32, #tpu.memory_space<vmem>>
    %dma_start3A_16 = arith.constant 0 : i32
    %dma_start3A_17 = tpu.memref_slice %arg5[%dma_start3A_16, %multiple_of3A] : memref<64x1000000xf32, #tpu.memory_space<hbm>> -> memref<64x128xf32, #tpu.memory_space<hbm>>
    tpu.enqueue_dma source(%dma_start3A_17 : memref<64x128xf32, #tpu.memory_space<hbm>>) target(%dma_start3A_15 : memref<64x128xf32, #tpu.memory_space<vmem>>) target_semaphore(%arg14 : memref<!tpu.dma_semaphore, #tpu.memory_space<semaphore_mem>>)
    %dma_start3A_18 = arith.constant 0 : i32
    %dma_start3A_19 = arith.constant 0 : i32
    %dma_start3A_20 = arith.constant 0 : i32
    %dma_start3A_21 = tpu.memref_slice %arg13[%dma_start3A_18, %dma_start3A_19, %dma_start3A_20] : memref<5x16x128xf32, #tpu.memory_space<vmem>> -> memref<1x16x128xf32, #tpu.memory_space<vmem>>
    %dma_start3A_22 = tpu.memref_squeeze %dma_start3A_21 : memref<1x16x128xf32, #tpu.memory_space<vmem>> -> memref<16x128xf32, #tpu.memory_space<vmem>>
    %dma_start3A_23 = arith.constant 0 : i32
    %dma_start3A_24 = tpu.memref_slice %arg6[%dma_start3A_23, %multiple_of3A] : memref<16x1000000xf32, #tpu.memory_space<hbm>> -> memref<16x128xf32, #tpu.memory_space<hbm>>
    %dma_start3A_25 = arith.constant 0 : i32
    %dma_start3A_26 = arith.constant 0 : i32
    %dma_start3A_27 = tpu.memref_slice %arg13[%dma_start3A_18, %dma_start3A_25, %dma_start3A_26] : memref<5x16x128xf32, #tpu.memory_space<vmem>> -> memref<1x16x128xf32, #tpu.memory_space<vmem>>
    %dma_start3A_28 = tpu.memref_squeeze %dma_start3A_27 : memref<1x16x128xf32, #tpu.memory_space<vmem>> -> memref<16x128xf32, #tpu.memory_space<vmem>>
    %dma_start3A_29 = arith.constant 0 : i32
    %dma_start3A_30 = tpu.memref_slice %arg6[%dma_start3A_29, %multiple_of3A] : memref<16x1000000xf32, #tpu.memory_space<hbm>> -> memref<16x128xf32, #tpu.memory_space<hbm>>
    tpu.enqueue_dma source(%dma_start3A_30 : memref<16x128xf32, #tpu.memory_space<hbm>>) target(%dma_start3A_28 : memref<16x128xf32, #tpu.memory_space<vmem>>) target_semaphore(%arg19 : memref<!tpu.dma_semaphore, #tpu.memory_space<semaphore_mem>>)
    %min3A_31 = arith.constant 1 : i32
    %min3A_32 = arith.constant 511 : i32
    %min3A_33 = arith.minsi %min3A_31, %min3A_32 : i32
    %get3A_34 = arith.index_cast %min3A_33 : i32 to index
    %get3A_35 = tpu.vector_load %arg9[%get3A_34] {strides = array<i32>} : memref<528xi32, #tpu.memory_space<vmem>>, vector<16xi32>,
    %slice3A_36 = vector.extract_strided_slice %get3A_35 {offsets = [0], sizes = [1], strides = [1]} : vector<16xi32> to vector<1xi32>
    %squeeze3A_37 = vector.extract %slice3A_36[0] : i32 from vector<1xi32>
    %mul3A_38 = arith.constant 128 : i32
    %mul3A_39 = arith.muli %squeeze3A_37, %mul3A_38 : i32
    %multiple_of3A_40 = tpu.assume_multiple %mul3A_39, 128 : i32
    %dma_start3A_41 = arith.constant 1 : i32
    %dma_start3A_42 = arith.constant 0 : i32
    %dma_start3A_43 = arith.constant 0 : i32
    %dma_start3A_44 = tpu.memref_slice %arg12[%dma_start3A_41, %dma_start3A_42, %dma_start3A_43] : memref<5x64x128xf32, #tpu.memory_space<vmem>> -> memref<1x64x128xf32, #tpu.memory_space<vmem>>
    %dma_start3A_45 = tpu.memref_squeeze %dma_start3A_44 : memref<1x64x128xf32, #tpu.memory_space<vmem>> -> memref<64x128xf32, #tpu.memory_space<vmem>>
    %dma_start3A_46 = arith.constant 0 : i32
    %dma_start3A_47 = tpu.memref_slice %arg5[%dma_start3A_46, %multiple_of3A_40] : memref<64x1000000xf32, #tpu.memory_space<hbm>> -> memref<64x128xf32, #tpu.memory_space<hbm>>
    %dma_start3A_48 = arith.constant 0 : i32
    %dma_start3A_49 = arith.constant 0 : i32
    %dma_start3A_50 = tpu.memref_slice %arg12[%dma_start3A_41, %dma_start3A_48, %dma_start3A_49] : memref<5x64x128xf32, #tpu.memory_space<vmem>> -> memref<1x64x128xf32, #tpu.memory_space<vmem>>
    %dma_start3A_51 = tpu.memref_squeeze %dma_start3A_50 : memref<1x64x128xf32, #tpu.memory_space<vmem>> -> memref<64x128xf32, #tpu.memory_space<vmem>>
    %dma_start3A_52 = arith.constant 0 : i32
    %dma_start3A_53 = tpu.memref_slice %arg5[%dma_start3A_52, %multiple_of3A_40] : memref<64x1000000xf32, #tpu.memory_space<hbm>> -> memref<64x128xf32, #tpu.memory_space<hbm>>
    tpu.enqueue_dma source(%dma_start3A_53 : memref<64x128xf32, #tpu.memory_space<hbm>>) target(%dma_start3A_51 : memref<64x128xf32, #tpu.memory_space<vmem>>) target_semaphore(%arg15 : memref<!tpu.dma_semaphore, #tpu.memory_space<semaphore_mem>>)
    %dma_start3A_54 = arith.constant 1 : i32
    %dma_start3A_55 = arith.constant 0 : i32
    %dma_start3A_56 = arith.constant 0 : i32
    %dma_start3A_57 = tpu.memref_slice %arg13[%dma_start3A_54, %dma_start3A_55, %dma_start3A_56] : memref<5x16x128xf32, #tpu.memory_space<vmem>> -> memref<1x16x128xf32, #tpu.memory_space<vmem>>
    %dma_start3A_58 = tpu.memref_squeeze %dma_start3A_57 : memref<1x16x128xf32, #tpu.memory_space<vmem>> -> memref<16x128xf32, #tpu.memory_space<vmem>>
    %dma_start3A_59 = arith.constant 0 : i32
    %dma_start3A_60 = tpu.memref_slice %arg6[%dma_start3A_59, %multiple_of3A_40] : memref<16x1000000xf32, #tpu.memory_space<hbm>> -> memref<16x128xf32, #tpu.memory_space<hbm>>
    %dma_start3A_61 = arith.constant 0 : i32
    %dma_start3A_62 = arith.constant 0 : i32
    %dma_start3A_63 = tpu.memref_slice %arg13[%dma_start3A_54, %dma_start3A_61, %dma_start3A_62] : memref<5x16x128xf32, #tpu.memory_space<vmem>> -> memref<1x16x128xf32, #tpu.memory_space<vmem>>
    %dma_start3A_64 = tpu.memref_squeeze %dma_start3A_63 : memref<1x16x128xf32, #tpu.memory_space<vmem>> -> memref<16x128xf32, #tpu.memory_space<vmem>>
    %dma_start3A_65 = arith.constant 0 : i32
    %dma_start3A_66 = tpu.memref_slice %arg6[%dma_start3A_65, %multiple_of3A_40] : memref<16x1000000xf32, #tpu.memory_space<hbm>> -> memref<16x128xf32, #tpu.memory_space<hbm>>
    tpu.enqueue_dma source(%dma_start3A_66 : memref<16x128xf32, #tpu.memory_space<hbm>>) target(%dma_start3A_64 : memref<16x128xf32, #tpu.memory_space<vmem>>) target_semaphore(%arg20 : memref<!tpu.dma_semaphore, #tpu.memory_space<semaphore_mem>>)
    %min3A_67 = arith.constant 2 : i32
    %min3A_68 = arith.constant 511 : i32
    %min3A_69 = arith.minsi %min3A_67, %min3A_68 : i32
    %get3A_70 = arith.index_cast %min3A_69 : i32 to index
    %get3A_71 = tpu.vector_load %arg9[%get3A_70] {strides = array<i32>} : memref<528xi32, #tpu.memory_space<vmem>>, vector<16xi32>,
    %slice3A_72 = vector.extract_strided_slice %get3A_71 {offsets = [0], sizes = [1], strides = [1]} : vector<16xi32> to vector<1xi32>
    %squeeze3A_73 = vector.extract %slice3A_72[0] : i32 from vector<1xi32>
    %mul3A_74 = arith.constant 128 : i32
    %mul3A_75 = arith.muli %squeeze3A_73, %mul3A_74 : i32
    %multiple_of3A_76 = tpu.assume_multiple %mul3A_75, 128 : i32
    %dma_start3A_77 = arith.constant 2 : i32
    %dma_start3A_78 = arith.constant 0 : i32
    %dma_start3A_79 = arith.constant 0 : i32
    %dma_start3A_80 = tpu.memref_slice %arg12[%dma_start3A_77, %dma_start3A_78, %dma_start3A_79] : memref<5x64x128xf32, #tpu.memory_space<vmem>> -> memref<1x64x128xf32, #tpu.memory_space<vmem>>
    %dma_start3A_81 = tpu.memref_squeeze %dma_start3A_80 : memref<1x64x128xf32, #tpu.memory_space<vmem>> -> memref<64x128xf32, #tpu.memory_space<vmem>>
    %dma_start3A_82 = arith.constant 0 : i32
    %dma_start3A_83 = tpu.memref_slice %arg5[%dma_start3A_82, %multiple_of3A_76] : memref<64x1000000xf32, #tpu.memory_space<hbm>> -> memref<64x128xf32, #tpu.memory_space<hbm>>
    %dma_start3A_84 = arith.constant 0 : i32
    %dma_start3A_85 = arith.constant 0 : i32
    %dma_start3A_86 = tpu.memref_slice %arg12[%dma_start3A_77, %dma_start3A_84, %dma_start3A_85] : memref<5x64x128xf32, #tpu.memory_space<vmem>> -> memref<1x64x128xf32, #tpu.memory_space<vmem>>
    %dma_start3A_87 = tpu.memref_squeeze %dma_start3A_86 : memref<1x64x128xf32, #tpu.memory_space<vmem>> -> memref<64x128xf32, #tpu.memory_space<vmem>>
    %dma_start3A_88 = arith.constant 0 : i32
    %dma_start3A_89 = tpu.memref_slice %arg5[%dma_start3A_88, %multiple_of3A_76] : memref<64x1000000xf32, #tpu.memory_space<hbm>> -> memref<64x128xf32, #tpu.memory_space<hbm>>
    tpu.enqueue_dma source(%dma_start3A_89 : memref<64x128xf32, #tpu.memory_space<hbm>>) target(%dma_start3A_87 : memref<64x128xf32, #tpu.memory_space<vmem>>) target_semaphore(%arg16 : memref<!tpu.dma_semaphore, #tpu.memory_space<semaphore_mem>>)
    %dma_start3A_90 = arith.constant 2 : i32
    %dma_start3A_91 = arith.constant 0 : i32
    %dma_start3A_92 = arith.constant 0 : i32
    %dma_start3A_93 = tpu.memref_slice %arg13[%dma_start3A_90, %dma_start3A_91, %dma_start3A_92] : memref<5x16x128xf32, #tpu.memory_space<vmem>> -> memref<1x16x128xf32, #tpu.memory_space<vmem>>
    %dma_start3A_94 = tpu.memref_squeeze %dma_start3A_93 : memref<1x16x128xf32, #tpu.memory_space<vmem>> -> memref<16x128xf32, #tpu.memory_space<vmem>>
    %dma_start3A_95 = arith.constant 0 : i32
    %dma_start3A_96 = tpu.memref_slice %arg6[%dma_start3A_95, %multiple_of3A_76] : memref<16x1000000xf32, #tpu.memory_space<hbm>> -> memref<16x128xf32, #tpu.memory_space<hbm>>
    %dma_start3A_97 = arith.constant 0 : i32
    %dma_start3A_98 = arith.constant 0 : i32
    %dma_start3A_99 = tpu.memref_slice %arg13[%dma_start3A_90, %dma_start3A_97, %dma_start3A_98] : memref<5x16x128xf32, #tpu.memory_space<vmem>> -> memref<1x16x128xf32, #tpu.memory_space<vmem>>
    %dma_start3A_100 = tpu.memref_squeeze %dma_start3A_99 : memref<1x16x128xf32, #tpu.memory_space<vmem>> -> memref<16x128xf32, #tpu.memory_space<vmem>>
    %dma_start3A_101 = arith.constant 0 : i32
    %dma_start3A_102 = tpu.memref_slice %arg6[%dma_start3A_101, %multiple_of3A_76] : memref<16x1000000xf32, #tpu.memory_space<hbm>> -> memref<16x128xf32, #tpu.memory_space<hbm>>
    tpu.enqueue_dma source(%dma_start3A_102 : memref<16x128xf32, #tpu.memory_space<hbm>>) target(%dma_start3A_100 : memref<16x128xf32, #tpu.memory_space<vmem>>) target_semaphore(%arg21 : memref<!tpu.dma_semaphore, #tpu.memory_space<semaphore_mem>>)
    %min3A_103 = arith.constant 3 : i32
    %min3A_104 = arith.constant 511 : i32
    %min3A_105 = arith.minsi %min3A_103, %min3A_104 : i32
    %get3A_106 = arith.index_cast %min3A_105 : i32 to index
    %get3A_107 = tpu.vector_load %arg9[%get3A_106] {strides = array<i32>} : memref<528xi32, #tpu.memory_space<vmem>>, vector<16xi32>,
    %slice3A_108 = vector.extract_strided_slice %get3A_107 {offsets = [0], sizes = [1], strides = [1]} : vector<16xi32> to vector<1xi32>
    %squeeze3A_109 = vector.extract %slice3A_108[0] : i32 from vector<1xi32>
    %mul3A_110 = arith.constant 128 : i32
    %mul3A_111 = arith.muli %squeeze3A_109, %mul3A_110 : i32
    %multiple_of3A_112 = tpu.assume_multiple %mul3A_111, 128 : i32
    %dma_start3A_113 = arith.constant 3 : i32
    %dma_start3A_114 = arith.constant 0 : i32
    %dma_start3A_115 = arith.constant 0 : i32
    %dma_start3A_116 = tpu.memref_slice %arg12[%dma_start3A_113, %dma_start3A_114, %dma_start3A_115] : memref<5x64x128xf32, #tpu.memory_space<vmem>> -> memref<1x64x128xf32, #tpu.memory_space<vmem>>
    %dma_start3A_117 = tpu.memref_squeeze %dma_start3A_116 : memref<1x64x128xf32, #tpu.memory_space<vmem>> -> memref<64x128xf32, #tpu.memory_space<vmem>>
    %dma_start3A_118 = arith.constant 0 : i32
    %dma_start3A_119 = tpu.memref_slice %arg5[%dma_start3A_118, %multiple_of3A_112] : memref<64x1000000xf32, #tpu.memory_space<hbm>> -> memref<64x128xf32, #tpu.memory_space<hbm>>
    %dma_start3A_120 = arith.constant 0 : i32
    %dma_start3A_121 = arith.constant 0 : i32
    %dma_start3A_122 = tpu.memref_slice %arg12[%dma_start3A_113, %dma_start3A_120, %dma_start3A_121] : memref<5x64x128xf32, #tpu.memory_space<vmem>> -> memref<1x64x128xf32, #tpu.memory_space<vmem>>
    %dma_start3A_123 = tpu.memref_squeeze %dma_start3A_122 : memref<1x64x128xf32, #tpu.memory_space<vmem>> -> memref<64x128xf32, #tpu.memory_space<vmem>>
    %dma_start3A_124 = arith.constant 0 : i32
    %dma_start3A_125 = tpu.memref_slice %arg5[%dma_start3A_124, %multiple_of3A_112] : memref<64x1000000xf32, #tpu.memory_space<hbm>> -> memref<64x128xf32, #tpu.memory_space<hbm>>
    tpu.enqueue_dma source(%dma_start3A_125 : memref<64x128xf32, #tpu.memory_space<hbm>>) target(%dma_start3A_123 : memref<64x128xf32, #tpu.memory_space<vmem>>) target_semaphore(%arg17 : memref<!tpu.dma_semaphore, #tpu.memory_space<semaphore_mem>>)
    %dma_start3A_126 = arith.constant 3 : i32
    %dma_start3A_127 = arith.constant 0 : i32
    %dma_start3A_128 = arith.constant 0 : i32
    %dma_start3A_129 = tpu.memref_slice %arg13[%dma_start3A_126, %dma_start3A_127, %dma_start3A_128] : memref<5x16x128xf32, #tpu.memory_space<vmem>> -> memref<1x16x128xf32, #tpu.memory_space<vmem>>
    %dma_start3A_130 = tpu.memref_squeeze %dma_start3A_129 : memref<1x16x128xf32, #tpu.memory_space<vmem>> -> memref<16x128xf32, #tpu.memory_space<vmem>>
    %dma_start3A_131 = arith.constant 0 : i32
    %dma_start3A_132 = tpu.memref_slice %arg6[%dma_start3A_131, %multiple_of3A_112] : memref<16x1000000xf32, #tpu.memory_space<hbm>> -> memref<16x128xf32, #tpu.memory_space<hbm>>
    %dma_start3A_133 = arith.constant 0 : i32
    %dma_start3A_134 = arith.constant 0 : i32
    %dma_start3A_135 = tpu.memref_slice %arg13[%dma_start3A_126, %dma_start3A_133, %dma_start3A_134] : memref<5x16x128xf32, #tpu.memory_space<vmem>> -> memref<1x16x128xf32, #tpu.memory_space<vmem>>
    %dma_start3A_136 = tpu.memref_squeeze %dma_start3A_135 : memref<1x16x128xf32, #tpu.memory_space<vmem>> -> memref<16x128xf32, #tpu.memory_space<vmem>>
    %dma_start3A_137 = arith.constant 0 : i32
    %dma_start3A_138 = tpu.memref_slice %arg6[%dma_start3A_137, %multiple_of3A_112] : memref<16x1000000xf32, #tpu.memory_space<hbm>> -> memref<16x128xf32, #tpu.memory_space<hbm>>
    tpu.enqueue_dma source(%dma_start3A_138 : memref<16x128xf32, #tpu.memory_space<hbm>>) target(%dma_start3A_136 : memref<16x128xf32, #tpu.memory_space<vmem>>) target_semaphore(%arg22 : memref<!tpu.dma_semaphore, #tpu.memory_space<semaphore_mem>>)
    %iota3A = tpu.iota {dimensions = array<i32: 0>} : vector<16xi32>
    %add3A_139 = arith.constant 0 : i32
    %add3A_140 = vector.broadcast %add3A_139 : i32 to vector<16xi32>
    %add3A_141 = arith.addi %iota3A, %add3A_140 : vector<16xi32>
    %iota3A_142 = tpu.iota {dimensions = array<i32: 0>} : vector<16xi32>
    %add3A_143 = arith.constant 16 : i32
    %add3A_144 = vector.broadcast %add3A_143 : i32 to vector<16xi32>
    %add3A_145 = arith.addi %iota3A_142, %add3A_144 : vector<16xi32>
    %iota3A_146 = tpu.iota {dimensions = array<i32: 0>} : vector<16xi32>
    %add3A_147 = arith.constant 32 : i32
    %add3A_148 = vector.broadcast %add3A_147 : i32 to vector<16xi32>
    %add3A_149 = arith.addi %iota3A_146, %add3A_148 : vector<16xi32>
    %iota3A_150 = tpu.iota {dimensions = array<i32: 0>} : vector<16xi32>
    %add3A_151 = arith.constant 48 : i32
    %add3A_152 = vector.broadcast %add3A_151 : i32 to vector<16xi32>
    %add3A_153 = arith.addi %iota3A_150, %add3A_152 : vector<16xi32>
    %iota3A_154 = tpu.iota {dimensions = array<i32: 0>} : vector<16xi32>
    %scan3A = arith.constant -1 : i32
    %scan3A_155 = arith.constant 0 : i32
    %scan3A_156 = arith.constant 512 : i32
    %scan3A_157 = arith.addi %scan3A_155, %scan3A_156 : i32
    %scan3A_158 = arith.constant 1 : i32
    %scan3A_159 = scf.for %scan3A_403 = %scan3A_155 to %scan3A_157 step %scan3A_158 iter_args(%scan3A_404 = %scan3A) -> (i32)  : i32 {
      %get3A_405 = arith.index_cast %scan3A_403 : i32 to index
      %get3A_406 = tpu.vector_load %arg8[%get3A_405] {strides = array<i32>} : memref<528xi32, #tpu.memory_space<vmem>>, vector<16xi32>,
      %slice3A_407 = vector.extract_strided_slice %get3A_406 {offsets = [0], sizes = [1], strides = [1]} : vector<16xi32> to vector<1xi32>
      %squeeze3A_408 = vector.extract %slice3A_407[0] : i32 from vector<1xi32>
      %shift_right_arithmetic3A = arith.constant 7 : i32
      %shift_right_arithmetic3A_409 = arith.shrsi %squeeze3A_408, %shift_right_arithmetic3A : i32
      %and3A_410 = arith.constant 127 : i32
      %and3A_411 = arith.andi %squeeze3A_408, %and3A_410 : i32
      %gt3A = arith.cmpi sgt, %shift_right_arithmetic3A_409, %scan3A_404 : i32
      %convert_element_type3A_412 = arith.extui %gt3A : i1 to i32
      %cond3A_413 = arith.constant 0 : i32
      %cond3A_414 = arith.cmpi ne, %convert_element_type3A_412, %cond3A_413 : i32
      scf.if %cond3A_414 {
        %jit3A_450 = arith.constant 5 : i32
        %eq3A_451 = arith.constant 0 : i32
        %eq3A_452 = arith.cmpi eq, %jit3A_450, %eq3A_451 : i32
        %jit3A_453 = arith.constant 1 : i32
        %select_n3A_454 = arith.select %eq3A_452, %jit3A_453, %jit3A_450 : i32
        %rem3A_455 = arith.remsi %shift_right_arithmetic3A_409, %select_n3A_454 : i32
        %ne3A_456 = arith.constant 0 : i32
        %ne3A_457 = arith.cmpi ne, %rem3A_455, %ne3A_456 : i32
        %lt3A_458 = arith.constant 0 : i32
        %lt3A_459 = arith.cmpi slt, %rem3A_455, %lt3A_458 : i32
        %lt3A_460 = arith.constant 0 : i32
        %lt3A_461 = arith.cmpi slt, %select_n3A_454, %lt3A_460 : i32
        %ne3A_462 = arith.xori %lt3A_459, %lt3A_461 : i1
        %and3A_463 = arith.andi %ne3A_462, %ne3A_457 : i1
        %add3A_464 = arith.addi %rem3A_455, %select_n3A_454 : i32
        %select_n3A_465 = arith.select %and3A_463, %add3A_464, %rem3A_455 : i32
        %eq3A_466 = arith.constant 0 : i32
        %eq3A_467 = arith.cmpi eq, %select_n3A_465, %eq3A_466 : i32
        %convert_element_type3A_468 = arith.extui %eq3A_467 : i1 to i32
        %cond3A_469 = arith.constant 0 : i32
        %cond3A_470 = arith.cmpi ne, %convert_element_type3A_468, %cond3A_469 : i32
        scf.if %cond3A_470 {
          %dma_wait3A_544 = arith.constant 0 : i32
          %dma_wait3A_545 = arith.constant 0 : i32
          %dma_wait3A_546 = arith.constant 0 : i32
          %dma_wait3A_547 = tpu.memref_slice %arg12[%dma_wait3A_544, %dma_wait3A_545, %dma_wait3A_546] : memref<5x64x128xf32, #tpu.memory_space<vmem>> -> memref<1x64x128xf32, #tpu.memory_space<vmem>>
          %dma_wait3A_548 = tpu.memref_squeeze %dma_wait3A_547 : memref<1x64x128xf32, #tpu.memory_space<vmem>> -> memref<64x128xf32, #tpu.memory_space<vmem>>
          %dma_wait3A_549 = arith.constant 0 : i32
          %dma_wait3A_550 = arith.constant 0 : i32
          %dma_wait3A_551 = tpu.memref_slice %arg5[%dma_wait3A_549, %dma_wait3A_550] : memref<64x1000000xf32, #tpu.memory_space<hbm>> -> memref<64x128xf32, #tpu.memory_space<hbm>>
          %dma_wait3A_552 = arith.constant 0 : i32
          %dma_wait3A_553 = arith.constant 0 : i32
          %dma_wait3A_554 = tpu.memref_slice %arg12[%dma_wait3A_544, %dma_wait3A_552, %dma_wait3A_553] : memref<5x64x128xf32, #tpu.memory_space<vmem>> -> memref<1x64x128xf32, #tpu.memory_space<vmem>>
          %dma_wait3A_555 = tpu.memref_squeeze %dma_wait3A_554 : memref<1x64x128xf32, #tpu.memory_space<vmem>> -> memref<64x128xf32, #tpu.memory_space<vmem>>
          %dma_wait3A_556 = arith.constant 0 : i32
          %dma_wait3A_557 = arith.constant 0 : i32
          %dma_wait3A_558 = tpu.memref_slice %arg5[%dma_wait3A_556, %dma_wait3A_557] : memref<64x1000000xf32, #tpu.memory_space<hbm>> -> memref<64x128xf32, #tpu.memory_space<hbm>>
          tpu.wait_dma2 semaphore(%arg14 : memref<!tpu.dma_semaphore, #tpu.memory_space<semaphore_mem>>) src(%dma_wait3A_558 : memref<64x128xf32, #tpu.memory_space<hbm>>) dst(%dma_wait3A_555 : memref<64x128xf32, #tpu.memory_space<vmem>>)
          %dma_wait3A_559 = arith.constant 0 : i32
          %dma_wait3A_560 = arith.constant 0 : i32
          %dma_wait3A_561 = arith.constant 0 : i32
          %dma_wait3A_562 = tpu.memref_slice %arg13[%dma_wait3A_559, %dma_wait3A_560, %dma_wait3A_561] : memref<5x16x128xf32, #tpu.memory_space<vmem>> -> memref<1x16x128xf32, #tpu.memory_space<vmem>>
          %dma_wait3A_563 = tpu.memref_squeeze %dma_wait3A_562 : memref<1x16x128xf32, #tpu.memory_space<vmem>> -> memref<16x128xf32, #tpu.memory_space<vmem>>
          %dma_wait3A_564 = arith.constant 0 : i32
          %dma_wait3A_565 = arith.constant 0 : i32
          %dma_wait3A_566 = tpu.memref_slice %arg6[%dma_wait3A_564, %dma_wait3A_565] : memref<16x1000000xf32, #tpu.memory_space<hbm>> -> memref<16x128xf32, #tpu.memory_space<hbm>>
          %dma_wait3A_567 = arith.constant 0 : i32
          %dma_wait3A_568 = arith.constant 0 : i32
          %dma_wait3A_569 = tpu.memref_slice %arg13[%dma_wait3A_559, %dma_wait3A_567, %dma_wait3A_568] : memref<5x16x128xf32, #tpu.memory_space<vmem>> -> memref<1x16x128xf32, #tpu.memory_space<vmem>>
          %dma_wait3A_570 = tpu.memref_squeeze %dma_wait3A_569 : memref<1x16x128xf32, #tpu.memory_space<vmem>> -> memref<16x128xf32, #tpu.memory_space<vmem>>
          %dma_wait3A_571 = arith.constant 0 : i32
          %dma_wait3A_572 = arith.constant 0 : i32
          %dma_wait3A_573 = tpu.memref_slice %arg6[%dma_wait3A_571, %dma_wait3A_572] : memref<16x1000000xf32, #tpu.memory_space<hbm>> -> memref<16x128xf32, #tpu.memory_space<hbm>>
          tpu.wait_dma2 semaphore(%arg19 : memref<!tpu.dma_semaphore, #tpu.memory_space<semaphore_mem>>) src(%dma_wait3A_573 : memref<16x128xf32, #tpu.memory_space<hbm>>) dst(%dma_wait3A_570 : memref<16x128xf32, #tpu.memory_space<vmem>>)
        } else {
        }
        %eq3A_471 = arith.constant 1 : i32
        %eq3A_472 = arith.cmpi eq, %select_n3A_465, %eq3A_471 : i32
        %convert_element_type3A_473 = arith.extui %eq3A_472 : i1 to i32
        %cond3A_474 = arith.constant 0 : i32
        %cond3A_475 = arith.cmpi ne, %convert_element_type3A_473, %cond3A_474 : i32
        scf.if %cond3A_475 {
          %dma_wait3A_544 = arith.constant 1 : i32
          %dma_wait3A_545 = arith.constant 0 : i32
          %dma_wait3A_546 = arith.constant 0 : i32
          %dma_wait3A_547 = tpu.memref_slice %arg12[%dma_wait3A_544, %dma_wait3A_545, %dma_wait3A_546] : memref<5x64x128xf32, #tpu.memory_space<vmem>> -> memref<1x64x128xf32, #tpu.memory_space<vmem>>
          %dma_wait3A_548 = tpu.memref_squeeze %dma_wait3A_547 : memref<1x64x128xf32, #tpu.memory_space<vmem>> -> memref<64x128xf32, #tpu.memory_space<vmem>>
          %dma_wait3A_549 = arith.constant 0 : i32
          %dma_wait3A_550 = arith.constant 0 : i32
          %dma_wait3A_551 = tpu.memref_slice %arg5[%dma_wait3A_549, %dma_wait3A_550] : memref<64x1000000xf32, #tpu.memory_space<hbm>> -> memref<64x128xf32, #tpu.memory_space<hbm>>
          %dma_wait3A_552 = arith.constant 0 : i32
          %dma_wait3A_553 = arith.constant 0 : i32
          %dma_wait3A_554 = tpu.memref_slice %arg12[%dma_wait3A_544, %dma_wait3A_552, %dma_wait3A_553] : memref<5x64x128xf32, #tpu.memory_space<vmem>> -> memref<1x64x128xf32, #tpu.memory_space<vmem>>
          %dma_wait3A_555 = tpu.memref_squeeze %dma_wait3A_554 : memref<1x64x128xf32, #tpu.memory_space<vmem>> -> memref<64x128xf32, #tpu.memory_space<vmem>>
          %dma_wait3A_556 = arith.constant 0 : i32
          %dma_wait3A_557 = arith.constant 0 : i32
          %dma_wait3A_558 = tpu.memref_slice %arg5[%dma_wait3A_556, %dma_wait3A_557] : memref<64x1000000xf32, #tpu.memory_space<hbm>> -> memref<64x128xf32, #tpu.memory_space<hbm>>
          tpu.wait_dma2 semaphore(%arg15 : memref<!tpu.dma_semaphore, #tpu.memory_space<semaphore_mem>>) src(%dma_wait3A_558 : memref<64x128xf32, #tpu.memory_space<hbm>>) dst(%dma_wait3A_555 : memref<64x128xf32, #tpu.memory_space<vmem>>)
          %dma_wait3A_559 = arith.constant 1 : i32
          %dma_wait3A_560 = arith.constant 0 : i32
          %dma_wait3A_561 = arith.constant 0 : i32
          %dma_wait3A_562 = tpu.memref_slice %arg13[%dma_wait3A_559, %dma_wait3A_560, %dma_wait3A_561] : memref<5x16x128xf32, #tpu.memory_space<vmem>> -> memref<1x16x128xf32, #tpu.memory_space<vmem>>
          %dma_wait3A_563 = tpu.memref_squeeze %dma_wait3A_562 : memref<1x16x128xf32, #tpu.memory_space<vmem>> -> memref<16x128xf32, #tpu.memory_space<vmem>>
          %dma_wait3A_564 = arith.constant 0 : i32
          %dma_wait3A_565 = arith.constant 0 : i32
          %dma_wait3A_566 = tpu.memref_slice %arg6[%dma_wait3A_564, %dma_wait3A_565] : memref<16x1000000xf32, #tpu.memory_space<hbm>> -> memref<16x128xf32, #tpu.memory_space<hbm>>
          %dma_wait3A_567 = arith.constant 0 : i32
          %dma_wait3A_568 = arith.constant 0 : i32
          %dma_wait3A_569 = tpu.memref_slice %arg13[%dma_wait3A_559, %dma_wait3A_567, %dma_wait3A_568] : memref<5x16x128xf32, #tpu.memory_space<vmem>> -> memref<1x16x128xf32, #tpu.memory_space<vmem>>
          %dma_wait3A_570 = tpu.memref_squeeze %dma_wait3A_569 : memref<1x16x128xf32, #tpu.memory_space<vmem>> -> memref<16x128xf32, #tpu.memory_space<vmem>>
          %dma_wait3A_571 = arith.constant 0 : i32
          %dma_wait3A_572 = arith.constant 0 : i32
          %dma_wait3A_573 = tpu.memref_slice %arg6[%dma_wait3A_571, %dma_wait3A_572] : memref<16x1000000xf32, #tpu.memory_space<hbm>> -> memref<16x128xf32, #tpu.memory_space<hbm>>
          tpu.wait_dma2 semaphore(%arg20 : memref<!tpu.dma_semaphore, #tpu.memory_space<semaphore_mem>>) src(%dma_wait3A_573 : memref<16x128xf32, #tpu.memory_space<hbm>>) dst(%dma_wait3A_570 : memref<16x128xf32, #tpu.memory_space<vmem>>)
        } else {
        }
        %eq3A_476 = arith.constant 2 : i32
        %eq3A_477 = arith.cmpi eq, %select_n3A_465, %eq3A_476 : i32
        %convert_element_type3A_478 = arith.extui %eq3A_477 : i1 to i32
        %cond3A_479 = arith.constant 0 : i32
        %cond3A_480 = arith.cmpi ne, %convert_element_type3A_478, %cond3A_479 : i32
        scf.if %cond3A_480 {
          %dma_wait3A_544 = arith.constant 2 : i32
          %dma_wait3A_545 = arith.constant 0 : i32
          %dma_wait3A_546 = arith.constant 0 : i32
          %dma_wait3A_547 = tpu.memref_slice %arg12[%dma_wait3A_544, %dma_wait3A_545, %dma_wait3A_546] : memref<5x64x128xf32, #tpu.memory_space<vmem>> -> memref<1x64x128xf32, #tpu.memory_space<vmem>>
          %dma_wait3A_548 = tpu.memref_squeeze %dma_wait3A_547 : memref<1x64x128xf32, #tpu.memory_space<vmem>> -> memref<64x128xf32, #tpu.memory_space<vmem>>
          %dma_wait3A_549 = arith.constant 0 : i32
          %dma_wait3A_550 = arith.constant 0 : i32
          %dma_wait3A_551 = tpu.memref_slice %arg5[%dma_wait3A_549, %dma_wait3A_550] : memref<64x1000000xf32, #tpu.memory_space<hbm>> -> memref<64x128xf32, #tpu.memory_space<hbm>>
          %dma_wait3A_552 = arith.constant 0 : i32
          %dma_wait3A_553 = arith.constant 0 : i32
          %dma_wait3A_554 = tpu.memref_slice %arg12[%dma_wait3A_544, %dma_wait3A_552, %dma_wait3A_553] : memref<5x64x128xf32, #tpu.memory_space<vmem>> -> memref<1x64x128xf32, #tpu.memory_space<vmem>>
          %dma_wait3A_555 = tpu.memref_squeeze %dma_wait3A_554 : memref<1x64x128xf32, #tpu.memory_space<vmem>> -> memref<64x128xf32, #tpu.memory_space<vmem>>
          %dma_wait3A_556 = arith.constant 0 : i32
          %dma_wait3A_557 = arith.constant 0 : i32
          %dma_wait3A_558 = tpu.memref_slice %arg5[%dma_wait3A_556, %dma_wait3A_557] : memref<64x1000000xf32, #tpu.memory_space<hbm>> -> memref<64x128xf32, #tpu.memory_space<hbm>>
          tpu.wait_dma2 semaphore(%arg16 : memref<!tpu.dma_semaphore, #tpu.memory_space<semaphore_mem>>) src(%dma_wait3A_558 : memref<64x128xf32, #tpu.memory_space<hbm>>) dst(%dma_wait3A_555 : memref<64x128xf32, #tpu.memory_space<vmem>>)
          %dma_wait3A_559 = arith.constant 2 : i32
          %dma_wait3A_560 = arith.constant 0 : i32
          %dma_wait3A_561 = arith.constant 0 : i32
          %dma_wait3A_562 = tpu.memref_slice %arg13[%dma_wait3A_559, %dma_wait3A_560, %dma_wait3A_561] : memref<5x16x128xf32, #tpu.memory_space<vmem>> -> memref<1x16x128xf32, #tpu.memory_space<vmem>>
          %dma_wait3A_563 = tpu.memref_squeeze %dma_wait3A_562 : memref<1x16x128xf32, #tpu.memory_space<vmem>> -> memref<16x128xf32, #tpu.memory_space<vmem>>
          %dma_wait3A_564 = arith.constant 0 : i32
          %dma_wait3A_565 = arith.constant 0 : i32
          %dma_wait3A_566 = tpu.memref_slice %arg6[%dma_wait3A_564, %dma_wait3A_565] : memref<16x1000000xf32, #tpu.memory_space<hbm>> -> memref<16x128xf32, #tpu.memory_space<hbm>>
          %dma_wait3A_567 = arith.constant 0 : i32
          %dma_wait3A_568 = arith.constant 0 : i32
          %dma_wait3A_569 = tpu.memref_slice %arg13[%dma_wait3A_559, %dma_wait3A_567, %dma_wait3A_568] : memref<5x16x128xf32, #tpu.memory_space<vmem>> -> memref<1x16x128xf32, #tpu.memory_space<vmem>>
          %dma_wait3A_570 = tpu.memref_squeeze %dma_wait3A_569 : memref<1x16x128xf32, #tpu.memory_space<vmem>> -> memref<16x128xf32, #tpu.memory_space<vmem>>
          %dma_wait3A_571 = arith.constant 0 : i32
          %dma_wait3A_572 = arith.constant 0 : i32
          %dma_wait3A_573 = tpu.memref_slice %arg6[%dma_wait3A_571, %dma_wait3A_572] : memref<16x1000000xf32, #tpu.memory_space<hbm>> -> memref<16x128xf32, #tpu.memory_space<hbm>>
          tpu.wait_dma2 semaphore(%arg21 : memref<!tpu.dma_semaphore, #tpu.memory_space<semaphore_mem>>) src(%dma_wait3A_573 : memref<16x128xf32, #tpu.memory_space<hbm>>) dst(%dma_wait3A_570 : memref<16x128xf32, #tpu.memory_space<vmem>>)
        } else {
        }
        %eq3A_481 = arith.constant 3 : i32
        %eq3A_482 = arith.cmpi eq, %select_n3A_465, %eq3A_481 : i32
        %convert_element_type3A_483 = arith.extui %eq3A_482 : i1 to i32
        %cond3A_484 = arith.constant 0 : i32
        %cond3A_485 = arith.cmpi ne, %convert_element_type3A_483, %cond3A_484 : i32
        scf.if %cond3A_485 {
          %dma_wait3A_544 = arith.constant 3 : i32
          %dma_wait3A_545 = arith.constant 0 : i32
          %dma_wait3A_546 = arith.constant 0 : i32
          %dma_wait3A_547 = tpu.memref_slice %arg12[%dma_wait3A_544, %dma_wait3A_545, %dma_wait3A_546] : memref<5x64x128xf32, #tpu.memory_space<vmem>> -> memref<1x64x128xf32, #tpu.memory_space<vmem>>
          %dma_wait3A_548 = tpu.memref_squeeze %dma_wait3A_547 : memref<1x64x128xf32, #tpu.memory_space<vmem>> -> memref<64x128xf32, #tpu.memory_space<vmem>>
          %dma_wait3A_549 = arith.constant 0 : i32
          %dma_wait3A_550 = arith.constant 0 : i32
          %dma_wait3A_551 = tpu.memref_slice %arg5[%dma_wait3A_549, %dma_wait3A_550] : memref<64x1000000xf32, #tpu.memory_space<hbm>> -> memref<64x128xf32, #tpu.memory_space<hbm>>
          %dma_wait3A_552 = arith.constant 0 : i32
          %dma_wait3A_553 = arith.constant 0 : i32
          %dma_wait3A_554 = tpu.memref_slice %arg12[%dma_wait3A_544, %dma_wait3A_552, %dma_wait3A_553] : memref<5x64x128xf32, #tpu.memory_space<vmem>> -> memref<1x64x128xf32, #tpu.memory_space<vmem>>
          %dma_wait3A_555 = tpu.memref_squeeze %dma_wait3A_554 : memref<1x64x128xf32, #tpu.memory_space<vmem>> -> memref<64x128xf32, #tpu.memory_space<vmem>>
          %dma_wait3A_556 = arith.constant 0 : i32
          %dma_wait3A_557 = arith.constant 0 : i32
          %dma_wait3A_558 = tpu.memref_slice %arg5[%dma_wait3A_556, %dma_wait3A_557] : memref<64x1000000xf32, #tpu.memory_space<hbm>> -> memref<64x128xf32, #tpu.memory_space<hbm>>
          tpu.wait_dma2 semaphore(%arg17 : memref<!tpu.dma_semaphore, #tpu.memory_space<semaphore_mem>>) src(%dma_wait3A_558 : memref<64x128xf32, #tpu.memory_space<hbm>>) dst(%dma_wait3A_555 : memref<64x128xf32, #tpu.memory_space<vmem>>)
          %dma_wait3A_559 = arith.constant 3 : i32
          %dma_wait3A_560 = arith.constant 0 : i32
          %dma_wait3A_561 = arith.constant 0 : i32
          %dma_wait3A_562 = tpu.memref_slice %arg13[%dma_wait3A_559, %dma_wait3A_560, %dma_wait3A_561] : memref<5x16x128xf32, #tpu.memory_space<vmem>> -> memref<1x16x128xf32, #tpu.memory_space<vmem>>
          %dma_wait3A_563 = tpu.memref_squeeze %dma_wait3A_562 : memref<1x16x128xf32, #tpu.memory_space<vmem>> -> memref<16x128xf32, #tpu.memory_space<vmem>>
          %dma_wait3A_564 = arith.constant 0 : i32
          %dma_wait3A_565 = arith.constant 0 : i32
          %dma_wait3A_566 = tpu.memref_slice %arg6[%dma_wait3A_564, %dma_wait3A_565] : memref<16x1000000xf32, #tpu.memory_space<hbm>> -> memref<16x128xf32, #tpu.memory_space<hbm>>
          %dma_wait3A_567 = arith.constant 0 : i32
          %dma_wait3A_568 = arith.constant 0 : i32
          %dma_wait3A_569 = tpu.memref_slice %arg13[%dma_wait3A_559, %dma_wait3A_567, %dma_wait3A_568] : memref<5x16x128xf32, #tpu.memory_space<vmem>> -> memref<1x16x128xf32, #tpu.memory_space<vmem>>
          %dma_wait3A_570 = tpu.memref_squeeze %dma_wait3A_569 : memref<1x16x128xf32, #tpu.memory_space<vmem>> -> memref<16x128xf32, #tpu.memory_space<vmem>>
          %dma_wait3A_571 = arith.constant 0 : i32
          %dma_wait3A_572 = arith.constant 0 : i32
          %dma_wait3A_573 = tpu.memref_slice %arg6[%dma_wait3A_571, %dma_wait3A_572] : memref<16x1000000xf32, #tpu.memory_space<hbm>> -> memref<16x128xf32, #tpu.memory_space<hbm>>
          tpu.wait_dma2 semaphore(%arg22 : memref<!tpu.dma_semaphore, #tpu.memory_space<semaphore_mem>>) src(%dma_wait3A_573 : memref<16x128xf32, #tpu.memory_space<hbm>>) dst(%dma_wait3A_570 : memref<16x128xf32, #tpu.memory_space<vmem>>)
        } else {
        }
        %eq3A_486 = arith.constant 4 : i32
        %eq3A_487 = arith.cmpi eq, %select_n3A_465, %eq3A_486 : i32
        %convert_element_type3A_488 = arith.extui %eq3A_487 : i1 to i32
        %cond3A_489 = arith.constant 0 : i32
        %cond3A_490 = arith.cmpi ne, %convert_element_type3A_488, %cond3A_489 : i32
        scf.if %cond3A_490 {
          %dma_wait3A_544 = arith.constant 4 : i32
          %dma_wait3A_545 = arith.constant 0 : i32
          %dma_wait3A_546 = arith.constant 0 : i32
          %dma_wait3A_547 = tpu.memref_slice %arg12[%dma_wait3A_544, %dma_wait3A_545, %dma_wait3A_546] : memref<5x64x128xf32, #tpu.memory_space<vmem>> -> memref<1x64x128xf32, #tpu.memory_space<vmem>>
          %dma_wait3A_548 = tpu.memref_squeeze %dma_wait3A_547 : memref<1x64x128xf32, #tpu.memory_space<vmem>> -> memref<64x128xf32, #tpu.memory_space<vmem>>
          %dma_wait3A_549 = arith.constant 0 : i32
          %dma_wait3A_550 = arith.constant 0 : i32
          %dma_wait3A_551 = tpu.memref_slice %arg5[%dma_wait3A_549, %dma_wait3A_550] : memref<64x1000000xf32, #tpu.memory_space<hbm>> -> memref<64x128xf32, #tpu.memory_space<hbm>>
          %dma_wait3A_552 = arith.constant 0 : i32
          %dma_wait3A_553 = arith.constant 0 : i32
          %dma_wait3A_554 = tpu.memref_slice %arg12[%dma_wait3A_544, %dma_wait3A_552, %dma_wait3A_553] : memref<5x64x128xf32, #tpu.memory_space<vmem>> -> memref<1x64x128xf32, #tpu.memory_space<vmem>>
          %dma_wait3A_555 = tpu.memref_squeeze %dma_wait3A_554 : memref<1x64x128xf32, #tpu.memory_space<vmem>> -> memref<64x128xf32, #tpu.memory_space<vmem>>
          %dma_wait3A_556 = arith.constant 0 : i32
          %dma_wait3A_557 = arith.constant 0 : i32
          %dma_wait3A_558 = tpu.memref_slice %arg5[%dma_wait3A_556, %dma_wait3A_557] : memref<64x1000000xf32, #tpu.memory_space<hbm>> -> memref<64x128xf32, #tpu.memory_space<hbm>>
          tpu.wait_dma2 semaphore(%arg18 : memref<!tpu.dma_semaphore, #tpu.memory_space<semaphore_mem>>) src(%dma_wait3A_558 : memref<64x128xf32, #tpu.memory_space<hbm>>) dst(%dma_wait3A_555 : memref<64x128xf32, #tpu.memory_space<vmem>>)
          %dma_wait3A_559 = arith.constant 4 : i32
          %dma_wait3A_560 = arith.constant 0 : i32
          %dma_wait3A_561 = arith.constant 0 : i32
          %dma_wait3A_562 = tpu.memref_slice %arg13[%dma_wait3A_559, %dma_wait3A_560, %dma_wait3A_561] : memref<5x16x128xf32, #tpu.memory_space<vmem>> -> memref<1x16x128xf32, #tpu.memory_space<vmem>>
          %dma_wait3A_563 = tpu.memref_squeeze %dma_wait3A_562 : memref<1x16x128xf32, #tpu.memory_space<vmem>> -> memref<16x128xf32, #tpu.memory_space<vmem>>
          %dma_wait3A_564 = arith.constant 0 : i32
          %dma_wait3A_565 = arith.constant 0 : i32
          %dma_wait3A_566 = tpu.memref_slice %arg6[%dma_wait3A_564, %dma_wait3A_565] : memref<16x1000000xf32, #tpu.memory_space<hbm>> -> memref<16x128xf32, #tpu.memory_space<hbm>>
          %dma_wait3A_567 = arith.constant 0 : i32
          %dma_wait3A_568 = arith.constant 0 : i32
          %dma_wait3A_569 = tpu.memref_slice %arg13[%dma_wait3A_559, %dma_wait3A_567, %dma_wait3A_568] : memref<5x16x128xf32, #tpu.memory_space<vmem>> -> memref<1x16x128xf32, #tpu.memory_space<vmem>>
          %dma_wait3A_570 = tpu.memref_squeeze %dma_wait3A_569 : memref<1x16x128xf32, #tpu.memory_space<vmem>> -> memref<16x128xf32, #tpu.memory_space<vmem>>
          %dma_wait3A_571 = arith.constant 0 : i32
          %dma_wait3A_572 = arith.constant 0 : i32
          %dma_wait3A_573 = tpu.memref_slice %arg6[%dma_wait3A_571, %dma_wait3A_572] : memref<16x1000000xf32, #tpu.memory_space<hbm>> -> memref<16x128xf32, #tpu.memory_space<hbm>>
          tpu.wait_dma2 semaphore(%arg23 : memref<!tpu.dma_semaphore, #tpu.memory_space<semaphore_mem>>) src(%dma_wait3A_573 : memref<16x128xf32, #tpu.memory_space<hbm>>) dst(%dma_wait3A_570 : memref<16x128xf32, #tpu.memory_space<vmem>>)
        } else {
        }
        %add3A_491 = arith.constant 5 : i32
        %add3A_492 = arith.addi %shift_right_arithmetic3A_409, %add3A_491 : i32
        %sub3A = arith.constant 1 : i32
        %sub3A_493 = arith.subi %add3A_492, %sub3A : i32
        %min3A_494 = arith.constant 511 : i32
        %min3A_495 = arith.minsi %sub3A_493, %min3A_494 : i32
        %get3A_496 = arith.index_cast %min3A_495 : i32 to index
        %get3A_497 = tpu.vector_load %arg9[%get3A_496] {strides = array<i32>} : memref<528xi32, #tpu.memory_space<vmem>>, vector<16xi32>,
        %slice3A_498 = vector.extract_strided_slice %get3A_497 {offsets = [0], sizes = [1], strides = [1]} : vector<16xi32> to vector<1xi32>
        %squeeze3A_499 = vector.extract %slice3A_498[0] : i32 from vector<1xi32>
        %mul3A_500 = arith.constant 128 : i32
        %mul3A_501 = arith.muli %squeeze3A_499, %mul3A_500 : i32
        %multiple_of3A_502 = tpu.assume_multiple %mul3A_501, 128 : i32
        %jit3A_503 = arith.constant 5 : i32
        %eq3A_504 = arith.constant 0 : i32
        %eq3A_505 = arith.cmpi eq, %jit3A_503, %eq3A_504 : i32
        %jit3A_506 = arith.constant 1 : i32
        %select_n3A_507 = arith.select %eq3A_505, %jit3A_506, %jit3A_503 : i32
        %rem3A_508 = arith.remsi %sub3A_493, %select_n3A_507 : i32
        %ne3A_509 = arith.constant 0 : i32
        %ne3A_510 = arith.cmpi ne, %rem3A_508, %ne3A_509 : i32
        %lt3A_511 = arith.constant 0 : i32
        %lt3A_512 = arith.cmpi slt, %rem3A_508, %lt3A_511 : i32
        %lt3A_513 = arith.constant 0 : i32
        %lt3A_514 = arith.cmpi slt, %select_n3A_507, %lt3A_513 : i32
        %ne3A_515 = arith.xori %lt3A_512, %lt3A_514 : i1
        %and3A_516 = arith.andi %ne3A_515, %ne3A_510 : i1
        %add3A_517 = arith.addi %rem3A_508, %select_n3A_507 : i32
        %select_n3A_518 = arith.select %and3A_516, %add3A_517, %rem3A_508 : i32
        %eq3A_519 = arith.constant 0 : i32
        %eq3A_520 = arith.cmpi eq, %select_n3A_518, %eq3A_519 : i32
        %convert_element_type3A_521 = arith.extui %eq3A_520 : i1 to i32
        %cond3A_522 = arith.constant 0 : i32
        %cond3A_523 = arith.cmpi ne, %convert_element_type3A_521, %cond3A_522 : i32
        scf.if %cond3A_523 {
          %dma_start3A_544 = arith.constant 0 : i32
          %dma_start3A_545 = arith.constant 0 : i32
          %dma_start3A_546 = arith.constant 0 : i32
          %dma_start3A_547 = tpu.memref_slice %arg12[%dma_start3A_544, %dma_start3A_545, %dma_start3A_546] : memref<5x64x128xf32, #tpu.memory_space<vmem>> -> memref<1x64x128xf32, #tpu.memory_space<vmem>>
          %dma_start3A_548 = tpu.memref_squeeze %dma_start3A_547 : memref<1x64x128xf32, #tpu.memory_space<vmem>> -> memref<64x128xf32, #tpu.memory_space<vmem>>
          %dma_start3A_549 = arith.constant 0 : i32
          %dma_start3A_550 = tpu.memref_slice %arg5[%dma_start3A_549, %multiple_of3A_502] : memref<64x1000000xf32, #tpu.memory_space<hbm>> -> memref<64x128xf32, #tpu.memory_space<hbm>>
          %dma_start3A_551 = arith.constant 0 : i32
          %dma_start3A_552 = arith.constant 0 : i32
          %dma_start3A_553 = tpu.memref_slice %arg12[%dma_start3A_544, %dma_start3A_551, %dma_start3A_552] : memref<5x64x128xf32, #tpu.memory_space<vmem>> -> memref<1x64x128xf32, #tpu.memory_space<vmem>>
          %dma_start3A_554 = tpu.memref_squeeze %dma_start3A_553 : memref<1x64x128xf32, #tpu.memory_space<vmem>> -> memref<64x128xf32, #tpu.memory_space<vmem>>
          %dma_start3A_555 = arith.constant 0 : i32
          %dma_start3A_556 = tpu.memref_slice %arg5[%dma_start3A_555, %multiple_of3A_502] : memref<64x1000000xf32, #tpu.memory_space<hbm>> -> memref<64x128xf32, #tpu.memory_space<hbm>>
          tpu.enqueue_dma source(%dma_start3A_556 : memref<64x128xf32, #tpu.memory_space<hbm>>) target(%dma_start3A_554 : memref<64x128xf32, #tpu.memory_space<vmem>>) target_semaphore(%arg14 : memref<!tpu.dma_semaphore, #tpu.memory_space<semaphore_mem>>)
          %dma_start3A_557 = arith.constant 0 : i32
          %dma_start3A_558 = arith.constant 0 : i32
          %dma_start3A_559 = arith.constant 0 : i32
          %dma_start3A_560 = tpu.memref_slice %arg13[%dma_start3A_557, %dma_start3A_558, %dma_start3A_559] : memref<5x16x128xf32, #tpu.memory_space<vmem>> -> memref<1x16x128xf32, #tpu.memory_space<vmem>>
          %dma_start3A_561 = tpu.memref_squeeze %dma_start3A_560 : memref<1x16x128xf32, #tpu.memory_space<vmem>> -> memref<16x128xf32, #tpu.memory_space<vmem>>
          %dma_start3A_562 = arith.constant 0 : i32
          %dma_start3A_563 = tpu.memref_slice %arg6[%dma_start3A_562, %multiple_of3A_502] : memref<16x1000000xf32, #tpu.memory_space<hbm>> -> memref<16x128xf32, #tpu.memory_space<hbm>>
          %dma_start3A_564 = arith.constant 0 : i32
          %dma_start3A_565 = arith.constant 0 : i32
          %dma_start3A_566 = tpu.memref_slice %arg13[%dma_start3A_557, %dma_start3A_564, %dma_start3A_565] : memref<5x16x128xf32, #tpu.memory_space<vmem>> -> memref<1x16x128xf32, #tpu.memory_space<vmem>>
          %dma_start3A_567 = tpu.memref_squeeze %dma_start3A_566 : memref<1x16x128xf32, #tpu.memory_space<vmem>> -> memref<16x128xf32, #tpu.memory_space<vmem>>
          %dma_start3A_568 = arith.constant 0 : i32
          %dma_start3A_569 = tpu.memref_slice %arg6[%dma_start3A_568, %multiple_of3A_502] : memref<16x1000000xf32, #tpu.memory_space<hbm>> -> memref<16x128xf32, #tpu.memory_space<hbm>>
          tpu.enqueue_dma source(%dma_start3A_569 : memref<16x128xf32, #tpu.memory_space<hbm>>) target(%dma_start3A_567 : memref<16x128xf32, #tpu.memory_space<vmem>>) target_semaphore(%arg19 : memref<!tpu.dma_semaphore, #tpu.memory_space<semaphore_mem>>)
        } else {
        }
        %eq3A_524 = arith.constant 1 : i32
        %eq3A_525 = arith.cmpi eq, %select_n3A_518, %eq3A_524 : i32
        %convert_element_type3A_526 = arith.extui %eq3A_525 : i1 to i32
        %cond3A_527 = arith.constant 0 : i32
        %cond3A_528 = arith.cmpi ne, %convert_element_type3A_526, %cond3A_527 : i32
        scf.if %cond3A_528 {
          %dma_start3A_544 = arith.constant 1 : i32
          %dma_start3A_545 = arith.constant 0 : i32
          %dma_start3A_546 = arith.constant 0 : i32
          %dma_start3A_547 = tpu.memref_slice %arg12[%dma_start3A_544, %dma_start3A_545, %dma_start3A_546] : memref<5x64x128xf32, #tpu.memory_space<vmem>> -> memref<1x64x128xf32, #tpu.memory_space<vmem>>
          %dma_start3A_548 = tpu.memref_squeeze %dma_start3A_547 : memref<1x64x128xf32, #tpu.memory_space<vmem>> -> memref<64x128xf32, #tpu.memory_space<vmem>>
          %dma_start3A_549 = arith.constant 0 : i32
          %dma_start3A_550 = tpu.memref_slice %arg5[%dma_start3A_549, %multiple_of3A_502] : memref<64x1000000xf32, #tpu.memory_space<hbm>> -> memref<64x128xf32, #tpu.memory_space<hbm>>
          %dma_start3A_551 = arith.constant 0 : i32
          %dma_start3A_552 = arith.constant 0 : i32
          %dma_start3A_553 = tpu.memref_slice %arg12[%dma_start3A_544, %dma_start3A_551, %dma_start3A_552] : memref<5x64x128xf32, #tpu.memory_space<vmem>> -> memref<1x64x128xf32, #tpu.memory_space<vmem>>
          %dma_start3A_554 = tpu.memref_squeeze %dma_start3A_553 : memref<1x64x128xf32, #tpu.memory_space<vmem>> -> memref<64x128xf32, #tpu.memory_space<vmem>>
          %dma_start3A_555 = arith.constant 0 : i32
          %dma_start3A_556 = tpu.memref_slice %arg5[%dma_start3A_555, %multiple_of3A_502] : memref<64x1000000xf32, #tpu.memory_space<hbm>> -> memref<64x128xf32, #tpu.memory_space<hbm>>
          tpu.enqueue_dma source(%dma_start3A_556 : memref<64x128xf32, #tpu.memory_space<hbm>>) target(%dma_start3A_554 : memref<64x128xf32, #tpu.memory_space<vmem>>) target_semaphore(%arg15 : memref<!tpu.dma_semaphore, #tpu.memory_space<semaphore_mem>>)
          %dma_start3A_557 = arith.constant 1 : i32
          %dma_start3A_558 = arith.constant 0 : i32
          %dma_start3A_559 = arith.constant 0 : i32
          %dma_start3A_560 = tpu.memref_slice %arg13[%dma_start3A_557, %dma_start3A_558, %dma_start3A_559] : memref<5x16x128xf32, #tpu.memory_space<vmem>> -> memref<1x16x128xf32, #tpu.memory_space<vmem>>
          %dma_start3A_561 = tpu.memref_squeeze %dma_start3A_560 : memref<1x16x128xf32, #tpu.memory_space<vmem>> -> memref<16x128xf32, #tpu.memory_space<vmem>>
          %dma_start3A_562 = arith.constant 0 : i32
          %dma_start3A_563 = tpu.memref_slice %arg6[%dma_start3A_562, %multiple_of3A_502] : memref<16x1000000xf32, #tpu.memory_space<hbm>> -> memref<16x128xf32, #tpu.memory_space<hbm>>
          %dma_start3A_564 = arith.constant 0 : i32
          %dma_start3A_565 = arith.constant 0 : i32
          %dma_start3A_566 = tpu.memref_slice %arg13[%dma_start3A_557, %dma_start3A_564, %dma_start3A_565] : memref<5x16x128xf32, #tpu.memory_space<vmem>> -> memref<1x16x128xf32, #tpu.memory_space<vmem>>
          %dma_start3A_567 = tpu.memref_squeeze %dma_start3A_566 : memref<1x16x128xf32, #tpu.memory_space<vmem>> -> memref<16x128xf32, #tpu.memory_space<vmem>>
          %dma_start3A_568 = arith.constant 0 : i32
          %dma_start3A_569 = tpu.memref_slice %arg6[%dma_start3A_568, %multiple_of3A_502] : memref<16x1000000xf32, #tpu.memory_space<hbm>> -> memref<16x128xf32, #tpu.memory_space<hbm>>
          tpu.enqueue_dma source(%dma_start3A_569 : memref<16x128xf32, #tpu.memory_space<hbm>>) target(%dma_start3A_567 : memref<16x128xf32, #tpu.memory_space<vmem>>) target_semaphore(%arg20 : memref<!tpu.dma_semaphore, #tpu.memory_space<semaphore_mem>>)
        } else {
        }
        %eq3A_529 = arith.constant 2 : i32
        %eq3A_530 = arith.cmpi eq, %select_n3A_518, %eq3A_529 : i32
        %convert_element_type3A_531 = arith.extui %eq3A_530 : i1 to i32
        %cond3A_532 = arith.constant 0 : i32
        %cond3A_533 = arith.cmpi ne, %convert_element_type3A_531, %cond3A_532 : i32
        scf.if %cond3A_533 {
          %dma_start3A_544 = arith.constant 2 : i32
          %dma_start3A_545 = arith.constant 0 : i32
          %dma_start3A_546 = arith.constant 0 : i32
          %dma_start3A_547 = tpu.memref_slice %arg12[%dma_start3A_544, %dma_start3A_545, %dma_start3A_546] : memref<5x64x128xf32, #tpu.memory_space<vmem>> -> memref<1x64x128xf32, #tpu.memory_space<vmem>>
          %dma_start3A_548 = tpu.memref_squeeze %dma_start3A_547 : memref<1x64x128xf32, #tpu.memory_space<vmem>> -> memref<64x128xf32, #tpu.memory_space<vmem>>
          %dma_start3A_549 = arith.constant 0 : i32
          %dma_start3A_550 = tpu.memref_slice %arg5[%dma_start3A_549, %multiple_of3A_502] : memref<64x1000000xf32, #tpu.memory_space<hbm>> -> memref<64x128xf32, #tpu.memory_space<hbm>>
          %dma_start3A_551 = arith.constant 0 : i32
          %dma_start3A_552 = arith.constant 0 : i32
          %dma_start3A_553 = tpu.memref_slice %arg12[%dma_start3A_544, %dma_start3A_551, %dma_start3A_552] : memref<5x64x128xf32, #tpu.memory_space<vmem>> -> memref<1x64x128xf32, #tpu.memory_space<vmem>>
          %dma_start3A_554 = tpu.memref_squeeze %dma_start3A_553 : memref<1x64x128xf32, #tpu.memory_space<vmem>> -> memref<64x128xf32, #tpu.memory_space<vmem>>
          %dma_start3A_555 = arith.constant 0 : i32
          %dma_start3A_556 = tpu.memref_slice %arg5[%dma_start3A_555, %multiple_of3A_502] : memref<64x1000000xf32, #tpu.memory_space<hbm>> -> memref<64x128xf32, #tpu.memory_space<hbm>>
          tpu.enqueue_dma source(%dma_start3A_556 : memref<64x128xf32, #tpu.memory_space<hbm>>) target(%dma_start3A_554 : memref<64x128xf32, #tpu.memory_space<vmem>>) target_semaphore(%arg16 : memref<!tpu.dma_semaphore, #tpu.memory_space<semaphore_mem>>)
          %dma_start3A_557 = arith.constant 2 : i32
          %dma_start3A_558 = arith.constant 0 : i32
          %dma_start3A_559 = arith.constant 0 : i32
          %dma_start3A_560 = tpu.memref_slice %arg13[%dma_start3A_557, %dma_start3A_558, %dma_start3A_559] : memref<5x16x128xf32, #tpu.memory_space<vmem>> -> memref<1x16x128xf32, #tpu.memory_space<vmem>>
          %dma_start3A_561 = tpu.memref_squeeze %dma_start3A_560 : memref<1x16x128xf32, #tpu.memory_space<vmem>> -> memref<16x128xf32, #tpu.memory_space<vmem>>
          %dma_start3A_562 = arith.constant 0 : i32
          %dma_start3A_563 = tpu.memref_slice %arg6[%dma_start3A_562, %multiple_of3A_502] : memref<16x1000000xf32, #tpu.memory_space<hbm>> -> memref<16x128xf32, #tpu.memory_space<hbm>>
          %dma_start3A_564 = arith.constant 0 : i32
          %dma_start3A_565 = arith.constant 0 : i32
          %dma_start3A_566 = tpu.memref_slice %arg13[%dma_start3A_557, %dma_start3A_564, %dma_start3A_565] : memref<5x16x128xf32, #tpu.memory_space<vmem>> -> memref<1x16x128xf32, #tpu.memory_space<vmem>>
          %dma_start3A_567 = tpu.memref_squeeze %dma_start3A_566 : memref<1x16x128xf32, #tpu.memory_space<vmem>> -> memref<16x128xf32, #tpu.memory_space<vmem>>
          %dma_start3A_568 = arith.constant 0 : i32
          %dma_start3A_569 = tpu.memref_slice %arg6[%dma_start3A_568, %multiple_of3A_502] : memref<16x1000000xf32, #tpu.memory_space<hbm>> -> memref<16x128xf32, #tpu.memory_space<hbm>>
          tpu.enqueue_dma source(%dma_start3A_569 : memref<16x128xf32, #tpu.memory_space<hbm>>) target(%dma_start3A_567 : memref<16x128xf32, #tpu.memory_space<vmem>>) target_semaphore(%arg21 : memref<!tpu.dma_semaphore, #tpu.memory_space<semaphore_mem>>)
        } else {
        }
        %eq3A_534 = arith.constant 3 : i32
        %eq3A_535 = arith.cmpi eq, %select_n3A_518, %eq3A_534 : i32
        %convert_element_type3A_536 = arith.extui %eq3A_535 : i1 to i32
        %cond3A_537 = arith.constant 0 : i32
        %cond3A_538 = arith.cmpi ne, %convert_element_type3A_536, %cond3A_537 : i32
        scf.if %cond3A_538 {
          %dma_start3A_544 = arith.constant 3 : i32
          %dma_start3A_545 = arith.constant 0 : i32
          %dma_start3A_546 = arith.constant 0 : i32
          %dma_start3A_547 = tpu.memref_slice %arg12[%dma_start3A_544, %dma_start3A_545, %dma_start3A_546] : memref<5x64x128xf32, #tpu.memory_space<vmem>> -> memref<1x64x128xf32, #tpu.memory_space<vmem>>
          %dma_start3A_548 = tpu.memref_squeeze %dma_start3A_547 : memref<1x64x128xf32, #tpu.memory_space<vmem>> -> memref<64x128xf32, #tpu.memory_space<vmem>>
          %dma_start3A_549 = arith.constant 0 : i32
          %dma_start3A_550 = tpu.memref_slice %arg5[%dma_start3A_549, %multiple_of3A_502] : memref<64x1000000xf32, #tpu.memory_space<hbm>> -> memref<64x128xf32, #tpu.memory_space<hbm>>
          %dma_start3A_551 = arith.constant 0 : i32
          %dma_start3A_552 = arith.constant 0 : i32
          %dma_start3A_553 = tpu.memref_slice %arg12[%dma_start3A_544, %dma_start3A_551, %dma_start3A_552] : memref<5x64x128xf32, #tpu.memory_space<vmem>> -> memref<1x64x128xf32, #tpu.memory_space<vmem>>
          %dma_start3A_554 = tpu.memref_squeeze %dma_start3A_553 : memref<1x64x128xf32, #tpu.memory_space<vmem>> -> memref<64x128xf32, #tpu.memory_space<vmem>>
          %dma_start3A_555 = arith.constant 0 : i32
          %dma_start3A_556 = tpu.memref_slice %arg5[%dma_start3A_555, %multiple_of3A_502] : memref<64x1000000xf32, #tpu.memory_space<hbm>> -> memref<64x128xf32, #tpu.memory_space<hbm>>
          tpu.enqueue_dma source(%dma_start3A_556 : memref<64x128xf32, #tpu.memory_space<hbm>>) target(%dma_start3A_554 : memref<64x128xf32, #tpu.memory_space<vmem>>) target_semaphore(%arg17 : memref<!tpu.dma_semaphore, #tpu.memory_space<semaphore_mem>>)
          %dma_start3A_557 = arith.constant 3 : i32
          %dma_start3A_558 = arith.constant 0 : i32
          %dma_start3A_559 = arith.constant 0 : i32
          %dma_start3A_560 = tpu.memref_slice %arg13[%dma_start3A_557, %dma_start3A_558, %dma_start3A_559] : memref<5x16x128xf32, #tpu.memory_space<vmem>> -> memref<1x16x128xf32, #tpu.memory_space<vmem>>
          %dma_start3A_561 = tpu.memref_squeeze %dma_start3A_560 : memref<1x16x128xf32, #tpu.memory_space<vmem>> -> memref<16x128xf32, #tpu.memory_space<vmem>>
          %dma_start3A_562 = arith.constant 0 : i32
          %dma_start3A_563 = tpu.memref_slice %arg6[%dma_start3A_562, %multiple_of3A_502] : memref<16x1000000xf32, #tpu.memory_space<hbm>> -> memref<16x128xf32, #tpu.memory_space<hbm>>
          %dma_start3A_564 = arith.constant 0 : i32
          %dma_start3A_565 = arith.constant 0 : i32
          %dma_start3A_566 = tpu.memref_slice %arg13[%dma_start3A_557, %dma_start3A_564, %dma_start3A_565] : memref<5x16x128xf32, #tpu.memory_space<vmem>> -> memref<1x16x128xf32, #tpu.memory_space<vmem>>
          %dma_start3A_567 = tpu.memref_squeeze %dma_start3A_566 : memref<1x16x128xf32, #tpu.memory_space<vmem>> -> memref<16x128xf32, #tpu.memory_space<vmem>>
          %dma_start3A_568 = arith.constant 0 : i32
          %dma_start3A_569 = tpu.memref_slice %arg6[%dma_start3A_568, %multiple_of3A_502] : memref<16x1000000xf32, #tpu.memory_space<hbm>> -> memref<16x128xf32, #tpu.memory_space<hbm>>
          tpu.enqueue_dma source(%dma_start3A_569 : memref<16x128xf32, #tpu.memory_space<hbm>>) target(%dma_start3A_567 : memref<16x128xf32, #tpu.memory_space<vmem>>) target_semaphore(%arg22 : memref<!tpu.dma_semaphore, #tpu.memory_space<semaphore_mem>>)
        } else {
        }
        %eq3A_539 = arith.constant 4 : i32
        %eq3A_540 = arith.cmpi eq, %select_n3A_518, %eq3A_539 : i32
        %convert_element_type3A_541 = arith.extui %eq3A_540 : i1 to i32
        %cond3A_542 = arith.constant 0 : i32
        %cond3A_543 = arith.cmpi ne, %convert_element_type3A_541, %cond3A_542 : i32
        scf.if %cond3A_543 {
          %dma_start3A_544 = arith.constant 4 : i32
          %dma_start3A_545 = arith.constant 0 : i32
          %dma_start3A_546 = arith.constant 0 : i32
          %dma_start3A_547 = tpu.memref_slice %arg12[%dma_start3A_544, %dma_start3A_545, %dma_start3A_546] : memref<5x64x128xf32, #tpu.memory_space<vmem>> -> memref<1x64x128xf32, #tpu.memory_space<vmem>>
          %dma_start3A_548 = tpu.memref_squeeze %dma_start3A_547 : memref<1x64x128xf32, #tpu.memory_space<vmem>> -> memref<64x128xf32, #tpu.memory_space<vmem>>
          %dma_start3A_549 = arith.constant 0 : i32
          %dma_start3A_550 = tpu.memref_slice %arg5[%dma_start3A_549, %multiple_of3A_502] : memref<64x1000000xf32, #tpu.memory_space<hbm>> -> memref<64x128xf32, #tpu.memory_space<hbm>>
          %dma_start3A_551 = arith.constant 0 : i32
          %dma_start3A_552 = arith.constant 0 : i32
          %dma_start3A_553 = tpu.memref_slice %arg12[%dma_start3A_544, %dma_start3A_551, %dma_start3A_552] : memref<5x64x128xf32, #tpu.memory_space<vmem>> -> memref<1x64x128xf32, #tpu.memory_space<vmem>>
          %dma_start3A_554 = tpu.memref_squeeze %dma_start3A_553 : memref<1x64x128xf32, #tpu.memory_space<vmem>> -> memref<64x128xf32, #tpu.memory_space<vmem>>
          %dma_start3A_555 = arith.constant 0 : i32
          %dma_start3A_556 = tpu.memref_slice %arg5[%dma_start3A_555, %multiple_of3A_502] : memref<64x1000000xf32, #tpu.memory_space<hbm>> -> memref<64x128xf32, #tpu.memory_space<hbm>>
          tpu.enqueue_dma source(%dma_start3A_556 : memref<64x128xf32, #tpu.memory_space<hbm>>) target(%dma_start3A_554 : memref<64x128xf32, #tpu.memory_space<vmem>>) target_semaphore(%arg18 : memref<!tpu.dma_semaphore, #tpu.memory_space<semaphore_mem>>)
          %dma_start3A_557 = arith.constant 4 : i32
          %dma_start3A_558 = arith.constant 0 : i32
          %dma_start3A_559 = arith.constant 0 : i32
          %dma_start3A_560 = tpu.memref_slice %arg13[%dma_start3A_557, %dma_start3A_558, %dma_start3A_559] : memref<5x16x128xf32, #tpu.memory_space<vmem>> -> memref<1x16x128xf32, #tpu.memory_space<vmem>>
          %dma_start3A_561 = tpu.memref_squeeze %dma_start3A_560 : memref<1x16x128xf32, #tpu.memory_space<vmem>> -> memref<16x128xf32, #tpu.memory_space<vmem>>
          %dma_start3A_562 = arith.constant 0 : i32
          %dma_start3A_563 = tpu.memref_slice %arg6[%dma_start3A_562, %multiple_of3A_502] : memref<16x1000000xf32, #tpu.memory_space<hbm>> -> memref<16x128xf32, #tpu.memory_space<hbm>>
          %dma_start3A_564 = arith.constant 0 : i32
          %dma_start3A_565 = arith.constant 0 : i32
          %dma_start3A_566 = tpu.memref_slice %arg13[%dma_start3A_557, %dma_start3A_564, %dma_start3A_565] : memref<5x16x128xf32, #tpu.memory_space<vmem>> -> memref<1x16x128xf32, #tpu.memory_space<vmem>>
          %dma_start3A_567 = tpu.memref_squeeze %dma_start3A_566 : memref<1x16x128xf32, #tpu.memory_space<vmem>> -> memref<16x128xf32, #tpu.memory_space<vmem>>
          %dma_start3A_568 = arith.constant 0 : i32
          %dma_start3A_569 = tpu.memref_slice %arg6[%dma_start3A_568, %multiple_of3A_502] : memref<16x1000000xf32, #tpu.memory_space<hbm>> -> memref<16x128xf32, #tpu.memory_space<hbm>>
          tpu.enqueue_dma source(%dma_start3A_569 : memref<16x128xf32, #tpu.memory_space<hbm>>) target(%dma_start3A_567 : memref<16x128xf32, #tpu.memory_space<vmem>>) target_semaphore(%arg23 : memref<!tpu.dma_semaphore, #tpu.memory_space<semaphore_mem>>)
        } else {
        }
      } else {
      }
      %jit3A_415 = arith.constant 5 : i32
      %eq3A_416 = arith.constant 0 : i32
      %eq3A_417 = arith.cmpi eq, %jit3A_415, %eq3A_416 : i32
      %jit3A_418 = arith.constant 1 : i32
      %select_n3A_419 = arith.select %eq3A_417, %jit3A_418, %jit3A_415 : i32
      %rem3A_420 = arith.remsi %shift_right_arithmetic3A_409, %select_n3A_419 : i32
      %ne3A_421 = arith.constant 0 : i32
      %ne3A_422 = arith.cmpi ne, %rem3A_420, %ne3A_421 : i32
      %lt3A_423 = arith.constant 0 : i32
      %lt3A_424 = arith.cmpi slt, %rem3A_420, %lt3A_423 : i32
      %lt3A_425 = arith.constant 0 : i32
      %lt3A_426 = arith.cmpi slt, %select_n3A_419, %lt3A_425 : i32
      %ne3A_427 = arith.xori %lt3A_424, %lt3A_426 : i1
      %and3A_428 = arith.andi %ne3A_427, %ne3A_422 : i1
      %add3A_429 = arith.addi %rem3A_420, %select_n3A_419 : i32
      %select_n3A_430 = arith.select %and3A_428, %add3A_429, %rem3A_420 : i32
      %broadcast_in_dim3A = vector.broadcast %select_n3A_430 : i32 to vector<16xi32>
      %broadcast_in_dim3A_431 = vector.broadcast %and3A_411 : i32 to vector<16xi32>
      %gather3A = tpu.vector_load_idx %arg12[%broadcast_in_dim3A, %add3A_141, %broadcast_in_dim3A_431] : memref<5x64x128xf32, #tpu.memory_space<vmem>>[vector<16xi32>, vector<16xi32>, vector<16xi32>], vector<16xf32>,
      %swap3A = arith.index_cast %scan3A_403 : i32 to index
      %swap3A_432 = arith.constant 0 : index
      %swap3A_433 = tpu.vector_load %arg11[%swap3A, %swap3A_432] {strides = array<i32>} : memref<512x128xf32, #tpu.memory_space<vmem>>, vector<16xf32>,
      tpu.vector_store %arg11[%swap3A, %swap3A_432], %gather3A {strides = array<i32>} : memref<512x128xf32, #tpu.memory_space<vmem>>, vector<16xf32>,
      %gather3A_434 = tpu.vector_load_idx %arg12[%broadcast_in_dim3A, %add3A_145, %broadcast_in_dim3A_431] : memref<5x64x128xf32, #tpu.memory_space<vmem>>[vector<16xi32>, vector<16xi32>, vector<16xi32>], vector<16xf32>,
      %swap3A_435 = arith.index_cast %scan3A_403 : i32 to index
      %swap3A_436 = arith.constant 16 : index
      %swap3A_437 = tpu.vector_load %arg11[%swap3A_435, %swap3A_436] {strides = array<i32>} : memref<512x128xf32, #tpu.memory_space<vmem>>, vector<16xf32>,
      tpu.vector_store %arg11[%swap3A_435, %swap3A_436], %gather3A_434 {strides = array<i32>} : memref<512x128xf32, #tpu.memory_space<vmem>>, vector<16xf32>,
      %gather3A_438 = tpu.vector_load_idx %arg12[%broadcast_in_dim3A, %add3A_149, %broadcast_in_dim3A_431] : memref<5x64x128xf32, #tpu.memory_space<vmem>>[vector<16xi32>, vector<16xi32>, vector<16xi32>], vector<16xf32>,
      %swap3A_439 = arith.index_cast %scan3A_403 : i32 to index
      %swap3A_440 = arith.constant 32 : index
      %swap3A_441 = tpu.vector_load %arg11[%swap3A_439, %swap3A_440] {strides = array<i32>} : memref<512x128xf32, #tpu.memory_space<vmem>>, vector<16xf32>,
      tpu.vector_store %arg11[%swap3A_439, %swap3A_440], %gather3A_438 {strides = array<i32>} : memref<512x128xf32, #tpu.memory_space<vmem>>, vector<16xf32>,
      %gather3A_442 = tpu.vector_load_idx %arg12[%broadcast_in_dim3A, %add3A_153, %broadcast_in_dim3A_431] : memref<5x64x128xf32, #tpu.memory_space<vmem>>[vector<16xi32>, vector<16xi32>, vector<16xi32>], vector<16xf32>,
      %swap3A_443 = arith.index_cast %scan3A_403 : i32 to index
      %swap3A_444 = arith.constant 48 : index
      %swap3A_445 = tpu.vector_load %arg11[%swap3A_443, %swap3A_444] {strides = array<i32>} : memref<512x128xf32, #tpu.memory_space<vmem>>, vector<16xf32>,
      tpu.vector_store %arg11[%swap3A_443, %swap3A_444], %gather3A_442 {strides = array<i32>} : memref<512x128xf32, #tpu.memory_space<vmem>>, vector<16xf32>,
      %gather3A_446 = tpu.vector_load_idx %arg13[%broadcast_in_dim3A, %iota3A_154, %broadcast_in_dim3A_431] : memref<5x16x128xf32, #tpu.memory_space<vmem>>[vector<16xi32>, vector<16xi32>, vector<16xi32>], vector<16xf32>,
      %swap3A_447 = arith.index_cast %scan3A_403 : i32 to index
      %swap3A_448 = arith.constant 64 : index
      %swap3A_449 = tpu.vector_load %arg11[%swap3A_447, %swap3A_448] {strides = array<i32>} : memref<512x128xf32, #tpu.memory_space<vmem>>, vector<16xf32>,
      tpu.vector_store %arg11[%swap3A_447, %swap3A_448], %gather3A_446 {strides = array<i32>} : memref<512x128xf32, #tpu.memory_space<vmem>>, vector<16xf32>,
      scf.yield %shift_right_arithmetic3A_409 : i32
    }
    %scan3A_160 = arith.constant 512 : i32
    %add3A_161 = arith.constant 1 : i32
    %add3A_162 = arith.addi %scan3A_159, %add3A_161 : i32
    %jit3A = arith.constant 5 : i32
    %eq3A = arith.constant 0 : i32
    %eq3A_163 = arith.cmpi eq, %jit3A, %eq3A : i32
    %jit3A_164 = arith.constant 1 : i32
    %select_n3A = arith.select %eq3A_163, %jit3A_164, %jit3A : i32
    %rem3A = arith.remsi %add3A_162, %select_n3A : i32
    %ne3A = arith.constant 0 : i32
    %ne3A_165 = arith.cmpi ne, %rem3A, %ne3A : i32
    %lt3A = arith.constant 0 : i32
    %lt3A_166 = arith.cmpi slt, %rem3A, %lt3A : i32
    %lt3A_167 = arith.constant 0 : i32
    %lt3A_168 = arith.cmpi slt, %select_n3A, %lt3A_167 : i32
    %ne3A_169 = arith.xori %lt3A_166, %lt3A_168 : i1
    %and3A = arith.andi %ne3A_169, %ne3A_165 : i1
    %add3A_170 = arith.addi %rem3A, %select_n3A : i32
    %select_n3A_171 = arith.select %and3A, %add3A_170, %rem3A : i32
    %eq3A_172 = arith.constant 0 : i32
    %eq3A_173 = arith.cmpi eq, %select_n3A_171, %eq3A_172 : i32
    %convert_element_type3A = arith.extui %eq3A_173 : i1 to i32
    %cond3A = arith.constant 0 : i32
    %cond3A_174 = arith.cmpi ne, %convert_element_type3A, %cond3A : i32
    scf.if %cond3A_174 {
      %dma_wait3A_403 = arith.constant 0 : i32
      %dma_wait3A_404 = arith.constant 0 : i32
      %dma_wait3A_405 = arith.constant 0 : i32
      %dma_wait3A_406 = tpu.memref_slice %arg12[%dma_wait3A_403, %dma_wait3A_404, %dma_wait3A_405] : memref<5x64x128xf32, #tpu.memory_space<vmem>> -> memref<1x64x128xf32, #tpu.memory_space<vmem>>
      %dma_wait3A_407 = tpu.memref_squeeze %dma_wait3A_406 : memref<1x64x128xf32, #tpu.memory_space<vmem>> -> memref<64x128xf32, #tpu.memory_space<vmem>>
      %dma_wait3A_408 = arith.constant 0 : i32
      %dma_wait3A_409 = arith.constant 0 : i32
      %dma_wait3A_410 = tpu.memref_slice %arg5[%dma_wait3A_408, %dma_wait3A_409] : memref<64x1000000xf32, #tpu.memory_space<hbm>> -> memref<64x128xf32, #tpu.memory_space<hbm>>
      %dma_wait3A_411 = arith.constant 0 : i32
      %dma_wait3A_412 = arith.constant 0 : i32
      %dma_wait3A_413 = tpu.memref_slice %arg12[%dma_wait3A_403, %dma_wait3A_411, %dma_wait3A_412] : memref<5x64x128xf32, #tpu.memory_space<vmem>> -> memref<1x64x128xf32, #tpu.memory_space<vmem>>
      %dma_wait3A_414 = tpu.memref_squeeze %dma_wait3A_413 : memref<1x64x128xf32, #tpu.memory_space<vmem>> -> memref<64x128xf32, #tpu.memory_space<vmem>>
      %dma_wait3A_415 = arith.constant 0 : i32
      %dma_wait3A_416 = arith.constant 0 : i32
      %dma_wait3A_417 = tpu.memref_slice %arg5[%dma_wait3A_415, %dma_wait3A_416] : memref<64x1000000xf32, #tpu.memory_space<hbm>> -> memref<64x128xf32, #tpu.memory_space<hbm>>
      tpu.wait_dma2 semaphore(%arg14 : memref<!tpu.dma_semaphore, #tpu.memory_space<semaphore_mem>>) src(%dma_wait3A_417 : memref<64x128xf32, #tpu.memory_space<hbm>>) dst(%dma_wait3A_414 : memref<64x128xf32, #tpu.memory_space<vmem>>)
      %dma_wait3A_418 = arith.constant 0 : i32
      %dma_wait3A_419 = arith.constant 0 : i32
      %dma_wait3A_420 = arith.constant 0 : i32
      %dma_wait3A_421 = tpu.memref_slice %arg13[%dma_wait3A_418, %dma_wait3A_419, %dma_wait3A_420] : memref<5x16x128xf32, #tpu.memory_space<vmem>> -> memref<1x16x128xf32, #tpu.memory_space<vmem>>
      %dma_wait3A_422 = tpu.memref_squeeze %dma_wait3A_421 : memref<1x16x128xf32, #tpu.memory_space<vmem>> -> memref<16x128xf32, #tpu.memory_space<vmem>>
      %dma_wait3A_423 = arith.constant 0 : i32
      %dma_wait3A_424 = arith.constant 0 : i32
      %dma_wait3A_425 = tpu.memref_slice %arg6[%dma_wait3A_423, %dma_wait3A_424] : memref<16x1000000xf32, #tpu.memory_space<hbm>> -> memref<16x128xf32, #tpu.memory_space<hbm>>
      %dma_wait3A_426 = arith.constant 0 : i32
      %dma_wait3A_427 = arith.constant 0 : i32
      %dma_wait3A_428 = tpu.memref_slice %arg13[%dma_wait3A_418, %dma_wait3A_426, %dma_wait3A_427] : memref<5x16x128xf32, #tpu.memory_space<vmem>> -> memref<1x16x128xf32, #tpu.memory_space<vmem>>
      %dma_wait3A_429 = tpu.memref_squeeze %dma_wait3A_428 : memref<1x16x128xf32, #tpu.memory_space<vmem>> -> memref<16x128xf32, #tpu.memory_space<vmem>>
      %dma_wait3A_430 = arith.constant 0 : i32
      %dma_wait3A_431 = arith.constant 0 : i32
      %dma_wait3A_432 = tpu.memref_slice %arg6[%dma_wait3A_430, %dma_wait3A_431] : memref<16x1000000xf32, #tpu.memory_space<hbm>> -> memref<16x128xf32, #tpu.memory_space<hbm>>
      tpu.wait_dma2 semaphore(%arg19 : memref<!tpu.dma_semaphore, #tpu.memory_space<semaphore_mem>>) src(%dma_wait3A_432 : memref<16x128xf32, #tpu.memory_space<hbm>>) dst(%dma_wait3A_429 : memref<16x128xf32, #tpu.memory_space<vmem>>)
    } else {
    }
    %eq3A_175 = arith.constant 1 : i32
    %eq3A_176 = arith.cmpi eq, %select_n3A_171, %eq3A_175 : i32
    %convert_element_type3A_177 = arith.extui %eq3A_176 : i1 to i32
    %cond3A_178 = arith.constant 0 : i32
    %cond3A_179 = arith.cmpi ne, %convert_element_type3A_177, %cond3A_178 : i32
    scf.if %cond3A_179 {
      %dma_wait3A_403 = arith.constant 1 : i32
      %dma_wait3A_404 = arith.constant 0 : i32
      %dma_wait3A_405 = arith.constant 0 : i32
      %dma_wait3A_406 = tpu.memref_slice %arg12[%dma_wait3A_403, %dma_wait3A_404, %dma_wait3A_405] : memref<5x64x128xf32, #tpu.memory_space<vmem>> -> memref<1x64x128xf32, #tpu.memory_space<vmem>>
      %dma_wait3A_407 = tpu.memref_squeeze %dma_wait3A_406 : memref<1x64x128xf32, #tpu.memory_space<vmem>> -> memref<64x128xf32, #tpu.memory_space<vmem>>
      %dma_wait3A_408 = arith.constant 0 : i32
      %dma_wait3A_409 = arith.constant 0 : i32
      %dma_wait3A_410 = tpu.memref_slice %arg5[%dma_wait3A_408, %dma_wait3A_409] : memref<64x1000000xf32, #tpu.memory_space<hbm>> -> memref<64x128xf32, #tpu.memory_space<hbm>>
      %dma_wait3A_411 = arith.constant 0 : i32
      %dma_wait3A_412 = arith.constant 0 : i32
      %dma_wait3A_413 = tpu.memref_slice %arg12[%dma_wait3A_403, %dma_wait3A_411, %dma_wait3A_412] : memref<5x64x128xf32, #tpu.memory_space<vmem>> -> memref<1x64x128xf32, #tpu.memory_space<vmem>>
      %dma_wait3A_414 = tpu.memref_squeeze %dma_wait3A_413 : memref<1x64x128xf32, #tpu.memory_space<vmem>> -> memref<64x128xf32, #tpu.memory_space<vmem>>
      %dma_wait3A_415 = arith.constant 0 : i32
      %dma_wait3A_416 = arith.constant 0 : i32
      %dma_wait3A_417 = tpu.memref_slice %arg5[%dma_wait3A_415, %dma_wait3A_416] : memref<64x1000000xf32, #tpu.memory_space<hbm>> -> memref<64x128xf32, #tpu.memory_space<hbm>>
      tpu.wait_dma2 semaphore(%arg15 : memref<!tpu.dma_semaphore, #tpu.memory_space<semaphore_mem>>) src(%dma_wait3A_417 : memref<64x128xf32, #tpu.memory_space<hbm>>) dst(%dma_wait3A_414 : memref<64x128xf32, #tpu.memory_space<vmem>>)
      %dma_wait3A_418 = arith.constant 1 : i32
      %dma_wait3A_419 = arith.constant 0 : i32
      %dma_wait3A_420 = arith.constant 0 : i32
      %dma_wait3A_421 = tpu.memref_slice %arg13[%dma_wait3A_418, %dma_wait3A_419, %dma_wait3A_420] : memref<5x16x128xf32, #tpu.memory_space<vmem>> -> memref<1x16x128xf32, #tpu.memory_space<vmem>>
      %dma_wait3A_422 = tpu.memref_squeeze %dma_wait3A_421 : memref<1x16x128xf32, #tpu.memory_space<vmem>> -> memref<16x128xf32, #tpu.memory_space<vmem>>
      %dma_wait3A_423 = arith.constant 0 : i32
      %dma_wait3A_424 = arith.constant 0 : i32
      %dma_wait3A_425 = tpu.memref_slice %arg6[%dma_wait3A_423, %dma_wait3A_424] : memref<16x1000000xf32, #tpu.memory_space<hbm>> -> memref<16x128xf32, #tpu.memory_space<hbm>>
      %dma_wait3A_426 = arith.constant 0 : i32
      %dma_wait3A_427 = arith.constant 0 : i32
      %dma_wait3A_428 = tpu.memref_slice %arg13[%dma_wait3A_418, %dma_wait3A_426, %dma_wait3A_427] : memref<5x16x128xf32, #tpu.memory_space<vmem>> -> memref<1x16x128xf32, #tpu.memory_space<vmem>>
      %dma_wait3A_429 = tpu.memref_squeeze %dma_wait3A_428 : memref<1x16x128xf32, #tpu.memory_space<vmem>> -> memref<16x128xf32, #tpu.memory_space<vmem>>
      %dma_wait3A_430 = arith.constant 0 : i32
      %dma_wait3A_431 = arith.constant 0 : i32
      %dma_wait3A_432 = tpu.memref_slice %arg6[%dma_wait3A_430, %dma_wait3A_431] : memref<16x1000000xf32, #tpu.memory_space<hbm>> -> memref<16x128xf32, #tpu.memory_space<hbm>>
      tpu.wait_dma2 semaphore(%arg20 : memref<!tpu.dma_semaphore, #tpu.memory_space<semaphore_mem>>) src(%dma_wait3A_432 : memref<16x128xf32, #tpu.memory_space<hbm>>) dst(%dma_wait3A_429 : memref<16x128xf32, #tpu.memory_space<vmem>>)
    } else {
    }
    %eq3A_180 = arith.constant 2 : i32
    %eq3A_181 = arith.cmpi eq, %select_n3A_171, %eq3A_180 : i32
    %convert_element_type3A_182 = arith.extui %eq3A_181 : i1 to i32
    %cond3A_183 = arith.constant 0 : i32
    %cond3A_184 = arith.cmpi ne, %convert_element_type3A_182, %cond3A_183 : i32
    scf.if %cond3A_184 {
      %dma_wait3A_403 = arith.constant 2 : i32
      %dma_wait3A_404 = arith.constant 0 : i32
      %dma_wait3A_405 = arith.constant 0 : i32
      %dma_wait3A_406 = tpu.memref_slice %arg12[%dma_wait3A_403, %dma_wait3A_404, %dma_wait3A_405] : memref<5x64x128xf32, #tpu.memory_space<vmem>> -> memref<1x64x128xf32, #tpu.memory_space<vmem>>
      %dma_wait3A_407 = tpu.memref_squeeze %dma_wait3A_406 : memref<1x64x128xf32, #tpu.memory_space<vmem>> -> memref<64x128xf32, #tpu.memory_space<vmem>>
      %dma_wait3A_408 = arith.constant 0 : i32
      %dma_wait3A_409 = arith.constant 0 : i32
      %dma_wait3A_410 = tpu.memref_slice %arg5[%dma_wait3A_408, %dma_wait3A_409] : memref<64x1000000xf32, #tpu.memory_space<hbm>> -> memref<64x128xf32, #tpu.memory_space<hbm>>
      %dma_wait3A_411 = arith.constant 0 : i32
      %dma_wait3A_412 = arith.constant 0 : i32
      %dma_wait3A_413 = tpu.memref_slice %arg12[%dma_wait3A_403, %dma_wait3A_411, %dma_wait3A_412] : memref<5x64x128xf32, #tpu.memory_space<vmem>> -> memref<1x64x128xf32, #tpu.memory_space<vmem>>
      %dma_wait3A_414 = tpu.memref_squeeze %dma_wait3A_413 : memref<1x64x128xf32, #tpu.memory_space<vmem>> -> memref<64x128xf32, #tpu.memory_space<vmem>>
      %dma_wait3A_415 = arith.constant 0 : i32
      %dma_wait3A_416 = arith.constant 0 : i32
      %dma_wait3A_417 = tpu.memref_slice %arg5[%dma_wait3A_415, %dma_wait3A_416] : memref<64x1000000xf32, #tpu.memory_space<hbm>> -> memref<64x128xf32, #tpu.memory_space<hbm>>
      tpu.wait_dma2 semaphore(%arg16 : memref<!tpu.dma_semaphore, #tpu.memory_space<semaphore_mem>>) src(%dma_wait3A_417 : memref<64x128xf32, #tpu.memory_space<hbm>>) dst(%dma_wait3A_414 : memref<64x128xf32, #tpu.memory_space<vmem>>)
      %dma_wait3A_418 = arith.constant 2 : i32
      %dma_wait3A_419 = arith.constant 0 : i32
      %dma_wait3A_420 = arith.constant 0 : i32
      %dma_wait3A_421 = tpu.memref_slice %arg13[%dma_wait3A_418, %dma_wait3A_419, %dma_wait3A_420] : memref<5x16x128xf32, #tpu.memory_space<vmem>> -> memref<1x16x128xf32, #tpu.memory_space<vmem>>
      %dma_wait3A_422 = tpu.memref_squeeze %dma_wait3A_421 : memref<1x16x128xf32, #tpu.memory_space<vmem>> -> memref<16x128xf32, #tpu.memory_space<vmem>>
      %dma_wait3A_423 = arith.constant 0 : i32
      %dma_wait3A_424 = arith.constant 0 : i32
      %dma_wait3A_425 = tpu.memref_slice %arg6[%dma_wait3A_423, %dma_wait3A_424] : memref<16x1000000xf32, #tpu.memory_space<hbm>> -> memref<16x128xf32, #tpu.memory_space<hbm>>
      %dma_wait3A_426 = arith.constant 0 : i32
      %dma_wait3A_427 = arith.constant 0 : i32
      %dma_wait3A_428 = tpu.memref_slice %arg13[%dma_wait3A_418, %dma_wait3A_426, %dma_wait3A_427] : memref<5x16x128xf32, #tpu.memory_space<vmem>> -> memref<1x16x128xf32, #tpu.memory_space<vmem>>
      %dma_wait3A_429 = tpu.memref_squeeze %dma_wait3A_428 : memref<1x16x128xf32, #tpu.memory_space<vmem>> -> memref<16x128xf32, #tpu.memory_space<vmem>>
      %dma_wait3A_430 = arith.constant 0 : i32
      %dma_wait3A_431 = arith.constant 0 : i32
      %dma_wait3A_432 = tpu.memref_slice %arg6[%dma_wait3A_430, %dma_wait3A_431] : memref<16x1000000xf32, #tpu.memory_space<hbm>> -> memref<16x128xf32, #tpu.memory_space<hbm>>
      tpu.wait_dma2 semaphore(%arg21 : memref<!tpu.dma_semaphore, #tpu.memory_space<semaphore_mem>>) src(%dma_wait3A_432 : memref<16x128xf32, #tpu.memory_space<hbm>>) dst(%dma_wait3A_429 : memref<16x128xf32, #tpu.memory_space<vmem>>)
    } else {
    }
    %eq3A_185 = arith.constant 3 : i32
    %eq3A_186 = arith.cmpi eq, %select_n3A_171, %eq3A_185 : i32
    %convert_element_type3A_187 = arith.extui %eq3A_186 : i1 to i32
    %cond3A_188 = arith.constant 0 : i32
    %cond3A_189 = arith.cmpi ne, %convert_element_type3A_187, %cond3A_188 : i32
    scf.if %cond3A_189 {
      %dma_wait3A_403 = arith.constant 3 : i32
      %dma_wait3A_404 = arith.constant 0 : i32
      %dma_wait3A_405 = arith.constant 0 : i32
      %dma_wait3A_406 = tpu.memref_slice %arg12[%dma_wait3A_403, %dma_wait3A_404, %dma_wait3A_405] : memref<5x64x128xf32, #tpu.memory_space<vmem>> -> memref<1x64x128xf32, #tpu.memory_space<vmem>>
      %dma_wait3A_407 = tpu.memref_squeeze %dma_wait3A_406 : memref<1x64x128xf32, #tpu.memory_space<vmem>> -> memref<64x128xf32, #tpu.memory_space<vmem>>
      %dma_wait3A_408 = arith.constant 0 : i32
      %dma_wait3A_409 = arith.constant 0 : i32
      %dma_wait3A_410 = tpu.memref_slice %arg5[%dma_wait3A_408, %dma_wait3A_409] : memref<64x1000000xf32, #tpu.memory_space<hbm>> -> memref<64x128xf32, #tpu.memory_space<hbm>>
      %dma_wait3A_411 = arith.constant 0 : i32
      %dma_wait3A_412 = arith.constant 0 : i32
      %dma_wait3A_413 = tpu.memref_slice %arg12[%dma_wait3A_403, %dma_wait3A_411, %dma_wait3A_412] : memref<5x64x128xf32, #tpu.memory_space<vmem>> -> memref<1x64x128xf32, #tpu.memory_space<vmem>>
      %dma_wait3A_414 = tpu.memref_squeeze %dma_wait3A_413 : memref<1x64x128xf32, #tpu.memory_space<vmem>> -> memref<64x128xf32, #tpu.memory_space<vmem>>
      %dma_wait3A_415 = arith.constant 0 : i32
      %dma_wait3A_416 = arith.constant 0 : i32
      %dma_wait3A_417 = tpu.memref_slice %arg5[%dma_wait3A_415, %dma_wait3A_416] : memref<64x1000000xf32, #tpu.memory_space<hbm>> -> memref<64x128xf32, #tpu.memory_space<hbm>>
      tpu.wait_dma2 semaphore(%arg17 : memref<!tpu.dma_semaphore, #tpu.memory_space<semaphore_mem>>) src(%dma_wait3A_417 : memref<64x128xf32, #tpu.memory_space<hbm>>) dst(%dma_wait3A_414 : memref<64x128xf32, #tpu.memory_space<vmem>>)
      %dma_wait3A_418 = arith.constant 3 : i32
      %dma_wait3A_419 = arith.constant 0 : i32
      %dma_wait3A_420 = arith.constant 0 : i32
      %dma_wait3A_421 = tpu.memref_slice %arg13[%dma_wait3A_418, %dma_wait3A_419, %dma_wait3A_420] : memref<5x16x128xf32, #tpu.memory_space<vmem>> -> memref<1x16x128xf32, #tpu.memory_space<vmem>>
      %dma_wait3A_422 = tpu.memref_squeeze %dma_wait3A_421 : memref<1x16x128xf32, #tpu.memory_space<vmem>> -> memref<16x128xf32, #tpu.memory_space<vmem>>
      %dma_wait3A_423 = arith.constant 0 : i32
      %dma_wait3A_424 = arith.constant 0 : i32
      %dma_wait3A_425 = tpu.memref_slice %arg6[%dma_wait3A_423, %dma_wait3A_424] : memref<16x1000000xf32, #tpu.memory_space<hbm>> -> memref<16x128xf32, #tpu.memory_space<hbm>>
      %dma_wait3A_426 = arith.constant 0 : i32
      %dma_wait3A_427 = arith.constant 0 : i32
      %dma_wait3A_428 = tpu.memref_slice %arg13[%dma_wait3A_418, %dma_wait3A_426, %dma_wait3A_427] : memref<5x16x128xf32, #tpu.memory_space<vmem>> -> memref<1x16x128xf32, #tpu.memory_space<vmem>>
      %dma_wait3A_429 = tpu.memref_squeeze %dma_wait3A_428 : memref<1x16x128xf32, #tpu.memory_space<vmem>> -> memref<16x128xf32, #tpu.memory_space<vmem>>
      %dma_wait3A_430 = arith.constant 0 : i32
      %dma_wait3A_431 = arith.constant 0 : i32
      %dma_wait3A_432 = tpu.memref_slice %arg6[%dma_wait3A_430, %dma_wait3A_431] : memref<16x1000000xf32, #tpu.memory_space<hbm>> -> memref<16x128xf32, #tpu.memory_space<hbm>>
      tpu.wait_dma2 semaphore(%arg22 : memref<!tpu.dma_semaphore, #tpu.memory_space<semaphore_mem>>) src(%dma_wait3A_432 : memref<16x128xf32, #tpu.memory_space<hbm>>) dst(%dma_wait3A_429 : memref<16x128xf32, #tpu.memory_space<vmem>>)
    } else {
    }
    %eq3A_190 = arith.constant 4 : i32
    %eq3A_191 = arith.cmpi eq, %select_n3A_171, %eq3A_190 : i32
    %convert_element_type3A_192 = arith.extui %eq3A_191 : i1 to i32
    %cond3A_193 = arith.constant 0 : i32
    %cond3A_194 = arith.cmpi ne, %convert_element_type3A_192, %cond3A_193 : i32
    scf.if %cond3A_194 {
      %dma_wait3A_403 = arith.constant 4 : i32
      %dma_wait3A_404 = arith.constant 0 : i32
      %dma_wait3A_405 = arith.constant 0 : i32
      %dma_wait3A_406 = tpu.memref_slice %arg12[%dma_wait3A_403, %dma_wait3A_404, %dma_wait3A_405] : memref<5x64x128xf32, #tpu.memory_space<vmem>> -> memref<1x64x128xf32, #tpu.memory_space<vmem>>
      %dma_wait3A_407 = tpu.memref_squeeze %dma_wait3A_406 : memref<1x64x128xf32, #tpu.memory_space<vmem>> -> memref<64x128xf32, #tpu.memory_space<vmem>>
      %dma_wait3A_408 = arith.constant 0 : i32
      %dma_wait3A_409 = arith.constant 0 : i32
      %dma_wait3A_410 = tpu.memref_slice %arg5[%dma_wait3A_408, %dma_wait3A_409] : memref<64x1000000xf32, #tpu.memory_space<hbm>> -> memref<64x128xf32, #tpu.memory_space<hbm>>
      %dma_wait3A_411 = arith.constant 0 : i32
      %dma_wait3A_412 = arith.constant 0 : i32
      %dma_wait3A_413 = tpu.memref_slice %arg12[%dma_wait3A_403, %dma_wait3A_411, %dma_wait3A_412] : memref<5x64x128xf32, #tpu.memory_space<vmem>> -> memref<1x64x128xf32, #tpu.memory_space<vmem>>
      %dma_wait3A_414 = tpu.memref_squeeze %dma_wait3A_413 : memref<1x64x128xf32, #tpu.memory_space<vmem>> -> memref<64x128xf32, #tpu.memory_space<vmem>>
      %dma_wait3A_415 = arith.constant 0 : i32
      %dma_wait3A_416 = arith.constant 0 : i32
      %dma_wait3A_417 = tpu.memref_slice %arg5[%dma_wait3A_415, %dma_wait3A_416] : memref<64x1000000xf32, #tpu.memory_space<hbm>> -> memref<64x128xf32, #tpu.memory_space<hbm>>
      tpu.wait_dma2 semaphore(%arg18 : memref<!tpu.dma_semaphore, #tpu.memory_space<semaphore_mem>>) src(%dma_wait3A_417 : memref<64x128xf32, #tpu.memory_space<hbm>>) dst(%dma_wait3A_414 : memref<64x128xf32, #tpu.memory_space<vmem>>)
      %dma_wait3A_418 = arith.constant 4 : i32
      %dma_wait3A_419 = arith.constant 0 : i32
      %dma_wait3A_420 = arith.constant 0 : i32
      %dma_wait3A_421 = tpu.memref_slice %arg13[%dma_wait3A_418, %dma_wait3A_419, %dma_wait3A_420] : memref<5x16x128xf32, #tpu.memory_space<vmem>> -> memref<1x16x128xf32, #tpu.memory_space<vmem>>
      %dma_wait3A_422 = tpu.memref_squeeze %dma_wait3A_421 : memref<1x16x128xf32, #tpu.memory_space<vmem>> -> memref<16x128xf32, #tpu.memory_space<vmem>>
      %dma_wait3A_423 = arith.constant 0 : i32
      %dma_wait3A_424 = arith.constant 0 : i32
      %dma_wait3A_425 = tpu.memref_slice %arg6[%dma_wait3A_423, %dma_wait3A_424] : memref<16x1000000xf32, #tpu.memory_space<hbm>> -> memref<16x128xf32, #tpu.memory_space<hbm>>
      %dma_wait3A_426 = arith.constant 0 : i32
      %dma_wait3A_427 = arith.constant 0 : i32
      %dma_wait3A_428 = tpu.memref_slice %arg13[%dma_wait3A_418, %dma_wait3A_426, %dma_wait3A_427] : memref<5x16x128xf32, #tpu.memory_space<vmem>> -> memref<1x16x128xf32, #tpu.memory_space<vmem>>
      %dma_wait3A_429 = tpu.memref_squeeze %dma_wait3A_428 : memref<1x16x128xf32, #tpu.memory_space<vmem>> -> memref<16x128xf32, #tpu.memory_space<vmem>>
      %dma_wait3A_430 = arith.constant 0 : i32
      %dma_wait3A_431 = arith.constant 0 : i32
      %dma_wait3A_432 = tpu.memref_slice %arg6[%dma_wait3A_430, %dma_wait3A_431] : memref<16x1000000xf32, #tpu.memory_space<hbm>> -> memref<16x128xf32, #tpu.memory_space<hbm>>
      tpu.wait_dma2 semaphore(%arg23 : memref<!tpu.dma_semaphore, #tpu.memory_space<semaphore_mem>>) src(%dma_wait3A_432 : memref<16x128xf32, #tpu.memory_space<hbm>>) dst(%dma_wait3A_429 : memref<16x128xf32, #tpu.memory_space<vmem>>)
    } else {
    }
    %add3A_195 = arith.constant 2 : i32
    %add3A_196 = arith.addi %scan3A_159, %add3A_195 : i32
    %jit3A_197 = arith.constant 5 : i32
    %eq3A_198 = arith.constant 0 : i32
    %eq3A_199 = arith.cmpi eq, %jit3A_197, %eq3A_198 : i32
    %jit3A_200 = arith.constant 1 : i32
    %select_n3A_201 = arith.select %eq3A_199, %jit3A_200, %jit3A_197 : i32
    %rem3A_202 = arith.remsi %add3A_196, %select_n3A_201 : i32
    %ne3A_203 = arith.constant 0 : i32
    %ne3A_204 = arith.cmpi ne, %rem3A_202, %ne3A_203 : i32
    %lt3A_205 = arith.constant 0 : i32
    %lt3A_206 = arith.cmpi slt, %rem3A_202, %lt3A_205 : i32
    %lt3A_207 = arith.constant 0 : i32
    %lt3A_208 = arith.cmpi slt, %select_n3A_201, %lt3A_207 : i32
    %ne3A_209 = arith.xori %lt3A_206, %lt3A_208 : i1
    %and3A_210 = arith.andi %ne3A_209, %ne3A_204 : i1
    %add3A_211 = arith.addi %rem3A_202, %select_n3A_201 : i32
    %select_n3A_212 = arith.select %and3A_210, %add3A_211, %rem3A_202 : i32
    %eq3A_213 = arith.constant 0 : i32
    %eq3A_214 = arith.cmpi eq, %select_n3A_212, %eq3A_213 : i32
    %convert_element_type3A_215 = arith.extui %eq3A_214 : i1 to i32
    %cond3A_216 = arith.constant 0 : i32
    %cond3A_217 = arith.cmpi ne, %convert_element_type3A_215, %cond3A_216 : i32
    scf.if %cond3A_217 {
      %dma_wait3A_403 = arith.constant 0 : i32
      %dma_wait3A_404 = arith.constant 0 : i32
      %dma_wait3A_405 = arith.constant 0 : i32
      %dma_wait3A_406 = tpu.memref_slice %arg12[%dma_wait3A_403, %dma_wait3A_404, %dma_wait3A_405] : memref<5x64x128xf32, #tpu.memory_space<vmem>> -> memref<1x64x128xf32, #tpu.memory_space<vmem>>
      %dma_wait3A_407 = tpu.memref_squeeze %dma_wait3A_406 : memref<1x64x128xf32, #tpu.memory_space<vmem>> -> memref<64x128xf32, #tpu.memory_space<vmem>>
      %dma_wait3A_408 = arith.constant 0 : i32
      %dma_wait3A_409 = arith.constant 0 : i32
      %dma_wait3A_410 = tpu.memref_slice %arg5[%dma_wait3A_408, %dma_wait3A_409] : memref<64x1000000xf32, #tpu.memory_space<hbm>> -> memref<64x128xf32, #tpu.memory_space<hbm>>
      %dma_wait3A_411 = arith.constant 0 : i32
      %dma_wait3A_412 = arith.constant 0 : i32
      %dma_wait3A_413 = tpu.memref_slice %arg12[%dma_wait3A_403, %dma_wait3A_411, %dma_wait3A_412] : memref<5x64x128xf32, #tpu.memory_space<vmem>> -> memref<1x64x128xf32, #tpu.memory_space<vmem>>
      %dma_wait3A_414 = tpu.memref_squeeze %dma_wait3A_413 : memref<1x64x128xf32, #tpu.memory_space<vmem>> -> memref<64x128xf32, #tpu.memory_space<vmem>>
      %dma_wait3A_415 = arith.constant 0 : i32
      %dma_wait3A_416 = arith.constant 0 : i32
      %dma_wait3A_417 = tpu.memref_slice %arg5[%dma_wait3A_415, %dma_wait3A_416] : memref<64x1000000xf32, #tpu.memory_space<hbm>> -> memref<64x128xf32, #tpu.memory_space<hbm>>
      tpu.wait_dma2 semaphore(%arg14 : memref<!tpu.dma_semaphore, #tpu.memory_space<semaphore_mem>>) src(%dma_wait3A_417 : memref<64x128xf32, #tpu.memory_space<hbm>>) dst(%dma_wait3A_414 : memref<64x128xf32, #tpu.memory_space<vmem>>)
      %dma_wait3A_418 = arith.constant 0 : i32
      %dma_wait3A_419 = arith.constant 0 : i32
      %dma_wait3A_420 = arith.constant 0 : i32
      %dma_wait3A_421 = tpu.memref_slice %arg13[%dma_wait3A_418, %dma_wait3A_419, %dma_wait3A_420] : memref<5x16x128xf32, #tpu.memory_space<vmem>> -> memref<1x16x128xf32, #tpu.memory_space<vmem>>
      %dma_wait3A_422 = tpu.memref_squeeze %dma_wait3A_421 : memref<1x16x128xf32, #tpu.memory_space<vmem>> -> memref<16x128xf32, #tpu.memory_space<vmem>>
      %dma_wait3A_423 = arith.constant 0 : i32
      %dma_wait3A_424 = arith.constant 0 : i32
      %dma_wait3A_425 = tpu.memref_slice %arg6[%dma_wait3A_423, %dma_wait3A_424] : memref<16x1000000xf32, #tpu.memory_space<hbm>> -> memref<16x128xf32, #tpu.memory_space<hbm>>
      %dma_wait3A_426 = arith.constant 0 : i32
      %dma_wait3A_427 = arith.constant 0 : i32
      %dma_wait3A_428 = tpu.memref_slice %arg13[%dma_wait3A_418, %dma_wait3A_426, %dma_wait3A_427] : memref<5x16x128xf32, #tpu.memory_space<vmem>> -> memref<1x16x128xf32, #tpu.memory_space<vmem>>
      %dma_wait3A_429 = tpu.memref_squeeze %dma_wait3A_428 : memref<1x16x128xf32, #tpu.memory_space<vmem>> -> memref<16x128xf32, #tpu.memory_space<vmem>>
      %dma_wait3A_430 = arith.constant 0 : i32
      %dma_wait3A_431 = arith.constant 0 : i32
      %dma_wait3A_432 = tpu.memref_slice %arg6[%dma_wait3A_430, %dma_wait3A_431] : memref<16x1000000xf32, #tpu.memory_space<hbm>> -> memref<16x128xf32, #tpu.memory_space<hbm>>
      tpu.wait_dma2 semaphore(%arg19 : memref<!tpu.dma_semaphore, #tpu.memory_space<semaphore_mem>>) src(%dma_wait3A_432 : memref<16x128xf32, #tpu.memory_space<hbm>>) dst(%dma_wait3A_429 : memref<16x128xf32, #tpu.memory_space<vmem>>)
    } else {
    }
    %eq3A_218 = arith.constant 1 : i32
    %eq3A_219 = arith.cmpi eq, %select_n3A_212, %eq3A_218 : i32
    %convert_element_type3A_220 = arith.extui %eq3A_219 : i1 to i32
    %cond3A_221 = arith.constant 0 : i32
    %cond3A_222 = arith.cmpi ne, %convert_element_type3A_220, %cond3A_221 : i32
    scf.if %cond3A_222 {
      %dma_wait3A_403 = arith.constant 1 : i32
      %dma_wait3A_404 = arith.constant 0 : i32
      %dma_wait3A_405 = arith.constant 0 : i32
      %dma_wait3A_406 = tpu.memref_slice %arg12[%dma_wait3A_403, %dma_wait3A_404, %dma_wait3A_405] : memref<5x64x128xf32, #tpu.memory_space<vmem>> -> memref<1x64x128xf32, #tpu.memory_space<vmem>>
      %dma_wait3A_407 = tpu.memref_squeeze %dma_wait3A_406 : memref<1x64x128xf32, #tpu.memory_space<vmem>> -> memref<64x128xf32, #tpu.memory_space<vmem>>
      %dma_wait3A_408 = arith.constant 0 : i32
      %dma_wait3A_409 = arith.constant 0 : i32
      %dma_wait3A_410 = tpu.memref_slice %arg5[%dma_wait3A_408, %dma_wait3A_409] : memref<64x1000000xf32, #tpu.memory_space<hbm>> -> memref<64x128xf32, #tpu.memory_space<hbm>>
      %dma_wait3A_411 = arith.constant 0 : i32
      %dma_wait3A_412 = arith.constant 0 : i32
      %dma_wait3A_413 = tpu.memref_slice %arg12[%dma_wait3A_403, %dma_wait3A_411, %dma_wait3A_412] : memref<5x64x128xf32, #tpu.memory_space<vmem>> -> memref<1x64x128xf32, #tpu.memory_space<vmem>>
      %dma_wait3A_414 = tpu.memref_squeeze %dma_wait3A_413 : memref<1x64x128xf32, #tpu.memory_space<vmem>> -> memref<64x128xf32, #tpu.memory_space<vmem>>
      %dma_wait3A_415 = arith.constant 0 : i32
      %dma_wait3A_416 = arith.constant 0 : i32
      %dma_wait3A_417 = tpu.memref_slice %arg5[%dma_wait3A_415, %dma_wait3A_416] : memref<64x1000000xf32, #tpu.memory_space<hbm>> -> memref<64x128xf32, #tpu.memory_space<hbm>>
      tpu.wait_dma2 semaphore(%arg15 : memref<!tpu.dma_semaphore, #tpu.memory_space<semaphore_mem>>) src(%dma_wait3A_417 : memref<64x128xf32, #tpu.memory_space<hbm>>) dst(%dma_wait3A_414 : memref<64x128xf32, #tpu.memory_space<vmem>>)
      %dma_wait3A_418 = arith.constant 1 : i32
      %dma_wait3A_419 = arith.constant 0 : i32
      %dma_wait3A_420 = arith.constant 0 : i32
      %dma_wait3A_421 = tpu.memref_slice %arg13[%dma_wait3A_418, %dma_wait3A_419, %dma_wait3A_420] : memref<5x16x128xf32, #tpu.memory_space<vmem>> -> memref<1x16x128xf32, #tpu.memory_space<vmem>>
      %dma_wait3A_422 = tpu.memref_squeeze %dma_wait3A_421 : memref<1x16x128xf32, #tpu.memory_space<vmem>> -> memref<16x128xf32, #tpu.memory_space<vmem>>
      %dma_wait3A_423 = arith.constant 0 : i32
      %dma_wait3A_424 = arith.constant 0 : i32
      %dma_wait3A_425 = tpu.memref_slice %arg6[%dma_wait3A_423, %dma_wait3A_424] : memref<16x1000000xf32, #tpu.memory_space<hbm>> -> memref<16x128xf32, #tpu.memory_space<hbm>>
      %dma_wait3A_426 = arith.constant 0 : i32
      %dma_wait3A_427 = arith.constant 0 : i32
      %dma_wait3A_428 = tpu.memref_slice %arg13[%dma_wait3A_418, %dma_wait3A_426, %dma_wait3A_427] : memref<5x16x128xf32, #tpu.memory_space<vmem>> -> memref<1x16x128xf32, #tpu.memory_space<vmem>>
      %dma_wait3A_429 = tpu.memref_squeeze %dma_wait3A_428 : memref<1x16x128xf32, #tpu.memory_space<vmem>> -> memref<16x128xf32, #tpu.memory_space<vmem>>
      %dma_wait3A_430 = arith.constant 0 : i32
      %dma_wait3A_431 = arith.constant 0 : i32
      %dma_wait3A_432 = tpu.memref_slice %arg6[%dma_wait3A_430, %dma_wait3A_431] : memref<16x1000000xf32, #tpu.memory_space<hbm>> -> memref<16x128xf32, #tpu.memory_space<hbm>>
      tpu.wait_dma2 semaphore(%arg20 : memref<!tpu.dma_semaphore, #tpu.memory_space<semaphore_mem>>) src(%dma_wait3A_432 : memref<16x128xf32, #tpu.memory_space<hbm>>) dst(%dma_wait3A_429 : memref<16x128xf32, #tpu.memory_space<vmem>>)
    } else {
    }
    %eq3A_223 = arith.constant 2 : i32
    %eq3A_224 = arith.cmpi eq, %select_n3A_212, %eq3A_223 : i32
    %convert_element_type3A_225 = arith.extui %eq3A_224 : i1 to i32
    %cond3A_226 = arith.constant 0 : i32
    %cond3A_227 = arith.cmpi ne, %convert_element_type3A_225, %cond3A_226 : i32
    scf.if %cond3A_227 {
      %dma_wait3A_403 = arith.constant 2 : i32
      %dma_wait3A_404 = arith.constant 0 : i32
      %dma_wait3A_405 = arith.constant 0 : i32
      %dma_wait3A_406 = tpu.memref_slice %arg12[%dma_wait3A_403, %dma_wait3A_404, %dma_wait3A_405] : memref<5x64x128xf32, #tpu.memory_space<vmem>> -> memref<1x64x128xf32, #tpu.memory_space<vmem>>
      %dma_wait3A_407 = tpu.memref_squeeze %dma_wait3A_406 : memref<1x64x128xf32, #tpu.memory_space<vmem>> -> memref<64x128xf32, #tpu.memory_space<vmem>>
      %dma_wait3A_408 = arith.constant 0 : i32
      %dma_wait3A_409 = arith.constant 0 : i32
      %dma_wait3A_410 = tpu.memref_slice %arg5[%dma_wait3A_408, %dma_wait3A_409] : memref<64x1000000xf32, #tpu.memory_space<hbm>> -> memref<64x128xf32, #tpu.memory_space<hbm>>
      %dma_wait3A_411 = arith.constant 0 : i32
      %dma_wait3A_412 = arith.constant 0 : i32
      %dma_wait3A_413 = tpu.memref_slice %arg12[%dma_wait3A_403, %dma_wait3A_411, %dma_wait3A_412] : memref<5x64x128xf32, #tpu.memory_space<vmem>> -> memref<1x64x128xf32, #tpu.memory_space<vmem>>
      %dma_wait3A_414 = tpu.memref_squeeze %dma_wait3A_413 : memref<1x64x128xf32, #tpu.memory_space<vmem>> -> memref<64x128xf32, #tpu.memory_space<vmem>>
      %dma_wait3A_415 = arith.constant 0 : i32
      %dma_wait3A_416 = arith.constant 0 : i32
      %dma_wait3A_417 = tpu.memref_slice %arg5[%dma_wait3A_415, %dma_wait3A_416] : memref<64x1000000xf32, #tpu.memory_space<hbm>> -> memref<64x128xf32, #tpu.memory_space<hbm>>
      tpu.wait_dma2 semaphore(%arg16 : memref<!tpu.dma_semaphore, #tpu.memory_space<semaphore_mem>>) src(%dma_wait3A_417 : memref<64x128xf32, #tpu.memory_space<hbm>>) dst(%dma_wait3A_414 : memref<64x128xf32, #tpu.memory_space<vmem>>)
      %dma_wait3A_418 = arith.constant 2 : i32
      %dma_wait3A_419 = arith.constant 0 : i32
      %dma_wait3A_420 = arith.constant 0 : i32
      %dma_wait3A_421 = tpu.memref_slice %arg13[%dma_wait3A_418, %dma_wait3A_419, %dma_wait3A_420] : memref<5x16x128xf32, #tpu.memory_space<vmem>> -> memref<1x16x128xf32, #tpu.memory_space<vmem>>
      %dma_wait3A_422 = tpu.memref_squeeze %dma_wait3A_421 : memref<1x16x128xf32, #tpu.memory_space<vmem>> -> memref<16x128xf32, #tpu.memory_space<vmem>>
      %dma_wait3A_423 = arith.constant 0 : i32
      %dma_wait3A_424 = arith.constant 0 : i32
      %dma_wait3A_425 = tpu.memref_slice %arg6[%dma_wait3A_423, %dma_wait3A_424] : memref<16x1000000xf32, #tpu.memory_space<hbm>> -> memref<16x128xf32, #tpu.memory_space<hbm>>
      %dma_wait3A_426 = arith.constant 0 : i32
      %dma_wait3A_427 = arith.constant 0 : i32
      %dma_wait3A_428 = tpu.memref_slice %arg13[%dma_wait3A_418, %dma_wait3A_426, %dma_wait3A_427] : memref<5x16x128xf32, #tpu.memory_space<vmem>> -> memref<1x16x128xf32, #tpu.memory_space<vmem>>
      %dma_wait3A_429 = tpu.memref_squeeze %dma_wait3A_428 : memref<1x16x128xf32, #tpu.memory_space<vmem>> -> memref<16x128xf32, #tpu.memory_space<vmem>>
      %dma_wait3A_430 = arith.constant 0 : i32
      %dma_wait3A_431 = arith.constant 0 : i32
      %dma_wait3A_432 = tpu.memref_slice %arg6[%dma_wait3A_430, %dma_wait3A_431] : memref<16x1000000xf32, #tpu.memory_space<hbm>> -> memref<16x128xf32, #tpu.memory_space<hbm>>
      tpu.wait_dma2 semaphore(%arg21 : memref<!tpu.dma_semaphore, #tpu.memory_space<semaphore_mem>>) src(%dma_wait3A_432 : memref<16x128xf32, #tpu.memory_space<hbm>>) dst(%dma_wait3A_429 : memref<16x128xf32, #tpu.memory_space<vmem>>)
    } else {
    }
    %eq3A_228 = arith.constant 3 : i32
    %eq3A_229 = arith.cmpi eq, %select_n3A_212, %eq3A_228 : i32
    %convert_element_type3A_230 = arith.extui %eq3A_229 : i1 to i32
    %cond3A_231 = arith.constant 0 : i32
    %cond3A_232 = arith.cmpi ne, %convert_element_type3A_230, %cond3A_231 : i32
    scf.if %cond3A_232 {
      %dma_wait3A_403 = arith.constant 3 : i32
      %dma_wait3A_404 = arith.constant 0 : i32
      %dma_wait3A_405 = arith.constant 0 : i32
      %dma_wait3A_406 = tpu.memref_slice %arg12[%dma_wait3A_403, %dma_wait3A_404, %dma_wait3A_405] : memref<5x64x128xf32, #tpu.memory_space<vmem>> -> memref<1x64x128xf32, #tpu.memory_space<vmem>>
      %dma_wait3A_407 = tpu.memref_squeeze %dma_wait3A_406 : memref<1x64x128xf32, #tpu.memory_space<vmem>> -> memref<64x128xf32, #tpu.memory_space<vmem>>
      %dma_wait3A_408 = arith.constant 0 : i32
      %dma_wait3A_409 = arith.constant 0 : i32
      %dma_wait3A_410 = tpu.memref_slice %arg5[%dma_wait3A_408, %dma_wait3A_409] : memref<64x1000000xf32, #tpu.memory_space<hbm>> -> memref<64x128xf32, #tpu.memory_space<hbm>>
      %dma_wait3A_411 = arith.constant 0 : i32
      %dma_wait3A_412 = arith.constant 0 : i32
      %dma_wait3A_413 = tpu.memref_slice %arg12[%dma_wait3A_403, %dma_wait3A_411, %dma_wait3A_412] : memref<5x64x128xf32, #tpu.memory_space<vmem>> -> memref<1x64x128xf32, #tpu.memory_space<vmem>>
      %dma_wait3A_414 = tpu.memref_squeeze %dma_wait3A_413 : memref<1x64x128xf32, #tpu.memory_space<vmem>> -> memref<64x128xf32, #tpu.memory_space<vmem>>
      %dma_wait3A_415 = arith.constant 0 : i32
      %dma_wait3A_416 = arith.constant 0 : i32
      %dma_wait3A_417 = tpu.memref_slice %arg5[%dma_wait3A_415, %dma_wait3A_416] : memref<64x1000000xf32, #tpu.memory_space<hbm>> -> memref<64x128xf32, #tpu.memory_space<hbm>>
      tpu.wait_dma2 semaphore(%arg17 : memref<!tpu.dma_semaphore, #tpu.memory_space<semaphore_mem>>) src(%dma_wait3A_417 : memref<64x128xf32, #tpu.memory_space<hbm>>) dst(%dma_wait3A_414 : memref<64x128xf32, #tpu.memory_space<vmem>>)
      %dma_wait3A_418 = arith.constant 3 : i32
      %dma_wait3A_419 = arith.constant 0 : i32
      %dma_wait3A_420 = arith.constant 0 : i32
      %dma_wait3A_421 = tpu.memref_slice %arg13[%dma_wait3A_418, %dma_wait3A_419, %dma_wait3A_420] : memref<5x16x128xf32, #tpu.memory_space<vmem>> -> memref<1x16x128xf32, #tpu.memory_space<vmem>>
      %dma_wait3A_422 = tpu.memref_squeeze %dma_wait3A_421 : memref<1x16x128xf32, #tpu.memory_space<vmem>> -> memref<16x128xf32, #tpu.memory_space<vmem>>
      %dma_wait3A_423 = arith.constant 0 : i32
      %dma_wait3A_424 = arith.constant 0 : i32
      %dma_wait3A_425 = tpu.memref_slice %arg6[%dma_wait3A_423, %dma_wait3A_424] : memref<16x1000000xf32, #tpu.memory_space<hbm>> -> memref<16x128xf32, #tpu.memory_space<hbm>>
      %dma_wait3A_426 = arith.constant 0 : i32
      %dma_wait3A_427 = arith.constant 0 : i32
      %dma_wait3A_428 = tpu.memref_slice %arg13[%dma_wait3A_418, %dma_wait3A_426, %dma_wait3A_427] : memref<5x16x128xf32, #tpu.memory_space<vmem>> -> memref<1x16x128xf32, #tpu.memory_space<vmem>>
      %dma_wait3A_429 = tpu.memref_squeeze %dma_wait3A_428 : memref<1x16x128xf32, #tpu.memory_space<vmem>> -> memref<16x128xf32, #tpu.memory_space<vmem>>
      %dma_wait3A_430 = arith.constant 0 : i32
      %dma_wait3A_431 = arith.constant 0 : i32
      %dma_wait3A_432 = tpu.memref_slice %arg6[%dma_wait3A_430, %dma_wait3A_431] : memref<16x1000000xf32, #tpu.memory_space<hbm>> -> memref<16x128xf32, #tpu.memory_space<hbm>>
      tpu.wait_dma2 semaphore(%arg22 : memref<!tpu.dma_semaphore, #tpu.memory_space<semaphore_mem>>) src(%dma_wait3A_432 : memref<16x128xf32, #tpu.memory_space<hbm>>) dst(%dma_wait3A_429 : memref<16x128xf32, #tpu.memory_space<vmem>>)
    } else {
    }
    %eq3A_233 = arith.constant 4 : i32
    %eq3A_234 = arith.cmpi eq, %select_n3A_212, %eq3A_233 : i32
    %convert_element_type3A_235 = arith.extui %eq3A_234 : i1 to i32
    %cond3A_236 = arith.constant 0 : i32
    %cond3A_237 = arith.cmpi ne, %convert_element_type3A_235, %cond3A_236 : i32
    scf.if %cond3A_237 {
      %dma_wait3A_403 = arith.constant 4 : i32
      %dma_wait3A_404 = arith.constant 0 : i32
      %dma_wait3A_405 = arith.constant 0 : i32
      %dma_wait3A_406 = tpu.memref_slice %arg12[%dma_wait3A_403, %dma_wait3A_404, %dma_wait3A_405] : memref<5x64x128xf32, #tpu.memory_space<vmem>> -> memref<1x64x128xf32, #tpu.memory_space<vmem>>
      %dma_wait3A_407 = tpu.memref_squeeze %dma_wait3A_406 : memref<1x64x128xf32, #tpu.memory_space<vmem>> -> memref<64x128xf32, #tpu.memory_space<vmem>>
      %dma_wait3A_408 = arith.constant 0 : i32
      %dma_wait3A_409 = arith.constant 0 : i32
      %dma_wait3A_410 = tpu.memref_slice %arg5[%dma_wait3A_408, %dma_wait3A_409] : memref<64x1000000xf32, #tpu.memory_space<hbm>> -> memref<64x128xf32, #tpu.memory_space<hbm>>
      %dma_wait3A_411 = arith.constant 0 : i32
      %dma_wait3A_412 = arith.constant 0 : i32
      %dma_wait3A_413 = tpu.memref_slice %arg12[%dma_wait3A_403, %dma_wait3A_411, %dma_wait3A_412] : memref<5x64x128xf32, #tpu.memory_space<vmem>> -> memref<1x64x128xf32, #tpu.memory_space<vmem>>
      %dma_wait3A_414 = tpu.memref_squeeze %dma_wait3A_413 : memref<1x64x128xf32, #tpu.memory_space<vmem>> -> memref<64x128xf32, #tpu.memory_space<vmem>>
      %dma_wait3A_415 = arith.constant 0 : i32
      %dma_wait3A_416 = arith.constant 0 : i32
      %dma_wait3A_417 = tpu.memref_slice %arg5[%dma_wait3A_415, %dma_wait3A_416] : memref<64x1000000xf32, #tpu.memory_space<hbm>> -> memref<64x128xf32, #tpu.memory_space<hbm>>
      tpu.wait_dma2 semaphore(%arg18 : memref<!tpu.dma_semaphore, #tpu.memory_space<semaphore_mem>>) src(%dma_wait3A_417 : memref<64x128xf32, #tpu.memory_space<hbm>>) dst(%dma_wait3A_414 : memref<64x128xf32, #tpu.memory_space<vmem>>)
      %dma_wait3A_418 = arith.constant 4 : i32
      %dma_wait3A_419 = arith.constant 0 : i32
      %dma_wait3A_420 = arith.constant 0 : i32
      %dma_wait3A_421 = tpu.memref_slice %arg13[%dma_wait3A_418, %dma_wait3A_419, %dma_wait3A_420] : memref<5x16x128xf32, #tpu.memory_space<vmem>> -> memref<1x16x128xf32, #tpu.memory_space<vmem>>
      %dma_wait3A_422 = tpu.memref_squeeze %dma_wait3A_421 : memref<1x16x128xf32, #tpu.memory_space<vmem>> -> memref<16x128xf32, #tpu.memory_space<vmem>>
      %dma_wait3A_423 = arith.constant 0 : i32
      %dma_wait3A_424 = arith.constant 0 : i32
      %dma_wait3A_425 = tpu.memref_slice %arg6[%dma_wait3A_423, %dma_wait3A_424] : memref<16x1000000xf32, #tpu.memory_space<hbm>> -> memref<16x128xf32, #tpu.memory_space<hbm>>
      %dma_wait3A_426 = arith.constant 0 : i32
      %dma_wait3A_427 = arith.constant 0 : i32
      %dma_wait3A_428 = tpu.memref_slice %arg13[%dma_wait3A_418, %dma_wait3A_426, %dma_wait3A_427] : memref<5x16x128xf32, #tpu.memory_space<vmem>> -> memref<1x16x128xf32, #tpu.memory_space<vmem>>
      %dma_wait3A_429 = tpu.memref_squeeze %dma_wait3A_428 : memref<1x16x128xf32, #tpu.memory_space<vmem>> -> memref<16x128xf32, #tpu.memory_space<vmem>>
      %dma_wait3A_430 = arith.constant 0 : i32
      %dma_wait3A_431 = arith.constant 0 : i32
      %dma_wait3A_432 = tpu.memref_slice %arg6[%dma_wait3A_430, %dma_wait3A_431] : memref<16x1000000xf32, #tpu.memory_space<hbm>> -> memref<16x128xf32, #tpu.memory_space<hbm>>
      tpu.wait_dma2 semaphore(%arg23 : memref<!tpu.dma_semaphore, #tpu.memory_space<semaphore_mem>>) src(%dma_wait3A_432 : memref<16x128xf32, #tpu.memory_space<hbm>>) dst(%dma_wait3A_429 : memref<16x128xf32, #tpu.memory_space<vmem>>)
    } else {
    }
    %add3A_238 = arith.constant 3 : i32
    %add3A_239 = arith.addi %scan3A_159, %add3A_238 : i32
    %jit3A_240 = arith.constant 5 : i32
    %eq3A_241 = arith.constant 0 : i32
    %eq3A_242 = arith.cmpi eq, %jit3A_240, %eq3A_241 : i32
    %jit3A_243 = arith.constant 1 : i32
    %select_n3A_244 = arith.select %eq3A_242, %jit3A_243, %jit3A_240 : i32
    %rem3A_245 = arith.remsi %add3A_239, %select_n3A_244 : i32
    %ne3A_246 = arith.constant 0 : i32
    %ne3A_247 = arith.cmpi ne, %rem3A_245, %ne3A_246 : i32
    %lt3A_248 = arith.constant 0 : i32
    %lt3A_249 = arith.cmpi slt, %rem3A_245, %lt3A_248 : i32
    %lt3A_250 = arith.constant 0 : i32
    %lt3A_251 = arith.cmpi slt, %select_n3A_244, %lt3A_250 : i32
    %ne3A_252 = arith.xori %lt3A_249, %lt3A_251 : i1
    %and3A_253 = arith.andi %ne3A_252, %ne3A_247 : i1
    %add3A_254 = arith.addi %rem3A_245, %select_n3A_244 : i32
    %select_n3A_255 = arith.select %and3A_253, %add3A_254, %rem3A_245 : i32
    %eq3A_256 = arith.constant 0 : i32
    %eq3A_257 = arith.cmpi eq, %select_n3A_255, %eq3A_256 : i32
    %convert_element_type3A_258 = arith.extui %eq3A_257 : i1 to i32
    %cond3A_259 = arith.constant 0 : i32
    %cond3A_260 = arith.cmpi ne, %convert_element_type3A_258, %cond3A_259 : i32
    scf.if %cond3A_260 {
      %dma_wait3A_403 = arith.constant 0 : i32
      %dma_wait3A_404 = arith.constant 0 : i32
      %dma_wait3A_405 = arith.constant 0 : i32
      %dma_wait3A_406 = tpu.memref_slice %arg12[%dma_wait3A_403, %dma_wait3A_404, %dma_wait3A_405] : memref<5x64x128xf32, #tpu.memory_space<vmem>> -> memref<1x64x128xf32, #tpu.memory_space<vmem>>
      %dma_wait3A_407 = tpu.memref_squeeze %dma_wait3A_406 : memref<1x64x128xf32, #tpu.memory_space<vmem>> -> memref<64x128xf32, #tpu.memory_space<vmem>>
      %dma_wait3A_408 = arith.constant 0 : i32
      %dma_wait3A_409 = arith.constant 0 : i32
      %dma_wait3A_410 = tpu.memref_slice %arg5[%dma_wait3A_408, %dma_wait3A_409] : memref<64x1000000xf32, #tpu.memory_space<hbm>> -> memref<64x128xf32, #tpu.memory_space<hbm>>
      %dma_wait3A_411 = arith.constant 0 : i32
      %dma_wait3A_412 = arith.constant 0 : i32
      %dma_wait3A_413 = tpu.memref_slice %arg12[%dma_wait3A_403, %dma_wait3A_411, %dma_wait3A_412] : memref<5x64x128xf32, #tpu.memory_space<vmem>> -> memref<1x64x128xf32, #tpu.memory_space<vmem>>
      %dma_wait3A_414 = tpu.memref_squeeze %dma_wait3A_413 : memref<1x64x128xf32, #tpu.memory_space<vmem>> -> memref<64x128xf32, #tpu.memory_space<vmem>>
      %dma_wait3A_415 = arith.constant 0 : i32
      %dma_wait3A_416 = arith.constant 0 : i32
      %dma_wait3A_417 = tpu.memref_slice %arg5[%dma_wait3A_415, %dma_wait3A_416] : memref<64x1000000xf32, #tpu.memory_space<hbm>> -> memref<64x128xf32, #tpu.memory_space<hbm>>
      tpu.wait_dma2 semaphore(%arg14 : memref<!tpu.dma_semaphore, #tpu.memory_space<semaphore_mem>>) src(%dma_wait3A_417 : memref<64x128xf32, #tpu.memory_space<hbm>>) dst(%dma_wait3A_414 : memref<64x128xf32, #tpu.memory_space<vmem>>)
      %dma_wait3A_418 = arith.constant 0 : i32
      %dma_wait3A_419 = arith.constant 0 : i32
      %dma_wait3A_420 = arith.constant 0 : i32
      %dma_wait3A_421 = tpu.memref_slice %arg13[%dma_wait3A_418, %dma_wait3A_419, %dma_wait3A_420] : memref<5x16x128xf32, #tpu.memory_space<vmem>> -> memref<1x16x128xf32, #tpu.memory_space<vmem>>
      %dma_wait3A_422 = tpu.memref_squeeze %dma_wait3A_421 : memref<1x16x128xf32, #tpu.memory_space<vmem>> -> memref<16x128xf32, #tpu.memory_space<vmem>>
      %dma_wait3A_423 = arith.constant 0 : i32
      %dma_wait3A_424 = arith.constant 0 : i32
      %dma_wait3A_425 = tpu.memref_slice %arg6[%dma_wait3A_423, %dma_wait3A_424] : memref<16x1000000xf32, #tpu.memory_space<hbm>> -> memref<16x128xf32, #tpu.memory_space<hbm>>
      %dma_wait3A_426 = arith.constant 0 : i32
      %dma_wait3A_427 = arith.constant 0 : i32
      %dma_wait3A_428 = tpu.memref_slice %arg13[%dma_wait3A_418, %dma_wait3A_426, %dma_wait3A_427] : memref<5x16x128xf32, #tpu.memory_space<vmem>> -> memref<1x16x128xf32, #tpu.memory_space<vmem>>
      %dma_wait3A_429 = tpu.memref_squeeze %dma_wait3A_428 : memref<1x16x128xf32, #tpu.memory_space<vmem>> -> memref<16x128xf32, #tpu.memory_space<vmem>>
      %dma_wait3A_430 = arith.constant 0 : i32
      %dma_wait3A_431 = arith.constant 0 : i32
      %dma_wait3A_432 = tpu.memref_slice %arg6[%dma_wait3A_430, %dma_wait3A_431] : memref<16x1000000xf32, #tpu.memory_space<hbm>> -> memref<16x128xf32, #tpu.memory_space<hbm>>
      tpu.wait_dma2 semaphore(%arg19 : memref<!tpu.dma_semaphore, #tpu.memory_space<semaphore_mem>>) src(%dma_wait3A_432 : memref<16x128xf32, #tpu.memory_space<hbm>>) dst(%dma_wait3A_429 : memref<16x128xf32, #tpu.memory_space<vmem>>)
    } else {
    }
    %eq3A_261 = arith.constant 1 : i32
    %eq3A_262 = arith.cmpi eq, %select_n3A_255, %eq3A_261 : i32
    %convert_element_type3A_263 = arith.extui %eq3A_262 : i1 to i32
    %cond3A_264 = arith.constant 0 : i32
    %cond3A_265 = arith.cmpi ne, %convert_element_type3A_263, %cond3A_264 : i32
    scf.if %cond3A_265 {
      %dma_wait3A_403 = arith.constant 1 : i32
      %dma_wait3A_404 = arith.constant 0 : i32
      %dma_wait3A_405 = arith.constant 0 : i32
      %dma_wait3A_406 = tpu.memref_slice %arg12[%dma_wait3A_403, %dma_wait3A_404, %dma_wait3A_405] : memref<5x64x128xf32, #tpu.memory_space<vmem>> -> memref<1x64x128xf32, #tpu.memory_space<vmem>>
      %dma_wait3A_407 = tpu.memref_squeeze %dma_wait3A_406 : memref<1x64x128xf32, #tpu.memory_space<vmem>> -> memref<64x128xf32, #tpu.memory_space<vmem>>
      %dma_wait3A_408 = arith.constant 0 : i32
      %dma_wait3A_409 = arith.constant 0 : i32
      %dma_wait3A_410 = tpu.memref_slice %arg5[%dma_wait3A_408, %dma_wait3A_409] : memref<64x1000000xf32, #tpu.memory_space<hbm>> -> memref<64x128xf32, #tpu.memory_space<hbm>>
      %dma_wait3A_411 = arith.constant 0 : i32
      %dma_wait3A_412 = arith.constant 0 : i32
      %dma_wait3A_413 = tpu.memref_slice %arg12[%dma_wait3A_403, %dma_wait3A_411, %dma_wait3A_412] : memref<5x64x128xf32, #tpu.memory_space<vmem>> -> memref<1x64x128xf32, #tpu.memory_space<vmem>>
      %dma_wait3A_414 = tpu.memref_squeeze %dma_wait3A_413 : memref<1x64x128xf32, #tpu.memory_space<vmem>> -> memref<64x128xf32, #tpu.memory_space<vmem>>
      %dma_wait3A_415 = arith.constant 0 : i32
      %dma_wait3A_416 = arith.constant 0 : i32
      %dma_wait3A_417 = tpu.memref_slice %arg5[%dma_wait3A_415, %dma_wait3A_416] : memref<64x1000000xf32, #tpu.memory_space<hbm>> -> memref<64x128xf32, #tpu.memory_space<hbm>>
      tpu.wait_dma2 semaphore(%arg15 : memref<!tpu.dma_semaphore, #tpu.memory_space<semaphore_mem>>) src(%dma_wait3A_417 : memref<64x128xf32, #tpu.memory_space<hbm>>) dst(%dma_wait3A_414 : memref<64x128xf32, #tpu.memory_space<vmem>>)
      %dma_wait3A_418 = arith.constant 1 : i32
      %dma_wait3A_419 = arith.constant 0 : i32
      %dma_wait3A_420 = arith.constant 0 : i32
      %dma_wait3A_421 = tpu.memref_slice %arg13[%dma_wait3A_418, %dma_wait3A_419, %dma_wait3A_420] : memref<5x16x128xf32, #tpu.memory_space<vmem>> -> memref<1x16x128xf32, #tpu.memory_space<vmem>>
      %dma_wait3A_422 = tpu.memref_squeeze %dma_wait3A_421 : memref<1x16x128xf32, #tpu.memory_space<vmem>> -> memref<16x128xf32, #tpu.memory_space<vmem>>
      %dma_wait3A_423 = arith.constant 0 : i32
      %dma_wait3A_424 = arith.constant 0 : i32
      %dma_wait3A_425 = tpu.memref_slice %arg6[%dma_wait3A_423, %dma_wait3A_424] : memref<16x1000000xf32, #tpu.memory_space<hbm>> -> memref<16x128xf32, #tpu.memory_space<hbm>>
      %dma_wait3A_426 = arith.constant 0 : i32
      %dma_wait3A_427 = arith.constant 0 : i32
      %dma_wait3A_428 = tpu.memref_slice %arg13[%dma_wait3A_418, %dma_wait3A_426, %dma_wait3A_427] : memref<5x16x128xf32, #tpu.memory_space<vmem>> -> memref<1x16x128xf32, #tpu.memory_space<vmem>>
      %dma_wait3A_429 = tpu.memref_squeeze %dma_wait3A_428 : memref<1x16x128xf32, #tpu.memory_space<vmem>> -> memref<16x128xf32, #tpu.memory_space<vmem>>
      %dma_wait3A_430 = arith.constant 0 : i32
      %dma_wait3A_431 = arith.constant 0 : i32
      %dma_wait3A_432 = tpu.memref_slice %arg6[%dma_wait3A_430, %dma_wait3A_431] : memref<16x1000000xf32, #tpu.memory_space<hbm>> -> memref<16x128xf32, #tpu.memory_space<hbm>>
      tpu.wait_dma2 semaphore(%arg20 : memref<!tpu.dma_semaphore, #tpu.memory_space<semaphore_mem>>) src(%dma_wait3A_432 : memref<16x128xf32, #tpu.memory_space<hbm>>) dst(%dma_wait3A_429 : memref<16x128xf32, #tpu.memory_space<vmem>>)
    } else {
    }
    %eq3A_266 = arith.constant 2 : i32
    %eq3A_267 = arith.cmpi eq, %select_n3A_255, %eq3A_266 : i32
    %convert_element_type3A_268 = arith.extui %eq3A_267 : i1 to i32
    %cond3A_269 = arith.constant 0 : i32
    %cond3A_270 = arith.cmpi ne, %convert_element_type3A_268, %cond3A_269 : i32
    scf.if %cond3A_270 {
      %dma_wait3A_403 = arith.constant 2 : i32
      %dma_wait3A_404 = arith.constant 0 : i32
      %dma_wait3A_405 = arith.constant 0 : i32
      %dma_wait3A_406 = tpu.memref_slice %arg12[%dma_wait3A_403, %dma_wait3A_404, %dma_wait3A_405] : memref<5x64x128xf32, #tpu.memory_space<vmem>> -> memref<1x64x128xf32, #tpu.memory_space<vmem>>
      %dma_wait3A_407 = tpu.memref_squeeze %dma_wait3A_406 : memref<1x64x128xf32, #tpu.memory_space<vmem>> -> memref<64x128xf32, #tpu.memory_space<vmem>>
      %dma_wait3A_408 = arith.constant 0 : i32
      %dma_wait3A_409 = arith.constant 0 : i32
      %dma_wait3A_410 = tpu.memref_slice %arg5[%dma_wait3A_408, %dma_wait3A_409] : memref<64x1000000xf32, #tpu.memory_space<hbm>> -> memref<64x128xf32, #tpu.memory_space<hbm>>
      %dma_wait3A_411 = arith.constant 0 : i32
      %dma_wait3A_412 = arith.constant 0 : i32
      %dma_wait3A_413 = tpu.memref_slice %arg12[%dma_wait3A_403, %dma_wait3A_411, %dma_wait3A_412] : memref<5x64x128xf32, #tpu.memory_space<vmem>> -> memref<1x64x128xf32, #tpu.memory_space<vmem>>
      %dma_wait3A_414 = tpu.memref_squeeze %dma_wait3A_413 : memref<1x64x128xf32, #tpu.memory_space<vmem>> -> memref<64x128xf32, #tpu.memory_space<vmem>>
      %dma_wait3A_415 = arith.constant 0 : i32
      %dma_wait3A_416 = arith.constant 0 : i32
      %dma_wait3A_417 = tpu.memref_slice %arg5[%dma_wait3A_415, %dma_wait3A_416] : memref<64x1000000xf32, #tpu.memory_space<hbm>> -> memref<64x128xf32, #tpu.memory_space<hbm>>
      tpu.wait_dma2 semaphore(%arg16 : memref<!tpu.dma_semaphore, #tpu.memory_space<semaphore_mem>>) src(%dma_wait3A_417 : memref<64x128xf32, #tpu.memory_space<hbm>>) dst(%dma_wait3A_414 : memref<64x128xf32, #tpu.memory_space<vmem>>)
      %dma_wait3A_418 = arith.constant 2 : i32
      %dma_wait3A_419 = arith.constant 0 : i32
      %dma_wait3A_420 = arith.constant 0 : i32
      %dma_wait3A_421 = tpu.memref_slice %arg13[%dma_wait3A_418, %dma_wait3A_419, %dma_wait3A_420] : memref<5x16x128xf32, #tpu.memory_space<vmem>> -> memref<1x16x128xf32, #tpu.memory_space<vmem>>
      %dma_wait3A_422 = tpu.memref_squeeze %dma_wait3A_421 : memref<1x16x128xf32, #tpu.memory_space<vmem>> -> memref<16x128xf32, #tpu.memory_space<vmem>>
      %dma_wait3A_423 = arith.constant 0 : i32
      %dma_wait3A_424 = arith.constant 0 : i32
      %dma_wait3A_425 = tpu.memref_slice %arg6[%dma_wait3A_423, %dma_wait3A_424] : memref<16x1000000xf32, #tpu.memory_space<hbm>> -> memref<16x128xf32, #tpu.memory_space<hbm>>
      %dma_wait3A_426 = arith.constant 0 : i32
      %dma_wait3A_427 = arith.constant 0 : i32
      %dma_wait3A_428 = tpu.memref_slice %arg13[%dma_wait3A_418, %dma_wait3A_426, %dma_wait3A_427] : memref<5x16x128xf32, #tpu.memory_space<vmem>> -> memref<1x16x128xf32, #tpu.memory_space<vmem>>
      %dma_wait3A_429 = tpu.memref_squeeze %dma_wait3A_428 : memref<1x16x128xf32, #tpu.memory_space<vmem>> -> memref<16x128xf32, #tpu.memory_space<vmem>>
      %dma_wait3A_430 = arith.constant 0 : i32
      %dma_wait3A_431 = arith.constant 0 : i32
      %dma_wait3A_432 = tpu.memref_slice %arg6[%dma_wait3A_430, %dma_wait3A_431] : memref<16x1000000xf32, #tpu.memory_space<hbm>> -> memref<16x128xf32, #tpu.memory_space<hbm>>
      tpu.wait_dma2 semaphore(%arg21 : memref<!tpu.dma_semaphore, #tpu.memory_space<semaphore_mem>>) src(%dma_wait3A_432 : memref<16x128xf32, #tpu.memory_space<hbm>>) dst(%dma_wait3A_429 : memref<16x128xf32, #tpu.memory_space<vmem>>)
    } else {
    }
    %eq3A_271 = arith.constant 3 : i32
    %eq3A_272 = arith.cmpi eq, %select_n3A_255, %eq3A_271 : i32
    %convert_element_type3A_273 = arith.extui %eq3A_272 : i1 to i32
    %cond3A_274 = arith.constant 0 : i32
    %cond3A_275 = arith.cmpi ne, %convert_element_type3A_273, %cond3A_274 : i32
    scf.if %cond3A_275 {
      %dma_wait3A_403 = arith.constant 3 : i32
      %dma_wait3A_404 = arith.constant 0 : i32
      %dma_wait3A_405 = arith.constant 0 : i32
      %dma_wait3A_406 = tpu.memref_slice %arg12[%dma_wait3A_403, %dma_wait3A_404, %dma_wait3A_405] : memref<5x64x128xf32, #tpu.memory_space<vmem>> -> memref<1x64x128xf32, #tpu.memory_space<vmem>>
      %dma_wait3A_407 = tpu.memref_squeeze %dma_wait3A_406 : memref<1x64x128xf32, #tpu.memory_space<vmem>> -> memref<64x128xf32, #tpu.memory_space<vmem>>
      %dma_wait3A_408 = arith.constant 0 : i32
      %dma_wait3A_409 = arith.constant 0 : i32
      %dma_wait3A_410 = tpu.memref_slice %arg5[%dma_wait3A_408, %dma_wait3A_409] : memref<64x1000000xf32, #tpu.memory_space<hbm>> -> memref<64x128xf32, #tpu.memory_space<hbm>>
      %dma_wait3A_411 = arith.constant 0 : i32
      %dma_wait3A_412 = arith.constant 0 : i32
      %dma_wait3A_413 = tpu.memref_slice %arg12[%dma_wait3A_403, %dma_wait3A_411, %dma_wait3A_412] : memref<5x64x128xf32, #tpu.memory_space<vmem>> -> memref<1x64x128xf32, #tpu.memory_space<vmem>>
      %dma_wait3A_414 = tpu.memref_squeeze %dma_wait3A_413 : memref<1x64x128xf32, #tpu.memory_space<vmem>> -> memref<64x128xf32, #tpu.memory_space<vmem>>
      %dma_wait3A_415 = arith.constant 0 : i32
      %dma_wait3A_416 = arith.constant 0 : i32
      %dma_wait3A_417 = tpu.memref_slice %arg5[%dma_wait3A_415, %dma_wait3A_416] : memref<64x1000000xf32, #tpu.memory_space<hbm>> -> memref<64x128xf32, #tpu.memory_space<hbm>>
      tpu.wait_dma2 semaphore(%arg17 : memref<!tpu.dma_semaphore, #tpu.memory_space<semaphore_mem>>) src(%dma_wait3A_417 : memref<64x128xf32, #tpu.memory_space<hbm>>) dst(%dma_wait3A_414 : memref<64x128xf32, #tpu.memory_space<vmem>>)
      %dma_wait3A_418 = arith.constant 3 : i32
      %dma_wait3A_419 = arith.constant 0 : i32
      %dma_wait3A_420 = arith.constant 0 : i32
      %dma_wait3A_421 = tpu.memref_slice %arg13[%dma_wait3A_418, %dma_wait3A_419, %dma_wait3A_420] : memref<5x16x128xf32, #tpu.memory_space<vmem>> -> memref<1x16x128xf32, #tpu.memory_space<vmem>>
      %dma_wait3A_422 = tpu.memref_squeeze %dma_wait3A_421 : memref<1x16x128xf32, #tpu.memory_space<vmem>> -> memref<16x128xf32, #tpu.memory_space<vmem>>
      %dma_wait3A_423 = arith.constant 0 : i32
      %dma_wait3A_424 = arith.constant 0 : i32
      %dma_wait3A_425 = tpu.memref_slice %arg6[%dma_wait3A_423, %dma_wait3A_424] : memref<16x1000000xf32, #tpu.memory_space<hbm>> -> memref<16x128xf32, #tpu.memory_space<hbm>>
      %dma_wait3A_426 = arith.constant 0 : i32
      %dma_wait3A_427 = arith.constant 0 : i32
      %dma_wait3A_428 = tpu.memref_slice %arg13[%dma_wait3A_418, %dma_wait3A_426, %dma_wait3A_427] : memref<5x16x128xf32, #tpu.memory_space<vmem>> -> memref<1x16x128xf32, #tpu.memory_space<vmem>>
      %dma_wait3A_429 = tpu.memref_squeeze %dma_wait3A_428 : memref<1x16x128xf32, #tpu.memory_space<vmem>> -> memref<16x128xf32, #tpu.memory_space<vmem>>
      %dma_wait3A_430 = arith.constant 0 : i32
      %dma_wait3A_431 = arith.constant 0 : i32
      %dma_wait3A_432 = tpu.memref_slice %arg6[%dma_wait3A_430, %dma_wait3A_431] : memref<16x1000000xf32, #tpu.memory_space<hbm>> -> memref<16x128xf32, #tpu.memory_space<hbm>>
      tpu.wait_dma2 semaphore(%arg22 : memref<!tpu.dma_semaphore, #tpu.memory_space<semaphore_mem>>) src(%dma_wait3A_432 : memref<16x128xf32, #tpu.memory_space<hbm>>) dst(%dma_wait3A_429 : memref<16x128xf32, #tpu.memory_space<vmem>>)
    } else {
    }
    %eq3A_276 = arith.constant 4 : i32
    %eq3A_277 = arith.cmpi eq, %select_n3A_255, %eq3A_276 : i32
    %convert_element_type3A_278 = arith.extui %eq3A_277 : i1 to i32
    %cond3A_279 = arith.constant 0 : i32
    %cond3A_280 = arith.cmpi ne, %convert_element_type3A_278, %cond3A_279 : i32
    scf.if %cond3A_280 {
      %dma_wait3A_403 = arith.constant 4 : i32
      %dma_wait3A_404 = arith.constant 0 : i32
      %dma_wait3A_405 = arith.constant 0 : i32
      %dma_wait3A_406 = tpu.memref_slice %arg12[%dma_wait3A_403, %dma_wait3A_404, %dma_wait3A_405] : memref<5x64x128xf32, #tpu.memory_space<vmem>> -> memref<1x64x128xf32, #tpu.memory_space<vmem>>
      %dma_wait3A_407 = tpu.memref_squeeze %dma_wait3A_406 : memref<1x64x128xf32, #tpu.memory_space<vmem>> -> memref<64x128xf32, #tpu.memory_space<vmem>>
      %dma_wait3A_408 = arith.constant 0 : i32
      %dma_wait3A_409 = arith.constant 0 : i32
      %dma_wait3A_410 = tpu.memref_slice %arg5[%dma_wait3A_408, %dma_wait3A_409] : memref<64x1000000xf32, #tpu.memory_space<hbm>> -> memref<64x128xf32, #tpu.memory_space<hbm>>
      %dma_wait3A_411 = arith.constant 0 : i32
      %dma_wait3A_412 = arith.constant 0 : i32
      %dma_wait3A_413 = tpu.memref_slice %arg12[%dma_wait3A_403, %dma_wait3A_411, %dma_wait3A_412] : memref<5x64x128xf32, #tpu.memory_space<vmem>> -> memref<1x64x128xf32, #tpu.memory_space<vmem>>
      %dma_wait3A_414 = tpu.memref_squeeze %dma_wait3A_413 : memref<1x64x128xf32, #tpu.memory_space<vmem>> -> memref<64x128xf32, #tpu.memory_space<vmem>>
      %dma_wait3A_415 = arith.constant 0 : i32
      %dma_wait3A_416 = arith.constant 0 : i32
      %dma_wait3A_417 = tpu.memref_slice %arg5[%dma_wait3A_415, %dma_wait3A_416] : memref<64x1000000xf32, #tpu.memory_space<hbm>> -> memref<64x128xf32, #tpu.memory_space<hbm>>
      tpu.wait_dma2 semaphore(%arg18 : memref<!tpu.dma_semaphore, #tpu.memory_space<semaphore_mem>>) src(%dma_wait3A_417 : memref<64x128xf32, #tpu.memory_space<hbm>>) dst(%dma_wait3A_414 : memref<64x128xf32, #tpu.memory_space<vmem>>)
      %dma_wait3A_418 = arith.constant 4 : i32
      %dma_wait3A_419 = arith.constant 0 : i32
      %dma_wait3A_420 = arith.constant 0 : i32
      %dma_wait3A_421 = tpu.memref_slice %arg13[%dma_wait3A_418, %dma_wait3A_419, %dma_wait3A_420] : memref<5x16x128xf32, #tpu.memory_space<vmem>> -> memref<1x16x128xf32, #tpu.memory_space<vmem>>
      %dma_wait3A_422 = tpu.memref_squeeze %dma_wait3A_421 : memref<1x16x128xf32, #tpu.memory_space<vmem>> -> memref<16x128xf32, #tpu.memory_space<vmem>>
      %dma_wait3A_423 = arith.constant 0 : i32
      %dma_wait3A_424 = arith.constant 0 : i32
      %dma_wait3A_425 = tpu.memref_slice %arg6[%dma_wait3A_423, %dma_wait3A_424] : memref<16x1000000xf32, #tpu.memory_space<hbm>> -> memref<16x128xf32, #tpu.memory_space<hbm>>
      %dma_wait3A_426 = arith.constant 0 : i32
      %dma_wait3A_427 = arith.constant 0 : i32
      %dma_wait3A_428 = tpu.memref_slice %arg13[%dma_wait3A_418, %dma_wait3A_426, %dma_wait3A_427] : memref<5x16x128xf32, #tpu.memory_space<vmem>> -> memref<1x16x128xf32, #tpu.memory_space<vmem>>
      %dma_wait3A_429 = tpu.memref_squeeze %dma_wait3A_428 : memref<1x16x128xf32, #tpu.memory_space<vmem>> -> memref<16x128xf32, #tpu.memory_space<vmem>>
      %dma_wait3A_430 = arith.constant 0 : i32
      %dma_wait3A_431 = arith.constant 0 : i32
      %dma_wait3A_432 = tpu.memref_slice %arg6[%dma_wait3A_430, %dma_wait3A_431] : memref<16x1000000xf32, #tpu.memory_space<hbm>> -> memref<16x128xf32, #tpu.memory_space<hbm>>
      tpu.wait_dma2 semaphore(%arg23 : memref<!tpu.dma_semaphore, #tpu.memory_space<semaphore_mem>>) src(%dma_wait3A_432 : memref<16x128xf32, #tpu.memory_space<hbm>>) dst(%dma_wait3A_429 : memref<16x128xf32, #tpu.memory_space<vmem>>)
    } else {
    }
    %add3A_281 = arith.constant 4 : i32
    %add3A_282 = arith.addi %scan3A_159, %add3A_281 : i32
    %jit3A_283 = arith.constant 5 : i32
    %eq3A_284 = arith.constant 0 : i32
    %eq3A_285 = arith.cmpi eq, %jit3A_283, %eq3A_284 : i32
    %jit3A_286 = arith.constant 1 : i32
    %select_n3A_287 = arith.select %eq3A_285, %jit3A_286, %jit3A_283 : i32
    %rem3A_288 = arith.remsi %add3A_282, %select_n3A_287 : i32
    %ne3A_289 = arith.constant 0 : i32
    %ne3A_290 = arith.cmpi ne, %rem3A_288, %ne3A_289 : i32
    %lt3A_291 = arith.constant 0 : i32
    %lt3A_292 = arith.cmpi slt, %rem3A_288, %lt3A_291 : i32
    %lt3A_293 = arith.constant 0 : i32
    %lt3A_294 = arith.cmpi slt, %select_n3A_287, %lt3A_293 : i32
    %ne3A_295 = arith.xori %lt3A_292, %lt3A_294 : i1
    %and3A_296 = arith.andi %ne3A_295, %ne3A_290 : i1
    %add3A_297 = arith.addi %rem3A_288, %select_n3A_287 : i32
    %select_n3A_298 = arith.select %and3A_296, %add3A_297, %rem3A_288 : i32
    %eq3A_299 = arith.constant 0 : i32
    %eq3A_300 = arith.cmpi eq, %select_n3A_298, %eq3A_299 : i32
    %convert_element_type3A_301 = arith.extui %eq3A_300 : i1 to i32
    %cond3A_302 = arith.constant 0 : i32
    %cond3A_303 = arith.cmpi ne, %convert_element_type3A_301, %cond3A_302 : i32
    scf.if %cond3A_303 {
      %dma_wait3A_403 = arith.constant 0 : i32
      %dma_wait3A_404 = arith.constant 0 : i32
      %dma_wait3A_405 = arith.constant 0 : i32
      %dma_wait3A_406 = tpu.memref_slice %arg12[%dma_wait3A_403, %dma_wait3A_404, %dma_wait3A_405] : memref<5x64x128xf32, #tpu.memory_space<vmem>> -> memref<1x64x128xf32, #tpu.memory_space<vmem>>
      %dma_wait3A_407 = tpu.memref_squeeze %dma_wait3A_406 : memref<1x64x128xf32, #tpu.memory_space<vmem>> -> memref<64x128xf32, #tpu.memory_space<vmem>>
      %dma_wait3A_408 = arith.constant 0 : i32
      %dma_wait3A_409 = arith.constant 0 : i32
      %dma_wait3A_410 = tpu.memref_slice %arg5[%dma_wait3A_408, %dma_wait3A_409] : memref<64x1000000xf32, #tpu.memory_space<hbm>> -> memref<64x128xf32, #tpu.memory_space<hbm>>
      %dma_wait3A_411 = arith.constant 0 : i32
      %dma_wait3A_412 = arith.constant 0 : i32
      %dma_wait3A_413 = tpu.memref_slice %arg12[%dma_wait3A_403, %dma_wait3A_411, %dma_wait3A_412] : memref<5x64x128xf32, #tpu.memory_space<vmem>> -> memref<1x64x128xf32, #tpu.memory_space<vmem>>
      %dma_wait3A_414 = tpu.memref_squeeze %dma_wait3A_413 : memref<1x64x128xf32, #tpu.memory_space<vmem>> -> memref<64x128xf32, #tpu.memory_space<vmem>>
      %dma_wait3A_415 = arith.constant 0 : i32
      %dma_wait3A_416 = arith.constant 0 : i32
      %dma_wait3A_417 = tpu.memref_slice %arg5[%dma_wait3A_415, %dma_wait3A_416] : memref<64x1000000xf32, #tpu.memory_space<hbm>> -> memref<64x128xf32, #tpu.memory_space<hbm>>
      tpu.wait_dma2 semaphore(%arg14 : memref<!tpu.dma_semaphore, #tpu.memory_space<semaphore_mem>>) src(%dma_wait3A_417 : memref<64x128xf32, #tpu.memory_space<hbm>>) dst(%dma_wait3A_414 : memref<64x128xf32, #tpu.memory_space<vmem>>)
      %dma_wait3A_418 = arith.constant 0 : i32
      %dma_wait3A_419 = arith.constant 0 : i32
      %dma_wait3A_420 = arith.constant 0 : i32
      %dma_wait3A_421 = tpu.memref_slice %arg13[%dma_wait3A_418, %dma_wait3A_419, %dma_wait3A_420] : memref<5x16x128xf32, #tpu.memory_space<vmem>> -> memref<1x16x128xf32, #tpu.memory_space<vmem>>
      %dma_wait3A_422 = tpu.memref_squeeze %dma_wait3A_421 : memref<1x16x128xf32, #tpu.memory_space<vmem>> -> memref<16x128xf32, #tpu.memory_space<vmem>>
      %dma_wait3A_423 = arith.constant 0 : i32
      %dma_wait3A_424 = arith.constant 0 : i32
      %dma_wait3A_425 = tpu.memref_slice %arg6[%dma_wait3A_423, %dma_wait3A_424] : memref<16x1000000xf32, #tpu.memory_space<hbm>> -> memref<16x128xf32, #tpu.memory_space<hbm>>
      %dma_wait3A_426 = arith.constant 0 : i32
      %dma_wait3A_427 = arith.constant 0 : i32
      %dma_wait3A_428 = tpu.memref_slice %arg13[%dma_wait3A_418, %dma_wait3A_426, %dma_wait3A_427] : memref<5x16x128xf32, #tpu.memory_space<vmem>> -> memref<1x16x128xf32, #tpu.memory_space<vmem>>
      %dma_wait3A_429 = tpu.memref_squeeze %dma_wait3A_428 : memref<1x16x128xf32, #tpu.memory_space<vmem>> -> memref<16x128xf32, #tpu.memory_space<vmem>>
      %dma_wait3A_430 = arith.constant 0 : i32
      %dma_wait3A_431 = arith.constant 0 : i32
      %dma_wait3A_432 = tpu.memref_slice %arg6[%dma_wait3A_430, %dma_wait3A_431] : memref<16x1000000xf32, #tpu.memory_space<hbm>> -> memref<16x128xf32, #tpu.memory_space<hbm>>
      tpu.wait_dma2 semaphore(%arg19 : memref<!tpu.dma_semaphore, #tpu.memory_space<semaphore_mem>>) src(%dma_wait3A_432 : memref<16x128xf32, #tpu.memory_space<hbm>>) dst(%dma_wait3A_429 : memref<16x128xf32, #tpu.memory_space<vmem>>)
    } else {
    }
    %eq3A_304 = arith.constant 1 : i32
    %eq3A_305 = arith.cmpi eq, %select_n3A_298, %eq3A_304 : i32
    %convert_element_type3A_306 = arith.extui %eq3A_305 : i1 to i32
    %cond3A_307 = arith.constant 0 : i32
    %cond3A_308 = arith.cmpi ne, %convert_element_type3A_306, %cond3A_307 : i32
    scf.if %cond3A_308 {
      %dma_wait3A_403 = arith.constant 1 : i32
      %dma_wait3A_404 = arith.constant 0 : i32
      %dma_wait3A_405 = arith.constant 0 : i32
      %dma_wait3A_406 = tpu.memref_slice %arg12[%dma_wait3A_403, %dma_wait3A_404, %dma_wait3A_405] : memref<5x64x128xf32, #tpu.memory_space<vmem>> -> memref<1x64x128xf32, #tpu.memory_space<vmem>>
      %dma_wait3A_407 = tpu.memref_squeeze %dma_wait3A_406 : memref<1x64x128xf32, #tpu.memory_space<vmem>> -> memref<64x128xf32, #tpu.memory_space<vmem>>
      %dma_wait3A_408 = arith.constant 0 : i32
      %dma_wait3A_409 = arith.constant 0 : i32
      %dma_wait3A_410 = tpu.memref_slice %arg5[%dma_wait3A_408, %dma_wait3A_409] : memref<64x1000000xf32, #tpu.memory_space<hbm>> -> memref<64x128xf32, #tpu.memory_space<hbm>>
      %dma_wait3A_411 = arith.constant 0 : i32
      %dma_wait3A_412 = arith.constant 0 : i32
      %dma_wait3A_413 = tpu.memref_slice %arg12[%dma_wait3A_403, %dma_wait3A_411, %dma_wait3A_412] : memref<5x64x128xf32, #tpu.memory_space<vmem>> -> memref<1x64x128xf32, #tpu.memory_space<vmem>>
      %dma_wait3A_414 = tpu.memref_squeeze %dma_wait3A_413 : memref<1x64x128xf32, #tpu.memory_space<vmem>> -> memref<64x128xf32, #tpu.memory_space<vmem>>
      %dma_wait3A_415 = arith.constant 0 : i32
      %dma_wait3A_416 = arith.constant 0 : i32
      %dma_wait3A_417 = tpu.memref_slice %arg5[%dma_wait3A_415, %dma_wait3A_416] : memref<64x1000000xf32, #tpu.memory_space<hbm>> -> memref<64x128xf32, #tpu.memory_space<hbm>>
      tpu.wait_dma2 semaphore(%arg15 : memref<!tpu.dma_semaphore, #tpu.memory_space<semaphore_mem>>) src(%dma_wait3A_417 : memref<64x128xf32, #tpu.memory_space<hbm>>) dst(%dma_wait3A_414 : memref<64x128xf32, #tpu.memory_space<vmem>>)
      %dma_wait3A_418 = arith.constant 1 : i32
      %dma_wait3A_419 = arith.constant 0 : i32
      %dma_wait3A_420 = arith.constant 0 : i32
      %dma_wait3A_421 = tpu.memref_slice %arg13[%dma_wait3A_418, %dma_wait3A_419, %dma_wait3A_420] : memref<5x16x128xf32, #tpu.memory_space<vmem>> -> memref<1x16x128xf32, #tpu.memory_space<vmem>>
      %dma_wait3A_422 = tpu.memref_squeeze %dma_wait3A_421 : memref<1x16x128xf32, #tpu.memory_space<vmem>> -> memref<16x128xf32, #tpu.memory_space<vmem>>
      %dma_wait3A_423 = arith.constant 0 : i32
      %dma_wait3A_424 = arith.constant 0 : i32
      %dma_wait3A_425 = tpu.memref_slice %arg6[%dma_wait3A_423, %dma_wait3A_424] : memref<16x1000000xf32, #tpu.memory_space<hbm>> -> memref<16x128xf32, #tpu.memory_space<hbm>>
      %dma_wait3A_426 = arith.constant 0 : i32
      %dma_wait3A_427 = arith.constant 0 : i32
      %dma_wait3A_428 = tpu.memref_slice %arg13[%dma_wait3A_418, %dma_wait3A_426, %dma_wait3A_427] : memref<5x16x128xf32, #tpu.memory_space<vmem>> -> memref<1x16x128xf32, #tpu.memory_space<vmem>>
      %dma_wait3A_429 = tpu.memref_squeeze %dma_wait3A_428 : memref<1x16x128xf32, #tpu.memory_space<vmem>> -> memref<16x128xf32, #tpu.memory_space<vmem>>
      %dma_wait3A_430 = arith.constant 0 : i32
      %dma_wait3A_431 = arith.constant 0 : i32
      %dma_wait3A_432 = tpu.memref_slice %arg6[%dma_wait3A_430, %dma_wait3A_431] : memref<16x1000000xf32, #tpu.memory_space<hbm>> -> memref<16x128xf32, #tpu.memory_space<hbm>>
      tpu.wait_dma2 semaphore(%arg20 : memref<!tpu.dma_semaphore, #tpu.memory_space<semaphore_mem>>) src(%dma_wait3A_432 : memref<16x128xf32, #tpu.memory_space<hbm>>) dst(%dma_wait3A_429 : memref<16x128xf32, #tpu.memory_space<vmem>>)
    } else {
    }
    %eq3A_309 = arith.constant 2 : i32
    %eq3A_310 = arith.cmpi eq, %select_n3A_298, %eq3A_309 : i32
    %convert_element_type3A_311 = arith.extui %eq3A_310 : i1 to i32
    %cond3A_312 = arith.constant 0 : i32
    %cond3A_313 = arith.cmpi ne, %convert_element_type3A_311, %cond3A_312 : i32
    scf.if %cond3A_313 {
      %dma_wait3A_403 = arith.constant 2 : i32
      %dma_wait3A_404 = arith.constant 0 : i32
      %dma_wait3A_405 = arith.constant 0 : i32
      %dma_wait3A_406 = tpu.memref_slice %arg12[%dma_wait3A_403, %dma_wait3A_404, %dma_wait3A_405] : memref<5x64x128xf32, #tpu.memory_space<vmem>> -> memref<1x64x128xf32, #tpu.memory_space<vmem>>
      %dma_wait3A_407 = tpu.memref_squeeze %dma_wait3A_406 : memref<1x64x128xf32, #tpu.memory_space<vmem>> -> memref<64x128xf32, #tpu.memory_space<vmem>>
      %dma_wait3A_408 = arith.constant 0 : i32
      %dma_wait3A_409 = arith.constant 0 : i32
      %dma_wait3A_410 = tpu.memref_slice %arg5[%dma_wait3A_408, %dma_wait3A_409] : memref<64x1000000xf32, #tpu.memory_space<hbm>> -> memref<64x128xf32, #tpu.memory_space<hbm>>
      %dma_wait3A_411 = arith.constant 0 : i32
      %dma_wait3A_412 = arith.constant 0 : i32
      %dma_wait3A_413 = tpu.memref_slice %arg12[%dma_wait3A_403, %dma_wait3A_411, %dma_wait3A_412] : memref<5x64x128xf32, #tpu.memory_space<vmem>> -> memref<1x64x128xf32, #tpu.memory_space<vmem>>
      %dma_wait3A_414 = tpu.memref_squeeze %dma_wait3A_413 : memref<1x64x128xf32, #tpu.memory_space<vmem>> -> memref<64x128xf32, #tpu.memory_space<vmem>>
      %dma_wait3A_415 = arith.constant 0 : i32
      %dma_wait3A_416 = arith.constant 0 : i32
      %dma_wait3A_417 = tpu.memref_slice %arg5[%dma_wait3A_415, %dma_wait3A_416] : memref<64x1000000xf32, #tpu.memory_space<hbm>> -> memref<64x128xf32, #tpu.memory_space<hbm>>
      tpu.wait_dma2 semaphore(%arg16 : memref<!tpu.dma_semaphore, #tpu.memory_space<semaphore_mem>>) src(%dma_wait3A_417 : memref<64x128xf32, #tpu.memory_space<hbm>>) dst(%dma_wait3A_414 : memref<64x128xf32, #tpu.memory_space<vmem>>)
      %dma_wait3A_418 = arith.constant 2 : i32
      %dma_wait3A_419 = arith.constant 0 : i32
      %dma_wait3A_420 = arith.constant 0 : i32
      %dma_wait3A_421 = tpu.memref_slice %arg13[%dma_wait3A_418, %dma_wait3A_419, %dma_wait3A_420] : memref<5x16x128xf32, #tpu.memory_space<vmem>> -> memref<1x16x128xf32, #tpu.memory_space<vmem>>
      %dma_wait3A_422 = tpu.memref_squeeze %dma_wait3A_421 : memref<1x16x128xf32, #tpu.memory_space<vmem>> -> memref<16x128xf32, #tpu.memory_space<vmem>>
      %dma_wait3A_423 = arith.constant 0 : i32
      %dma_wait3A_424 = arith.constant 0 : i32
      %dma_wait3A_425 = tpu.memref_slice %arg6[%dma_wait3A_423, %dma_wait3A_424] : memref<16x1000000xf32, #tpu.memory_space<hbm>> -> memref<16x128xf32, #tpu.memory_space<hbm>>
      %dma_wait3A_426 = arith.constant 0 : i32
      %dma_wait3A_427 = arith.constant 0 : i32
      %dma_wait3A_428 = tpu.memref_slice %arg13[%dma_wait3A_418, %dma_wait3A_426, %dma_wait3A_427] : memref<5x16x128xf32, #tpu.memory_space<vmem>> -> memref<1x16x128xf32, #tpu.memory_space<vmem>>
      %dma_wait3A_429 = tpu.memref_squeeze %dma_wait3A_428 : memref<1x16x128xf32, #tpu.memory_space<vmem>> -> memref<16x128xf32, #tpu.memory_space<vmem>>
      %dma_wait3A_430 = arith.constant 0 : i32
      %dma_wait3A_431 = arith.constant 0 : i32
      %dma_wait3A_432 = tpu.memref_slice %arg6[%dma_wait3A_430, %dma_wait3A_431] : memref<16x1000000xf32, #tpu.memory_space<hbm>> -> memref<16x128xf32, #tpu.memory_space<hbm>>
      tpu.wait_dma2 semaphore(%arg21 : memref<!tpu.dma_semaphore, #tpu.memory_space<semaphore_mem>>) src(%dma_wait3A_432 : memref<16x128xf32, #tpu.memory_space<hbm>>) dst(%dma_wait3A_429 : memref<16x128xf32, #tpu.memory_space<vmem>>)
    } else {
    }
    %eq3A_314 = arith.constant 3 : i32
    %eq3A_315 = arith.cmpi eq, %select_n3A_298, %eq3A_314 : i32
    %convert_element_type3A_316 = arith.extui %eq3A_315 : i1 to i32
    %cond3A_317 = arith.constant 0 : i32
    %cond3A_318 = arith.cmpi ne, %convert_element_type3A_316, %cond3A_317 : i32
    scf.if %cond3A_318 {
      %dma_wait3A_403 = arith.constant 3 : i32
      %dma_wait3A_404 = arith.constant 0 : i32
      %dma_wait3A_405 = arith.constant 0 : i32
      %dma_wait3A_406 = tpu.memref_slice %arg12[%dma_wait3A_403, %dma_wait3A_404, %dma_wait3A_405] : memref<5x64x128xf32, #tpu.memory_space<vmem>> -> memref<1x64x128xf32, #tpu.memory_space<vmem>>
      %dma_wait3A_407 = tpu.memref_squeeze %dma_wait3A_406 : memref<1x64x128xf32, #tpu.memory_space<vmem>> -> memref<64x128xf32, #tpu.memory_space<vmem>>
      %dma_wait3A_408 = arith.constant 0 : i32
      %dma_wait3A_409 = arith.constant 0 : i32
      %dma_wait3A_410 = tpu.memref_slice %arg5[%dma_wait3A_408, %dma_wait3A_409] : memref<64x1000000xf32, #tpu.memory_space<hbm>> -> memref<64x128xf32, #tpu.memory_space<hbm>>
      %dma_wait3A_411 = arith.constant 0 : i32
      %dma_wait3A_412 = arith.constant 0 : i32
      %dma_wait3A_413 = tpu.memref_slice %arg12[%dma_wait3A_403, %dma_wait3A_411, %dma_wait3A_412] : memref<5x64x128xf32, #tpu.memory_space<vmem>> -> memref<1x64x128xf32, #tpu.memory_space<vmem>>
      %dma_wait3A_414 = tpu.memref_squeeze %dma_wait3A_413 : memref<1x64x128xf32, #tpu.memory_space<vmem>> -> memref<64x128xf32, #tpu.memory_space<vmem>>
      %dma_wait3A_415 = arith.constant 0 : i32
      %dma_wait3A_416 = arith.constant 0 : i32
      %dma_wait3A_417 = tpu.memref_slice %arg5[%dma_wait3A_415, %dma_wait3A_416] : memref<64x1000000xf32, #tpu.memory_space<hbm>> -> memref<64x128xf32, #tpu.memory_space<hbm>>
      tpu.wait_dma2 semaphore(%arg17 : memref<!tpu.dma_semaphore, #tpu.memory_space<semaphore_mem>>) src(%dma_wait3A_417 : memref<64x128xf32, #tpu.memory_space<hbm>>) dst(%dma_wait3A_414 : memref<64x128xf32, #tpu.memory_space<vmem>>)
      %dma_wait3A_418 = arith.constant 3 : i32
      %dma_wait3A_419 = arith.constant 0 : i32
      %dma_wait3A_420 = arith.constant 0 : i32
      %dma_wait3A_421 = tpu.memref_slice %arg13[%dma_wait3A_418, %dma_wait3A_419, %dma_wait3A_420] : memref<5x16x128xf32, #tpu.memory_space<vmem>> -> memref<1x16x128xf32, #tpu.memory_space<vmem>>
      %dma_wait3A_422 = tpu.memref_squeeze %dma_wait3A_421 : memref<1x16x128xf32, #tpu.memory_space<vmem>> -> memref<16x128xf32, #tpu.memory_space<vmem>>
      %dma_wait3A_423 = arith.constant 0 : i32
      %dma_wait3A_424 = arith.constant 0 : i32
      %dma_wait3A_425 = tpu.memref_slice %arg6[%dma_wait3A_423, %dma_wait3A_424] : memref<16x1000000xf32, #tpu.memory_space<hbm>> -> memref<16x128xf32, #tpu.memory_space<hbm>>
      %dma_wait3A_426 = arith.constant 0 : i32
      %dma_wait3A_427 = arith.constant 0 : i32
      %dma_wait3A_428 = tpu.memref_slice %arg13[%dma_wait3A_418, %dma_wait3A_426, %dma_wait3A_427] : memref<5x16x128xf32, #tpu.memory_space<vmem>> -> memref<1x16x128xf32, #tpu.memory_space<vmem>>
      %dma_wait3A_429 = tpu.memref_squeeze %dma_wait3A_428 : memref<1x16x128xf32, #tpu.memory_space<vmem>> -> memref<16x128xf32, #tpu.memory_space<vmem>>
      %dma_wait3A_430 = arith.constant 0 : i32
      %dma_wait3A_431 = arith.constant 0 : i32
      %dma_wait3A_432 = tpu.memref_slice %arg6[%dma_wait3A_430, %dma_wait3A_431] : memref<16x1000000xf32, #tpu.memory_space<hbm>> -> memref<16x128xf32, #tpu.memory_space<hbm>>
      tpu.wait_dma2 semaphore(%arg22 : memref<!tpu.dma_semaphore, #tpu.memory_space<semaphore_mem>>) src(%dma_wait3A_432 : memref<16x128xf32, #tpu.memory_space<hbm>>) dst(%dma_wait3A_429 : memref<16x128xf32, #tpu.memory_space<vmem>>)
    } else {
    }
    %eq3A_319 = arith.constant 4 : i32
    %eq3A_320 = arith.cmpi eq, %select_n3A_298, %eq3A_319 : i32
    %convert_element_type3A_321 = arith.extui %eq3A_320 : i1 to i32
    %cond3A_322 = arith.constant 0 : i32
    %cond3A_323 = arith.cmpi ne, %convert_element_type3A_321, %cond3A_322 : i32
    scf.if %cond3A_323 {
      %dma_wait3A_403 = arith.constant 4 : i32
      %dma_wait3A_404 = arith.constant 0 : i32
      %dma_wait3A_405 = arith.constant 0 : i32
      %dma_wait3A_406 = tpu.memref_slice %arg12[%dma_wait3A_403, %dma_wait3A_404, %dma_wait3A_405] : memref<5x64x128xf32, #tpu.memory_space<vmem>> -> memref<1x64x128xf32, #tpu.memory_space<vmem>>
      %dma_wait3A_407 = tpu.memref_squeeze %dma_wait3A_406 : memref<1x64x128xf32, #tpu.memory_space<vmem>> -> memref<64x128xf32, #tpu.memory_space<vmem>>
      %dma_wait3A_408 = arith.constant 0 : i32
      %dma_wait3A_409 = arith.constant 0 : i32
      %dma_wait3A_410 = tpu.memref_slice %arg5[%dma_wait3A_408, %dma_wait3A_409] : memref<64x1000000xf32, #tpu.memory_space<hbm>> -> memref<64x128xf32, #tpu.memory_space<hbm>>
      %dma_wait3A_411 = arith.constant 0 : i32
      %dma_wait3A_412 = arith.constant 0 : i32
      %dma_wait3A_413 = tpu.memref_slice %arg12[%dma_wait3A_403, %dma_wait3A_411, %dma_wait3A_412] : memref<5x64x128xf32, #tpu.memory_space<vmem>> -> memref<1x64x128xf32, #tpu.memory_space<vmem>>
      %dma_wait3A_414 = tpu.memref_squeeze %dma_wait3A_413 : memref<1x64x128xf32, #tpu.memory_space<vmem>> -> memref<64x128xf32, #tpu.memory_space<vmem>>
      %dma_wait3A_415 = arith.constant 0 : i32
      %dma_wait3A_416 = arith.constant 0 : i32
      %dma_wait3A_417 = tpu.memref_slice %arg5[%dma_wait3A_415, %dma_wait3A_416] : memref<64x1000000xf32, #tpu.memory_space<hbm>> -> memref<64x128xf32, #tpu.memory_space<hbm>>
      tpu.wait_dma2 semaphore(%arg18 : memref<!tpu.dma_semaphore, #tpu.memory_space<semaphore_mem>>) src(%dma_wait3A_417 : memref<64x128xf32, #tpu.memory_space<hbm>>) dst(%dma_wait3A_414 : memref<64x128xf32, #tpu.memory_space<vmem>>)
      %dma_wait3A_418 = arith.constant 4 : i32
      %dma_wait3A_419 = arith.constant 0 : i32
      %dma_wait3A_420 = arith.constant 0 : i32
      %dma_wait3A_421 = tpu.memref_slice %arg13[%dma_wait3A_418, %dma_wait3A_419, %dma_wait3A_420] : memref<5x16x128xf32, #tpu.memory_space<vmem>> -> memref<1x16x128xf32, #tpu.memory_space<vmem>>
      %dma_wait3A_422 = tpu.memref_squeeze %dma_wait3A_421 : memref<1x16x128xf32, #tpu.memory_space<vmem>> -> memref<16x128xf32, #tpu.memory_space<vmem>>
      %dma_wait3A_423 = arith.constant 0 : i32
      %dma_wait3A_424 = arith.constant 0 : i32
      %dma_wait3A_425 = tpu.memref_slice %arg6[%dma_wait3A_423, %dma_wait3A_424] : memref<16x1000000xf32, #tpu.memory_space<hbm>> -> memref<16x128xf32, #tpu.memory_space<hbm>>
      %dma_wait3A_426 = arith.constant 0 : i32
      %dma_wait3A_427 = arith.constant 0 : i32
      %dma_wait3A_428 = tpu.memref_slice %arg13[%dma_wait3A_418, %dma_wait3A_426, %dma_wait3A_427] : memref<5x16x128xf32, #tpu.memory_space<vmem>> -> memref<1x16x128xf32, #tpu.memory_space<vmem>>
      %dma_wait3A_429 = tpu.memref_squeeze %dma_wait3A_428 : memref<1x16x128xf32, #tpu.memory_space<vmem>> -> memref<16x128xf32, #tpu.memory_space<vmem>>
      %dma_wait3A_430 = arith.constant 0 : i32
      %dma_wait3A_431 = arith.constant 0 : i32
      %dma_wait3A_432 = tpu.memref_slice %arg6[%dma_wait3A_430, %dma_wait3A_431] : memref<16x1000000xf32, #tpu.memory_space<hbm>> -> memref<16x128xf32, #tpu.memory_space<hbm>>
      tpu.wait_dma2 semaphore(%arg23 : memref<!tpu.dma_semaphore, #tpu.memory_space<semaphore_mem>>) src(%dma_wait3A_432 : memref<16x128xf32, #tpu.memory_space<hbm>>) dst(%dma_wait3A_429 : memref<16x128xf32, #tpu.memory_space<vmem>>)
    } else {
    }
    %dma_start3A_324 = arith.constant 0 : i32
    %dma_start3A_325 = arith.constant 0 : i32
    %dma_start3A_326 = arith.constant 0 : i32
    %dma_start3A_327 = tpu.memref_slice %arg11[%dma_start3A_325, %dma_start3A_326] : memref<512x128xf32, #tpu.memory_space<vmem>> -> memref<128x128xf32, #tpu.memory_space<vmem>>
    %dma_start3A_328 = arith.constant 0 : i32
    %dma_start3A_329 = tpu.memref_slice %arg10[%dma_start3A_324, %dma_start3A_328] : memref<4x128xi32, #tpu.memory_space<vmem>> -> memref<1x128xi32, #tpu.memory_space<vmem>>
    %dma_start3A_330 = tpu.memref_squeeze %dma_start3A_329 : memref<1x128xi32, #tpu.memory_space<vmem>> -> memref<128xi32, #tpu.memory_space<vmem>>
    %dma_start3A_331 = arith.constant 0 : i32
    %dma_start3A_332 = arith.constant 0 : i32
    %dma_start3A_333 = tpu.memref_slice %arg7[%dma_start3A_331, %dma_start3A_332] : memref<16384x128xf32, #tpu.memory_space<hbm>> -> memref<16384x128xf32, #tpu.memory_space<hbm>>
    tpu.enqueue_indirect_dma source(%dma_start3A_327 : memref<128x128xf32, #tpu.memory_space<vmem>>) target(%dma_start3A_333 : memref<16384x128xf32, #tpu.memory_space<hbm>>) offsets(%dma_start3A_330 : memref<128xi32, #tpu.memory_space<vmem>>) semaphore(%arg24 : memref<!tpu.dma_semaphore, #tpu.memory_space<semaphore_mem>>)
    %dma_wait3A = arith.constant 0 : i32
    %dma_wait3A_334 = arith.constant 0 : i32
    %dma_wait3A_335 = arith.constant 0 : i32
    %dma_wait3A_336 = tpu.memref_slice %arg11[%dma_wait3A_334, %dma_wait3A_335] : memref<512x128xf32, #tpu.memory_space<vmem>> -> memref<128x128xf32, #tpu.memory_space<vmem>>
    %dma_wait3A_337 = arith.constant 0 : i32
    %dma_wait3A_338 = tpu.memref_slice %arg10[%dma_wait3A, %dma_wait3A_337] : memref<4x128xi32, #tpu.memory_space<vmem>> -> memref<1x128xi32, #tpu.memory_space<vmem>>
    %dma_wait3A_339 = tpu.memref_squeeze %dma_wait3A_338 : memref<1x128xi32, #tpu.memory_space<vmem>> -> memref<128xi32, #tpu.memory_space<vmem>>
    %dma_wait3A_340 = arith.constant 0 : i32
    %dma_wait3A_341 = arith.constant 0 : i32
    %dma_wait3A_342 = tpu.memref_slice %arg7[%dma_wait3A_340, %dma_wait3A_341] : memref<16384x128xf32, #tpu.memory_space<hbm>> -> memref<16384x128xf32, #tpu.memory_space<hbm>>
    tpu.wait_indirect_dma semaphore(%arg24 : memref<!tpu.dma_semaphore, #tpu.memory_space<semaphore_mem>>) src(%dma_wait3A_336 : memref<128x128xf32, #tpu.memory_space<vmem>>) dst(%dma_wait3A_342 : memref<16384x128xf32, #tpu.memory_space<hbm>>)
    %dma_start3A_343 = arith.constant 1 : i32
    %dma_start3A_344 = arith.constant 128 : i32
    %dma_start3A_345 = arith.constant 0 : i32
    %dma_start3A_346 = tpu.memref_slice %arg11[%dma_start3A_344, %dma_start3A_345] : memref<512x128xf32, #tpu.memory_space<vmem>> -> memref<128x128xf32, #tpu.memory_space<vmem>>
    %dma_start3A_347 = arith.constant 0 : i32
    %dma_start3A_348 = tpu.memref_slice %arg10[%dma_start3A_343, %dma_start3A_347] : memref<4x128xi32, #tpu.memory_space<vmem>> -> memref<1x128xi32, #tpu.memory_space<vmem>>
    %dma_start3A_349 = tpu.memref_squeeze %dma_start3A_348 : memref<1x128xi32, #tpu.memory_space<vmem>> -> memref<128xi32, #tpu.memory_space<vmem>>
    %dma_start3A_350 = arith.constant 0 : i32
    %dma_start3A_351 = arith.constant 0 : i32
    %dma_start3A_352 = tpu.memref_slice %arg7[%dma_start3A_350, %dma_start3A_351] : memref<16384x128xf32, #tpu.memory_space<hbm>> -> memref<16384x128xf32, #tpu.memory_space<hbm>>
    tpu.enqueue_indirect_dma source(%dma_start3A_346 : memref<128x128xf32, #tpu.memory_space<vmem>>) target(%dma_start3A_352 : memref<16384x128xf32, #tpu.memory_space<hbm>>) offsets(%dma_start3A_349 : memref<128xi32, #tpu.memory_space<vmem>>) semaphore(%arg24 : memref<!tpu.dma_semaphore, #tpu.memory_space<semaphore_mem>>)
    %dma_wait3A_353 = arith.constant 1 : i32
    %dma_wait3A_354 = arith.constant 128 : i32
    %dma_wait3A_355 = arith.constant 0 : i32
    %dma_wait3A_356 = tpu.memref_slice %arg11[%dma_wait3A_354, %dma_wait3A_355] : memref<512x128xf32, #tpu.memory_space<vmem>> -> memref<128x128xf32, #tpu.memory_space<vmem>>
    %dma_wait3A_357 = arith.constant 0 : i32
    %dma_wait3A_358 = tpu.memref_slice %arg10[%dma_wait3A_353, %dma_wait3A_357] : memref<4x128xi32, #tpu.memory_space<vmem>> -> memref<1x128xi32, #tpu.memory_space<vmem>>
    %dma_wait3A_359 = tpu.memref_squeeze %dma_wait3A_358 : memref<1x128xi32, #tpu.memory_space<vmem>> -> memref<128xi32, #tpu.memory_space<vmem>>
    %dma_wait3A_360 = arith.constant 0 : i32
    %dma_wait3A_361 = arith.constant 0 : i32
    %dma_wait3A_362 = tpu.memref_slice %arg7[%dma_wait3A_360, %dma_wait3A_361] : memref<16384x128xf32, #tpu.memory_space<hbm>> -> memref<16384x128xf32, #tpu.memory_space<hbm>>
    tpu.wait_indirect_dma semaphore(%arg24 : memref<!tpu.dma_semaphore, #tpu.memory_space<semaphore_mem>>) src(%dma_wait3A_356 : memref<128x128xf32, #tpu.memory_space<vmem>>) dst(%dma_wait3A_362 : memref<16384x128xf32, #tpu.memory_space<hbm>>)
    %dma_start3A_363 = arith.constant 2 : i32
    %dma_start3A_364 = arith.constant 256 : i32
    %dma_start3A_365 = arith.constant 0 : i32
    %dma_start3A_366 = tpu.memref_slice %arg11[%dma_start3A_364, %dma_start3A_365] : memref<512x128xf32, #tpu.memory_space<vmem>> -> memref<128x128xf32, #tpu.memory_space<vmem>>
    %dma_start3A_367 = arith.constant 0 : i32
    %dma_start3A_368 = tpu.memref_slice %arg10[%dma_start3A_363, %dma_start3A_367] : memref<4x128xi32, #tpu.memory_space<vmem>> -> memref<1x128xi32, #tpu.memory_space<vmem>>
    %dma_start3A_369 = tpu.memref_squeeze %dma_start3A_368 : memref<1x128xi32, #tpu.memory_space<vmem>> -> memref<128xi32, #tpu.memory_space<vmem>>
    %dma_start3A_370 = arith.constant 0 : i32
    %dma_start3A_371 = arith.constant 0 : i32
    %dma_start3A_372 = tpu.memref_slice %arg7[%dma_start3A_370, %dma_start3A_371] : memref<16384x128xf32, #tpu.memory_space<hbm>> -> memref<16384x128xf32, #tpu.memory_space<hbm>>
    tpu.enqueue_indirect_dma source(%dma_start3A_366 : memref<128x128xf32, #tpu.memory_space<vmem>>) target(%dma_start3A_372 : memref<16384x128xf32, #tpu.memory_space<hbm>>) offsets(%dma_start3A_369 : memref<128xi32, #tpu.memory_space<vmem>>) semaphore(%arg24 : memref<!tpu.dma_semaphore, #tpu.memory_space<semaphore_mem>>)
    %dma_wait3A_373 = arith.constant 2 : i32
    %dma_wait3A_374 = arith.constant 256 : i32
    %dma_wait3A_375 = arith.constant 0 : i32
    %dma_wait3A_376 = tpu.memref_slice %arg11[%dma_wait3A_374, %dma_wait3A_375] : memref<512x128xf32, #tpu.memory_space<vmem>> -> memref<128x128xf32, #tpu.memory_space<vmem>>
    %dma_wait3A_377 = arith.constant 0 : i32
    %dma_wait3A_378 = tpu.memref_slice %arg10[%dma_wait3A_373, %dma_wait3A_377] : memref<4x128xi32, #tpu.memory_space<vmem>> -> memref<1x128xi32, #tpu.memory_space<vmem>>
    %dma_wait3A_379 = tpu.memref_squeeze %dma_wait3A_378 : memref<1x128xi32, #tpu.memory_space<vmem>> -> memref<128xi32, #tpu.memory_space<vmem>>
    %dma_wait3A_380 = arith.constant 0 : i32
    %dma_wait3A_381 = arith.constant 0 : i32
    %dma_wait3A_382 = tpu.memref_slice %arg7[%dma_wait3A_380, %dma_wait3A_381] : memref<16384x128xf32, #tpu.memory_space<hbm>> -> memref<16384x128xf32, #tpu.memory_space<hbm>>
    tpu.wait_indirect_dma semaphore(%arg24 : memref<!tpu.dma_semaphore, #tpu.memory_space<semaphore_mem>>) src(%dma_wait3A_376 : memref<128x128xf32, #tpu.memory_space<vmem>>) dst(%dma_wait3A_382 : memref<16384x128xf32, #tpu.memory_space<hbm>>)
    %dma_start3A_383 = arith.constant 3 : i32
    %dma_start3A_384 = arith.constant 384 : i32
    %dma_start3A_385 = arith.constant 0 : i32
    %dma_start3A_386 = tpu.memref_slice %arg11[%dma_start3A_384, %dma_start3A_385] : memref<512x128xf32, #tpu.memory_space<vmem>> -> memref<128x128xf32, #tpu.memory_space<vmem>>
    %dma_start3A_387 = arith.constant 0 : i32
    %dma_start3A_388 = tpu.memref_slice %arg10[%dma_start3A_383, %dma_start3A_387] : memref<4x128xi32, #tpu.memory_space<vmem>> -> memref<1x128xi32, #tpu.memory_space<vmem>>
    %dma_start3A_389 = tpu.memref_squeeze %dma_start3A_388 : memref<1x128xi32, #tpu.memory_space<vmem>> -> memref<128xi32, #tpu.memory_space<vmem>>
    %dma_start3A_390 = arith.constant 0 : i32
    %dma_start3A_391 = arith.constant 0 : i32
    %dma_start3A_392 = tpu.memref_slice %arg7[%dma_start3A_390, %dma_start3A_391] : memref<16384x128xf32, #tpu.memory_space<hbm>> -> memref<16384x128xf32, #tpu.memory_space<hbm>>
    tpu.enqueue_indirect_dma source(%dma_start3A_386 : memref<128x128xf32, #tpu.memory_space<vmem>>) target(%dma_start3A_392 : memref<16384x128xf32, #tpu.memory_space<hbm>>) offsets(%dma_start3A_389 : memref<128xi32, #tpu.memory_space<vmem>>) semaphore(%arg24 : memref<!tpu.dma_semaphore, #tpu.memory_space<semaphore_mem>>)
    %dma_wait3A_393 = arith.constant 3 : i32
    %dma_wait3A_394 = arith.constant 384 : i32
    %dma_wait3A_395 = arith.constant 0 : i32
    %dma_wait3A_396 = tpu.memref_slice %arg11[%dma_wait3A_394, %dma_wait3A_395] : memref<512x128xf32, #tpu.memory_space<vmem>> -> memref<128x128xf32, #tpu.memory_space<vmem>>
    %dma_wait3A_397 = arith.constant 0 : i32
    %dma_wait3A_398 = tpu.memref_slice %arg10[%dma_wait3A_393, %dma_wait3A_397] : memref<4x128xi32, #tpu.memory_space<vmem>> -> memref<1x128xi32, #tpu.memory_space<vmem>>
    %dma_wait3A_399 = tpu.memref_squeeze %dma_wait3A_398 : memref<1x128xi32, #tpu.memory_space<vmem>> -> memref<128xi32, #tpu.memory_space<vmem>>
    %dma_wait3A_400 = arith.constant 0 : i32
    %dma_wait3A_401 = arith.constant 0 : i32
    %dma_wait3A_402 = tpu.memref_slice %arg7[%dma_wait3A_400, %dma_wait3A_401] : memref<16384x128xf32, #tpu.memory_space<hbm>> -> memref<16384x128xf32, #tpu.memory_space<hbm>>
    tpu.wait_indirect_dma semaphore(%arg24 : memref<!tpu.dma_semaphore, #tpu.memory_space<semaphore_mem>>) src(%dma_wait3A_396 : memref<128x128xf32, #tpu.memory_space<vmem>>) dst(%dma_wait3A_402 : memref<16384x128xf32, #tpu.memory_space<hbm>>)
    return
  }
}

module attributes {stable_mosaic.version = 14 : i64} {
  func.func @_mlp_u_body(%arg0: i32, %arg1: memref<2048x128xf32, #tpu.memory_space<vmem>>, %arg2: memref<64x64xf32, #tpu.memory_space<vmem>>, %arg3: memref<1x64xf32, #tpu.memory_space<vmem>>, %arg4: memref<2048x80xf32, #tpu.memory_space<vmem>>) attributes {dimension_semantics = [#tpu.dimension_semantics<arbitrary>], iteration_bounds = array<i64: 8>, scalar_prefetch = 0 : i64, scratch_operands = 0 : i64, tpu.core_type = #tpu.core_type<tc>, window_params = [{transform_indices = @transform_0, window_bounds = array<i64: 2048, 128>}, {pipeline_mode = #tpu.pipeline_mode<synchronous>, transform_indices = @transform_1, window_bounds = array<i64: 64, 64>}, {pipeline_mode = #tpu.pipeline_mode<synchronous>, transform_indices = @transform_2, window_bounds = array<i64: 1, 64>}, {transform_indices = @transform_3, window_bounds = array<i64: 2048, 80>}]} {
    %get3A = arith.constant 0 : index
    %get3A_0 = arith.constant 0 : index
    %get3A_1 = vector.load %arg1[%get3A, %get3A_0] : memref<2048x128xf32, #tpu.memory_space<vmem>>, vector<2048x128xf32>
    %slice3A = vector.extract_strided_slice %get3A_1 {offsets = [0, 0], sizes = [2048, 64], strides = [1, 1]} : vector<2048x128xf32> to vector<2048x64xf32>
    %get3A_2 = arith.constant 0 : index
    %get3A_3 = arith.constant 0 : index
    %get3A_4 = vector.load %arg2[%get3A_2, %get3A_3] : memref<64x64xf32, #tpu.memory_space<vmem>>, vector<64x64xf32>
    %dot_general3A = arith.constant dense<0.000000e+00> : vector<2048x64xf32>
    %dot_general3A_5 = tpu.matmul %slice3A, %get3A_4, %dot_general3A {dimension_numbers = #tpu.dot_dimension_numbers<[1], [0], [0], [1], [0, 0, 1, 1], [], []>, transpose_lhs_hint = false} : vector<2048x64xf32>, vector<64x64xf32>, vector<2048x64xf32> -> vector<2048x64xf32>
    %get3A_6 = arith.constant 0 : index
    %get3A_7 = arith.constant 0 : index
    %get3A_8 = vector.load %arg3[%get3A_6, %get3A_7] : memref<1x64xf32, #tpu.memory_space<vmem>>, vector<1x64xf32>
    %add3A = vector.broadcast %get3A_8 : vector<1x64xf32> to vector<2048x64xf32>
    %add3A_9 = arith.addf %dot_general3A_5, %add3A : vector<2048x64xf32>
    %slice3A_10 = vector.extract_strided_slice %get3A_1 {offsets = [0, 64], sizes = [2048, 16], strides = [1, 1]} : vector<2048x128xf32> to vector<2048x16xf32>
    %concatenate3A = tpu.concatenate %add3A_9, %slice3A_10 in 1 : vector<2048x64xf32>, vector<2048x16xf32> -> vector<2048x80xf32>
    %swap3A = arith.constant 0 : index
    %swap3A_11 = arith.constant 0 : index
    %swap3A_12 = vector.load %arg4[%swap3A, %swap3A_11] : memref<2048x80xf32, #tpu.memory_space<vmem>>, vector<2048x80xf32>
    tpu.vector_store %arg4[%swap3A, %swap3A_11], %concatenate3A {strides = array<i32>} : memref<2048x80xf32, #tpu.memory_space<vmem>>, vector<2048x80xf32>,
    return
  }
  func.func @transform_0(%arg0: i32) -> (i32, i32) {
    %c0_i32 = arith.constant 0 : i32
    %c0_i32_0 = arith.constant 0 : i32
    return %arg0, %c0_i32 : i32, i32
  }
  func.func @transform_1(%arg0: i32) -> (i32, i32) {
    %c0_i32 = arith.constant 0 : i32
    %c0_i32_0 = arith.constant 0 : i32
    %c0_i32_1 = arith.constant 0 : i32
    return %c0_i32, %c0_i32_0 : i32, i32
  }
  func.func @transform_2(%arg0: i32) -> (i32, i32) {
    %c0_i32 = arith.constant 0 : i32
    %c0_i32_0 = arith.constant 0 : i32
    %c0_i32_1 = arith.constant 0 : i32
    return %c0_i32, %c0_i32_0 : i32, i32
  }
  func.func @transform_3(%arg0: i32) -> (i32, i32) {
    %c0_i32 = arith.constant 0 : i32
    %c0_i32_0 = arith.constant 0 : i32
    return %arg0, %c0_i32 : i32, i32
  }
}

module attributes {stable_mosaic.version = 14 : i64} {
  func.func @_mlp_f_body(%arg0: i32, %arg1: memref<2048x80xf32, #tpu.memory_space<vmem>>, %arg2: memref<2048x128xf32, #tpu.memory_space<vmem>>, %arg3: memref<64x64xf32, #tpu.memory_space<vmem>>, %arg4: memref<64x32xf32, #tpu.memory_space<vmem>>, %arg5: memref<1x32xf32, #tpu.memory_space<vmem>>, %arg6: memref<32x16xf32, #tpu.memory_space<vmem>>, %arg7: memref<1x16xf32, #tpu.memory_space<vmem>>, %arg8: memref<16x1xf32, #tpu.memory_space<vmem>>, %arg9: memref<16x1xf32, #tpu.memory_space<vmem>>, %arg10: memref<1x1xf32, #tpu.memory_space<vmem>>, %arg11: memref<2048x1xf32, #tpu.memory_space<vmem>>) attributes {dimension_semantics = [#tpu.dimension_semantics<arbitrary>], iteration_bounds = array<i64: 8>, scalar_prefetch = 0 : i64, scratch_operands = 0 : i64, tpu.core_type = #tpu.core_type<tc>, window_params = [{transform_indices = @transform_0, window_bounds = array<i64: 2048, 80>}, {transform_indices = @transform_1, window_bounds = array<i64: 2048, 128>}, {pipeline_mode = #tpu.pipeline_mode<synchronous>, transform_indices = @transform_2, window_bounds = array<i64: 64, 64>}, {pipeline_mode = #tpu.pipeline_mode<synchronous>, transform_indices = @transform_3, window_bounds = array<i64: 64, 32>}, {pipeline_mode = #tpu.pipeline_mode<synchronous>, transform_indices = @transform_4, window_bounds = array<i64: 1, 32>}, {pipeline_mode = #tpu.pipeline_mode<synchronous>, transform_indices = @transform_5, window_bounds = array<i64: 32, 16>}, {pipeline_mode = #tpu.pipeline_mode<synchronous>, transform_indices = @transform_6, window_bounds = array<i64: 1, 16>}, {pipeline_mode = #tpu.pipeline_mode<synchronous>, transform_indices = @transform_7, window_bounds = array<i64: 16, 1>}, {pipeline_mode = #tpu.pipeline_mode<synchronous>, transform_indices = @transform_8, window_bounds = array<i64: 16, 1>}, {pipeline_mode = #tpu.pipeline_mode<synchronous>, transform_indices = @transform_9, window_bounds = array<i64: 1, 1>}, {transform_indices = @transform_10, window_bounds = array<i64: 2048, 1>}]} {
    %get3A = arith.constant 0 : index
    %get3A_0 = arith.constant 0 : index
    %get3A_1 = vector.load %arg1[%get3A, %get3A_0] : memref<2048x80xf32, #tpu.memory_space<vmem>>, vector<2048x80xf32>
    %get3A_2 = arith.constant 0 : index
    %get3A_3 = arith.constant 0 : index
    %get3A_4 = vector.load %arg2[%get3A_2, %get3A_3] : memref<2048x128xf32, #tpu.memory_space<vmem>>, vector<2048x128xf32>
    %slice3A = vector.extract_strided_slice %get3A_1 {offsets = [0, 64], sizes = [2048, 16], strides = [1, 1]} : vector<2048x80xf32> to vector<2048x16xf32>
    %slice3A_5 = vector.extract_strided_slice %get3A_4 {offsets = [0, 64], sizes = [2048, 16], strides = [1, 1]} : vector<2048x128xf32> to vector<2048x16xf32>
    %mul3A = arith.mulf %slice3A, %slice3A_5 : vector<2048x16xf32>
    %slice3A_6 = vector.extract_strided_slice %get3A_1 {offsets = [0, 0], sizes = [2048, 64], strides = [1, 1]} : vector<2048x80xf32> to vector<2048x64xf32>
    %slice3A_7 = vector.extract_strided_slice %get3A_4 {offsets = [0, 0], sizes = [2048, 64], strides = [1, 1]} : vector<2048x128xf32> to vector<2048x64xf32>
    %get3A_8 = arith.constant 0 : index
    %get3A_9 = arith.constant 0 : index
    %get3A_10 = vector.load %arg3[%get3A_8, %get3A_9] : memref<64x64xf32, #tpu.memory_space<vmem>>, vector<64x64xf32>
    %dot_general3A = arith.constant dense<0.000000e+00> : vector<2048x64xf32>
    %dot_general3A_11 = tpu.matmul %slice3A_7, %get3A_10, %dot_general3A {dimension_numbers = #tpu.dot_dimension_numbers<[1], [0], [0], [1], [0, 0, 1, 1], [], []>, transpose_lhs_hint = false} : vector<2048x64xf32>, vector<64x64xf32>, vector<2048x64xf32> -> vector<2048x64xf32>
    %add3A = arith.addf %slice3A_6, %dot_general3A_11 : vector<2048x64xf32>
    %max3A = arith.constant 0.000000e+00 : f32
    %max3A_12 = vector.broadcast %max3A : f32 to vector<2048x64xf32>
    %max3A_13 = arith.maximumf %add3A, %max3A_12 : vector<2048x64xf32>
    %get3A_14 = arith.constant 0 : index
    %get3A_15 = arith.constant 0 : index
    %get3A_16 = vector.load %arg4[%get3A_14, %get3A_15] : memref<64x32xf32, #tpu.memory_space<vmem>>, vector<64x32xf32>
    %dot_general3A_17 = arith.constant dense<0.000000e+00> : vector<2048x32xf32>
    %dot_general3A_18 = tpu.matmul %max3A_13, %get3A_16, %dot_general3A_17 {dimension_numbers = #tpu.dot_dimension_numbers<[1], [0], [0], [1], [0, 0, 1, 1], [], []>, transpose_lhs_hint = false} : vector<2048x64xf32>, vector<64x32xf32>, vector<2048x32xf32> -> vector<2048x32xf32>
    %get3A_19 = arith.constant 0 : index
    %get3A_20 = arith.constant 0 : index
    %get3A_21 = vector.load %arg5[%get3A_19, %get3A_20] : memref<1x32xf32, #tpu.memory_space<vmem>>, vector<1x32xf32>
    %add3A_22 = vector.broadcast %get3A_21 : vector<1x32xf32> to vector<2048x32xf32>
    %add3A_23 = arith.addf %dot_general3A_18, %add3A_22 : vector<2048x32xf32>
    %max3A_24 = arith.constant 0.000000e+00 : f32
    %max3A_25 = vector.broadcast %max3A_24 : f32 to vector<2048x32xf32>
    %max3A_26 = arith.maximumf %add3A_23, %max3A_25 : vector<2048x32xf32>
    %get3A_27 = arith.constant 0 : index
    %get3A_28 = arith.constant 0 : index
    %get3A_29 = vector.load %arg6[%get3A_27, %get3A_28] : memref<32x16xf32, #tpu.memory_space<vmem>>, vector<32x16xf32>
    %dot_general3A_30 = arith.constant dense<0.000000e+00> : vector<2048x16xf32>
    %dot_general3A_31 = tpu.matmul %max3A_26, %get3A_29, %dot_general3A_30 {dimension_numbers = #tpu.dot_dimension_numbers<[1], [0], [0], [1], [0, 0, 1, 1], [], []>, transpose_lhs_hint = false} : vector<2048x32xf32>, vector<32x16xf32>, vector<2048x16xf32> -> vector<2048x16xf32>
    %get3A_32 = arith.constant 0 : index
    %get3A_33 = arith.constant 0 : index
    %get3A_34 = vector.load %arg7[%get3A_32, %get3A_33] : memref<1x16xf32, #tpu.memory_space<vmem>>, vector<1x16xf32>
    %add3A_35 = vector.broadcast %get3A_34 : vector<1x16xf32> to vector<2048x16xf32>
    %add3A_36 = arith.addf %dot_general3A_31, %add3A_35 : vector<2048x16xf32>
    %max3A_37 = arith.constant 0.000000e+00 : f32
    %max3A_38 = vector.broadcast %max3A_37 : f32 to vector<2048x16xf32>
    %max3A_39 = arith.maximumf %add3A_36, %max3A_38 : vector<2048x16xf32>
    %get3A_40 = arith.constant 0 : index
    %get3A_41 = arith.constant 0 : index
    %get3A_42 = vector.load %arg8[%get3A_40, %get3A_41] : memref<16x1xf32, #tpu.memory_space<vmem>>, vector<16x1xf32>
    %dot_general3A_43 = arith.constant dense<0.000000e+00> : vector<2048x1xf32>
    %dot_general3A_44 = tpu.matmul %max3A_39, %get3A_42, %dot_general3A_43 {dimension_numbers = #tpu.dot_dimension_numbers<[1], [0], [0], [1], [0, 0, 1, 1], [], []>, transpose_lhs_hint = false} : vector<2048x16xf32>, vector<16x1xf32>, vector<2048x1xf32> -> vector<2048x1xf32>
    %get3A_45 = arith.constant 0 : index
    %get3A_46 = arith.constant 0 : index
    %get3A_47 = vector.load %arg9[%get3A_45, %get3A_46] : memref<16x1xf32, #tpu.memory_space<vmem>>, vector<16x1xf32>
    %dot_general3A_48 = arith.constant dense<0.000000e+00> : vector<2048x1xf32>
    %dot_general3A_49 = tpu.matmul %mul3A, %get3A_47, %dot_general3A_48 {dimension_numbers = #tpu.dot_dimension_numbers<[1], [0], [0], [1], [0, 0, 1, 1], [], []>, transpose_lhs_hint = false} : vector<2048x16xf32>, vector<16x1xf32>, vector<2048x1xf32> -> vector<2048x1xf32>
    %add3A_50 = arith.addf %dot_general3A_44, %dot_general3A_49 : vector<2048x1xf32>
    %get3A_51 = arith.constant 0 : index
    %get3A_52 = arith.constant 0 : index
    %get3A_53 = vector.load %arg10[%get3A_51, %get3A_52] : memref<1x1xf32, #tpu.memory_space<vmem>>, vector<1x1xf32>
    %get3A_54 = vector.extract %get3A_53[0, 0] : f32 from vector<1x1xf32>
    %add3A_55 = vector.broadcast %get3A_54 : f32 to vector<2048x1xf32>
    %add3A_56 = arith.addf %add3A_50, %add3A_55 : vector<2048x1xf32>
    %swap3A = arith.constant 0 : index
    %swap3A_57 = arith.constant 0 : index
    %swap3A_58 = vector.load %arg11[%swap3A, %swap3A_57] : memref<2048x1xf32, #tpu.memory_space<vmem>>, vector<2048x1xf32>
    tpu.vector_store %arg11[%swap3A, %swap3A_57], %add3A_56 {strides = array<i32>} : memref<2048x1xf32, #tpu.memory_space<vmem>>, vector<2048x1xf32>,
    return
  }
  func.func @transform_0(%arg0: i32) -> (i32, i32) {
    %c0_i32 = arith.constant 0 : i32
    %c0_i32_0 = arith.constant 0 : i32
    return %arg0, %c0_i32 : i32, i32
  }
  func.func @transform_1(%arg0: i32) -> (i32, i32) {
    %c0_i32 = arith.constant 0 : i32
    %c0_i32_0 = arith.constant 0 : i32
    return %arg0, %c0_i32 : i32, i32
  }
  func.func @transform_2(%arg0: i32) -> (i32, i32) {
    %c0_i32 = arith.constant 0 : i32
    %c0_i32_0 = arith.constant 0 : i32
    %c0_i32_1 = arith.constant 0 : i32
    return %c0_i32, %c0_i32_0 : i32, i32
  }
  func.func @transform_3(%arg0: i32) -> (i32, i32) {
    %c0_i32 = arith.constant 0 : i32
    %c0_i32_0 = arith.constant 0 : i32
    %c0_i32_1 = arith.constant 0 : i32
    return %c0_i32, %c0_i32_0 : i32, i32
  }
  func.func @transform_4(%arg0: i32) -> (i32, i32) {
    %c0_i32 = arith.constant 0 : i32
    %c0_i32_0 = arith.constant 0 : i32
    %c0_i32_1 = arith.constant 0 : i32
    return %c0_i32, %c0_i32_0 : i32, i32
  }
  func.func @transform_5(%arg0: i32) -> (i32, i32) {
    %c0_i32 = arith.constant 0 : i32
    %c0_i32_0 = arith.constant 0 : i32
    %c0_i32_1 = arith.constant 0 : i32
    return %c0_i32, %c0_i32_0 : i32, i32
  }
  func.func @transform_6(%arg0: i32) -> (i32, i32) {
    %c0_i32 = arith.constant 0 : i32
    %c0_i32_0 = arith.constant 0 : i32
    %c0_i32_1 = arith.constant 0 : i32
    return %c0_i32, %c0_i32_0 : i32, i32
  }
  func.func @transform_7(%arg0: i32) -> (i32, i32) {
    %c0_i32 = arith.constant 0 : i32
    %c0_i32_0 = arith.constant 0 : i32
    %c0_i32_1 = arith.constant 0 : i32
    return %c0_i32, %c0_i32_0 : i32, i32
  }
  func.func @transform_8(%arg0: i32) -> (i32, i32) {
    %c0_i32 = arith.constant 0 : i32
    %c0_i32_0 = arith.constant 0 : i32
    %c0_i32_1 = arith.constant 0 : i32
    return %c0_i32, %c0_i32_0 : i32, i32
  }
  func.func @transform_9(%arg0: i32) -> (i32, i32) {
    %c0_i32 = arith.constant 0 : i32
    %c0_i32_0 = arith.constant 0 : i32
    %c0_i32_1 = arith.constant 0 : i32
    return %c0_i32, %c0_i32_0 : i32, i32
  }
  func.func @transform_10(%arg0: i32) -> (i32, i32) {
    %c0_i32 = arith.constant 0 : i32
    %c0_i32_0 = arith.constant 0 : i32
    return %arg0, %c0_i32 : i32, i32
  }
}

</mosaic_0001>

<sc_bundles>
// kernel: gather_offload_async_start.1
scs
__scs_entry_jumppad:
0x0: {  	(pc) =	sbr.rel $0x88, $3  }
0x1: {  	(tag) =	ssettag $0x0;
	lr =	simm.s32 $0x1  }
0x2: {  	[smem:$0x3F93] =	sst lr;
	_ =	strace $0xD0000000  }
0x3: {  	_ = 	snop  }
0x4: {  	_ = 	snop  }
0x5: {  	_ = 	snop  }
0x6: {  	_ = 	snop  }
0x7: {  	_ = 	snop  }
__scs_overlays_trampoline_lowered:
0x8: {  	[smem:$0x3FA2] =	sst s0  }
0x9: {  	[smem:$0x3FA3] =	sst s1  }
0xa: {  	[smem:$0x3FA4] =	sst s2  }
0xb: {  	[smem:$0x3FA5] =	sst s3  }
0xc: {  	[smem:$0x3FA6] =	sst s4  }
0xd: {  	[smem:$0x3FA7] =	sst s5  }
0xe: {  	[smem:$0x3FA8] =	sst s6  }
0xf: {  	[smem:$0x3FA9] =	sst s7  }
0x10: {  	[smem:$0x3FAA] =	sst s8  }
0x11: {  	[smem:$0x3FAB] =	sst s9;
	s0 =	simm.s32 @!p0 $0x0  }
0x12: {  	s1 =	sld [smem:$0x3F91];
	s0 =	simm.s32 @p0 $0x1  }
0x13: {  	[smem:$0x3FAC] =	sst s0;
	s0 =	simm.s32 @!p1 $0x0  }
0x14: {  	s2 =	sld [smem:$0x3F90];
	s0 =	simm.s32 @p1 $0x1  }
0x15: {  	[smem:$0x3FAD] =	sst s0;
	s0 =	simm.s32 @!p2 $0x0  }
0x16: {  	s3 =	sld [smem:$0x3FDB];
	s0 =	simm.s32 @p2 $0x1  }
0x17: {  	s4 =	simm.s32 $0x1BF5;
	[smem:$0x3FAF] =	sst s0  }
0x18: {  	s0 =	sld [smem:$0x3F92];
	_ =	swait.ge [sflag:s4], $0x0  }
0x19: {  	s7 =	sld [smem:$0x3F93]  }
0x1a: {  	s8 =	sadd.s32 $0xFFFFE003, lr  }
0x1b: {  	s9 =	sadd.s32 $0xFFFFFEF7, lr;
	s5 =	simm.s32 $0xFFFFFFFF;
	p2 =	slt.u32 s8, $0xFFFFF086  }
0x1c: {  	p1 =	slt.u32 s9, $0xF7A;
	s5 =	simm.s32 @!p2 $0x0  }
0x1d: {  	s5 =	simm.s32 @p1 $0x1;
	p0 =	seq.s32 s7, s2  }
0x1e: {  	s7 =	smul.u32 @!p0 $0xF7A, s2;
	p2 =	seq.s32 @!p0 s5, $0x0  }
0x1f: {  	s9 =	smul.u32 $0xF7A, s1;
	s8 =	simm.s32 @!p0 $0x1BF5;
	p2 =	por !p2, p0  }
0x20: {  	[sflag:s8] =	ssyncset.s32 @!p0 $0xFFFFF086;
	s6 =	sadd.s32 @!p0 s3, s7;
	s7 =	simm.s32 @!p0 $0x108  }
0x21: {  	s3 =	sadd.s32 s3, s9;
	s6 =	sadd.s32 @!p0 $0x88, s6;
	s7 =	simm.s32 @p2 $0x1082  }
0x22: {  	[simem:s7], [sflag:s8] =	dma.local @!p0 [hbm:s6], $0xF7A  }
0x23: {  	s9 =	sor.u32 $0xD0000000, s2;
	s6 =	simm.s32 $0x108;
	_ =	swait.ge @!p0 [sflag:s8], $0x0  }
0x24: {  	s3 =	sadd.s32 $0x88, s3;
	s6 =	simm.s32 @!p1 $0x1082;
	[sflag:s4] =	ssyncset.s32 $0xFFFFF086  }
0x25: {  	[simem:s6], [sflag:s4] =	dma.local [hbm:s3], $0xF7A  }
0x26: {  	[smem:$0x3F93] =	sst s1;
	(tag) =	ssettag s2;
	_ =	strace s9  }
0x27: {  	s1 =	sld [smem:$0x3FA3]  }
0x28: {  	s2 =	sld [smem:$0x3FA4]  }
0x29: {  	s4 =	sld [smem:$0x3FA6]  }
0x2a: {  	p0 =	seq.s32 s5, $0x0;
	s5 =	sld [smem:$0x3FA7]  }
0x2b: {  	s6 =	sld [smem:$0x3FA8]  }
0x2c: {  	s7 =	sld [smem:$0x3FA9]  }
0x2d: {  	s3 =	simm.s32 $0x108;
	s8 =	sld [smem:$0x3FAA]  }
0x2e: {  	s3 =	simm.s32 @!p0 $0x1082;
	s9 =	sld [smem:$0x3FAB]  }
0x2f: {  	lr =	sadd.s32 s0, s3;
	s0 =	sld [smem:$0x3FA2]  }
0x30: {  	s3 =	sld [smem:$0x3FA5]  }
0x31: {  	[smem:$0x3FAE] =	sst s10  }
0x32: {  	s10 =	sld [smem:$0x3FAC];
	_ =	sdelay $0x3  }
0x33: {  	p0 =	seq.s32 s10, $0x1;
	s10 =	sld [smem:$0x3FAE];
	_ =	sdelay $0x3  }
0x34: {  	[smem:$0x3FAE] =	sst s10  }
0x35: {  	s10 =	sld [smem:$0x3FAD];
	_ =	sdelay $0x3  }
0x36: {  	p1 =	seq.s32 s10, $0x1;
	s10 =	sld [smem:$0x3FAE];
	_ =	sdelay $0x3  }
0x37: {  	[smem:$0x3FAE] =	sst s10  }
0x38: {  	s10 =	sld [smem:$0x3FAF]  }
0x39: {  	_ = 	snop;
	(pc) =	sbr.ind lr, $3  }
0x3a: {  	_ = 	snop  }
0x3b: {  	_ = 	snop  }
0x3c: {  	p2 =	seq.s32 s10, $0x1;
	s10 =	sld [smem:$0x3FAE]  }
0x3d: {  	_ =	shalt  }
0x3e: {  	_ =	shalt  }
0x3f: {  	_ =	shalt  }
0x40: {  	_ =	shalt  }
0x41: {  	_ =	shalt  }
0x42: {  	_ =	shalt  }
0x43: {  	_ =	shalt  }
0x44: {  	_ =	shalt  }
0x45: {  	_ =	shalt  }
0x46: {  	_ =	shalt  }
0x47: {  	_ =	shalt  }
0x48: {  	_ =	shalt  }
0x49: {  	_ =	shalt  }
0x4a: {  	_ =	shalt  }
0x4b: {  	_ =	shalt  }
0x4c: {  	_ =	shalt  }
0x4d: {  	_ =	shalt  }
0x4e: {  	_ =	shalt  }
0x4f: {  	_ =	shalt  }
0x50: {  	_ =	shalt  }
0x51: {  	_ =	shalt  }
0x52: {  	_ =	shalt  }
0x53: {  	_ =	shalt  }
0x54: {  	_ =	shalt  }
0x55: {  	_ =	shalt  }
0x56: {  	_ =	shalt  }
0x57: {  	_ =	shalt  }
0x58: {  	_ =	shalt  }
0x59: {  	_ =	shalt  }
0x5a: {  	_ =	shalt  }
0x5b: {  	_ =	shalt  }
0x5c: {  	_ =	shalt  }
0x5d: {  	_ =	shalt  }
0x5e: {  	_ =	shalt  }
0x5f: {  	_ =	shalt  }
0x60: {  	_ =	shalt  }
0x61: {  	_ =	shalt  }
0x62: {  	_ =	shalt  }
0x63: {  	_ =	shalt  }
0x64: {  	_ =	shalt  }
0x65: {  	_ =	shalt  }
0x66: {  	_ =	shalt  }
0x67: {  	_ =	shalt  }
0x68: {  	_ =	shalt  }
0x69: {  	_ =	shalt  }
0x6a: {  	_ =	shalt  }
0x6b: {  	_ =	shalt  }
0x6c: {  	_ =	shalt  }
0x6d: {  	_ =	shalt  }
0x6e: {  	_ =	shalt  }
0x6f: {  	_ =	shalt  }
0x70: {  	_ =	shalt  }
0x71: {  	_ =	shalt  }
0x72: {  	_ =	shalt  }
0x73: {  	_ =	shalt  }
0x74: {  	_ =	shalt  }
0x75: {  	_ =	shalt  }
0x76: {  	_ =	shalt  }
0x77: {  	_ =	shalt  }
0x78: {  	_ =	shalt  }
0x79: {  	_ =	shalt  }
0x7a: {  	_ =	shalt  }
0x7b: {  	_ =	shalt  }
0x7c: {  	_ =	shalt  }
0x7d: {  	_ =	shalt  }
0x7e: {  	_ =	shalt  }
0x7f: {  	_ =	shalt  }
0x80: {  	_ =	shalt  }
0x81: {  	_ =	shalt  }
0x82: {  	_ =	shalt  }
0x83: {  	_ =	shalt  }
0x84: {  	_ =	shalt  }
0x85: {  	_ =	shalt  }
0x86: {  	_ =	shalt  }
0x87: {  	_ =	shalt  }
.Lfunc_end0:
.L_simem_size_0:
called_computation.1_lowered:
.L_overlay_start_0:
0x88: {  	s2 =	sld [smem:$0x3FD9]  }
0x89: {  	s3 =	sld [smem:$0x3FFE];
	_ =	sdelay $0x1  }
0x8a: {  	s1 =	srdreg.scid  }
0x8b: {  	s0 =	sand.u32 $0x1, s1  }
0x8c: {  	s17 =	sshll.u32 s0, $0xA;
	s2 =	sadd.s32 s3, s2  }
0x8d: {  	s2 =	sadd.s32 s2, s17  }
0x8e: {  	[smem:$0x3FBA] =	sst s2  }
0x8f: {  	_ = 	snop  }
0x90: {  	s2 =	sld [smem:$0x3FC8];
	(tm) =	ssettm $0x1  }
0x91: {  	s18 =	sld [smem:$0x3FFB];
	_ =	sdelay $0x3  }
0x92: {  	_ =	strace s18  }
0x93: {  	s3 =	sld [smem:$0x3FFC];
	_ =	sdelay $0x3  }
0x94: {  	_ =	strace s3  }
0x95: {  	s3 =	sld [smem:$0x3FFD];
	_ =	sdelay $0x3  }
0x96: {  	_ =	strace s3  }
0x97: {  	_ =	strace $0x8FFFFFFF  }
0x98: {  	s19 =	sld [smem:$0x3FDB];
	_ =	sdelay $0x1  }
0x99: {  	s4 =	simm.s32 $_scs_section_size  }
0x9a: {  	s5 =	simm.s32 $_size__tile_overlayer_lowered;
	s6 =	simm.s32 $_tile_overlayer_lowered  }
0x9b: {  	s22 =	simm.s32 $0x1BFF;
	s21 =	sshll.u32 s6, $0x1;
	s3 =	sadd.s32 s4, s19  }
0x9c: {  	s7 =	simm.s32 $0x0;
	s20 =	sshll.u32 s5, $0x1;
	s5 =	sadd.s32 s21, s3  }
0x9d: {  	[timem:s7], [sflag:s22] =	dma.local [hbm:s5], s20  }
0x9e: {  	_ =	swait.ge [sflag:s22], s20  }
0x9f: {  	s4 =	ssub.s32 $0x0, s20;
	[sflag:s22] =	ssyncset.done $0x0  }
0xa0: {  	[sflag:s22] =	ssyncadd.s32 s4;
	_ =	sdelay $0x1  }
0xa1: {  	s23 =	simm.s32 $0x1B8B  }
0xa2: {  	_ =	swait.ge [sflag:s23], $0x1  }
0xa3: {  	[sflag:s23] =	ssyncset.done $0x0  }
0xa4: {  	s25 =	simm.s32 $0x1B8E;
	s24 =	sld [smem:$0x3FFE];
	[sflag:s23] =	ssyncadd.s32 $0xFFFFFFFF  }
0xa5: {  	s26 =	simm.s32 $execute0_lowered;
	[smem:$0x3FD2] =	sst s25  }
0xa6: {  	s5 =	sshll.u32 s26, $0x1;
	_ =	strace $0x80000046;
	[dreg:$0x1] =	wrdreg $0xFFFFFFFF  }
0xa7: {  	s28 =	simm.s32 $_size_execute0_lowered;
	s3 =	sadd.s32 s3, s5;
	[dreg:$0x0] =	wrdreg $0x0  }
0xa8: {  	s5 =	sshll.u32 s28, $0x1;
	[dreg:$0x2] =	wrdreg s3  }
0xa9: {  	[dreg:$0x3] =	wrdreg s5  }
0xaa: {  	[dreg:$0x4] =	wrdreg $0xC0  }
0xab: {  	_ =	task [dreg:s7], $0x5FFFF  }
0xac: {  	[dreg:$0x1] =	wrdreg $0xFFFFFFFF  }
0xad: {  	[dreg:$0x0] =	wrdreg $0x60  }
0xae: {  	[dreg:$0x2] =	wrdreg s2  }
0xaf: {  	[dreg:$0x3] =	wrdreg s24  }
0xb0: {  	[dreg:$0x4] =	wrdreg $0x9  }
0xb1: {  	_ =	task.clear_ibuf [dreg:s7], $0x5FFFF;
	_ =	strace $0x90000046  }
0xb2: {  	s29 =	simm.s32 $0x9;
	_ =	strace $0x80000048  }
0xb3: {  	_ =	swait.ge [sflag:s29], $0x1  }
0xb4: {  	[sflag:s29] =	ssyncadd.s32 $0xFFFFFFFF  }
0xb5: {  	_ =	strace $0x90000048  }
0xb6: {  	_ =	sfence  }
0xb7: {  	s30 =	sld [smem:$0x0];
	_ =	sdelay $0x2  }
0xb8: {  	s31 =	sshll.u32 s1, $0xD;
	s1 =	sshrl.u32 s1, $0x2  }
0xb9: {  	s3 =	sand.u32 $0x4000, s31;
	s1 =	sadd.s32 s1, s30  }
0xba: {  	s0 =	sor.u32 s3, s0;
	s1 =	sshll.u32 s1, $0x11  }
0xbb: {  	s0 =	sor.u32 s1, s0  }
0xbc: {  	s0 =	sadd.s32 $0x8F2B, s0  }
0xbd: {  	[sflag:s0] =	ssyncadd.remote.s32 $0x1  }
0xbe: {  	_ =	sfence.sel $0xFFFF  }
0xbf: {  	[dreg:$0x0] =	wrdreg $0xFFFFFFFF;
	(pc) =	sbr.abs _section_cstart, $3  }
0xc0: {  	[dreg:$0x1] =	wrdreg $0xFFFFFFFF  }
0xc1: {  	_ =	task.clear_ibuf [dreg:s7], $0x2FFFF;
	_ =	strace $0x9FFFFFFF  }
0xc2: {  	(tm) =	ssettm $0x7FFFFFFF  }
0xc3: {  	_ =	shalt  }
tec
execute0_lowered:
.L_overlay_start_1:
0x0: {  	(tag) =	ssettag $0x1  }
0x1: {  	s1 =	srdreg.scid;
	s2 =	rddreg [dreg:$0x0]  }
0x2: {  	s0 =	stileid.u32;
	s5 =	rddreg [dreg:$0x1];
	s6 =	simm.s32 $0x1  }
0x3: {  	s9 =	simm.s32 $0x1;
	s10 =	simm.s32 $0x3;
	s1 =	sshll.u32 s1, $0x8  }
0x4: {  	s13 =	simm.s32 $0x0;
	s3 =	sshll.u32 s0, $0x9;
	s4 =	sand.u32 $0x100, s1  }
0x5: {  	s12 =	simm.s32 $0x0;
	s1 =	rddreg [dreg:$0x2];
	s3 =	sor.u32 s3, s4  }
0x6: {  	_ =	strace $0x80000047;
	s4 =	sadd.s32 $0x800, s5;
	s8 =	ssub.s32 $0x4000, s3  }
.Ltmp0:
0x7: {  	s5 =	sadd.s32 $0x1800, s5;
	s7 =	sand.u32 $0x1F00, s8;
	(pc) =	sbr.rel .LBB2_1-.Ltmp0, $4  }
0x8: {  	[sflag:s6] =	ssyncpa.u1 $0x0;
	s11 =	smov.u32 s3;
	p0 =	sne.s32 s7, $0x0  }
0x9: {  	s8 =	sshrl.u32 s8, $0xD;
	s7 =	simm.s32 $0x2;
	s9 =	simm.s32 @!p0 $0x0  }
0xa: {  	[sflag:s7] =	ssyncpa.u1 $0x0;
	p0 =	por $0x0, $0x0;
	s8 =	sadd.s32 s9, s8  }
0xb: {  	vm0 =	vmmov $0xffff;
	[sflag:s10] =	ssyncpa.u1 $0x0;
	s10 =	simm.s32 $0x0;
	s9 =	sadd.s32 $0x1, s8  }
.LBB2_4:
0xc: {  	v2 =	vnsel vm1, $0x0, v2  }
0xd: {  	vm1 =	vgt.s32 v0, $0x0;
	v2 =	vmin.u32 v2, $0x3FFF  }
0xe: {  	v0 =	vnsel vm1, $0x0, v0  }
0xf: {  	v0 =	vmin.u32 v0, $0x3FFF  }
0x10: {  	[tilespmem:s15], [sflag:$0x1] =	stream.indirect_vreg.gather [hbm4b:s2+s10], $0x1, v1, vm0, $0x4038;
	[tilespmem:$0x400] =	vst v63  }
0x11: {  	(ifvalue) =	ssetifvalue $0x7FFFFFFF  }
0x12: {  	[tilespmem:s16], [sflag:$0x1] =	stream.indirect_vreg.gather [hbm4b:s2+s10], $0x1, v2, vm0, $0x4038;
	[tilespmem:$0x400] =	vst v63  }
0x13: {  	s29 =	sadd.s32 $0x10, s16;
	(ifvalue) =	ssetifvalue $0x7FFFFFFF  }
0x14: {  	[tilespmem:s29], [sflag:$0x1] =	stream.indirect_vreg.gather [hbm4b:s2+s10], $0x1, v0, vm0, $0x4038;
	[tilespmem:$0x400] =	vst v63  }
0x15: {  	_ =	swait.ge [sflag:s6], $0x100  }
0x16: {  	s30 =	sshrl.u32 s13, $0x3;
	[sflag:s6] =	ssyncset.done $0x0  }
0x17: {  	s31 =	sand.u32 $0x7, s13;
	s15 =	sadd.s32 s5, s30;
	[sflag:s6] =	ssyncadd.s32 $0xFFFFFF00  }
0x18: {  	[hbm4b:s15+s31] =	stream.linear.scatter [tilespmem:s14], [sflag:$0x3], $0x100, $0x38;
	[tilespmem:$0x400] =	vst v63  }
.LBB2_5:
0x19: {  	s15 =	sadd.s32 $0x2000, s11  }
0x1a: {  	p2 =	sgt.s32 s15, $0x3FFF  }
0x1b: {  	s15 =	smov.u32 @p2 s3;
	p2 =	sne.s32 s12, s9  }
.Ltmp1:
0x1c: {  	p1 =	slt.u32 s12, $0x2;
	(pc) =	sbr.rel @!p2 .LBB2_6-.Ltmp1, $4  }
0x1d: {  	s14 =	simm.s32 @!p1 $0x3  }
0x1e: {  	s16 =	sadd.s32 $0x1, s12;
	_ =	swait.ge @!p1 [sflag:s14], $0x100  }
0x1f: {  	s13 =	smov.u32 s11;
	p0 =	por !p0, !p0;
	[sflag:s14] =	ssyncset.done @!p1 $0x0  }
0x20: {  	s12 =	smov.u32 s16;
	s11 =	smov.u32 s15;
	[sflag:s14] =	ssyncadd.s32 @!p1 $0xFFFFFF00  }
.LBB2_1:
0x21: {  	p1 =	sge.u32 s12, s8  }
0x22: {  	s14 =	sxor.u32 @!p1 $0xFFFFFFFF, s12  }
0x23: {  	s31 =	sadd.s32 $0xFFFFFFFF, s12;
	s15 =	sshrl.u32 @!p1 s11, $0x3;
	s14 =	sshll.u32 @!p1 s14, $0x8  }
0x24: {  	s16 =	sand.u32 @!p1 $0x7, s11;
	s15 =	sadd.s32 @!p1 s4, s15;
	s14 =	sand.u32 @!p1 $0x100, s14  }
0x25: {  	[tilespmem:s14], [sflag:$0x2] =	stream.linear.gather @!p1 [hbm4b:s15+s16], $0x100, $0x38;
	[tilespmem:$0x400] =	vst v63  }
0x26: {  	p1 =	sge.u32 s31, s8  }
.Ltmp2:
0x27: {  	_ = 	snop;
	(pc) =	sbr.rel @p1 .LBB2_5-.Ltmp2, $1  }
0x28: {  	_ =	sdelay $0x3  }
0x29: {  	s14 =	simm.s32 $0x1  }
0x2a: {  	_ =	swait.ge [sflag:s7], $0x100;
	s14 =	simm.s32 @!p0 $0x0  }
0x2b: {  	[sflag:s7] =	ssyncset.done $0x0;
	s14 =	sshll.u32 s14, $0x8  }
0x2c: {  	[sflag:s7] =	ssyncadd.s32 $0xFFFFFF00;
	(ifvalue) =	ssetifvalue $0x7FFFFFFF;
	v0 =	vld.msk [tilespmem:s14+$0x0 ss:$0x1], $0xffff;
	_ =	sdelay $0x4  }
0x2d: {  	s15 =	sadd.s32 $0x10, s14;
	vm1 =	vgt.s32 v0, $0x0  }
0x2e: {  	v2 =	vld.msk [tilespmem:s15+$0x0 ss:$0x1], $0xffff;
	v1 =	vnsel vm1, $0x0, v0  }
0x2f: {  	v1 =	vmin.u32 v1, $0x3FFF;
	_ =	sdelay $0x1  }
0x30: {  	s16 =	sshll.u32 s12, $0x8;
	s18 =	simm.s32 $0x20  }
0x31: {  	s16 =	sand.u32 $0x100, s16;
	s17 =	sadd.s32 $0x10, s15;
	s15 =	sor.u32 $0x200, s14  }
0x32: {  	s14 =	sor.u32 $0x200, s16;
	s16 =	sadd.s32 $0x10, s15;
	v0 =	vld.msk [tilespmem:s17+$0x0 ss:$0x1], $0xffff;
	vm1 =	vgt.s32 v2, $0x0;
	(ifvalue) =	ssetifvalue $0x7FFFFFFF  }
.LBB2_3:
0x33: {  	[tilespmem:s15], [sflag:$0x1] =	stream.indirect_vreg.gather [hbm4b:s2+s10], $0x1, v1, vm0, $0x4038;
	[tilespmem:$0x400] =	vst v63  }
0x34: {  	s18 =	sadd.s32 $0x10, s18  }
0x35: {  	v2 =	vnsel vm1, $0x0, v2;
	p1 =	slt.u32 s18, $0xF0  }
.Ltmp3:
0x36: {  	s15 =	smov.u32 s16;
	v1 =	vmin.u32 v2, $0x3FFF;
	(pc) =	sbr.rel @p1 .LBB2_3-.Ltmp3, $3  }
0x37: {  	_ =	sdelay $0x1  }
0x38: {  	s17 =	sadd.s32 $0x10, s17  }
0x39: {  	vm1 =	vgt.s32 v0, $0x0;
	s16 =	sadd.s32 $0x10, s16;
	v2 =	vmov v0;
	(ifvalue) =	ssetifvalue $0x7FFFFFFF;
	v0 =	vld.msk [tilespmem:s17+$0x0 ss:$0x1], $0xffff  }
.Ltmp4:
0x3a: {  	_ = 	snop;
	(pc) =	sbr.rel .LBB2_4-.Ltmp4, $1  }
0x3b: {  	_ =	sdelay $0x3  }
.LBB2_6:
0x3c: {  	_ =	sfence.sel $0x180000  }
0x3d: {  	s2 =	simm.s32 $0x2;
	[bflag:$0x0] =	sbarrier.arrive $0xFFFF  }
0x3e: {  	s30 =	simm.s32 $0x3;
	[sflag:s2] =	ssyncpa.u1 $0x1  }
0x3f: {  	s31 =	simm.s32 $0x1;
	[sflag:s30] =	ssyncpa.u1 $0x1  }
0x40: {  	[sflag:s31] =	ssyncpa.u1 $0x1  }
0x41: {  	p0 =	sne.s32 s0, $0x0;
	_ =	strace $0x90000047  }
0x42: {  	s0 =	sadd.s32 @!p0 $0x100000, s1;
	[bflag:$0x2] =	sbarrier.arrive $0xFFFF  }
0x43: {  	[sflag:s0] =	ssyncadd.tile.s32 @!p0 $0x1;
	_ =	shalt  }
.Lfunc_end2:
_tile_overlayer_lowered:
.L_overlay_start_2:
0x44: {  	(tag) =	ssettag $0x2  }
0x45: {  	s0 =	rddreg [dreg:$0x0];
	s2 =	stileid.u32  }
0x46: {  	s1 =	rddreg [dreg:$0x1];
	p0 =	sne.s32 s2, $0x0  }
0x47: {  	s3 =	rddreg [dreg:$0x2];
	[bflag:$0x3] =	sbarrier.arrive $0xFFFF;
	s2 =	simm.s32 @!p0 $0x1C01  }
0x48: {  	[timem:s3], [sflag:s2] =	dma.local @!p0 [hbm:s0], s1  }
0x49: {  	s0 =	simm.s32 @!p0 $0x1  }
0x4a: {  	_ =	swait.ge @!p0 [sflag:s0], s1  }
0x4b: {  	s1 =	ssub.s32 @!p0 $0x0, s1;
	[sflag:s0] =	ssyncset.done @!p0 $0x0  }
0x4c: {  	[sflag:s0] =	ssyncadd.s32 @!p0 s1  }
0x4d: {  	[bflag:$0x3] =	sbarrier.arrive $0xFFFF  }
0x4e: {  	_ =	shalt  }

// kernel: gather_offload_async_start
scs
__scs_entry_jumppad:
0x0: {  	(pc) =	sbr.rel $0x88, $3  }
0x1: {  	(tag) =	ssettag $0x0;
	lr =	simm.s32 $0x1  }
0x2: {  	[smem:$0x3F93] =	sst lr;
	_ =	strace $0xD0000000  }
0x3: {  	_ = 	snop  }
0x4: {  	_ = 	snop  }
0x5: {  	_ = 	snop  }
0x6: {  	_ = 	snop  }
0x7: {  	_ = 	snop  }
__scs_overlays_trampoline_lowered:
0x8: {  	[smem:$0x3FA2] =	sst s0  }
0x9: {  	[smem:$0x3FA3] =	sst s1  }
0xa: {  	[smem:$0x3FA4] =	sst s2  }
0xb: {  	[smem:$0x3FA5] =	sst s3  }
0xc: {  	[smem:$0x3FA6] =	sst s4  }
0xd: {  	[smem:$0x3FA7] =	sst s5  }
0xe: {  	[smem:$0x3FA8] =	sst s6  }
0xf: {  	[smem:$0x3FA9] =	sst s7  }
0x10: {  	[smem:$0x3FAA] =	sst s8  }
0x11: {  	[smem:$0x3FAB] =	sst s9;
	s0 =	simm.s32 @!p0 $0x0  }
0x12: {  	s1 =	sld [smem:$0x3F91];
	s0 =	simm.s32 @p0 $0x1  }
0x13: {  	[smem:$0x3FAC] =	sst s0;
	s0 =	simm.s32 @!p1 $0x0  }
0x14: {  	s2 =	sld [smem:$0x3F90];
	s0 =	simm.s32 @p1 $0x1  }
0x15: {  	[smem:$0x3FAD] =	sst s0;
	s0 =	simm.s32 @!p2 $0x0  }
0x16: {  	s3 =	sld [smem:$0x3FDB];
	s0 =	simm.s32 @p2 $0x1  }
0x17: {  	s4 =	simm.s32 $0x1BF5;
	[smem:$0x3FAF] =	sst s0  }
0x18: {  	s0 =	sld [smem:$0x3F92];
	_ =	swait.ge [sflag:s4], $0x0  }
0x19: {  	s7 =	sld [smem:$0x3F93]  }
0x1a: {  	s8 =	sadd.s32 $0xFFFFE003, lr  }
0x1b: {  	s9 =	sadd.s32 $0xFFFFFEF7, lr;
	s5 =	simm.s32 $0xFFFFFFFF;
	p2 =	slt.u32 s8, $0xFFFFF086  }
0x1c: {  	p1 =	slt.u32 s9, $0xF7A;
	s5 =	simm.s32 @!p2 $0x0  }
0x1d: {  	s5 =	simm.s32 @p1 $0x1;
	p0 =	seq.s32 s7, s2  }
0x1e: {  	s7 =	smul.u32 @!p0 $0xF7A, s2;
	p2 =	seq.s32 @!p0 s5, $0x0  }
0x1f: {  	s9 =	smul.u32 $0xF7A, s1;
	s8 =	simm.s32 @!p0 $0x1BF5;
	p2 =	por !p2, p0  }
0x20: {  	[sflag:s8] =	ssyncset.s32 @!p0 $0xFFFFF086;
	s6 =	sadd.s32 @!p0 s3, s7;
	s7 =	simm.s32 @!p0 $0x108  }
0x21: {  	s3 =	sadd.s32 s3, s9;
	s6 =	sadd.s32 @!p0 $0x88, s6;
	s7 =	simm.s32 @p2 $0x1082  }
0x22: {  	[simem:s7], [sflag:s8] =	dma.local @!p0 [hbm:s6], $0xF7A  }
0x23: {  	s9 =	sor.u32 $0xD0000000, s2;
	s6 =	simm.s32 $0x108;
	_ =	swait.ge @!p0 [sflag:s8], $0x0  }
0x24: {  	s3 =	sadd.s32 $0x88, s3;
	s6 =	simm.s32 @!p1 $0x1082;
	[sflag:s4] =	ssyncset.s32 $0xFFFFF086  }
0x25: {  	[simem:s6], [sflag:s4] =	dma.local [hbm:s3], $0xF7A  }
0x26: {  	[smem:$0x3F93] =	sst s1;
	(tag) =	ssettag s2;
	_ =	strace s9  }
0x27: {  	s1 =	sld [smem:$0x3FA3]  }
0x28: {  	s2 =	sld [smem:$0x3FA4]  }
0x29: {  	s4 =	sld [smem:$0x3FA6]  }
0x2a: {  	p0 =	seq.s32 s5, $0x0;
	s5 =	sld [smem:$0x3FA7]  }
0x2b: {  	s6 =	sld [smem:$0x3FA8]  }
0x2c: {  	s7 =	sld [smem:$0x3FA9]  }
0x2d: {  	s3 =	simm.s32 $0x108;
	s8 =	sld [smem:$0x3FAA]  }
0x2e: {  	s3 =	simm.s32 @!p0 $0x1082;
	s9 =	sld [smem:$0x3FAB]  }
0x2f: {  	lr =	sadd.s32 s0, s3;
	s0 =	sld [smem:$0x3FA2]  }
0x30: {  	s3 =	sld [smem:$0x3FA5]  }
0x31: {  	[smem:$0x3FAE] =	sst s10  }
0x32: {  	s10 =	sld [smem:$0x3FAC];
	_ =	sdelay $0x3  }
0x33: {  	p0 =	seq.s32 s10, $0x1;
	s10 =	sld [smem:$0x3FAE];
	_ =	sdelay $0x3  }
0x34: {  	[smem:$0x3FAE] =	sst s10  }
0x35: {  	s10 =	sld [smem:$0x3FAD];
	_ =	sdelay $0x3  }
0x36: {  	p1 =	seq.s32 s10, $0x1;
	s10 =	sld [smem:$0x3FAE];
	_ =	sdelay $0x3  }
0x37: {  	[smem:$0x3FAE] =	sst s10  }
0x38: {  	s10 =	sld [smem:$0x3FAF]  }
0x39: {  	_ = 	snop;
	(pc) =	sbr.ind lr, $3  }
0x3a: {  	_ = 	snop  }
0x3b: {  	_ = 	snop  }
0x3c: {  	p2 =	seq.s32 s10, $0x1;
	s10 =	sld [smem:$0x3FAE]  }
0x3d: {  	_ =	shalt  }
0x3e: {  	_ =	shalt  }
0x3f: {  	_ =	shalt  }
0x40: {  	_ =	shalt  }
0x41: {  	_ =	shalt  }
0x42: {  	_ =	shalt  }
0x43: {  	_ =	shalt  }
0x44: {  	_ =	shalt  }
0x45: {  	_ =	shalt  }
0x46: {  	_ =	shalt  }
0x47: {  	_ =	shalt  }
0x48: {  	_ =	shalt  }
0x49: {  	_ =	shalt  }
0x4a: {  	_ =	shalt  }
0x4b: {  	_ =	shalt  }
0x4c: {  	_ =	shalt  }
0x4d: {  	_ =	shalt  }
0x4e: {  	_ =	shalt  }
0x4f: {  	_ =	shalt  }
0x50: {  	_ =	shalt  }
0x51: {  	_ =	shalt  }
0x52: {  	_ =	shalt  }
0x53: {  	_ =	shalt  }
0x54: {  	_ =	shalt  }
0x55: {  	_ =	shalt  }
0x56: {  	_ =	shalt  }
0x57: {  	_ =	shalt  }
0x58: {  	_ =	shalt  }
0x59: {  	_ =	shalt  }
0x5a: {  	_ =	shalt  }
0x5b: {  	_ =	shalt  }
0x5c: {  	_ =	shalt  }
0x5d: {  	_ =	shalt  }
0x5e: {  	_ =	shalt  }
0x5f: {  	_ =	shalt  }
0x60: {  	_ =	shalt  }
0x61: {  	_ =	shalt  }
0x62: {  	_ =	shalt  }
0x63: {  	_ =	shalt  }
0x64: {  	_ =	shalt  }
0x65: {  	_ =	shalt  }
0x66: {  	_ =	shalt  }
0x67: {  	_ =	shalt  }
0x68: {  	_ =	shalt  }
0x69: {  	_ =	shalt  }
0x6a: {  	_ =	shalt  }
0x6b: {  	_ =	shalt  }
0x6c: {  	_ =	shalt  }
0x6d: {  	_ =	shalt  }
0x6e: {  	_ =	shalt  }
0x6f: {  	_ =	shalt  }
0x70: {  	_ =	shalt  }
0x71: {  	_ =	shalt  }
0x72: {  	_ =	shalt  }
0x73: {  	_ =	shalt  }
0x74: {  	_ =	shalt  }
0x75: {  	_ =	shalt  }
0x76: {  	_ =	shalt  }
0x77: {  	_ =	shalt  }
0x78: {  	_ =	shalt  }
0x79: {  	_ =	shalt  }
0x7a: {  	_ =	shalt  }
0x7b: {  	_ =	shalt  }
0x7c: {  	_ =	shalt  }
0x7d: {  	_ =	shalt  }
0x7e: {  	_ =	shalt  }
0x7f: {  	_ =	shalt  }
0x80: {  	_ =	shalt  }
0x81: {  	_ =	shalt  }
0x82: {  	_ =	shalt  }
0x83: {  	_ =	shalt  }
0x84: {  	_ =	shalt  }
0x85: {  	_ =	shalt  }
0x86: {  	_ =	shalt  }
0x87: {  	_ =	shalt  }
.Lfunc_end0:
.L_simem_size_0:
called_computation_lowered:
.L_overlay_start_0:
0x88: {  	s2 =	sld [smem:$0x3FD9]  }
0x89: {  	s3 =	sld [smem:$0x3FFE];
	_ =	sdelay $0x1  }
0x8a: {  	s1 =	srdreg.scid  }
0x8b: {  	s0 =	sand.u32 $0x1, s1  }
0x8c: {  	s17 =	sshll.u32 s0, $0xA;
	s2 =	sadd.s32 s3, s2  }
0x8d: {  	s2 =	sadd.s32 s2, s17  }
0x8e: {  	[smem:$0x3FBA] =	sst s2  }
0x8f: {  	_ = 	snop  }
0x90: {  	s2 =	sld [smem:$0x3FC9]  }
0x91: {  	s18 =	sld [smem:$0x3FD0];
	(tm) =	ssettm $0x1  }
0x92: {  	s4 =	sld [smem:$0x3FFB];
	_ =	sdelay $0x3  }
0x93: {  	_ =	strace s4  }
0x94: {  	s4 =	sld [smem:$0x3FFC];
	_ =	sdelay $0x3  }
0x95: {  	_ =	strace s4  }
0x96: {  	s4 =	sld [smem:$0x3FFD];
	_ =	sdelay $0x3  }
0x97: {  	_ =	strace s4  }
0x98: {  	_ =	strace $0x8FFFFFFF  }
0x99: {  	s19 =	sld [smem:$0x3FDB];
	_ =	sdelay $0x1  }
0x9a: {  	s5 =	simm.s32 $_scs_section_size  }
0x9b: {  	s6 =	simm.s32 $_size__tile_overlayer_lowered;
	s7 =	simm.s32 $_tile_overlayer_lowered  }
0x9c: {  	s22 =	simm.s32 $0x1BFF;
	s21 =	sshll.u32 s7, $0x1;
	s4 =	sadd.s32 s5, s19  }
0x9d: {  	s8 =	simm.s32 $0x0;
	s20 =	sshll.u32 s6, $0x1;
	s6 =	sadd.s32 s21, s4  }
0x9e: {  	[timem:s8], [sflag:s22] =	dma.local [hbm:s6], s20  }
0x9f: {  	_ =	swait.ge [sflag:s22], s20  }
0xa0: {  	s5 =	ssub.s32 $0x0, s20;
	[sflag:s22] =	ssyncset.done $0x0  }
0xa1: {  	[sflag:s22] =	ssyncadd.s32 s5;
	_ =	sdelay $0x1  }
0xa2: {  	s23 =	simm.s32 $0x1B8B  }
0xa3: {  	_ =	swait.ge [sflag:s23], $0x1  }
0xa4: {  	[sflag:s23] =	ssyncset.done $0x0  }
0xa5: {  	s25 =	simm.s32 $0x1B8E;
	s24 =	sld [smem:$0x3FFE];
	[sflag:s23] =	ssyncadd.s32 $0xFFFFFFFF  }
0xa6: {  	s26 =	simm.s32 $execute0_lowered;
	[smem:$0x3FD2] =	sst s25  }
0xa7: {  	s6 =	sshll.u32 s26, $0x1;
	_ =	strace $0x80000049;
	[dreg:$0x1] =	wrdreg $0xFFFFFFFF  }
0xa8: {  	s28 =	simm.s32 $_size_execute0_lowered;
	s4 =	sadd.s32 s4, s6;
	[dreg:$0x0] =	wrdreg $0x0  }
0xa9: {  	s6 =	sshll.u32 s28, $0x1;
	[dreg:$0x2] =	wrdreg s4  }
0xaa: {  	[dreg:$0x3] =	wrdreg s6  }
0xab: {  	[dreg:$0x4] =	wrdreg $0xC0  }
0xac: {  	_ =	task [dreg:s8], $0x5FFFF  }
0xad: {  	[dreg:$0x1] =	wrdreg $0xFFFFFFFF  }
0xae: {  	[dreg:$0x0] =	wrdreg $0x60  }
0xaf: {  	[dreg:$0x2] =	wrdreg s2  }
0xb0: {  	[dreg:$0x3] =	wrdreg s18  }
0xb1: {  	[dreg:$0x4] =	wrdreg s24  }
0xb2: {  	[dreg:$0x5] =	wrdreg $0x9  }
0xb3: {  	_ =	task.clear_ibuf [dreg:s8], $0x6FFFF;
	_ =	strace $0x90000049  }
0xb4: {  	s29 =	simm.s32 $0x9;
	_ =	strace $0x8000004B  }
0xb5: {  	_ =	swait.ge [sflag:s29], $0x1  }
0xb6: {  	[sflag:s29] =	ssyncadd.s32 $0xFFFFFFFF  }
0xb7: {  	_ =	strace $0x9000004B  }
0xb8: {  	_ =	sfence  }
0xb9: {  	s30 =	sld [smem:$0x0];
	_ =	sdelay $0x2  }
0xba: {  	s31 =	sshll.u32 s1, $0xD;
	s1 =	sshrl.u32 s1, $0x2  }
0xbb: {  	s3 =	sand.u32 $0x4000, s31;
	s1 =	sadd.s32 s1, s30  }
0xbc: {  	s0 =	sor.u32 s3, s0;
	s1 =	sshll.u32 s1, $0x11  }
0xbd: {  	s0 =	sor.u32 s1, s0  }
0xbe: {  	s0 =	sadd.s32 $0x8F2B, s0  }
0xbf: {  	[sflag:s0] =	ssyncadd.remote.s32 $0x1  }
0xc0: {  	_ =	sfence.sel $0xFFFF  }
0xc1: {  	[dreg:$0x0] =	wrdreg $0xFFFFFFFF;
	(pc) =	sbr.abs _section_cstart, $3  }
0xc2: {  	[dreg:$0x1] =	wrdreg $0xFFFFFFFF  }
0xc3: {  	_ =	task.clear_ibuf [dreg:s8], $0x2FFFF;
	_ =	strace $0x9FFFFFFF  }
0xc4: {  	(tm) =	ssettm $0x7FFFFFFF  }
0xc5: {  	_ =	shalt  }
tec
execute0_lowered:
.L_overlay_start_1:
0x0: {  	(tag) =	ssettag $0x1  }
0x1: {  	s2 =	rddreg [dreg:$0x0]  }
0x2: {  	s1 =	srdreg.scid;
	s3 =	rddreg [dreg:$0x1]  }
0x3: {  	s0 =	stileid.u32;
	s5 =	rddreg [dreg:$0x2]  }
0x4: {  	s9 =	simm.s32 $0x1;
	s10 =	simm.s32 $0x3;
	s1 =	sshll.u32 s1, $0x8  }
0x5: {  	s13 =	simm.s32 $0x0;
	s4 =	sshll.u32 s0, $0x9;
	s6 =	sand.u32 $0x100, s1  }
0x6: {  	s12 =	simm.s32 $0x0;
	s5 =	sadd.s32 $0x2800, s5;
	s4 =	sor.u32 s4, s6  }
0x7: {  	s1 =	rddreg [dreg:$0x3];
	_ =	strace $0x8000004A;
	s8 =	ssub.s32 $0x4000, s4  }
.Ltmp0:
0x8: {  	s6 =	simm.s32 $0x1;
	s7 =	sand.u32 $0x1F00, s8;
	(pc) =	sbr.rel .LBB2_1-.Ltmp0, $4  }
0x9: {  	[sflag:s6] =	ssyncpa.u1 $0x0;
	s11 =	smov.u32 s4;
	p0 =	sne.s32 s7, $0x0  }
0xa: {  	s8 =	sshrl.u32 s8, $0xD;
	s7 =	simm.s32 $0x2;
	s9 =	simm.s32 @!p0 $0x0  }
0xb: {  	[sflag:s7] =	ssyncpa.u1 $0x0;
	p0 =	por $0x0, $0x0;
	s8 =	sadd.s32 s9, s8  }
0xc: {  	vm0 =	vmmov $0xffff;
	[sflag:s10] =	ssyncpa.u1 $0x0;
	s10 =	simm.s32 $0x0;
	s9 =	sadd.s32 $0x1, s8  }
.LBB2_4:
0xd: {  	v2 =	vnsel vm1, $0x0, v2  }
0xe: {  	vm1 =	vgt.s32 v0, $0x0;
	v2 =	vmin.u32 v2, $0x3FFF  }
0xf: {  	v0 =	vnsel vm1, $0x0, v0  }
0x10: {  	v0 =	vmin.u32 v0, $0x3FFF  }
0x11: {  	[tilespmem:s15], [sflag:$0x1] =	stream.indirect_vreg.gather [hbm4b:s2+s10], $0x1, v1, vm0, $0x4038;
	[tilespmem:$0x400] =	vst v63  }
0x12: {  	(ifvalue) =	ssetifvalue $0x7FFFFFFF  }
0x13: {  	[tilespmem:s16], [sflag:$0x1] =	stream.indirect_vreg.gather [hbm4b:s2+s10], $0x1, v2, vm0, $0x4038;
	[tilespmem:$0x400] =	vst v63  }
0x14: {  	s29 =	sadd.s32 $0x10, s16;
	(ifvalue) =	ssetifvalue $0x7FFFFFFF  }
0x15: {  	[tilespmem:s29], [sflag:$0x1] =	stream.indirect_vreg.gather [hbm4b:s2+s10], $0x1, v0, vm0, $0x4038;
	[tilespmem:$0x400] =	vst v63  }
0x16: {  	_ =	swait.ge [sflag:s6], $0x100  }
0x17: {  	s30 =	sshrl.u32 s13, $0x3;
	[sflag:s6] =	ssyncset.done $0x0  }
0x18: {  	s31 =	sand.u32 $0x7, s13;
	s15 =	sadd.s32 s5, s30;
	[sflag:s6] =	ssyncadd.s32 $0xFFFFFF00  }
0x19: {  	[hbm4b:s15+s31] =	stream.linear.scatter [tilespmem:s14], [sflag:$0x3], $0x100, $0x38;
	[tilespmem:$0x400] =	vst v63  }
.LBB2_5:
0x1a: {  	s15 =	sadd.s32 $0x2000, s11  }
0x1b: {  	p2 =	sgt.s32 s15, $0x3FFF  }
0x1c: {  	s15 =	smov.u32 @p2 s4;
	p2 =	sne.s32 s12, s9  }
.Ltmp1:
0x1d: {  	p1 =	slt.u32 s12, $0x2;
	(pc) =	sbr.rel @!p2 .LBB2_6-.Ltmp1, $4  }
0x1e: {  	s14 =	simm.s32 @!p1 $0x3  }
0x1f: {  	s16 =	sadd.s32 $0x1, s12;
	_ =	swait.ge @!p1 [sflag:s14], $0x100  }
0x20: {  	s13 =	smov.u32 s11;
	p0 =	por !p0, !p0;
	[sflag:s14] =	ssyncset.done @!p1 $0x0  }
0x21: {  	s12 =	smov.u32 s16;
	s11 =	smov.u32 s15;
	[sflag:s14] =	ssyncadd.s32 @!p1 $0xFFFFFF00  }
.LBB2_1:
0x22: {  	p1 =	sge.u32 s12, s8  }
0x23: {  	s14 =	sxor.u32 @!p1 $0xFFFFFFFF, s12  }
0x24: {  	s31 =	sadd.s32 $0xFFFFFFFF, s12;
	s15 =	sshrl.u32 @!p1 s11, $0x3;
	s14 =	sshll.u32 @!p1 s14, $0x8  }
0x25: {  	s16 =	sand.u32 @!p1 $0x7, s11;
	s15 =	sadd.s32 @!p1 s3, s15;
	s14 =	sand.u32 @!p1 $0x100, s14  }
0x26: {  	[tilespmem:s14], [sflag:$0x2] =	stream.linear.gather @!p1 [hbm4b:s15+s16], $0x100, $0x38;
	[tilespmem:$0x400] =	vst v63  }
0x27: {  	p1 =	sge.u32 s31, s8  }
.Ltmp2:
0x28: {  	_ = 	snop;
	(pc) =	sbr.rel @p1 .LBB2_5-.Ltmp2, $1  }
0x29: {  	_ =	sdelay $0x3  }
0x2a: {  	s14 =	simm.s32 $0x1  }
0x2b: {  	_ =	swait.ge [sflag:s7], $0x100;
	s14 =	simm.s32 @!p0 $0x0  }
0x2c: {  	[sflag:s7] =	ssyncset.done $0x0;
	s14 =	sshll.u32 s14, $0x8  }
0x2d: {  	[sflag:s7] =	ssyncadd.s32 $0xFFFFFF00;
	(ifvalue) =	ssetifvalue $0x7FFFFFFF;
	v0 =	vld.msk [tilespmem:s14+$0x0 ss:$0x1], $0xffff;
	_ =	sdelay $0x4  }
0x2e: {  	s15 =	sadd.s32 $0x10, s14;
	vm1 =	vgt.s32 v0, $0x0  }
0x2f: {  	v2 =	vld.msk [tilespmem:s15+$0x0 ss:$0x1], $0xffff;
	v1 =	vnsel vm1, $0x0, v0  }
0x30: {  	v1 =	vmin.u32 v1, $0x3FFF;
	_ =	sdelay $0x1  }
0x31: {  	s16 =	sshll.u32 s12, $0x8;
	s18 =	simm.s32 $0x20  }
0x32: {  	s16 =	sand.u32 $0x100, s16;
	s17 =	sadd.s32 $0x10, s15;
	s15 =	sor.u32 $0x200, s14  }
0x33: {  	s14 =	sor.u32 $0x200, s16;
	s16 =	sadd.s32 $0x10, s15;
	v0 =	vld.msk [tilespmem:s17+$0x0 ss:$0x1], $0xffff;
	vm1 =	vgt.s32 v2, $0x0;
	(ifvalue) =	ssetifvalue $0x7FFFFFFF  }
.LBB2_3:
0x34: {  	[tilespmem:s15], [sflag:$0x1] =	stream.indirect_vreg.gather [hbm4b:s2+s10], $0x1, v1, vm0, $0x4038;
	[tilespmem:$0x400] =	vst v63  }
0x35: {  	s18 =	sadd.s32 $0x10, s18  }
0x36: {  	v2 =	vnsel vm1, $0x0, v2;
	p1 =	slt.u32 s18, $0xF0  }
.Ltmp3:
0x37: {  	s15 =	smov.u32 s16;
	v1 =	vmin.u32 v2, $0x3FFF;
	(pc) =	sbr.rel @p1 .LBB2_3-.Ltmp3, $3  }
0x38: {  	_ =	sdelay $0x1  }
0x39: {  	s17 =	sadd.s32 $0x10, s17  }
0x3a: {  	vm1 =	vgt.s32 v0, $0x0;
	s16 =	sadd.s32 $0x10, s16;
	v2 =	vmov v0;
	(ifvalue) =	ssetifvalue $0x7FFFFFFF;
	v0 =	vld.msk [tilespmem:s17+$0x0 ss:$0x1], $0xffff  }
.Ltmp4:
0x3b: {  	_ = 	snop;
	(pc) =	sbr.rel .LBB2_4-.Ltmp4, $1  }
0x3c: {  	_ =	sdelay $0x3  }
.LBB2_6:
0x3d: {  	_ =	sfence.sel $0x180000  }
0x3e: {  	s2 =	simm.s32 $0x2;
	[bflag:$0x0] =	sbarrier.arrive $0xFFFF  }
0x3f: {  	s30 =	simm.s32 $0x3;
	[sflag:s2] =	ssyncpa.u1 $0x1  }
0x40: {  	s31 =	simm.s32 $0x1;
	[sflag:s30] =	ssyncpa.u1 $0x1  }
0x41: {  	[sflag:s31] =	ssyncpa.u1 $0x1  }
0x42: {  	p0 =	sne.s32 s0, $0x0;
	_ =	strace $0x9000004A  }
0x43: {  	s0 =	sadd.s32 @!p0 $0x100000, s1;
	[bflag:$0x2] =	sbarrier.arrive $0xFFFF  }
0x44: {  	[sflag:s0] =	ssyncadd.tile.s32 @!p0 $0x1;
	_ =	shalt  }
.Lfunc_end2:
_tile_overlayer_lowered:
.L_overlay_start_2:
0x45: {  	(tag) =	ssettag $0x2  }
0x46: {  	s0 =	rddreg [dreg:$0x0];
	s2 =	stileid.u32  }
0x47: {  	s1 =	rddreg [dreg:$0x1];
	p0 =	sne.s32 s2, $0x0  }
0x48: {  	s3 =	rddreg [dreg:$0x2];
	[bflag:$0x3] =	sbarrier.arrive $0xFFFF;
	s2 =	simm.s32 @!p0 $0x1C01  }
0x49: {  	[timem:s3], [sflag:s2] =	dma.local @!p0 [hbm:s0], s1  }
0x4a: {  	s0 =	simm.s32 @!p0 $0x1  }
0x4b: {  	_ =	swait.ge @!p0 [sflag:s0], s1  }
0x4c: {  	s1 =	ssub.s32 @!p0 $0x0, s1;
	[sflag:s0] =	ssyncset.done @!p0 $0x0  }
0x4d: {  	[sflag:s0] =	ssyncadd.s32 @!p0 s1  }
0x4e: {  	[bflag:$0x3] =	sbarrier.arrive $0xFFFF  }
0x4f: {  	_ =	shalt  }

// kernel: kernel.6.cloned.1.call-start
scs
__scs_entry_jumppad:
0x0: {  	(pc) =	sbr.rel $0x88, $3  }
0x1: {  	(tag) =	ssettag $0x0;
	lr =	simm.s32 $0x1  }
0x2: {  	[smem:$0x3F93] =	sst lr;
	_ =	strace $0xD0000000  }
0x3: {  	_ = 	snop  }
0x4: {  	_ = 	snop  }
0x5: {  	_ = 	snop  }
0x6: {  	_ = 	snop  }
0x7: {  	_ = 	snop  }
__scs_overlays_trampoline_lowered:
0x8: {  	[smem:$0x3FA2] =	sst s0  }
0x9: {  	[smem:$0x3FA3] =	sst s1  }
0xa: {  	[smem:$0x3FA4] =	sst s2  }
0xb: {  	[smem:$0x3FA5] =	sst s3  }
0xc: {  	[smem:$0x3FA6] =	sst s4  }
0xd: {  	[smem:$0x3FA7] =	sst s5  }
0xe: {  	[smem:$0x3FA8] =	sst s6  }
0xf: {  	[smem:$0x3FA9] =	sst s7  }
0x10: {  	[smem:$0x3FAA] =	sst s8  }
0x11: {  	[smem:$0x3FAB] =	sst s9;
	s0 =	simm.s32 @!p0 $0x0  }
0x12: {  	s1 =	sld [smem:$0x3F91];
	s0 =	simm.s32 @p0 $0x1  }
0x13: {  	[smem:$0x3FAC] =	sst s0;
	s0 =	simm.s32 @!p1 $0x0  }
0x14: {  	s2 =	sld [smem:$0x3F90];
	s0 =	simm.s32 @p1 $0x1  }
0x15: {  	[smem:$0x3FAD] =	sst s0;
	s0 =	simm.s32 @!p2 $0x0  }
0x16: {  	s3 =	sld [smem:$0x3FDB];
	s0 =	simm.s32 @p2 $0x1  }
0x17: {  	s4 =	simm.s32 $0x1BF5;
	[smem:$0x3FAF] =	sst s0  }
0x18: {  	s0 =	sld [smem:$0x3F92];
	_ =	swait.ge [sflag:s4], $0x0  }
0x19: {  	s7 =	sld [smem:$0x3F93]  }
0x1a: {  	s8 =	sadd.s32 $0xFFFFE003, lr  }
0x1b: {  	s9 =	sadd.s32 $0xFFFFFEF7, lr;
	s5 =	simm.s32 $0xFFFFFFFF;
	p2 =	slt.u32 s8, $0xFFFFF086  }
0x1c: {  	p1 =	slt.u32 s9, $0xF7A;
	s5 =	simm.s32 @!p2 $0x0  }
0x1d: {  	s5 =	simm.s32 @p1 $0x1;
	p0 =	seq.s32 s7, s2  }
0x1e: {  	s7 =	smul.u32 @!p0 $0xF7A, s2;
	p2 =	seq.s32 @!p0 s5, $0x0  }
0x1f: {  	s9 =	smul.u32 $0xF7A, s1;
	s8 =	simm.s32 @!p0 $0x1BF5;
	p2 =	por !p2, p0  }
0x20: {  	[sflag:s8] =	ssyncset.s32 @!p0 $0xFFFFF086;
	s6 =	sadd.s32 @!p0 s3, s7;
	s7 =	simm.s32 @!p0 $0x108  }
0x21: {  	s3 =	sadd.s32 s3, s9;
	s6 =	sadd.s32 @!p0 $0x88, s6;
	s7 =	simm.s32 @p2 $0x1082  }
0x22: {  	[simem:s7], [sflag:s8] =	dma.local @!p0 [hbm:s6], $0xF7A  }
0x23: {  	s9 =	sor.u32 $0xD0000000, s2;
	s6 =	simm.s32 $0x108;
	_ =	swait.ge @!p0 [sflag:s8], $0x0  }
0x24: {  	s3 =	sadd.s32 $0x88, s3;
	s6 =	simm.s32 @!p1 $0x1082;
	[sflag:s4] =	ssyncset.s32 $0xFFFFF086  }
0x25: {  	[simem:s6], [sflag:s4] =	dma.local [hbm:s3], $0xF7A  }
0x26: {  	[smem:$0x3F93] =	sst s1;
	(tag) =	ssettag s2;
	_ =	strace s9  }
0x27: {  	s1 =	sld [smem:$0x3FA3]  }
0x28: {  	s2 =	sld [smem:$0x3FA4]  }
0x29: {  	s4 =	sld [smem:$0x3FA6]  }
0x2a: {  	p0 =	seq.s32 s5, $0x0;
	s5 =	sld [smem:$0x3FA7]  }
0x2b: {  	s6 =	sld [smem:$0x3FA8]  }
0x2c: {  	s7 =	sld [smem:$0x3FA9]  }
0x2d: {  	s3 =	simm.s32 $0x108;
	s8 =	sld [smem:$0x3FAA]  }
0x2e: {  	s3 =	simm.s32 @!p0 $0x1082;
	s9 =	sld [smem:$0x3FAB]  }
0x2f: {  	lr =	sadd.s32 s0, s3;
	s0 =	sld [smem:$0x3FA2]  }
0x30: {  	s3 =	sld [smem:$0x3FA5]  }
0x31: {  	[smem:$0x3FAE] =	sst s10  }
0x32: {  	s10 =	sld [smem:$0x3FAC];
	_ =	sdelay $0x3  }
0x33: {  	p0 =	seq.s32 s10, $0x1;
	s10 =	sld [smem:$0x3FAE];
	_ =	sdelay $0x3  }
0x34: {  	[smem:$0x3FAE] =	sst s10  }
0x35: {  	s10 =	sld [smem:$0x3FAD];
	_ =	sdelay $0x3  }
0x36: {  	p1 =	seq.s32 s10, $0x1;
	s10 =	sld [smem:$0x3FAE];
	_ =	sdelay $0x3  }
0x37: {  	[smem:$0x3FAE] =	sst s10  }
0x38: {  	s10 =	sld [smem:$0x3FAF]  }
0x39: {  	_ = 	snop;
	(pc) =	sbr.ind lr, $3  }
0x3a: {  	_ = 	snop  }
0x3b: {  	_ = 	snop  }
0x3c: {  	p2 =	seq.s32 s10, $0x1;
	s10 =	sld [smem:$0x3FAE]  }
0x3d: {  	_ =	shalt  }
0x3e: {  	_ =	shalt  }
0x3f: {  	_ =	shalt  }
0x40: {  	_ =	shalt  }
0x41: {  	_ =	shalt  }
0x42: {  	_ =	shalt  }
0x43: {  	_ =	shalt  }
0x44: {  	_ =	shalt  }
0x45: {  	_ =	shalt  }
0x46: {  	_ =	shalt  }
0x47: {  	_ =	shalt  }
0x48: {  	_ =	shalt  }
0x49: {  	_ =	shalt  }
0x4a: {  	_ =	shalt  }
0x4b: {  	_ =	shalt  }
0x4c: {  	_ =	shalt  }
0x4d: {  	_ =	shalt  }
0x4e: {  	_ =	shalt  }
0x4f: {  	_ =	shalt  }
0x50: {  	_ =	shalt  }
0x51: {  	_ =	shalt  }
0x52: {  	_ =	shalt  }
0x53: {  	_ =	shalt  }
0x54: {  	_ =	shalt  }
0x55: {  	_ =	shalt  }
0x56: {  	_ =	shalt  }
0x57: {  	_ =	shalt  }
0x58: {  	_ =	shalt  }
0x59: {  	_ =	shalt  }
0x5a: {  	_ =	shalt  }
0x5b: {  	_ =	shalt  }
0x5c: {  	_ =	shalt  }
0x5d: {  	_ =	shalt  }
0x5e: {  	_ =	shalt  }
0x5f: {  	_ =	shalt  }
0x60: {  	_ =	shalt  }
0x61: {  	_ =	shalt  }
0x62: {  	_ =	shalt  }
0x63: {  	_ =	shalt  }
0x64: {  	_ =	shalt  }
0x65: {  	_ =	shalt  }
0x66: {  	_ =	shalt  }
0x67: {  	_ =	shalt  }
0x68: {  	_ =	shalt  }
0x69: {  	_ =	shalt  }
0x6a: {  	_ =	shalt  }
0x6b: {  	_ =	shalt  }
0x6c: {  	_ =	shalt  }
0x6d: {  	_ =	shalt  }
0x6e: {  	_ =	shalt  }
0x6f: {  	_ =	shalt  }
0x70: {  	_ =	shalt  }
0x71: {  	_ =	shalt  }
0x72: {  	_ =	shalt  }
0x73: {  	_ =	shalt  }
0x74: {  	_ =	shalt  }
0x75: {  	_ =	shalt  }
0x76: {  	_ =	shalt  }
0x77: {  	_ =	shalt  }
0x78: {  	_ =	shalt  }
0x79: {  	_ =	shalt  }
0x7a: {  	_ =	shalt  }
0x7b: {  	_ =	shalt  }
0x7c: {  	_ =	shalt  }
0x7d: {  	_ =	shalt  }
0x7e: {  	_ =	shalt  }
0x7f: {  	_ =	shalt  }
0x80: {  	_ =	shalt  }
0x81: {  	_ =	shalt  }
0x82: {  	_ =	shalt  }
0x83: {  	_ =	shalt  }
0x84: {  	_ =	shalt  }
0x85: {  	_ =	shalt  }
0x86: {  	_ =	shalt  }
0x87: {  	_ =	shalt  }
.Lfunc_end0:
.L_simem_size_0:
called_computation.2_lowered:
.L_overlay_start_0:
0x88: {  	s2 =	sld [smem:$0x3FD9]  }
0x89: {  	s3 =	sld [smem:$0x3FFE];
	_ =	sdelay $0x1  }
0x8a: {  	s1 =	srdreg.scid  }
0x8b: {  	s0 =	sand.u32 $0x1, s1  }
0x8c: {  	s17 =	sshll.u32 s0, $0xA;
	s2 =	sadd.s32 s3, s2  }
0x8d: {  	s2 =	sadd.s32 s2, s17  }
0x8e: {  	[smem:$0x3FBA] =	sst s2  }
0x8f: {  	_ = 	snop  }
0x90: {  	s2 =	sld [smem:$0x3FC7]  }
0x91: {  	s18 =	sld [smem:$0x3FC5]  }
0x92: {  	s4 =	sld [smem:$0x3FD0];
	(tm) =	ssettm $0x1  }
0x93: {  	s5 =	sld [smem:$0x3FFB];
	_ =	sdelay $0x3  }
0x94: {  	_ =	strace s5  }
0x95: {  	s5 =	sld [smem:$0x3FFC];
	_ =	sdelay $0x3  }
0x96: {  	_ =	strace s5  }
0x97: {  	s5 =	sld [smem:$0x3FFD];
	_ =	sdelay $0x3  }
0x98: {  	_ =	strace s5  }
0x99: {  	_ =	strace $0x8FFFFFFF  }
0x9a: {  	s19 =	sld [smem:$0x3FDB];
	_ =	sdelay $0x1  }
0x9b: {  	s6 =	simm.s32 $_scs_section_size  }
0x9c: {  	s7 =	simm.s32 $_size__tile_overlayer_lowered;
	s8 =	simm.s32 $_tile_overlayer_lowered  }
0x9d: {  	s22 =	simm.s32 $0x1BFF;
	s21 =	sshll.u32 s8, $0x1;
	s5 =	sadd.s32 s6, s19  }
0x9e: {  	s9 =	simm.s32 $0x0;
	s20 =	sshll.u32 s7, $0x1;
	s7 =	sadd.s32 s21, s5  }
0x9f: {  	[timem:s9], [sflag:s22] =	dma.local [hbm:s7], s20  }
0xa0: {  	_ =	swait.ge [sflag:s22], s20  }
0xa1: {  	s6 =	ssub.s32 $0x0, s20;
	[sflag:s22] =	ssyncset.done $0x0  }
0xa2: {  	[sflag:s22] =	ssyncadd.s32 s6;
	_ =	sdelay $0x1  }
0xa3: {  	s23 =	simm.s32 $0x1B8B  }
0xa4: {  	_ =	swait.ge [sflag:s23], $0x1  }
0xa5: {  	[sflag:s23] =	ssyncset.done $0x0  }
0xa6: {  	s25 =	simm.s32 $0x1B8E;
	s24 =	sld [smem:$0x3FFE];
	[sflag:s23] =	ssyncadd.s32 $0xFFFFFFFF  }
0xa7: {  	s26 =	simm.s32 $execute0_lowered;
	[smem:$0x3FD2] =	sst s25  }
0xa8: {  	s7 =	sshll.u32 s26, $0x1;
	_ =	strace $0x8000004C;
	[dreg:$0x1] =	wrdreg $0xFFFFFFFF  }
0xa9: {  	s28 =	simm.s32 $_size_execute0_lowered;
	s5 =	sadd.s32 s5, s7;
	[dreg:$0x0] =	wrdreg $0x0  }
0xaa: {  	s7 =	sshll.u32 s28, $0x1;
	[dreg:$0x2] =	wrdreg s5  }
0xab: {  	[dreg:$0x3] =	wrdreg s7  }
0xac: {  	[dreg:$0x4] =	wrdreg $0xC0  }
0xad: {  	_ =	task [dreg:s9], $0x5FFFF  }
0xae: {  	[dreg:$0x1] =	wrdreg $0xFFFFFFFF  }
0xaf: {  	[dreg:$0x0] =	wrdreg $0x60  }
0xb0: {  	[dreg:$0x2] =	wrdreg s4  }
0xb1: {  	[dreg:$0x3] =	wrdreg s24  }
0xb2: {  	[dreg:$0x4] =	wrdreg s18  }
0xb3: {  	[dreg:$0x5] =	wrdreg s2  }
0xb4: {  	[dreg:$0x6] =	wrdreg $0x9  }
0xb5: {  	_ =	task.clear_ibuf [dreg:s9], $0x7FFFF;
	_ =	strace $0x9000004C  }
0xb6: {  	s29 =	simm.s32 $0x9;
	_ =	strace $0x8000004E  }
0xb7: {  	_ =	swait.ge [sflag:s29], $0x1  }
0xb8: {  	[sflag:s29] =	ssyncadd.s32 $0xFFFFFFFF  }
0xb9: {  	_ =	strace $0x9000004E  }
0xba: {  	_ =	sfence  }
0xbb: {  	s30 =	sld [smem:$0x0];
	_ =	sdelay $0x2  }
0xbc: {  	s31 =	sshll.u32 s1, $0xD;
	s1 =	sshrl.u32 s1, $0x2  }
0xbd: {  	s3 =	sand.u32 $0x4000, s31;
	s1 =	sadd.s32 s1, s30  }
0xbe: {  	s0 =	sor.u32 s3, s0;
	s1 =	sshll.u32 s1, $0x11  }
0xbf: {  	s0 =	sor.u32 s1, s0  }
0xc0: {  	s0 =	sadd.s32 $0x8F2B, s0  }
0xc1: {  	[sflag:s0] =	ssyncadd.remote.s32 $0x1  }
0xc2: {  	_ =	sfence.sel $0xFFFF  }
0xc3: {  	[dreg:$0x0] =	wrdreg $0xFFFFFFFF;
	(pc) =	sbr.abs _section_cstart, $3  }
0xc4: {  	[dreg:$0x1] =	wrdreg $0xFFFFFFFF  }
0xc5: {  	_ =	task.clear_ibuf [dreg:s9], $0x2FFFF;
	_ =	strace $0x9FFFFFFF  }
0xc6: {  	(tm) =	ssettm $0x7FFFFFFF  }
0xc7: {  	_ =	shalt  }
tec
execute0_lowered:
.L_overlay_start_1:
0x0: {  	(tag) =	ssettag $0x1  }
0x1: {  	s0 =	rddreg [dreg:$0x0]  }
0x2: {  	s1 =	rddreg [dreg:$0x1]  }
0x3: {  	s2 =	rddreg [dreg:$0x2]  }
0x4: {  	s4 =	srdreg.scid;
	s7 =	stileid.u32  }
0x5: {  	s3 =	rddreg [dreg:$0x3];
	s11 =	simm.s32 $0x400;
	s12 =	simm.s32 $0xC  }
0x6: {  	s14 =	simm.s32 $0x500;
	s15 =	simm.s32 $0x7A1400;
	s16 =	simm.s32 $0x10700  }
0x7: {  	s17 =	simm.s32 $0x1A700;
	s25 =	simm.s32 $0xB;
	s5 =	sand.u32 $0x1, s4  }
0x8: {  	s26 =	sshll.u32 s7, $0x1;
	s4 =	simm.s32 $0x0;
	s7 =	sshll.u32 s7, $0x7  }
0x9: {  	s6 =	sor.u32 s5, s26;
	[smem:$0x7FF] =	sst s4;
	s28 =	ssub.s32 $0x2, s5  }
0xa: {  	s5 =	sadd.s32 $0x3800, s1;
	s8 =	sshll.u32 s6, $0x4;
	_ =	strace $0x8000004D  }
.Ltmp0:
0xb: {  	s29 =	sshll.u32 s6, $0x6;
	s30 =	sshrl.u32 s28, $0x1;
	(pc) =	sbr.rel .LBB2_1-.Ltmp0, $4  }
0xc: {  	v0 =	vlaneseq.u32;
	s7 =	sor.u32 s7, s8;
	s10 =	sadd.s32 s29, s1;
	s31 =	ssub.s32 s28, s30  }
0xd: {  	v0 =	vmul.u32 $0x80, v0;
	s7 =	sand.u32 $0x670, s7;
	s8 =	sadd.s32 $0x1000, s10;
	s10 =	simm.s32 $0x80  }
0xe: {  	s9 =	sadd.s32 s7, s1;
	s6 =	sadd.s32 s0, s7;
	s1 =	simm.s32 $0xC700  }
0xf: {  	v1 =	vor.u32 $0x800, v0;
	v2 =	vor.u32 $0x1000, v0;
	v3 =	vor.u32 $0x1800, v0;
	s0 =	simm.s32 $0x0;
	s7 =	sadd.s32 $0x3000, s9;
	s9 =	smax.u32 s31, $0x1  }
.LBB2_62:
0x10: {  	s13 =	simm.s32 $0x8;
	s18 =	simm.s32 $0x3  }
.LBB2_64:
0x11: {  	_ =	swait.ge [sflag:s18], $0x2000  }
0x12: {  	[sflag:s18] =	ssyncset.done $0x0  }
0x13: {  	[sflag:s18] =	ssyncadd.s32 $0xFFFFE000  }
0x14: {  	_ =	swait.ge [sflag:s13], $0x800  }
0x15: {  	[sflag:s13] =	ssyncset.done $0x0  }
0x16: {  	[sflag:s13] =	ssyncadd.s32 $0xFFFFF800  }
.LBB2_65:
0x17: {  	s13 =	simm.s32 $0x700  }
0x18: {  	[hbm4b:s5+s10] =	stream.indirect.scatter [tilespmem:s13], [sflag:$0xB], $0x80, s14, s10, $0xb8;
	[tilespmem:$0x1CF00] =	vst v63  }
0x19: {  	_ =	swait.ge [sflag:s25], $0x4000  }
0x1a: {  	[sflag:s25] =	ssyncset.done $0x0  }
0x1b: {  	s28 =	simm.s32 $0x580;
	s18 =	simm.s32 $0x4700;
	[sflag:s25] =	ssyncadd.s32 $0xFFFFC000  }
0x1c: {  	[hbm4b:s5+s10] =	stream.indirect.scatter [tilespmem:s18], [sflag:$0xB], $0x80, s28, s10, $0xb8;
	[tilespmem:$0x1CF00] =	vst v63  }
0x1d: {  	_ =	swait.ge [sflag:s25], $0x4000  }
0x1e: {  	[sflag:s25] =	ssyncset.done $0x0  }
0x1f: {  	s29 =	simm.s32 $0x600;
	s30 =	simm.s32 $0x8700;
	[sflag:s25] =	ssyncadd.s32 $0xFFFFC000  }
0x20: {  	[hbm4b:s5+s10] =	stream.indirect.scatter [tilespmem:s30], [sflag:$0xB], $0x80, s29, s10, $0xb8;
	[tilespmem:$0x1CF00] =	vst v63  }
0x21: {  	s0 =	sadd.s32 $0x1, s0;
	_ =	swait.ge [sflag:s25], $0x4000  }
0x22: {  	p0 =	sne.s32 s0, s9;
	[sflag:s25] =	ssyncset.done $0x0  }
.Ltmp1:
0x23: {  	s31 =	simm.s32 $0x680;
	[sflag:s25] =	ssyncadd.s32 $0xFFFFC000;
	(pc) =	sbr.rel @!p0 .LBB2_66-.Ltmp1, $4  }
0x24: {  	[hbm4b:s5+s10] =	stream.indirect.scatter [tilespmem:s1], [sflag:$0xB], $0x80, s31, s10, $0xb8;
	[tilespmem:$0x1CF00] =	vst v63  }
0x25: {  	_ =	swait.ge [sflag:s25], $0x4000  }
0x26: {  	[sflag:s25] =	ssyncset.done $0x0  }
0x27: {  	[sflag:s25] =	ssyncadd.s32 $0xFFFFC000  }
.LBB2_1:
0x28: {  	[tilespmem:s4], [sflag:$0xC] =	stream.strided.gather [hbm4b:s6+s10], $0x200, s11, s10, $0x38;
	[tilespmem:$0x1CF00] =	vst v63  }
0x29: {  	_ =	swait.ge [sflag:s12], $0x200  }
0x2a: {  	[sflag:s12] =	ssyncset.done $0x0  }
0x2b: {  	s13 =	simm.s32 $0x280;
	[sflag:s12] =	ssyncadd.s32 $0xFFFFFE00  }
0x2c: {  	[tilespmem:s13], [sflag:$0xC] =	stream.strided.gather [hbm4b:s7+s10], $0x200, s11, s10, $0x38;
	[tilespmem:$0x1CF00] =	vst v63  }
0x2d: {  	_ =	swait.ge [sflag:s12], $0x200  }
0x2e: {  	[sflag:s12] =	ssyncset.done $0x0  }
0x2f: {  	[sflag:s12] =	ssyncadd.s32 $0xFFFFFE00  }
0x30: {  	[tilespmem:s14], [sflag:$0xC] =	stream.linear.gather [hbm4b:s8+s4], $0x200, $0x38;
	[tilespmem:$0x1CF00] =	vst v63  }
0x31: {  	_ =	swait.ge [sflag:s12], $0x200  }
0x32: {  	[sflag:s12] =	ssyncset.done $0x0  }
0x33: {  	[sflag:s12] =	ssyncadd.s32 $0xFFFFFE00  }
0x34: {  	v4 =	vld [tilespmem:$0x280];
	_ =	sdelay $0x4  }
0x35: {  	(v2sf) =	vpush v4, $0x0;
	_ =	sdelay $0xe  }
0x36: {  	s18 =	spop (v2sf)  }
0x37: {  	s13 =	sshll.u32 s18, $0x7  }
0x38: {  	s13 =	sand.u32 $0x1FFFFF80, s13  }
0x39: {  	s18 =	sadd.s32 s2, s13  }
0x3a: {  	[tilespmem:s16], [sflag:$0x1] =	stream.strided.gather [hbm4b:s18+s11], $0x2000, s15, s11, $0x38;
	[tilespmem:$0x1CF00] =	vst v63  }
0x3b: {  	s13 =	sadd.s32 s3, s13  }
0x3c: {  	[tilespmem:s17], [sflag:$0x6] =	stream.strided.gather [hbm4b:s13+s11], $0x800, s15, s11, $0x38;
	[tilespmem:$0x1CF00] =	vst v63  }
0x3d: {  	v4 =	vld [tilespmem:$0x281];
	_ =	sdelay $0x4  }
0x3e: {  	(v2sf) =	vpush v4, $0x0;
	_ =	sdelay $0xe  }
0x3f: {  	s19 =	spop (v2sf)  }
0x40: {  	s13 =	sshll.u32 s19, $0x7  }
0x41: {  	s13 =	sand.u32 $0x1FFFFF80, s13  }
0x42: {  	s19 =	simm.s32 $0x12700;
	s20 =	sadd.s32 s2, s13  }
0x43: {  	[tilespmem:s19], [sflag:$0x2] =	stream.strided.gather [hbm4b:s20+s11], $0x2000, s15, s11, $0x38;
	[tilespmem:$0x1CF00] =	vst v63  }
0x44: {  	s21 =	simm.s32 $0x1AF00;
	s13 =	sadd.s32 s3, s13  }
0x45: {  	[tilespmem:s21], [sflag:$0x7] =	stream.strided.gather [hbm4b:s13+s11], $0x800, s15, s11, $0x38;
	[tilespmem:$0x1CF00] =	vst v63  }
0x46: {  	v4 =	vld [tilespmem:$0x282];
	_ =	sdelay $0x4  }
0x47: {  	(v2sf) =	vpush v4, $0x0;
	_ =	sdelay $0xe  }
0x48: {  	s22 =	spop (v2sf)  }
0x49: {  	s13 =	sshll.u32 s22, $0x7  }
0x4a: {  	s13 =	sand.u32 $0x1FFFFF80, s13  }
0x4b: {  	s24 =	simm.s32 $0x14700;
	s23 =	sadd.s32 s2, s13  }
0x4c: {  	[tilespmem:s24], [sflag:$0x3] =	stream.strided.gather [hbm4b:s23+s11], $0x2000, s15, s11, $0x38;
	[tilespmem:$0x1CF00] =	vst v63  }
0x4d: {  	s26 =	simm.s32 $0x1B700;
	s13 =	sadd.s32 s3, s13  }
0x4e: {  	[tilespmem:s26], [sflag:$0x8] =	stream.strided.gather [hbm4b:s13+s11], $0x800, s15, s11, $0x38;
	[tilespmem:$0x1CF00] =	vst v63  }
0x4f: {  	v4 =	vld [tilespmem:$0x283];
	_ =	sdelay $0x4  }
0x50: {  	(v2sf) =	vpush v4, $0x0;
	_ =	sdelay $0xe  }
0x51: {  	s28 =	spop (v2sf)  }
0x52: {  	s13 =	sshll.u32 s28, $0x7  }
0x53: {  	s13 =	sand.u32 $0x1FFFFF80, s13  }
.Ltmp2:
0x54: {  	s30 =	simm.s32 $0x16700;
	s29 =	sadd.s32 s2, s13;
	(pc) =	sbr.rel .LBB2_2-.Ltmp2, $4  }
0x55: {  	[tilespmem:s30], [sflag:$0x4] =	stream.strided.gather [hbm4b:s29+s11], $0x2000, s15, s11, $0x38;
	[tilespmem:$0x1CF00] =	vst v63  }
0x56: {  	s31 =	simm.s32 $0x1BF00;
	s13 =	sadd.s32 s3, s13  }
0x57: {  	[tilespmem:s31], [sflag:$0x9] =	stream.strided.gather [hbm4b:s13+s11], $0x800, s15, s11, $0x38;
	[tilespmem:$0x1CF00] =	vst v63  }
0x58: {  	s18 =	simm.s32 $0x720;
	s19 =	simm.s32 $0x0;
	s13 =	simm.s32 $0xFFFFFFFF  }
.LBB2_12:
0x59: {  	s23 =	simm.s32 $0x8;
	s24 =	simm.s32 $0x3  }
.LBB2_14:
0x5a: {  	_ =	swait.ge [sflag:s24], $0x2000  }
0x5b: {  	[sflag:s24] =	ssyncset.done $0x0  }
0x5c: {  	[sflag:s24] =	ssyncadd.s32 $0xFFFFE000  }
0x5d: {  	_ =	swait.ge [sflag:s23], $0x800  }
0x5e: {  	[sflag:s23] =	ssyncset.done $0x0  }
0x5f: {  	[sflag:s23] =	ssyncadd.s32 $0xFFFFF800  }
.LBB2_15:
0x60: {  	s23 =	sadd.s32 $0x4, s13  }
0x61: {  	p1 =	slt.s32 s23, $0x1FF;
	s24 =	smov.u32 s23  }
0x62: {  	s24 =	simm.s32 @!p1 $0x1FF  }
0x63: {  	v4 =	vld [tilespmem:s24+$0x280];
	_ =	sdelay $0x4  }
0x64: {  	(v2sf) =	vpush v4, $0x0;
	_ =	sdelay $0x1  }
0x65: {  	s31 =	smulhi.u32 $0x66666667, s23;
	s26 =	sshra.s32 s23, $0x1F  }
0x66: {  	s26 =	smul.u32 $0x66666667, s26;
	_ =	sdelay $0x1  }
0x67: {  	s24 =	sadd.s32 s26, s31  }
0x68: {  	s26 =	sshrl.u32 s24, $0x1F;
	s24 =	sshra.s32 s24, $0x1  }
0x69: {  	s24 =	sadd.s32 s26, s24  }
0x6a: {  	s24 =	smul.u32 $0x5, s24;
	_ =	sdelay $0x1  }
0x6b: {  	s23 =	ssub.s32 s23, s24  }
0x6c: {  	p1 =	slt.s32 s23, $0x0;
	s24 =	sadd.s32 $0x5, s23  }
0x6d: {  	s23 =	smov.u32 @p1 s24  }
0x6e: {  	p1 =	sgt.s32 s23, $0x1  }
0x6f: {  	p2 =	seq.s32 @p1 s23, $0x2  }
0x70: {  	p3 =	por !p2, !p1;
	s24 =	spop (v2sf)  }
0x71: {  	s26 =	sshll.u32 @!p3 s24, $0x7  }
0x72: {  	s29 =	simm.s32 @!p3 $0x400;
	s26 =	sand.u32 @!p3 $0x1FFFFF80, s26  }
0x73: {  	s30 =	simm.s32 @!p3 $0x7A1400;
	s31 =	simm.s32 @!p3 $0x14700;
	s28 =	sadd.s32 @!p3 s2, s26  }
0x74: {  	[tilespmem:s31], [sflag:$0x3] =	stream.strided.gather @!p3 [hbm4b:s28+s29], $0x2000, s30, s29, $0x38;
	[tilespmem:$0x1CF00] =	vst v63  }
0x75: {  	s26 =	sadd.s32 @!p3 s3, s26;
	s28 =	simm.s32 @!p3 $0x1B700  }
0x76: {  	[tilespmem:s28], [sflag:$0x8] =	stream.strided.gather @!p3 [hbm4b:s26+s29], $0x800, s30, s29, $0x38;
	[tilespmem:$0x1CF00] =	vst v63  }
0x77: {  	p3 =	por p2, !p1  }
0x78: {  	p4 =	seq.s32 @!p3 s23, $0x3  }
0x79: {  	p5 =	por @p1 !p4, p2  }
0x7a: {  	p5 =	por p5, !p1  }
0x7b: {  	s26 =	sshll.u32 @!p5 s24, $0x7  }
0x7c: {  	s29 =	simm.s32 @!p5 $0x400;
	s26 =	sand.u32 @!p5 $0x1FFFFF80, s26  }
0x7d: {  	s30 =	simm.s32 @!p5 $0x7A1400;
	s31 =	simm.s32 @!p5 $0x16700;
	s28 =	sadd.s32 @!p5 s2, s26  }
0x7e: {  	[tilespmem:s31], [sflag:$0x4] =	stream.strided.gather @!p5 [hbm4b:s28+s29], $0x2000, s30, s29, $0x38;
	[tilespmem:$0x1CF00] =	vst v63  }
0x7f: {  	s26 =	sadd.s32 @!p5 s3, s26;
	s28 =	simm.s32 @!p5 $0x1BF00  }
0x80: {  	[tilespmem:s28], [sflag:$0x9] =	stream.strided.gather @!p5 [hbm4b:s26+s29], $0x800, s30, s29, $0x38;
	[tilespmem:$0x1CF00] =	vst v63  }
0x81: {  	p5 =	por @p1 p4, p2  }
0x82: {  	p5 =	por p5, !p1  }
0x83: {  	p5 =	seq.s32 @!p5 s23, $0x4  }
0x84: {  	p3 =	por @!p3 !p5, p4  }
0x85: {  	p2 =	por @p1 p3, p2  }
0x86: {  	p2 =	por p2, !p1  }
0x87: {  	s26 =	sshll.u32 @!p2 s24, $0x7  }
0x88: {  	s29 =	simm.s32 @!p2 $0x400;
	s26 =	sand.u32 @!p2 $0x1FFFFF80, s26  }
0x89: {  	s30 =	simm.s32 @!p2 $0x7A1400;
	s31 =	simm.s32 @!p2 $0x18700;
	s28 =	sadd.s32 @!p2 s2, s26  }
0x8a: {  	[tilespmem:s31], [sflag:$0x5] =	stream.strided.gather @!p2 [hbm4b:s28+s29], $0x2000, s30, s29, $0x38;
	[tilespmem:$0x1CF00] =	vst v63  }
0x8b: {  	s26 =	sadd.s32 @!p2 s3, s26;
	s28 =	simm.s32 @!p2 $0x1C700  }
0x8c: {  	[tilespmem:s28], [sflag:$0xA] =	stream.strided.gather @!p2 [hbm4b:s26+s29], $0x800, s30, s29, $0x38;
	[tilespmem:$0x1CF00] =	vst v63  }
0x8d: {  	p2 =	seq.s32 @!p1 s23, $0x0  }
0x8e: {  	p3 =	por !p2, p1  }
0x8f: {  	s26 =	sshll.u32 @!p3 s24, $0x7  }
0x90: {  	s29 =	simm.s32 @!p3 $0x400;
	s26 =	sand.u32 @!p3 $0x1FFFFF80, s26  }
0x91: {  	s30 =	simm.s32 @!p3 $0x7A1400;
	s31 =	simm.s32 @!p3 $0x10700;
	s28 =	sadd.s32 @!p3 s2, s26  }
0x92: {  	[tilespmem:s31], [sflag:$0x1] =	stream.strided.gather @!p3 [hbm4b:s28+s29], $0x2000, s30, s29, $0x38;
	[tilespmem:$0x1CF00] =	vst v63  }
0x93: {  	s26 =	sadd.s32 @!p3 s3, s26;
	s28 =	simm.s32 @!p3 $0x1A700  }
0x94: {  	[tilespmem:s28], [sflag:$0x6] =	stream.strided.gather @!p3 [hbm4b:s26+s29], $0x800, s30, s29, $0x38;
	[tilespmem:$0x1CF00] =	vst v63  }
0x95: {  	p3 =	por p2, p1  }
0x96: {  	p3 =	seq.s32 @!p3 s23, $0x1  }
0x97: {  	p2 =	por @!p1 !p3, p2  }
0x98: {  	p1 =	por p2, p1  }
0x99: {  	s23 =	sshll.u32 @!p1 s24, $0x7  }
0x9a: {  	s26 =	simm.s32 @!p1 $0x400;
	s23 =	sand.u32 @!p1 $0x1FFFFF80, s23  }
0x9b: {  	s28 =	simm.s32 @!p1 $0x7A1400;
	s29 =	simm.s32 @!p1 $0x12700;
	s24 =	sadd.s32 @!p1 s2, s23  }
0x9c: {  	[tilespmem:s29], [sflag:$0x2] =	stream.strided.gather @!p1 [hbm4b:s24+s26], $0x2000, s28, s26, $0x38;
	[tilespmem:$0x1CF00] =	vst v63  }
0x9d: {  	s23 =	sadd.s32 @!p1 s3, s23;
	s24 =	simm.s32 @!p1 $0x1AF00  }
0x9e: {  	[tilespmem:s24], [sflag:$0x7] =	stream.strided.gather @!p1 [hbm4b:s23+s26], $0x800, s28, s26, $0x38;
	[tilespmem:$0x1CF00] =	vst v63  }
.LBB2_16:
0x9f: {  	s21 =	smov.u32 @p0 s22  }
0xa0: {  	v4 =	vmov s21  }
0xa1: {  	s20 =	sand.u32 $0x7F, s20;
	v5 =	vshll.u32 v4, $0xD  }
0xa2: {  	v5 =	vor.u32 s20, v5  }
0xa3: {  	v6 =	vor.u32 v0, v5;
	_ =	sdelay $0x4  }
0xa4: {  	v6 =	vld.idx.msk [tilespmem:v6+s16+$0x0], $0xffff  }
0xa5: {  	v7 =	vor.u32 v1, v5;
	_ =	sdelay $0x3  }
0xa6: {  	[tilespmem:s18+$0xFFFFFFE0] =	vst v6  }
0xa7: {  	v6 =	vld.idx.msk [tilespmem:v7+s16+$0x0], $0xffff  }
0xa8: {  	v63 =	vor.u32 v2, v5;
	_ =	sdelay $0x3  }
0xa9: {  	[tilespmem:s18+$0xFFFFFFF0] =	vst v6  }
0xaa: {  	v6 =	vld.idx.msk [tilespmem:v63+s16+$0x0], $0xffff  }
0xab: {  	v5 =	vor.u32 v3, v5;
	_ =	sdelay $0x3  }
0xac: {  	v4 =	vshll.u32 v4, $0xB;
	[tilespmem:s18+$0x0] =	vst v6  }
0xad: {  	v4 =	vor.u32 s20, v4;
	v5 =	vld.idx.msk [tilespmem:v5+s16+$0x0], $0xffff  }
0xae: {  	v4 =	vor.u32 v0, v4;
	_ =	sdelay $0x3  }
0xaf: {  	s19 =	sadd.s32 $0x4, s19;
	[tilespmem:s18+$0x10] =	vst v5  }
0xb0: {  	p0 =	sne.s32 s19, $0x800;
	v4 =	vld.idx.msk [tilespmem:v4+s17+$0x0], $0xffff  }
.Ltmp3:
0xb1: {  	_ = 	snop;
	(pc) =	sbr.rel @!p0 .LBB2_17-.Ltmp3, $2  }
0xb2: {  	_ =	sdelay $0x2  }
0xb3: {  	[tilespmem:s18+$0x20] =	vst v4;
	s18 =	sadd.s32 $0x80, s18  }
.LBB2_2:
0xb4: {  	s20 =	sshra.s32 s19, $0x2  }
0xb5: {  	v4 =	vld [tilespmem:s20+$0x0];
	_ =	sdelay $0x4  }
0xb6: {  	(v2sf) =	vpush v4, $0x0;
	_ =	sdelay $0xe  }
0xb7: {  	s20 =	spop (v2sf)  }
0xb8: {  	s22 =	sshra.s32 s20, $0x1F  }
0xb9: {  	s21 =	smov.u32 s13;
	s13 =	sshra.s32 s20, $0x7;
	s22 =	smul.u32 $0x66666667, s22  }
0xba: {  	s23 =	smulhi.u32 $0x66666667, s13;
	_ =	sdelay $0x1  }
0xbb: {  	s22 =	sadd.s32 s22, s23  }
0xbc: {  	p1 =	sgt.s32 s13, s21;
	s23 =	sshrl.u32 s22, $0x1F;
	s22 =	sshra.s32 s22, $0x1  }
.Ltmp4:
0xbd: {  	s22 =	sadd.s32 s23, s22;
	(pc) =	sbr.rel @!p1 .LBB2_16-.Ltmp4, $3  }
0xbe: {  	s22 =	smul.u32 $0x5, s22;
	_ =	sdelay $0x1  }
0xbf: {  	s21 =	ssub.s32 s13, s22  }
0xc0: {  	p0 =	slt.s32 s21, $0x0;
	s22 =	sadd.s32 $0x5, s21  }
0xc1: {  	s22 =	sadd.s32 $0x5, s21;
	s23 =	smov.u32 s21  }
0xc2: {  	s23 =	smov.u32 @p0 s22  }
0xc3: {  	p1 =	sgt.s32 s23, $0x1  }
.Ltmp5:
0xc4: {  	_ = 	snop;
	(pc) =	sbr.rel @!p1 .LBB2_4-.Ltmp5, $1  }
0xc5: {  	_ =	sdelay $0x3  }
0xc6: {  	p1 =	seq.s32 s23, $0x2  }
.Ltmp6:
0xc7: {  	_ = 	snop;
	(pc) =	sbr.rel @p1 .LBB2_12-.Ltmp6, $1  }
0xc8: {  	_ =	sdelay $0x3  }
0xc9: {  	p1 =	seq.s32 s23, $0x3  }
.Ltmp7:
0xca: {  	_ = 	snop;
	(pc) =	sbr.rel @p1 .LBB2_13-.Ltmp7, $1  }
0xcb: {  	_ =	sdelay $0x3  }
0xcc: {  	p1 =	seq.s32 s23, $0x4  }
.Ltmp8:
0xcd: {  	_ = 	snop;
	(pc) =	sbr.rel @!p1 .LBB2_15-.Ltmp8, $1  }
0xce: {  	_ =	sdelay $0x3  }
.Ltmp9:
0xcf: {  	(pc) =	sbr.rel .LBB2_14-.Ltmp9, $2  }
0xd0: {  	_ =	sdelay $0x2  }
0xd1: {  	s23 =	simm.s32 $0xA;
	s24 =	simm.s32 $0x5  }
.LBB2_4:
0xd2: {  	p1 =	seq.s32 s23, $0x0  }
.Ltmp10:
0xd3: {  	_ = 	snop;
	(pc) =	sbr.rel @p1 .LBB2_5-.Ltmp10, $1  }
0xd4: {  	_ =	sdelay $0x3  }
0xd5: {  	p1 =	seq.s32 s23, $0x1  }
.Ltmp11:
0xd6: {  	_ = 	snop;
	(pc) =	sbr.rel @!p1 .LBB2_15-.Ltmp11, $1  }
0xd7: {  	_ =	sdelay $0x3  }
.Ltmp12:
0xd8: {  	(pc) =	sbr.rel .LBB2_14-.Ltmp12, $2  }
0xd9: {  	_ =	sdelay $0x2  }
0xda: {  	s23 =	simm.s32 $0x7;
	s24 =	simm.s32 $0x2  }
.LBB2_13:
.Ltmp13:
0xdb: {  	(pc) =	sbr.rel .LBB2_14-.Ltmp13, $2  }
0xdc: {  	_ =	sdelay $0x2  }
0xdd: {  	s23 =	simm.s32 $0x9;
	s24 =	simm.s32 $0x4  }
.LBB2_5:
.Ltmp14:
0xde: {  	(pc) =	sbr.rel .LBB2_14-.Ltmp14, $2  }
0xdf: {  	_ =	sdelay $0x2  }
0xe0: {  	s23 =	simm.s32 $0x6;
	s24 =	simm.s32 $0x1  }
.LBB2_17:
0xe1: {  	s18 =	sadd.s32 $0x1, s13  }
0xe2: {  	s19 =	smulhi.u32 $0x66666667, s18;
	s20 =	sshra.s32 s18, $0x1F  }
0xe3: {  	s20 =	smul.u32 $0x66666667, s20;
	_ =	sdelay $0x1  }
0xe4: {  	s19 =	sadd.s32 s20, s19  }
0xe5: {  	s20 =	sshrl.u32 s19, $0x1F;
	s19 =	sshra.s32 s19, $0x1  }
0xe6: {  	s19 =	sadd.s32 s20, s19  }
0xe7: {  	s19 =	smul.u32 $0x5, s19;
	_ =	sdelay $0x1  }
0xe8: {  	s18 =	ssub.s32 s18, s19  }
0xe9: {  	p0 =	slt.s32 s18, $0x0;
	s19 =	sadd.s32 $0x5, s18  }
0xea: {  	s18 =	smov.u32 @p0 s19  }
0xeb: {  	p0 =	sgt.s32 s18, $0x1  }
.Ltmp15:
0xec: {  	_ = 	snop;
	(pc) =	sbr.rel @!p0 .LBB2_18-.Ltmp15, $1  }
0xed: {  	_ =	sdelay $0x3  }
0xee: {  	p0 =	seq.s32 s18, $0x2  }
.Ltmp16:
0xef: {  	_ = 	snop;
	(pc) =	sbr.rel @p0 .LBB2_26-.Ltmp16, $1  }
0xf0: {  	_ =	sdelay $0x3  }
0xf1: {  	p0 =	seq.s32 s18, $0x3  }
.Ltmp17:
0xf2: {  	_ = 	snop;
	(pc) =	sbr.rel @p0 .LBB2_27-.Ltmp17, $1  }
0xf3: {  	_ =	sdelay $0x3  }
0xf4: {  	p0 =	seq.s32 s18, $0x4  }
.Ltmp18:
0xf5: {  	_ = 	snop;
	(pc) =	sbr.rel @!p0 .LBB2_29-.Ltmp18, $1  }
0xf6: {  	_ =	sdelay $0x3  }
.Ltmp19:
0xf7: {  	(pc) =	sbr.rel .LBB2_28-.Ltmp19, $2  }
0xf8: {  	_ =	sdelay $0x2  }
0xf9: {  	s18 =	simm.s32 $0xA;
	s19 =	simm.s32 $0x5  }
.LBB2_18:
0xfa: {  	p0 =	seq.s32 s18, $0x0  }
.Ltmp20:
0xfb: {  	_ = 	snop;
	(pc) =	sbr.rel @p0 .LBB2_19-.Ltmp20, $1  }
0xfc: {  	_ =	sdelay $0x3  }
0xfd: {  	p0 =	seq.s32 s18, $0x1  }
.Ltmp21:
0xfe: {  	_ = 	snop;
	(pc) =	sbr.rel @!p0 .LBB2_29-.Ltmp21, $1  }
0xff: {  	_ =	sdelay $0x3  }
.Ltmp22:
0x100: {  	(pc) =	sbr.rel .LBB2_28-.Ltmp22, $2  }
0x101: {  	_ =	sdelay $0x2  }
0x102: {  	s18 =	simm.s32 $0x7;
	s19 =	simm.s32 $0x2  }
.LBB2_26:
.Ltmp23:
0x103: {  	(pc) =	sbr.rel .LBB2_28-.Ltmp23, $2  }
0x104: {  	_ =	sdelay $0x2  }
0x105: {  	s18 =	simm.s32 $0x8;
	s19 =	simm.s32 $0x3  }
.LBB2_27:
.Ltmp24:
0x106: {  	(pc) =	sbr.rel .LBB2_28-.Ltmp24, $2  }
0x107: {  	_ =	sdelay $0x2  }
0x108: {  	s18 =	simm.s32 $0x9;
	s19 =	simm.s32 $0x4  }
.LBB2_19:
0x109: {  	s18 =	simm.s32 $0x6;
	s19 =	simm.s32 $0x1  }
.LBB2_28:
0x10a: {  	_ =	swait.ge [sflag:s19], $0x2000  }
0x10b: {  	[sflag:s19] =	ssyncset.done $0x0  }
0x10c: {  	[sflag:s19] =	ssyncadd.s32 $0xFFFFE000  }
0x10d: {  	_ =	swait.ge [sflag:s18], $0x800  }
0x10e: {  	[sflag:s18] =	ssyncset.done $0x0  }
0x10f: {  	[sflag:s18] =	ssyncadd.s32 $0xFFFFF800  }
.LBB2_29:
0x110: {  	s18 =	sadd.s32 $0x2, s13  }
0x111: {  	s19 =	smulhi.u32 $0x66666667, s18;
	s20 =	sshra.s32 s18, $0x1F  }
0x112: {  	s20 =	smul.u32 $0x66666667, s20;
	_ =	sdelay $0x1  }
0x113: {  	s19 =	sadd.s32 s20, s19  }
0x114: {  	s20 =	sshrl.u32 s19, $0x1F;
	s19 =	sshra.s32 s19, $0x1  }
0x115: {  	s19 =	sadd.s32 s20, s19  }
0x116: {  	s19 =	smul.u32 $0x5, s19;
	_ =	sdelay $0x1  }
0x117: {  	s18 =	ssub.s32 s18, s19  }
0x118: {  	p0 =	slt.s32 s18, $0x0;
	s19 =	sadd.s32 $0x5, s18  }
0x119: {  	s18 =	smov.u32 @p0 s19  }
0x11a: {  	p0 =	sgt.s32 s18, $0x1  }
.Ltmp25:
0x11b: {  	_ = 	snop;
	(pc) =	sbr.rel @!p0 .LBB2_30-.Ltmp25, $1  }
0x11c: {  	_ =	sdelay $0x3  }
0x11d: {  	p0 =	seq.s32 s18, $0x2  }
.Ltmp26:
0x11e: {  	_ = 	snop;
	(pc) =	sbr.rel @p0 .LBB2_38-.Ltmp26, $1  }
0x11f: {  	_ =	sdelay $0x3  }
0x120: {  	p0 =	seq.s32 s18, $0x3  }
.Ltmp27:
0x121: {  	_ = 	snop;
	(pc) =	sbr.rel @p0 .LBB2_39-.Ltmp27, $1  }
0x122: {  	_ =	sdelay $0x3  }
0x123: {  	p0 =	seq.s32 s18, $0x4  }
.Ltmp28:
0x124: {  	_ = 	snop;
	(pc) =	sbr.rel @!p0 .LBB2_41-.Ltmp28, $1  }
0x125: {  	_ =	sdelay $0x3  }
.Ltmp29:
0x126: {  	(pc) =	sbr.rel .LBB2_40-.Ltmp29, $2  }
0x127: {  	_ =	sdelay $0x2  }
0x128: {  	s18 =	simm.s32 $0xA;
	s19 =	simm.s32 $0x5  }
.LBB2_30:
0x129: {  	p0 =	seq.s32 s18, $0x0  }
.Ltmp30:
0x12a: {  	_ = 	snop;
	(pc) =	sbr.rel @p0 .LBB2_31-.Ltmp30, $1  }
0x12b: {  	_ =	sdelay $0x3  }
0x12c: {  	p0 =	seq.s32 s18, $0x1  }
.Ltmp31:
0x12d: {  	_ = 	snop;
	(pc) =	sbr.rel @!p0 .LBB2_41-.Ltmp31, $1  }
0x12e: {  	_ =	sdelay $0x3  }
.Ltmp32:
0x12f: {  	(pc) =	sbr.rel .LBB2_40-.Ltmp32, $2  }
0x130: {  	_ =	sdelay $0x2  }
0x131: {  	s18 =	simm.s32 $0x7;
	s19 =	simm.s32 $0x2  }
.LBB2_38:
.Ltmp33:
0x132: {  	(pc) =	sbr.rel .LBB2_40-.Ltmp33, $2  }
0x133: {  	_ =	sdelay $0x2  }
0x134: {  	s18 =	simm.s32 $0x8;
	s19 =	simm.s32 $0x3  }
.LBB2_39:
.Ltmp34:
0x135: {  	(pc) =	sbr.rel .LBB2_40-.Ltmp34, $2  }
0x136: {  	_ =	sdelay $0x2  }
0x137: {  	s18 =	simm.s32 $0x9;
	s19 =	simm.s32 $0x4  }
.LBB2_31:
0x138: {  	s18 =	simm.s32 $0x6;
	s19 =	simm.s32 $0x1  }
.LBB2_40:
0x139: {  	_ =	swait.ge [sflag:s19], $0x2000  }
0x13a: {  	[sflag:s19] =	ssyncset.done $0x0  }
0x13b: {  	[sflag:s19] =	ssyncadd.s32 $0xFFFFE000  }
0x13c: {  	_ =	swait.ge [sflag:s18], $0x800  }
0x13d: {  	[sflag:s18] =	ssyncset.done $0x0  }
0x13e: {  	[sflag:s18] =	ssyncadd.s32 $0xFFFFF800  }
.LBB2_41:
0x13f: {  	s18 =	sadd.s32 $0x3, s13  }
0x140: {  	s19 =	smulhi.u32 $0x66666667, s18;
	s20 =	sshra.s32 s18, $0x1F  }
0x141: {  	s20 =	smul.u32 $0x66666667, s20;
	_ =	sdelay $0x1  }
0x142: {  	s19 =	sadd.s32 s20, s19  }
0x143: {  	s20 =	sshrl.u32 s19, $0x1F;
	s19 =	sshra.s32 s19, $0x1  }
0x144: {  	s19 =	sadd.s32 s20, s19  }
0x145: {  	s19 =	smul.u32 $0x5, s19;
	_ =	sdelay $0x1  }
0x146: {  	s18 =	ssub.s32 s18, s19  }
0x147: {  	p0 =	slt.s32 s18, $0x0;
	s19 =	sadd.s32 $0x5, s18  }
0x148: {  	s18 =	smov.u32 @p0 s19  }
0x149: {  	p0 =	sgt.s32 s18, $0x1  }
.Ltmp35:
0x14a: {  	_ = 	snop;
	(pc) =	sbr.rel @!p0 .LBB2_42-.Ltmp35, $1  }
0x14b: {  	_ =	sdelay $0x3  }
0x14c: {  	p0 =	seq.s32 s18, $0x2  }
.Ltmp36:
0x14d: {  	_ = 	snop;
	(pc) =	sbr.rel @p0 .LBB2_50-.Ltmp36, $1  }
0x14e: {  	_ =	sdelay $0x3  }
0x14f: {  	p0 =	seq.s32 s18, $0x3  }
.Ltmp37:
0x150: {  	_ = 	snop;
	(pc) =	sbr.rel @p0 .LBB2_51-.Ltmp37, $1  }
0x151: {  	_ =	sdelay $0x3  }
0x152: {  	p0 =	seq.s32 s18, $0x4  }
.Ltmp38:
0x153: {  	_ = 	snop;
	(pc) =	sbr.rel @!p0 .LBB2_53-.Ltmp38, $1  }
0x154: {  	_ =	sdelay $0x3  }
.Ltmp39:
0x155: {  	(pc) =	sbr.rel .LBB2_52-.Ltmp39, $2  }
0x156: {  	_ =	sdelay $0x2  }
0x157: {  	s18 =	simm.s32 $0xA;
	s19 =	simm.s32 $0x5  }
.LBB2_42:
0x158: {  	p0 =	seq.s32 s18, $0x0  }
.Ltmp40:
0x159: {  	_ = 	snop;
	(pc) =	sbr.rel @p0 .LBB2_43-.Ltmp40, $1  }
0x15a: {  	_ =	sdelay $0x3  }
0x15b: {  	p0 =	seq.s32 s18, $0x1  }
.Ltmp41:
0x15c: {  	_ = 	snop;
	(pc) =	sbr.rel @!p0 .LBB2_53-.Ltmp41, $1  }
0x15d: {  	_ =	sdelay $0x3  }
.Ltmp42:
0x15e: {  	(pc) =	sbr.rel .LBB2_52-.Ltmp42, $2  }
0x15f: {  	_ =	sdelay $0x2  }
0x160: {  	s18 =	simm.s32 $0x7;
	s19 =	simm.s32 $0x2  }
.LBB2_50:
.Ltmp43:
0x161: {  	(pc) =	sbr.rel .LBB2_52-.Ltmp43, $2  }
0x162: {  	_ =	sdelay $0x2  }
0x163: {  	s18 =	simm.s32 $0x8;
	s19 =	simm.s32 $0x3  }
.LBB2_51:
.Ltmp44:
0x164: {  	(pc) =	sbr.rel .LBB2_52-.Ltmp44, $2  }
0x165: {  	_ =	sdelay $0x2  }
0x166: {  	s18 =	simm.s32 $0x9;
	s19 =	simm.s32 $0x4  }
.LBB2_43:
0x167: {  	s18 =	simm.s32 $0x6;
	s19 =	simm.s32 $0x1  }
.LBB2_52:
0x168: {  	_ =	swait.ge [sflag:s19], $0x2000  }
0x169: {  	[sflag:s19] =	ssyncset.done $0x0  }
0x16a: {  	[sflag:s19] =	ssyncadd.s32 $0xFFFFE000  }
0x16b: {  	_ =	swait.ge [sflag:s18], $0x800  }
0x16c: {  	[sflag:s18] =	ssyncset.done $0x0  }
0x16d: {  	[sflag:s18] =	ssyncadd.s32 $0xFFFFF800  }
.LBB2_53:
0x16e: {  	s13 =	sadd.s32 $0x4, s13  }
0x16f: {  	s18 =	smulhi.u32 $0x66666667, s13;
	s19 =	sshra.s32 s13, $0x1F  }
0x170: {  	s19 =	smul.u32 $0x66666667, s19;
	_ =	sdelay $0x1  }
0x171: {  	s18 =	sadd.s32 s19, s18  }
0x172: {  	s19 =	sshrl.u32 s18, $0x1F;
	s18 =	sshra.s32 s18, $0x1  }
0x173: {  	s18 =	sadd.s32 s19, s18  }
0x174: {  	s18 =	smul.u32 $0x5, s18;
	_ =	sdelay $0x1  }
0x175: {  	s13 =	ssub.s32 s13, s18  }
0x176: {  	p0 =	slt.s32 s13, $0x0;
	s18 =	sadd.s32 $0x5, s13  }
0x177: {  	s13 =	smov.u32 @p0 s18  }
0x178: {  	p0 =	sgt.s32 s13, $0x1  }
.Ltmp45:
0x179: {  	_ = 	snop;
	(pc) =	sbr.rel @!p0 .LBB2_54-.Ltmp45, $1  }
0x17a: {  	_ =	sdelay $0x3  }
0x17b: {  	p0 =	seq.s32 s13, $0x2  }
.Ltmp46:
0x17c: {  	_ = 	snop;
	(pc) =	sbr.rel @p0 .LBB2_62-.Ltmp46, $1  }
0x17d: {  	_ =	sdelay $0x3  }
0x17e: {  	p0 =	seq.s32 s13, $0x3  }
.Ltmp47:
0x17f: {  	_ = 	snop;
	(pc) =	sbr.rel @p0 .LBB2_63-.Ltmp47, $1  }
0x180: {  	_ =	sdelay $0x3  }
0x181: {  	p0 =	seq.s32 s13, $0x4  }
.Ltmp48:
0x182: {  	_ = 	snop;
	(pc) =	sbr.rel @!p0 .LBB2_65-.Ltmp48, $1  }
0x183: {  	_ =	sdelay $0x3  }
.Ltmp49:
0x184: {  	(pc) =	sbr.rel .LBB2_64-.Ltmp49, $2  }
0x185: {  	_ =	sdelay $0x2  }
0x186: {  	s13 =	simm.s32 $0xA;
	s18 =	simm.s32 $0x5  }
.LBB2_54:
0x187: {  	p0 =	seq.s32 s13, $0x0  }
.Ltmp50:
0x188: {  	_ = 	snop;
	(pc) =	sbr.rel @p0 .LBB2_55-.Ltmp50, $1  }
0x189: {  	_ =	sdelay $0x3  }
0x18a: {  	p0 =	seq.s32 s13, $0x1  }
.Ltmp51:
0x18b: {  	_ = 	snop;
	(pc) =	sbr.rel @!p0 .LBB2_65-.Ltmp51, $1  }
0x18c: {  	_ =	sdelay $0x3  }
.Ltmp52:
0x18d: {  	(pc) =	sbr.rel .LBB2_64-.Ltmp52, $2  }
0x18e: {  	_ =	sdelay $0x2  }
0x18f: {  	s13 =	simm.s32 $0x7;
	s18 =	simm.s32 $0x2  }
.LBB2_63:
.Ltmp53:
0x190: {  	(pc) =	sbr.rel .LBB2_64-.Ltmp53, $2  }
0x191: {  	_ =	sdelay $0x2  }
0x192: {  	s13 =	simm.s32 $0x9;
	s18 =	simm.s32 $0x4  }
.LBB2_55:
.Ltmp54:
0x193: {  	(pc) =	sbr.rel .LBB2_64-.Ltmp54, $2  }
0x194: {  	_ =	sdelay $0x2  }
0x195: {  	s13 =	simm.s32 $0x6;
	s18 =	simm.s32 $0x1  }
.LBB2_66:
0x196: {  	_ =	sfence.sel $0x180000  }
0x197: {  	[bflag:$0x0] =	sbarrier.arrive $0xFFFF  }
0x198: {  	_ =	strace $0x9000004D  }
0x199: {  	s0 =	stileid.u32;
	[bflag:$0x2] =	sbarrier.arrive $0xFFFF  }
0x19a: {  	p0 =	sne.s32 s0, $0x0;
	s0 =	rddreg [dreg:$0x4]  }
0x19b: {  	s0 =	sadd.s32 @!p0 $0x100000, s0  }
0x19c: {  	[sflag:s0] =	ssyncadd.tile.s32 @!p0 $0x1;
	_ =	shalt  }
.Lfunc_end2:
_tile_overlayer_lowered:
.L_overlay_start_2:
0x19d: {  	(tag) =	ssettag $0x2  }
0x19e: {  	s0 =	rddreg [dreg:$0x0];
	s2 =	stileid.u32  }
0x19f: {  	s1 =	rddreg [dreg:$0x1];
	p0 =	sne.s32 s2, $0x0  }
0x1a0: {  	s3 =	rddreg [dreg:$0x2];
	[bflag:$0x3] =	sbarrier.arrive $0xFFFF;
	s2 =	simm.s32 @!p0 $0x1C0C  }
0x1a1: {  	[timem:s3], [sflag:s2] =	dma.local @!p0 [hbm:s0], s1  }
0x1a2: {  	s0 =	simm.s32 @!p0 $0xC  }
0x1a3: {  	_ =	swait.ge @!p0 [sflag:s0], s1  }
0x1a4: {  	s1 =	ssub.s32 @!p0 $0x0, s1;
	[sflag:s0] =	ssyncset.done @!p0 $0x0  }
0x1a5: {  	[sflag:s0] =	ssyncadd.s32 @!p0 s1  }
0x1a6: {  	[bflag:$0x3] =	sbarrier.arrive $0xFFFF  }
0x1a7: {  	_ =	shalt  }

// kernel: kernel.9.cloned.1.call-start
scs
__scs_entry_jumppad:
0x0: {  	(pc) =	sbr.rel $0x88, $3  }
0x1: {  	(tag) =	ssettag $0x0;
	lr =	simm.s32 $0x1  }
0x2: {  	[smem:$0x3F93] =	sst lr;
	_ =	strace $0xD0000000  }
0x3: {  	_ = 	snop  }
0x4: {  	_ = 	snop  }
0x5: {  	_ = 	snop  }
0x6: {  	_ = 	snop  }
0x7: {  	_ = 	snop  }
__scs_overlays_trampoline_lowered:
0x8: {  	[smem:$0x3FA2] =	sst s0  }
0x9: {  	[smem:$0x3FA3] =	sst s1  }
0xa: {  	[smem:$0x3FA4] =	sst s2  }
0xb: {  	[smem:$0x3FA5] =	sst s3  }
0xc: {  	[smem:$0x3FA6] =	sst s4  }
0xd: {  	[smem:$0x3FA7] =	sst s5  }
0xe: {  	[smem:$0x3FA8] =	sst s6  }
0xf: {  	[smem:$0x3FA9] =	sst s7  }
0x10: {  	[smem:$0x3FAA] =	sst s8  }
0x11: {  	[smem:$0x3FAB] =	sst s9;
	s0 =	simm.s32 @!p0 $0x0  }
0x12: {  	s1 =	sld [smem:$0x3F91];
	s0 =	simm.s32 @p0 $0x1  }
0x13: {  	[smem:$0x3FAC] =	sst s0;
	s0 =	simm.s32 @!p1 $0x0  }
0x14: {  	s2 =	sld [smem:$0x3F90];
	s0 =	simm.s32 @p1 $0x1  }
0x15: {  	[smem:$0x3FAD] =	sst s0;
	s0 =	simm.s32 @!p2 $0x0  }
0x16: {  	s3 =	sld [smem:$0x3FDB];
	s0 =	simm.s32 @p2 $0x1  }
0x17: {  	s4 =	simm.s32 $0x1BF5;
	[smem:$0x3FAF] =	sst s0  }
0x18: {  	s0 =	sld [smem:$0x3F92];
	_ =	swait.ge [sflag:s4], $0x0  }
0x19: {  	s7 =	sld [smem:$0x3F93]  }
0x1a: {  	s8 =	sadd.s32 $0xFFFFE003, lr  }
0x1b: {  	s9 =	sadd.s32 $0xFFFFFEF7, lr;
	s5 =	simm.s32 $0xFFFFFFFF;
	p2 =	slt.u32 s8, $0xFFFFF086  }
0x1c: {  	p1 =	slt.u32 s9, $0xF7A;
	s5 =	simm.s32 @!p2 $0x0  }
0x1d: {  	s5 =	simm.s32 @p1 $0x1;
	p0 =	seq.s32 s7, s2  }
0x1e: {  	s7 =	smul.u32 @!p0 $0xF7A, s2;
	p2 =	seq.s32 @!p0 s5, $0x0  }
0x1f: {  	s9 =	smul.u32 $0xF7A, s1;
	s8 =	simm.s32 @!p0 $0x1BF5;
	p2 =	por !p2, p0  }
0x20: {  	[sflag:s8] =	ssyncset.s32 @!p0 $0xFFFFF086;
	s6 =	sadd.s32 @!p0 s3, s7;
	s7 =	simm.s32 @!p0 $0x108  }
0x21: {  	s3 =	sadd.s32 s3, s9;
	s6 =	sadd.s32 @!p0 $0x88, s6;
	s7 =	simm.s32 @p2 $0x1082  }
0x22: {  	[simem:s7], [sflag:s8] =	dma.local @!p0 [hbm:s6], $0xF7A  }
0x23: {  	s9 =	sor.u32 $0xD0000000, s2;
	s6 =	simm.s32 $0x108;
	_ =	swait.ge @!p0 [sflag:s8], $0x0  }
0x24: {  	s3 =	sadd.s32 $0x88, s3;
	s6 =	simm.s32 @!p1 $0x1082;
	[sflag:s4] =	ssyncset.s32 $0xFFFFF086  }
0x25: {  	[simem:s6], [sflag:s4] =	dma.local [hbm:s3], $0xF7A  }
0x26: {  	[smem:$0x3F93] =	sst s1;
	(tag) =	ssettag s2;
	_ =	strace s9  }
0x27: {  	s1 =	sld [smem:$0x3FA3]  }
0x28: {  	s2 =	sld [smem:$0x3FA4]  }
0x29: {  	s4 =	sld [smem:$0x3FA6]  }
0x2a: {  	p0 =	seq.s32 s5, $0x0;
	s5 =	sld [smem:$0x3FA7]  }
0x2b: {  	s6 =	sld [smem:$0x3FA8]  }
0x2c: {  	s7 =	sld [smem:$0x3FA9]  }
0x2d: {  	s3 =	simm.s32 $0x108;
	s8 =	sld [smem:$0x3FAA]  }
0x2e: {  	s3 =	simm.s32 @!p0 $0x1082;
	s9 =	sld [smem:$0x3FAB]  }
0x2f: {  	lr =	sadd.s32 s0, s3;
	s0 =	sld [smem:$0x3FA2]  }
0x30: {  	s3 =	sld [smem:$0x3FA5]  }
0x31: {  	[smem:$0x3FAE] =	sst s10  }
0x32: {  	s10 =	sld [smem:$0x3FAC];
	_ =	sdelay $0x3  }
0x33: {  	p0 =	seq.s32 s10, $0x1;
	s10 =	sld [smem:$0x3FAE];
	_ =	sdelay $0x3  }
0x34: {  	[smem:$0x3FAE] =	sst s10  }
0x35: {  	s10 =	sld [smem:$0x3FAD];
	_ =	sdelay $0x3  }
0x36: {  	p1 =	seq.s32 s10, $0x1;
	s10 =	sld [smem:$0x3FAE];
	_ =	sdelay $0x3  }
0x37: {  	[smem:$0x3FAE] =	sst s10  }
0x38: {  	s10 =	sld [smem:$0x3FAF]  }
0x39: {  	_ = 	snop;
	(pc) =	sbr.ind lr, $3  }
0x3a: {  	_ = 	snop  }
0x3b: {  	_ = 	snop  }
0x3c: {  	p2 =	seq.s32 s10, $0x1;
	s10 =	sld [smem:$0x3FAE]  }
0x3d: {  	_ =	shalt  }
0x3e: {  	_ =	shalt  }
0x3f: {  	_ =	shalt  }
0x40: {  	_ =	shalt  }
0x41: {  	_ =	shalt  }
0x42: {  	_ =	shalt  }
0x43: {  	_ =	shalt  }
0x44: {  	_ =	shalt  }
0x45: {  	_ =	shalt  }
0x46: {  	_ =	shalt  }
0x47: {  	_ =	shalt  }
0x48: {  	_ =	shalt  }
0x49: {  	_ =	shalt  }
0x4a: {  	_ =	shalt  }
0x4b: {  	_ =	shalt  }
0x4c: {  	_ =	shalt  }
0x4d: {  	_ =	shalt  }
0x4e: {  	_ =	shalt  }
0x4f: {  	_ =	shalt  }
0x50: {  	_ =	shalt  }
0x51: {  	_ =	shalt  }
0x52: {  	_ =	shalt  }
0x53: {  	_ =	shalt  }
0x54: {  	_ =	shalt  }
0x55: {  	_ =	shalt  }
0x56: {  	_ =	shalt  }
0x57: {  	_ =	shalt  }
0x58: {  	_ =	shalt  }
0x59: {  	_ =	shalt  }
0x5a: {  	_ =	shalt  }
0x5b: {  	_ =	shalt  }
0x5c: {  	_ =	shalt  }
0x5d: {  	_ =	shalt  }
0x5e: {  	_ =	shalt  }
0x5f: {  	_ =	shalt  }
0x60: {  	_ =	shalt  }
0x61: {  	_ =	shalt  }
0x62: {  	_ =	shalt  }
0x63: {  	_ =	shalt  }
0x64: {  	_ =	shalt  }
0x65: {  	_ =	shalt  }
0x66: {  	_ =	shalt  }
0x67: {  	_ =	shalt  }
0x68: {  	_ =	shalt  }
0x69: {  	_ =	shalt  }
0x6a: {  	_ =	shalt  }
0x6b: {  	_ =	shalt  }
0x6c: {  	_ =	shalt  }
0x6d: {  	_ =	shalt  }
0x6e: {  	_ =	shalt  }
0x6f: {  	_ =	shalt  }
0x70: {  	_ =	shalt  }
0x71: {  	_ =	shalt  }
0x72: {  	_ =	shalt  }
0x73: {  	_ =	shalt  }
0x74: {  	_ =	shalt  }
0x75: {  	_ =	shalt  }
0x76: {  	_ =	shalt  }
0x77: {  	_ =	shalt  }
0x78: {  	_ =	shalt  }
0x79: {  	_ =	shalt  }
0x7a: {  	_ =	shalt  }
0x7b: {  	_ =	shalt  }
0x7c: {  	_ =	shalt  }
0x7d: {  	_ =	shalt  }
0x7e: {  	_ =	shalt  }
0x7f: {  	_ =	shalt  }
0x80: {  	_ =	shalt  }
0x81: {  	_ =	shalt  }
0x82: {  	_ =	shalt  }
0x83: {  	_ =	shalt  }
0x84: {  	_ =	shalt  }
0x85: {  	_ =	shalt  }
0x86: {  	_ =	shalt  }
0x87: {  	_ =	shalt  }
.Lfunc_end0:
.L_simem_size_0:
called_computation.3_lowered:
.L_overlay_start_0:
0x88: {  	s2 =	sld [smem:$0x3FD9]  }
0x89: {  	s3 =	sld [smem:$0x3FFE];
	_ =	sdelay $0x1  }
0x8a: {  	s1 =	srdreg.scid  }
0x8b: {  	s0 =	sand.u32 $0x1, s1  }
0x8c: {  	s17 =	sshll.u32 s0, $0xA;
	s2 =	sadd.s32 s3, s2  }
0x8d: {  	s2 =	sadd.s32 s2, s17  }
0x8e: {  	[smem:$0x3FBA] =	sst s2  }
0x8f: {  	_ = 	snop  }
0x90: {  	s18 =	sld [smem:$0x3FC6]  }
0x91: {  	s4 =	sld [smem:$0x3FC4];
	(tm) =	ssettm $0x1  }
0x92: {  	s19 =	sld [smem:$0x3FFB];
	_ =	sdelay $0x3  }
0x93: {  	_ =	strace s19  }
0x94: {  	s2 =	sld [smem:$0x3FFC];
	_ =	sdelay $0x3  }
0x95: {  	_ =	strace s2  }
0x96: {  	s2 =	sld [smem:$0x3FFD];
	_ =	sdelay $0x3  }
0x97: {  	_ =	strace s2  }
0x98: {  	_ =	strace $0x8FFFFFFF  }
0x99: {  	s20 =	sld [smem:$0x3FDB];
	_ =	sdelay $0x1  }
0x9a: {  	s5 =	simm.s32 $_scs_section_size  }
0x9b: {  	s6 =	simm.s32 $_size__tile_overlayer_lowered;
	s7 =	simm.s32 $_tile_overlayer_lowered  }
0x9c: {  	s8 =	simm.s32 $0x1BFF;
	s21 =	sshll.u32 s7, $0x1;
	s5 =	sadd.s32 s5, s20  }
0x9d: {  	s22 =	simm.s32 $0x0;
	s6 =	sshll.u32 s6, $0x1;
	s7 =	sadd.s32 s21, s5  }
0x9e: {  	[timem:s22], [sflag:s8] =	dma.local [hbm:s7], s6  }
0x9f: {  	_ =	swait.ge [sflag:s8], s6  }
0xa0: {  	s6 =	ssub.s32 $0x0, s6;
	[sflag:s8] =	ssyncset.done $0x0  }
0xa1: {  	[sflag:s8] =	ssyncadd.s32 s6;
	_ =	sdelay $0x1  }
0xa2: {  	s23 =	simm.s32 $0x1B8B  }
0xa3: {  	_ =	swait.ge [sflag:s23], $0x1  }
0xa4: {  	[sflag:s23] =	ssyncset.done $0x0  }
0xa5: {  	[sflag:s23] =	ssyncadd.s32 $0xFFFFFFFF  }
0xa6: {  	s6 =	sld [smem:$0x0]  }
0xa7: {  	s7 =	sand.u32 $0xFFFFFFFE, s1  }
0xa8: {  	p0 =	sne.s32 s1, s7  }
0xa9: {  	s7 =	sshll.u32 @p0 s7, $0xE  }
0xaa: {  	s7 =	sadd.s32 @p0 $0x11B8D, s7;
	s8 =	sshll.u32 @p0 s6, $0x11  }
0xab: {  	s7 =	sor.u32 @p0 s8, s7  }
0xac: {  	[sflag:s7] =	ssyncadd.remote.s32 @p0 $0x1;
	_ =	sdelay $0x1  }
0xad: {  	s7 =	simm.s32 @p0 $0x1B8D  }
0xae: {  	_ =	swait.eq @p0 [sflag:s7], $0x1  }
0xaf: {  	[sflag:s7] =	ssyncadd.s32 @p0 $0xFFFFFFFF  }
0xb0: {  	s8 =	sshll.u32 @!p0 s1, $0xE  }
0xb1: {  	s8 =	sor.u32 @!p0 $0x4000, s8;
	s7 =	simm.s32 @!p0 $0x1B8D  }
0xb2: {  	s6 =	sshll.u32 @!p0 s6, $0x11;
	s8 =	sadd.s32 @!p0 $0x11B8D, s8;
	_ =	swait.eq @!p0 [sflag:s7], $0x1  }
0xb3: {  	s6 =	sor.u32 @!p0 s6, s8;
	[sflag:s7] =	ssyncadd.s32 @!p0 $0xFFFFFFFF  }
0xb4: {  	s25 =	simm.s32 $0x1B8E;
	s24 =	sld [smem:$0x3FFE];
	[sflag:s6] =	ssyncadd.remote.s32 @!p0 $0x1  }
0xb5: {  	s26 =	simm.s32 $execute0_lowered;
	[smem:$0x3FD2] =	sst s25  }
0xb6: {  	s7 =	sshll.u32 s26, $0x1;
	_ =	strace $0x8000004F;
	[dreg:$0x1] =	wrdreg $0xFFFFFFFF  }
0xb7: {  	s28 =	simm.s32 $_size_execute0_lowered;
	s5 =	sadd.s32 s5, s7;
	[dreg:$0x0] =	wrdreg $0x0  }
0xb8: {  	s7 =	sshll.u32 s28, $0x1;
	[dreg:$0x2] =	wrdreg s5  }
0xb9: {  	[dreg:$0x3] =	wrdreg s7  }
0xba: {  	[dreg:$0x4] =	wrdreg $0xC0  }
0xbb: {  	_ =	task [dreg:s22], $0x5FFFF  }
0xbc: {  	[dreg:$0x1] =	wrdreg $0xFFFFFFFF  }
0xbd: {  	[dreg:$0x0] =	wrdreg $0x60  }
0xbe: {  	[dreg:$0x2] =	wrdreg s24  }
0xbf: {  	[dreg:$0x3] =	wrdreg s4  }
0xc0: {  	[dreg:$0x4] =	wrdreg s18  }
0xc1: {  	[dreg:$0x5] =	wrdreg $0xA  }
0xc2: {  	_ =	task.clear_ibuf [dreg:s22], $0x6FFFF;
	_ =	strace $0x9000004F  }
0xc3: {  	s29 =	simm.s32 $0xA;
	_ =	strace $0x80000051  }
0xc4: {  	_ =	swait.ge [sflag:s29], $0x1  }
0xc5: {  	[sflag:s29] =	ssyncadd.s32 $0xFFFFFFFF  }
0xc6: {  	_ =	strace $0x90000051  }
0xc7: {  	_ =	sfence  }
0xc8: {  	s30 =	sld [smem:$0x0];
	_ =	sdelay $0x2  }
0xc9: {  	s31 =	sshll.u32 s1, $0xD;
	s1 =	sshrl.u32 s1, $0x2  }
0xca: {  	s4 =	sand.u32 $0x4000, s31;
	s1 =	sadd.s32 s1, s30  }
0xcb: {  	s0 =	sor.u32 s4, s0;
	s1 =	sshll.u32 s1, $0x11  }
0xcc: {  	s0 =	sor.u32 s1, s0  }
0xcd: {  	s0 =	sadd.s32 $0x8F2B, s0  }
0xce: {  	[sflag:s0] =	ssyncadd.remote.s32 $0x1  }
0xcf: {  	_ =	sfence.sel $0xFFFF  }
0xd0: {  	[dreg:$0x0] =	wrdreg $0xFFFFFFFF;
	(pc) =	sbr.abs _section_cstart, $3  }
0xd1: {  	[dreg:$0x1] =	wrdreg $0xFFFFFFFF  }
0xd2: {  	_ =	task.clear_ibuf [dreg:s22], $0x2FFFF;
	_ =	strace $0x9FFFFFFF  }
0xd3: {  	(tm) =	ssettm $0x7FFFFFFF  }
tec
execute0_lowered:
.L_overlay_start_1:
0x0: {  	(tag) =	ssettag $0x1  }
0x1: {  	s0 =	srdreg.scid  }
0x2: {  	s4 =	stileid.u32;
	s1 =	rddreg [dreg:$0x0]  }
0x3: {  	s2 =	rddreg [dreg:$0x1];
	s10 =	simm.s32 $0x80;
	s11 =	simm.s32 $0x400  }
0x4: {  	s12 =	simm.s32 $0xC;
	s14 =	simm.s32 $0x500;
	s15 =	simm.s32 $0x7A1400  }
0x5: {  	s16 =	simm.s32 $0x10700;
	s17 =	simm.s32 $0x1A700;
	s25 =	simm.s32 $0xB  }
0x6: {  	s0 =	sand.u32 $0x1, s0;
	s3 =	sshll.u32 s4, $0x1;
	s5 =	sshll.u32 s4, $0x7  }
0x7: {  	s4 =	simm.s32 $0x0;
	s6 =	sor.u32 s0, s3;
	s3 =	rddreg [dreg:$0x2]  }
0x8: {  	[smem:$0x7FF] =	sst s4;
	s0 =	ssub.s32 $0x2, s0;
	s7 =	sshll.u32 s6, $0x4  }
.Ltmp0:
0x9: {  	_ =	strace $0x80000050;
	s8 =	sshrl.u32 s0, $0x1;
	(pc) =	sbr.rel .LBB2_1-.Ltmp0, $4  }
0xa: {  	v0 =	vlaneseq.u32;
	s31 =	sshll.u32 s6, $0x6;
	s5 =	sor.u32 s5, s7;
	s0 =	ssub.s32 s0, s8  }
0xb: {  	v0 =	vmul.u32 $0x80, v0;
	s8 =	sadd.s32 s1, s31;
	s5 =	sand.u32 $0x670, s5;
	s9 =	smax.u32 s0, $0x1  }
0xc: {  	s0 =	simm.s32 $0x0;
	s30 =	sadd.s32 s5, s1;
	s5 =	sadd.s32 $0x43800, s1  }
0xd: {  	v1 =	vor.u32 $0x800, v0;
	v2 =	vor.u32 $0x1000, v0;
	v3 =	vor.u32 $0x1800, v0;
	s1 =	simm.s32 $0xC700;
	s6 =	sadd.s32 $0x800, s30;
	s7 =	sadd.s32 $0x1800, s30  }
.LBB2_62:
0xe: {  	s13 =	simm.s32 $0x8;
	s18 =	simm.s32 $0x3  }
.LBB2_64:
0xf: {  	_ =	swait.ge [sflag:s18], $0x2000  }
0x10: {  	[sflag:s18] =	ssyncset.done $0x0  }
0x11: {  	[sflag:s18] =	ssyncadd.s32 $0xFFFFE000  }
0x12: {  	_ =	swait.ge [sflag:s13], $0x800  }
0x13: {  	[sflag:s13] =	ssyncset.done $0x0  }
0x14: {  	[sflag:s13] =	ssyncadd.s32 $0xFFFFF800  }
.LBB2_65:
0x15: {  	s13 =	simm.s32 $0x700  }
0x16: {  	[hbm4b:s5+s10] =	stream.indirect.scatter [tilespmem:s13], [sflag:$0xB], $0x80, s14, s10, $0xb8;
	[tilespmem:$0x1CF00] =	vst v63  }
0x17: {  	_ =	swait.ge [sflag:s25], $0x4000  }
0x18: {  	[sflag:s25] =	ssyncset.done $0x0  }
0x19: {  	s28 =	simm.s32 $0x580;
	s18 =	simm.s32 $0x4700;
	[sflag:s25] =	ssyncadd.s32 $0xFFFFC000  }
0x1a: {  	[hbm4b:s5+s10] =	stream.indirect.scatter [tilespmem:s18], [sflag:$0xB], $0x80, s28, s10, $0xb8;
	[tilespmem:$0x1CF00] =	vst v63  }
0x1b: {  	_ =	swait.ge [sflag:s25], $0x4000  }
0x1c: {  	[sflag:s25] =	ssyncset.done $0x0  }
0x1d: {  	s29 =	simm.s32 $0x600;
	s30 =	simm.s32 $0x8700;
	[sflag:s25] =	ssyncadd.s32 $0xFFFFC000  }
0x1e: {  	[hbm4b:s5+s10] =	stream.indirect.scatter [tilespmem:s30], [sflag:$0xB], $0x80, s29, s10, $0xb8;
	[tilespmem:$0x1CF00] =	vst v63  }
0x1f: {  	s0 =	sadd.s32 $0x1, s0;
	_ =	swait.ge [sflag:s25], $0x4000  }
0x20: {  	p0 =	sne.s32 s0, s9;
	[sflag:s25] =	ssyncset.done $0x0  }
.Ltmp1:
0x21: {  	s31 =	simm.s32 $0x680;
	[sflag:s25] =	ssyncadd.s32 $0xFFFFC000;
	(pc) =	sbr.rel @!p0 .LBB2_66-.Ltmp1, $4  }
0x22: {  	[hbm4b:s5+s10] =	stream.indirect.scatter [tilespmem:s1], [sflag:$0xB], $0x80, s31, s10, $0xb8;
	[tilespmem:$0x1CF00] =	vst v63  }
0x23: {  	_ =	swait.ge [sflag:s25], $0x4000  }
0x24: {  	[sflag:s25] =	ssyncset.done $0x0  }
0x25: {  	[sflag:s25] =	ssyncadd.s32 $0xFFFFC000  }
.LBB2_1:
0x26: {  	[tilespmem:s4], [sflag:$0xC] =	stream.strided.gather [hbm4b:s6+s10], $0x200, s11, s10, $0x38;
	[tilespmem:$0x1CF00] =	vst v63  }
0x27: {  	_ =	swait.ge [sflag:s12], $0x200  }
0x28: {  	[sflag:s12] =	ssyncset.done $0x0  }
0x29: {  	s13 =	simm.s32 $0x280;
	[sflag:s12] =	ssyncadd.s32 $0xFFFFFE00  }
0x2a: {  	[tilespmem:s13], [sflag:$0xC] =	stream.strided.gather [hbm4b:s7+s10], $0x200, s11, s10, $0x38;
	[tilespmem:$0x1CF00] =	vst v63  }
0x2b: {  	_ =	swait.ge [sflag:s12], $0x200  }
0x2c: {  	[sflag:s12] =	ssyncset.done $0x0  }
0x2d: {  	[sflag:s12] =	ssyncadd.s32 $0xFFFFFE00  }
0x2e: {  	[tilespmem:s14], [sflag:$0xC] =	stream.linear.gather [hbm4b:s8+s4], $0x200, $0x38;
	[tilespmem:$0x1CF00] =	vst v63  }
0x2f: {  	_ =	swait.ge [sflag:s12], $0x200  }
0x30: {  	[sflag:s12] =	ssyncset.done $0x0  }
0x31: {  	[sflag:s12] =	ssyncadd.s32 $0xFFFFFE00  }
0x32: {  	v4 =	vld [tilespmem:$0x280];
	_ =	sdelay $0x4  }
0x33: {  	(v2sf) =	vpush v4, $0x0;
	_ =	sdelay $0xe  }
0x34: {  	s18 =	spop (v2sf)  }
0x35: {  	s13 =	sshll.u32 s18, $0x7  }
0x36: {  	s13 =	sand.u32 $0x1FFFFF80, s13  }
0x37: {  	s18 =	sadd.s32 s2, s13  }
0x38: {  	[tilespmem:s16], [sflag:$0x1] =	stream.strided.gather [hbm4b:s18+s11], $0x2000, s15, s11, $0x38;
	[tilespmem:$0x1CF00] =	vst v63  }
0x39: {  	s13 =	sadd.s32 s3, s13  }
0x3a: {  	[tilespmem:s17], [sflag:$0x6] =	stream.strided.gather [hbm4b:s13+s11], $0x800, s15, s11, $0x38;
	[tilespmem:$0x1CF00] =	vst v63  }
0x3b: {  	v4 =	vld [tilespmem:$0x281];
	_ =	sdelay $0x4  }
0x3c: {  	(v2sf) =	vpush v4, $0x0;
	_ =	sdelay $0xe  }
0x3d: {  	s19 =	spop (v2sf)  }
0x3e: {  	s13 =	sshll.u32 s19, $0x7  }
0x3f: {  	s13 =	sand.u32 $0x1FFFFF80, s13  }
0x40: {  	s19 =	simm.s32 $0x12700;
	s20 =	sadd.s32 s2, s13  }
0x41: {  	[tilespmem:s19], [sflag:$0x2] =	stream.strided.gather [hbm4b:s20+s11], $0x2000, s15, s11, $0x38;
	[tilespmem:$0x1CF00] =	vst v63  }
0x42: {  	s21 =	simm.s32 $0x1AF00;
	s13 =	sadd.s32 s3, s13  }
0x43: {  	[tilespmem:s21], [sflag:$0x7] =	stream.strided.gather [hbm4b:s13+s11], $0x800, s15, s11, $0x38;
	[tilespmem:$0x1CF00] =	vst v63  }
0x44: {  	v4 =	vld [tilespmem:$0x282];
	_ =	sdelay $0x4  }
0x45: {  	(v2sf) =	vpush v4, $0x0;
	_ =	sdelay $0xe  }
0x46: {  	s22 =	spop (v2sf)  }
0x47: {  	s13 =	sshll.u32 s22, $0x7  }
0x48: {  	s13 =	sand.u32 $0x1FFFFF80, s13  }
0x49: {  	s24 =	simm.s32 $0x14700;
	s23 =	sadd.s32 s2, s13  }
0x4a: {  	[tilespmem:s24], [sflag:$0x3] =	stream.strided.gather [hbm4b:s23+s11], $0x2000, s15, s11, $0x38;
	[tilespmem:$0x1CF00] =	vst v63  }
0x4b: {  	s26 =	simm.s32 $0x1B700;
	s13 =	sadd.s32 s3, s13  }
0x4c: {  	[tilespmem:s26], [sflag:$0x8] =	stream.strided.gather [hbm4b:s13+s11], $0x800, s15, s11, $0x38;
	[tilespmem:$0x1CF00] =	vst v63  }
0x4d: {  	v4 =	vld [tilespmem:$0x283];
	_ =	sdelay $0x4  }
0x4e: {  	(v2sf) =	vpush v4, $0x0;
	_ =	sdelay $0xe  }
0x4f: {  	s28 =	spop (v2sf)  }
0x50: {  	s13 =	sshll.u32 s28, $0x7  }
0x51: {  	s13 =	sand.u32 $0x1FFFFF80, s13  }
.Ltmp2:
0x52: {  	s30 =	simm.s32 $0x16700;
	s29 =	sadd.s32 s2, s13;
	(pc) =	sbr.rel .LBB2_2-.Ltmp2, $4  }
0x53: {  	[tilespmem:s30], [sflag:$0x4] =	stream.strided.gather [hbm4b:s29+s11], $0x2000, s15, s11, $0x38;
	[tilespmem:$0x1CF00] =	vst v63  }
0x54: {  	s31 =	simm.s32 $0x1BF00;
	s13 =	sadd.s32 s3, s13  }
0x55: {  	[tilespmem:s31], [sflag:$0x9] =	stream.strided.gather [hbm4b:s13+s11], $0x800, s15, s11, $0x38;
	[tilespmem:$0x1CF00] =	vst v63  }
0x56: {  	s18 =	simm.s32 $0x720;
	s19 =	simm.s32 $0x0;
	s13 =	simm.s32 $0xFFFFFFFF  }
.LBB2_12:
0x57: {  	s23 =	simm.s32 $0x8;
	s24 =	simm.s32 $0x3  }
.LBB2_14:
0x58: {  	_ =	swait.ge [sflag:s24], $0x2000  }
0x59: {  	[sflag:s24] =	ssyncset.done $0x0  }
0x5a: {  	[sflag:s24] =	ssyncadd.s32 $0xFFFFE000  }
0x5b: {  	_ =	swait.ge [sflag:s23], $0x800  }
0x5c: {  	[sflag:s23] =	ssyncset.done $0x0  }
0x5d: {  	[sflag:s23] =	ssyncadd.s32 $0xFFFFF800  }
.LBB2_15:
0x5e: {  	s23 =	sadd.s32 $0x4, s13  }
0x5f: {  	p1 =	slt.s32 s23, $0x1FF;
	s24 =	smov.u32 s23  }
0x60: {  	s24 =	simm.s32 @!p1 $0x1FF  }
0x61: {  	v4 =	vld [tilespmem:s24+$0x280];
	_ =	sdelay $0x4  }
0x62: {  	(v2sf) =	vpush v4, $0x0;
	_ =	sdelay $0x1  }
0x63: {  	s31 =	smulhi.u32 $0x66666667, s23;
	s26 =	sshra.s32 s23, $0x1F  }
0x64: {  	s26 =	smul.u32 $0x66666667, s26;
	_ =	sdelay $0x1  }
0x65: {  	s24 =	sadd.s32 s26, s31  }
0x66: {  	s26 =	sshrl.u32 s24, $0x1F;
	s24 =	sshra.s32 s24, $0x1  }
0x67: {  	s24 =	sadd.s32 s26, s24  }
0x68: {  	s24 =	smul.u32 $0x5, s24;
	_ =	sdelay $0x1  }
0x69: {  	s23 =	ssub.s32 s23, s24  }
0x6a: {  	p1 =	slt.s32 s23, $0x0;
	s24 =	sadd.s32 $0x5, s23  }
0x6b: {  	s23 =	smov.u32 @p1 s24  }
0x6c: {  	p1 =	sgt.s32 s23, $0x1  }
0x6d: {  	p2 =	seq.s32 @p1 s23, $0x2  }
0x6e: {  	p3 =	por !p2, !p1;
	s24 =	spop (v2sf)  }
0x6f: {  	s26 =	sshll.u32 @!p3 s24, $0x7  }
0x70: {  	s29 =	simm.s32 @!p3 $0x400;
	s26 =	sand.u32 @!p3 $0x1FFFFF80, s26  }
0x71: {  	s30 =	simm.s32 @!p3 $0x7A1400;
	s31 =	simm.s32 @!p3 $0x14700;
	s28 =	sadd.s32 @!p3 s2, s26  }
0x72: {  	[tilespmem:s31], [sflag:$0x3] =	stream.strided.gather @!p3 [hbm4b:s28+s29], $0x2000, s30, s29, $0x38;
	[tilespmem:$0x1CF00] =	vst v63  }
0x73: {  	s26 =	sadd.s32 @!p3 s3, s26;
	s28 =	simm.s32 @!p3 $0x1B700  }
0x74: {  	[tilespmem:s28], [sflag:$0x8] =	stream.strided.gather @!p3 [hbm4b:s26+s29], $0x800, s30, s29, $0x38;
	[tilespmem:$0x1CF00] =	vst v63  }
0x75: {  	p3 =	por p2, !p1  }
0x76: {  	p4 =	seq.s32 @!p3 s23, $0x3  }
0x77: {  	p5 =	por @p1 !p4, p2  }
0x78: {  	p5 =	por p5, !p1  }
0x79: {  	s26 =	sshll.u32 @!p5 s24, $0x7  }
0x7a: {  	s29 =	simm.s32 @!p5 $0x400;
	s26 =	sand.u32 @!p5 $0x1FFFFF80, s26  }
0x7b: {  	s30 =	simm.s32 @!p5 $0x7A1400;
	s31 =	simm.s32 @!p5 $0x16700;
	s28 =	sadd.s32 @!p5 s2, s26  }
0x7c: {  	[tilespmem:s31], [sflag:$0x4] =	stream.strided.gather @!p5 [hbm4b:s28+s29], $0x2000, s30, s29, $0x38;
	[tilespmem:$0x1CF00] =	vst v63  }
0x7d: {  	s26 =	sadd.s32 @!p5 s3, s26;
	s28 =	simm.s32 @!p5 $0x1BF00  }
0x7e: {  	[tilespmem:s28], [sflag:$0x9] =	stream.strided.gather @!p5 [hbm4b:s26+s29], $0x800, s30, s29, $0x38;
	[tilespmem:$0x1CF00] =	vst v63  }
0x7f: {  	p5 =	por @p1 p4, p2  }
0x80: {  	p5 =	por p5, !p1  }
0x81: {  	p5 =	seq.s32 @!p5 s23, $0x4  }
0x82: {  	p3 =	por @!p3 !p5, p4  }
0x83: {  	p2 =	por @p1 p3, p2  }
0x84: {  	p2 =	por p2, !p1  }
0x85: {  	s26 =	sshll.u32 @!p2 s24, $0x7  }
0x86: {  	s29 =	simm.s32 @!p2 $0x400;
	s26 =	sand.u32 @!p2 $0x1FFFFF80, s26  }
0x87: {  	s30 =	simm.s32 @!p2 $0x7A1400;
	s31 =	simm.s32 @!p2 $0x18700;
	s28 =	sadd.s32 @!p2 s2, s26  }
0x88: {  	[tilespmem:s31], [sflag:$0x5] =	stream.strided.gather @!p2 [hbm4b:s28+s29], $0x2000, s30, s29, $0x38;
	[tilespmem:$0x1CF00] =	vst v63  }
0x89: {  	s26 =	sadd.s32 @!p2 s3, s26;
	s28 =	simm.s32 @!p2 $0x1C700  }
0x8a: {  	[tilespmem:s28], [sflag:$0xA] =	stream.strided.gather @!p2 [hbm4b:s26+s29], $0x800, s30, s29, $0x38;
	[tilespmem:$0x1CF00] =	vst v63  }
0x8b: {  	p2 =	seq.s32 @!p1 s23, $0x0  }
0x8c: {  	p3 =	por !p2, p1  }
0x8d: {  	s26 =	sshll.u32 @!p3 s24, $0x7  }
0x8e: {  	s29 =	simm.s32 @!p3 $0x400;
	s26 =	sand.u32 @!p3 $0x1FFFFF80, s26  }
0x8f: {  	s30 =	simm.s32 @!p3 $0x7A1400;
	s31 =	simm.s32 @!p3 $0x10700;
	s28 =	sadd.s32 @!p3 s2, s26  }
0x90: {  	[tilespmem:s31], [sflag:$0x1] =	stream.strided.gather @!p3 [hbm4b:s28+s29], $0x2000, s30, s29, $0x38;
	[tilespmem:$0x1CF00] =	vst v63  }
0x91: {  	s26 =	sadd.s32 @!p3 s3, s26;
	s28 =	simm.s32 @!p3 $0x1A700  }
0x92: {  	[tilespmem:s28], [sflag:$0x6] =	stream.strided.gather @!p3 [hbm4b:s26+s29], $0x800, s30, s29, $0x38;
	[tilespmem:$0x1CF00] =	vst v63  }
0x93: {  	p3 =	por p2, p1  }
0x94: {  	p3 =	seq.s32 @!p3 s23, $0x1  }
0x95: {  	p2 =	por @!p1 !p3, p2  }
0x96: {  	p1 =	por p2, p1  }
0x97: {  	s23 =	sshll.u32 @!p1 s24, $0x7  }
0x98: {  	s26 =	simm.s32 @!p1 $0x400;
	s23 =	sand.u32 @!p1 $0x1FFFFF80, s23  }
0x99: {  	s28 =	simm.s32 @!p1 $0x7A1400;
	s29 =	simm.s32 @!p1 $0x12700;
	s24 =	sadd.s32 @!p1 s2, s23  }
0x9a: {  	[tilespmem:s29], [sflag:$0x2] =	stream.strided.gather @!p1 [hbm4b:s24+s26], $0x2000, s28, s26, $0x38;
	[tilespmem:$0x1CF00] =	vst v63  }
0x9b: {  	s23 =	sadd.s32 @!p1 s3, s23;
	s24 =	simm.s32 @!p1 $0x1AF00  }
0x9c: {  	[tilespmem:s24], [sflag:$0x7] =	stream.strided.gather @!p1 [hbm4b:s23+s26], $0x800, s28, s26, $0x38;
	[tilespmem:$0x1CF00] =	vst v63  }
.LBB2_16:
0x9d: {  	s21 =	smov.u32 @p0 s22  }
0x9e: {  	v4 =	vmov s21  }
0x9f: {  	s20 =	sand.u32 $0x7F, s20;
	v5 =	vshll.u32 v4, $0xD  }
0xa0: {  	v5 =	vor.u32 s20, v5  }
0xa1: {  	v6 =	vor.u32 v0, v5;
	_ =	sdelay $0x4  }
0xa2: {  	v6 =	vld.idx.msk [tilespmem:v6+s16+$0x0], $0xffff  }
0xa3: {  	v7 =	vor.u32 v1, v5;
	_ =	sdelay $0x3  }
0xa4: {  	[tilespmem:s18+$0xFFFFFFE0] =	vst v6  }
0xa5: {  	v6 =	vld.idx.msk [tilespmem:v7+s16+$0x0], $0xffff  }
0xa6: {  	v63 =	vor.u32 v2, v5;
	_ =	sdelay $0x3  }
0xa7: {  	[tilespmem:s18+$0xFFFFFFF0] =	vst v6  }
0xa8: {  	v6 =	vld.idx.msk [tilespmem:v63+s16+$0x0], $0xffff  }
0xa9: {  	v5 =	vor.u32 v3, v5;
	_ =	sdelay $0x3  }
0xaa: {  	v4 =	vshll.u32 v4, $0xB;
	[tilespmem:s18+$0x0] =	vst v6  }
0xab: {  	v4 =	vor.u32 s20, v4;
	v5 =	vld.idx.msk [tilespmem:v5+s16+$0x0], $0xffff  }
0xac: {  	v4 =	vor.u32 v0, v4;
	_ =	sdelay $0x3  }
0xad: {  	s19 =	sadd.s32 $0x4, s19;
	[tilespmem:s18+$0x10] =	vst v5  }
0xae: {  	p0 =	sne.s32 s19, $0x800;
	v4 =	vld.idx.msk [tilespmem:v4+s17+$0x0], $0xffff  }
.Ltmp3:
0xaf: {  	_ = 	snop;
	(pc) =	sbr.rel @!p0 .LBB2_17-.Ltmp3, $2  }
0xb0: {  	_ =	sdelay $0x2  }
0xb1: {  	[tilespmem:s18+$0x20] =	vst v4;
	s18 =	sadd.s32 $0x80, s18  }
.LBB2_2:
0xb2: {  	s20 =	sshra.s32 s19, $0x2  }
0xb3: {  	v4 =	vld [tilespmem:s20+$0x0];
	_ =	sdelay $0x4  }
0xb4: {  	(v2sf) =	vpush v4, $0x0;
	_ =	sdelay $0xe  }
0xb5: {  	s20 =	spop (v2sf)  }
0xb6: {  	s22 =	sshra.s32 s20, $0x1F  }
0xb7: {  	s21 =	smov.u32 s13;
	s13 =	sshra.s32 s20, $0x7;
	s22 =	smul.u32 $0x66666667, s22  }
0xb8: {  	s23 =	smulhi.u32 $0x66666667, s13;
	_ =	sdelay $0x1  }
0xb9: {  	s22 =	sadd.s32 s22, s23  }
0xba: {  	p1 =	sgt.s32 s13, s21;
	s23 =	sshrl.u32 s22, $0x1F;
	s22 =	sshra.s32 s22, $0x1  }
.Ltmp4:
0xbb: {  	s22 =	sadd.s32 s23, s22;
	(pc) =	sbr.rel @!p1 .LBB2_16-.Ltmp4, $3  }
0xbc: {  	s22 =	smul.u32 $0x5, s22;
	_ =	sdelay $0x1  }
0xbd: {  	s21 =	ssub.s32 s13, s22  }
0xbe: {  	p0 =	slt.s32 s21, $0x0;
	s22 =	sadd.s32 $0x5, s21  }
0xbf: {  	s22 =	sadd.s32 $0x5, s21;
	s23 =	smov.u32 s21  }
0xc0: {  	s23 =	smov.u32 @p0 s22  }
0xc1: {  	p1 =	sgt.s32 s23, $0x1  }
.Ltmp5:
0xc2: {  	_ = 	snop;
	(pc) =	sbr.rel @!p1 .LBB2_4-.Ltmp5, $1  }
0xc3: {  	_ =	sdelay $0x3  }
0xc4: {  	p1 =	seq.s32 s23, $0x2  }
.Ltmp6:
0xc5: {  	_ = 	snop;
	(pc) =	sbr.rel @p1 .LBB2_12-.Ltmp6, $1  }
0xc6: {  	_ =	sdelay $0x3  }
0xc7: {  	p1 =	seq.s32 s23, $0x3  }
.Ltmp7:
0xc8: {  	_ = 	snop;
	(pc) =	sbr.rel @p1 .LBB2_13-.Ltmp7, $1  }
0xc9: {  	_ =	sdelay $0x3  }
0xca: {  	p1 =	seq.s32 s23, $0x4  }
.Ltmp8:
0xcb: {  	_ = 	snop;
	(pc) =	sbr.rel @!p1 .LBB2_15-.Ltmp8, $1  }
0xcc: {  	_ =	sdelay $0x3  }
.Ltmp9:
0xcd: {  	(pc) =	sbr.rel .LBB2_14-.Ltmp9, $2  }
0xce: {  	_ =	sdelay $0x2  }
0xcf: {  	s23 =	simm.s32 $0xA;
	s24 =	simm.s32 $0x5  }
.LBB2_4:
0xd0: {  	p1 =	seq.s32 s23, $0x0  }
.Ltmp10:
0xd1: {  	_ = 	snop;
	(pc) =	sbr.rel @p1 .LBB2_5-.Ltmp10, $1  }
0xd2: {  	_ =	sdelay $0x3  }
0xd3: {  	p1 =	seq.s32 s23, $0x1  }
.Ltmp11:
0xd4: {  	_ = 	snop;
	(pc) =	sbr.rel @!p1 .LBB2_15-.Ltmp11, $1  }
0xd5: {  	_ =	sdelay $0x3  }
.Ltmp12:
0xd6: {  	(pc) =	sbr.rel .LBB2_14-.Ltmp12, $2  }
0xd7: {  	_ =	sdelay $0x2  }
0xd8: {  	s23 =	simm.s32 $0x7;
	s24 =	simm.s32 $0x2  }
.LBB2_13:
.Ltmp13:
0xd9: {  	(pc) =	sbr.rel .LBB2_14-.Ltmp13, $2  }
0xda: {  	_ =	sdelay $0x2  }
0xdb: {  	s23 =	simm.s32 $0x9;
	s24 =	simm.s32 $0x4  }
.LBB2_5:
.Ltmp14:
0xdc: {  	(pc) =	sbr.rel .LBB2_14-.Ltmp14, $2  }
0xdd: {  	_ =	sdelay $0x2  }
0xde: {  	s23 =	simm.s32 $0x6;
	s24 =	simm.s32 $0x1  }
.LBB2_17:
0xdf: {  	s18 =	sadd.s32 $0x1, s13  }
0xe0: {  	s19 =	smulhi.u32 $0x66666667, s18;
	s20 =	sshra.s32 s18, $0x1F  }
0xe1: {  	s20 =	smul.u32 $0x66666667, s20;
	_ =	sdelay $0x1  }
0xe2: {  	s19 =	sadd.s32 s20, s19  }
0xe3: {  	s20 =	sshrl.u32 s19, $0x1F;
	s19 =	sshra.s32 s19, $0x1  }
0xe4: {  	s19 =	sadd.s32 s20, s19  }
0xe5: {  	s19 =	smul.u32 $0x5, s19;
	_ =	sdelay $0x1  }
0xe6: {  	s18 =	ssub.s32 s18, s19  }
0xe7: {  	p0 =	slt.s32 s18, $0x0;
	s19 =	sadd.s32 $0x5, s18  }
0xe8: {  	s18 =	smov.u32 @p0 s19  }
0xe9: {  	p0 =	sgt.s32 s18, $0x1  }
.Ltmp15:
0xea: {  	_ = 	snop;
	(pc) =	sbr.rel @!p0 .LBB2_18-.Ltmp15, $1  }
0xeb: {  	_ =	sdelay $0x3  }
0xec: {  	p0 =	seq.s32 s18, $0x2  }
.Ltmp16:
0xed: {  	_ = 	snop;
	(pc) =	sbr.rel @p0 .LBB2_26-.Ltmp16, $1  }
0xee: {  	_ =	sdelay $0x3  }
0xef: {  	p0 =	seq.s32 s18, $0x3  }
.Ltmp17:
0xf0: {  	_ = 	snop;
	(pc) =	sbr.rel @p0 .LBB2_27-.Ltmp17, $1  }
0xf1: {  	_ =	sdelay $0x3  }
0xf2: {  	p0 =	seq.s32 s18, $0x4  }
.Ltmp18:
0xf3: {  	_ = 	snop;
	(pc) =	sbr.rel @!p0 .LBB2_29-.Ltmp18, $1  }
0xf4: {  	_ =	sdelay $0x3  }
.Ltmp19:
0xf5: {  	(pc) =	sbr.rel .LBB2_28-.Ltmp19, $2  }
0xf6: {  	_ =	sdelay $0x2  }
0xf7: {  	s18 =	simm.s32 $0xA;
	s19 =	simm.s32 $0x5  }
.LBB2_18:
0xf8: {  	p0 =	seq.s32 s18, $0x0  }
.Ltmp20:
0xf9: {  	_ = 	snop;
	(pc) =	sbr.rel @p0 .LBB2_19-.Ltmp20, $1  }
0xfa: {  	_ =	sdelay $0x3  }
0xfb: {  	p0 =	seq.s32 s18, $0x1  }
.Ltmp21:
0xfc: {  	_ = 	snop;
	(pc) =	sbr.rel @!p0 .LBB2_29-.Ltmp21, $1  }
0xfd: {  	_ =	sdelay $0x3  }
.Ltmp22:
0xfe: {  	(pc) =	sbr.rel .LBB2_28-.Ltmp22, $2  }
0xff: {  	_ =	sdelay $0x2  }
0x100: {  	s18 =	simm.s32 $0x7;
	s19 =	simm.s32 $0x2  }
.LBB2_26:
.Ltmp23:
0x101: {  	(pc) =	sbr.rel .LBB2_28-.Ltmp23, $2  }
0x102: {  	_ =	sdelay $0x2  }
0x103: {  	s18 =	simm.s32 $0x8;
	s19 =	simm.s32 $0x3  }
.LBB2_27:
.Ltmp24:
0x104: {  	(pc) =	sbr.rel .LBB2_28-.Ltmp24, $2  }
0x105: {  	_ =	sdelay $0x2  }
0x106: {  	s18 =	simm.s32 $0x9;
	s19 =	simm.s32 $0x4  }
.LBB2_19:
0x107: {  	s18 =	simm.s32 $0x6;
	s19 =	simm.s32 $0x1  }
.LBB2_28:
0x108: {  	_ =	swait.ge [sflag:s19], $0x2000  }
0x109: {  	[sflag:s19] =	ssyncset.done $0x0  }
0x10a: {  	[sflag:s19] =	ssyncadd.s32 $0xFFFFE000  }
0x10b: {  	_ =	swait.ge [sflag:s18], $0x800  }
0x10c: {  	[sflag:s18] =	ssyncset.done $0x0  }
0x10d: {  	[sflag:s18] =	ssyncadd.s32 $0xFFFFF800  }
.LBB2_29:
0x10e: {  	s18 =	sadd.s32 $0x2, s13  }
0x10f: {  	s19 =	smulhi.u32 $0x66666667, s18;
	s20 =	sshra.s32 s18, $0x1F  }
0x110: {  	s20 =	smul.u32 $0x66666667, s20;
	_ =	sdelay $0x1  }
0x111: {  	s19 =	sadd.s32 s20, s19  }
0x112: {  	s20 =	sshrl.u32 s19, $0x1F;
	s19 =	sshra.s32 s19, $0x1  }
0x113: {  	s19 =	sadd.s32 s20, s19  }
0x114: {  	s19 =	smul.u32 $0x5, s19;
	_ =	sdelay $0x1  }
0x115: {  	s18 =	ssub.s32 s18, s19  }
0x116: {  	p0 =	slt.s32 s18, $0x0;
	s19 =	sadd.s32 $0x5, s18  }
0x117: {  	s18 =	smov.u32 @p0 s19  }
0x118: {  	p0 =	sgt.s32 s18, $0x1  }
.Ltmp25:
0x119: {  	_ = 	snop;
	(pc) =	sbr.rel @!p0 .LBB2_30-.Ltmp25, $1  }
0x11a: {  	_ =	sdelay $0x3  }
0x11b: {  	p0 =	seq.s32 s18, $0x2  }
.Ltmp26:
0x11c: {  	_ = 	snop;
	(pc) =	sbr.rel @p0 .LBB2_38-.Ltmp26, $1  }
0x11d: {  	_ =	sdelay $0x3  }
0x11e: {  	p0 =	seq.s32 s18, $0x3  }
.Ltmp27:
0x11f: {  	_ = 	snop;
	(pc) =	sbr.rel @p0 .LBB2_39-.Ltmp27, $1  }
0x120: {  	_ =	sdelay $0x3  }
0x121: {  	p0 =	seq.s32 s18, $0x4  }
.Ltmp28:
0x122: {  	_ = 	snop;
	(pc) =	sbr.rel @!p0 .LBB2_41-.Ltmp28, $1  }
0x123: {  	_ =	sdelay $0x3  }
.Ltmp29:
0x124: {  	(pc) =	sbr.rel .LBB2_40-.Ltmp29, $2  }
0x125: {  	_ =	sdelay $0x2  }
0x126: {  	s18 =	simm.s32 $0xA;
	s19 =	simm.s32 $0x5  }
.LBB2_30:
0x127: {  	p0 =	seq.s32 s18, $0x0  }
.Ltmp30:
0x128: {  	_ = 	snop;
	(pc) =	sbr.rel @p0 .LBB2_31-.Ltmp30, $1  }
0x129: {  	_ =	sdelay $0x3  }
0x12a: {  	p0 =	seq.s32 s18, $0x1  }
.Ltmp31:
0x12b: {  	_ = 	snop;
	(pc) =	sbr.rel @!p0 .LBB2_41-.Ltmp31, $1  }
0x12c: {  	_ =	sdelay $0x3  }
.Ltmp32:
0x12d: {  	(pc) =	sbr.rel .LBB2_40-.Ltmp32, $2  }
0x12e: {  	_ =	sdelay $0x2  }
0x12f: {  	s18 =	simm.s32 $0x7;
	s19 =	simm.s32 $0x2  }
.LBB2_38:
.Ltmp33:
0x130: {  	(pc) =	sbr.rel .LBB2_40-.Ltmp33, $2  }
0x131: {  	_ =	sdelay $0x2  }
0x132: {  	s18 =	simm.s32 $0x8;
	s19 =	simm.s32 $0x3  }
.LBB2_39:
.Ltmp34:
0x133: {  	(pc) =	sbr.rel .LBB2_40-.Ltmp34, $2  }
0x134: {  	_ =	sdelay $0x2  }
0x135: {  	s18 =	simm.s32 $0x9;
	s19 =	simm.s32 $0x4  }
.LBB2_31:
0x136: {  	s18 =	simm.s32 $0x6;
	s19 =	simm.s32 $0x1  }
.LBB2_40:
0x137: {  	_ =	swait.ge [sflag:s19], $0x2000  }
0x138: {  	[sflag:s19] =	ssyncset.done $0x0  }
0x139: {  	[sflag:s19] =	ssyncadd.s32 $0xFFFFE000  }
0x13a: {  	_ =	swait.ge [sflag:s18], $0x800  }
0x13b: {  	[sflag:s18] =	ssyncset.done $0x0  }
0x13c: {  	[sflag:s18] =	ssyncadd.s32 $0xFFFFF800  }
.LBB2_41:
0x13d: {  	s18 =	sadd.s32 $0x3, s13  }
0x13e: {  	s19 =	smulhi.u32 $0x66666667, s18;
	s20 =	sshra.s32 s18, $0x1F  }
0x13f: {  	s20 =	smul.u32 $0x66666667, s20;
	_ =	sdelay $0x1  }
0x140: {  	s19 =	sadd.s32 s20, s19  }
0x141: {  	s20 =	sshrl.u32 s19, $0x1F;
	s19 =	sshra.s32 s19, $0x1  }
0x142: {  	s19 =	sadd.s32 s20, s19  }
0x143: {  	s19 =	smul.u32 $0x5, s19;
	_ =	sdelay $0x1  }
0x144: {  	s18 =	ssub.s32 s18, s19  }
0x145: {  	p0 =	slt.s32 s18, $0x0;
	s19 =	sadd.s32 $0x5, s18  }
0x146: {  	s18 =	smov.u32 @p0 s19  }
0x147: {  	p0 =	sgt.s32 s18, $0x1  }
.Ltmp35:
0x148: {  	_ = 	snop;
	(pc) =	sbr.rel @!p0 .LBB2_42-.Ltmp35, $1  }
0x149: {  	_ =	sdelay $0x3  }
0x14a: {  	p0 =	seq.s32 s18, $0x2  }
.Ltmp36:
0x14b: {  	_ = 	snop;
	(pc) =	sbr.rel @p0 .LBB2_50-.Ltmp36, $1  }
0x14c: {  	_ =	sdelay $0x3  }
0x14d: {  	p0 =	seq.s32 s18, $0x3  }
.Ltmp37:
0x14e: {  	_ = 	snop;
	(pc) =	sbr.rel @p0 .LBB2_51-.Ltmp37, $1  }
0x14f: {  	_ =	sdelay $0x3  }
0x150: {  	p0 =	seq.s32 s18, $0x4  }
.Ltmp38:
0x151: {  	_ = 	snop;
	(pc) =	sbr.rel @!p0 .LBB2_53-.Ltmp38, $1  }
0x152: {  	_ =	sdelay $0x3  }
.Ltmp39:
0x153: {  	(pc) =	sbr.rel .LBB2_52-.Ltmp39, $2  }
0x154: {  	_ =	sdelay $0x2  }
0x155: {  	s18 =	simm.s32 $0xA;
	s19 =	simm.s32 $0x5  }
.LBB2_42:
0x156: {  	p0 =	seq.s32 s18, $0x0  }
.Ltmp40:
0x157: {  	_ = 	snop;
	(pc) =	sbr.rel @p0 .LBB2_43-.Ltmp40, $1  }
0x158: {  	_ =	sdelay $0x3  }
0x159: {  	p0 =	seq.s32 s18, $0x1  }
.Ltmp41:
0x15a: {  	_ = 	snop;
	(pc) =	sbr.rel @!p0 .LBB2_53-.Ltmp41, $1  }
0x15b: {  	_ =	sdelay $0x3  }
.Ltmp42:
0x15c: {  	(pc) =	sbr.rel .LBB2_52-.Ltmp42, $2  }
0x15d: {  	_ =	sdelay $0x2  }
0x15e: {  	s18 =	simm.s32 $0x7;
	s19 =	simm.s32 $0x2  }
.LBB2_50:
.Ltmp43:
0x15f: {  	(pc) =	sbr.rel .LBB2_52-.Ltmp43, $2  }
0x160: {  	_ =	sdelay $0x2  }
0x161: {  	s18 =	simm.s32 $0x8;
	s19 =	simm.s32 $0x3  }
.LBB2_51:
.Ltmp44:
0x162: {  	(pc) =	sbr.rel .LBB2_52-.Ltmp44, $2  }
0x163: {  	_ =	sdelay $0x2  }
0x164: {  	s18 =	simm.s32 $0x9;
	s19 =	simm.s32 $0x4  }
.LBB2_43:
0x165: {  	s18 =	simm.s32 $0x6;
	s19 =	simm.s32 $0x1  }
.LBB2_52:
0x166: {  	_ =	swait.ge [sflag:s19], $0x2000  }
0x167: {  	[sflag:s19] =	ssyncset.done $0x0  }
0x168: {  	[sflag:s19] =	ssyncadd.s32 $0xFFFFE000  }
0x169: {  	_ =	swait.ge [sflag:s18], $0x800  }
0x16a: {  	[sflag:s18] =	ssyncset.done $0x0  }
0x16b: {  	[sflag:s18] =	ssyncadd.s32 $0xFFFFF800  }
.LBB2_53:
0x16c: {  	s13 =	sadd.s32 $0x4, s13  }
0x16d: {  	s18 =	smulhi.u32 $0x66666667, s13;
	s19 =	sshra.s32 s13, $0x1F  }
0x16e: {  	s19 =	smul.u32 $0x66666667, s19;
	_ =	sdelay $0x1  }
0x16f: {  	s18 =	sadd.s32 s19, s18  }
0x170: {  	s19 =	sshrl.u32 s18, $0x1F;
	s18 =	sshra.s32 s18, $0x1  }
0x171: {  	s18 =	sadd.s32 s19, s18  }
0x172: {  	s18 =	smul.u32 $0x5, s18;
	_ =	sdelay $0x1  }
0x173: {  	s13 =	ssub.s32 s13, s18  }
0x174: {  	p0 =	slt.s32 s13, $0x0;
	s18 =	sadd.s32 $0x5, s13  }
0x175: {  	s13 =	smov.u32 @p0 s18  }
0x176: {  	p0 =	sgt.s32 s13, $0x1  }
.Ltmp45:
0x177: {  	_ = 	snop;
	(pc) =	sbr.rel @!p0 .LBB2_54-.Ltmp45, $1  }
0x178: {  	_ =	sdelay $0x3  }
0x179: {  	p0 =	seq.s32 s13, $0x2  }
.Ltmp46:
0x17a: {  	_ = 	snop;
	(pc) =	sbr.rel @p0 .LBB2_62-.Ltmp46, $1  }
0x17b: {  	_ =	sdelay $0x3  }
0x17c: {  	p0 =	seq.s32 s13, $0x3  }
.Ltmp47:
0x17d: {  	_ = 	snop;
	(pc) =	sbr.rel @p0 .LBB2_63-.Ltmp47, $1  }
0x17e: {  	_ =	sdelay $0x3  }
0x17f: {  	p0 =	seq.s32 s13, $0x4  }
.Ltmp48:
0x180: {  	_ = 	snop;
	(pc) =	sbr.rel @!p0 .LBB2_65-.Ltmp48, $1  }
0x181: {  	_ =	sdelay $0x3  }
.Ltmp49:
0x182: {  	(pc) =	sbr.rel .LBB2_64-.Ltmp49, $2  }
0x183: {  	_ =	sdelay $0x2  }
0x184: {  	s13 =	simm.s32 $0xA;
	s18 =	simm.s32 $0x5  }
.LBB2_54:
0x185: {  	p0 =	seq.s32 s13, $0x0  }
.Ltmp50:
0x186: {  	_ = 	snop;
	(pc) =	sbr.rel @p0 .LBB2_55-.Ltmp50, $1  }
0x187: {  	_ =	sdelay $0x3  }
0x188: {  	p0 =	seq.s32 s13, $0x1  }
.Ltmp51:
0x189: {  	_ = 	snop;
	(pc) =	sbr.rel @!p0 .LBB2_65-.Ltmp51, $1  }
0x18a: {  	_ =	sdelay $0x3  }
.Ltmp52:
0x18b: {  	(pc) =	sbr.rel .LBB2_64-.Ltmp52, $2  }
0x18c: {  	_ =	sdelay $0x2  }
0x18d: {  	s13 =	simm.s32 $0x7;
	s18 =	simm.s32 $0x2  }
.LBB2_63:
.Ltmp53:
0x18e: {  	(pc) =	sbr.rel .LBB2_64-.Ltmp53, $2  }
0x18f: {  	_ =	sdelay $0x2  }
0x190: {  	s13 =	simm.s32 $0x9;
	s18 =	simm.s32 $0x4  }
.LBB2_55:
.Ltmp54:
0x191: {  	(pc) =	sbr.rel .LBB2_64-.Ltmp54, $2  }
0x192: {  	_ =	sdelay $0x2  }
0x193: {  	s13 =	simm.s32 $0x6;
	s18 =	simm.s32 $0x1  }
.LBB2_66:
0x194: {  	_ =	sfence.sel $0x180000  }
0x195: {  	[bflag:$0x0] =	sbarrier.arrive $0xFFFF  }
0x196: {  	_ =	strace $0x90000050  }
0x197: {  	s0 =	stileid.u32;
	[bflag:$0x2] =	sbarrier.arrive $0xFFFF  }
0x198: {  	p0 =	sne.s32 s0, $0x0;
	s0 =	rddreg [dreg:$0x3]  }
0x199: {  	s0 =	sadd.s32 @!p0 $0x100000, s0  }
0x19a: {  	[sflag:s0] =	ssyncadd.tile.s32 @!p0 $0x1;
	_ =	shalt  }
.Lfunc_end2:
_tile_overlayer_lowered:
.L_overlay_start_2:
0x19b: {  	(tag) =	ssettag $0x2  }
0x19c: {  	s0 =	rddreg [dreg:$0x0];
	s2 =	stileid.u32  }
0x19d: {  	s1 =	rddreg [dreg:$0x1];
	p0 =	sne.s32 s2, $0x0  }
0x19e: {  	s3 =	rddreg [dreg:$0x2];
	[bflag:$0x3] =	sbarrier.arrive $0xFFFF;
	s2 =	simm.s32 @!p0 $0x1C0C  }
0x19f: {  	[timem:s3], [sflag:s2] =	dma.local @!p0 [hbm:s0], s1  }
0x1a0: {  	s0 =	simm.s32 @!p0 $0xC  }
0x1a1: {  	_ =	swait.ge @!p0 [sflag:s0], s1  }
0x1a2: {  	s1 =	ssub.s32 @!p0 $0x0, s1;
	[sflag:s0] =	ssyncset.done @!p0 $0x0  }
0x1a3: {  	[sflag:s0] =	ssyncadd.s32 @!p0 s1  }
0x1a4: {  	[bflag:$0x3] =	sbarrier.arrive $0xFFFF  }
0x1a5: {  	_ =	shalt  }

</sc_bundles>
